<compile_context>
chip_gen: v7x
topology: tpu7x:2x2x1
jax: 0.10.2.dev20260603
libtpu: 0.0.44.dev20260713+nightly
codegen_flags: <defaults>
</compile_context>

<pallas_src>
import jax
import jax.numpy as jnp
from jax import lax
from jax.experimental import pallas as pl
from jax.experimental.pallas import tpu as pltpu
from jax.experimental.pallas import tpu_sc as plsc

_THRESHOLDS = (0.25, 0.375, 0.5, 0.625)
_NCLASS = 5
_SMOOTH = 1.0

_B, _D, _C, _H, _W = 2, 16, 5, 256, 256
_P = _H * _W
_NW = 32
_LANES = 16
_CROWS = 32
_CH = _CROWS * _W
_NCHUNK = _P // _CH
_STEPS = _CH // _LANES
_NACC = 14
_ACC_ROWS = 16
_UNROLL = 4
_KSC = 2
_KTC = _NCHUNK - _KSC
_RT = _CROWS * _KTC
_DBLK = 4


def _dice_body(inp_hbm, tgt_hbm, out_hbm,
               inp_v0, tgt_v0, inp_v1, tgt_v1, stage_v, sem0, sem1):
    wid = lax.axis_index("s") * 2 + lax.axis_index("c")
    b = wid // _D
    d = wid % _D

    zero = jnp.zeros((_LANES,), jnp.float32)
    bufs = ((inp_v0, tgt_v0, sem0), (inp_v1, tgt_v1, sem1))
    pending = {}

    def start(k, p):
        inp_v, tgt_v, sem = bufs[p]
        h0 = (_KTC + k) * _CROWS
        ds = [pltpu.async_copy(tgt_hbm.at[b, d, 0, pl.ds(h0, _CROWS), :],
                               tgt_v, sem)]
        for c in range(_C):
            ds.append(pltpu.async_copy(
                inp_hbm.at[b, d, c, pl.ds(h0, _CROWS), :],
                inp_v.at[pl.ds(c * _CROWS, _CROWS), :], sem))
        pending[p] = ds

    def compute_chunk(inp_v, tgt_v, accs):
        @plsc.parallel_loop(0, _STEPS, unroll=_UNROLL, carry=accs)
        def body(idx, accs):
            (i0, i1, i2, i3, i4,
             s0, s1, s2, s3, s4, g0, g1, g2, g3) = accs
            r = idx // (_W // _LANES)
            col = (idx % (_W // _LANES)) * _LANES
            t = tgt_v[r, pl.ds(col, _LANES)]
            a0 = jnp.where(t >= _THRESHOLDS[0], 1.0, 0.0)
            a1 = jnp.where(t >= _THRESHOLDS[1], 1.0, 0.0)
            a2 = jnp.where(t >= _THRESHOLDS[2], 1.0, 0.0)
            a3 = jnp.where(t >= _THRESHOLDS[3], 1.0, 0.0)
            ci = a0 + a1 + a2 + a3
            xs = [inp_v[c * _CROWS + r, pl.ds(col, _LANES)]
                  for c in range(_C)]
            it = [jnp.where(ci == float(c), xs[c], 0.0)
                  for c in range(_C)]
            return (i0 + it[0], i1 + it[1], i2 + it[2], i3 + it[3],
                    i4 + it[4],
                    s0 + xs[0], s1 + xs[1], s2 + xs[2], s3 + xs[3],
                    s4 + xs[4],
                    g0 + a0, g1 + a1, g2 + a2, g3 + a3)

        return body

    start(0, 0)
    accs = (zero,) * _NACC
    for k in range(_KSC):
        p = k % 2
        if k + 1 < _KSC:
            start(k + 1, 1 - p)
        for dsc in pending[p]:
            dsc.wait()
        accs = compute_chunk(bufs[p][0], bufs[p][1], accs)

    for j in range(_NACC):
        stage_v[j, :] = accs[j]
    for j in range(_NACC, _ACC_ROWS):
        stage_v[j, :] = zero
    pltpu.sync_copy(stage_v, out_hbm.at[b, d])


def _tc_body(x_ref, t_ref, o_ref):
    accs = [None] * _NACC
    for g in range(_DBLK):
        t = t_ref[0, g, 0]
        a = [jnp.where(t >= th, 1.0, 0.0) for th in _THRESHOLDS]
        ci = a[0] + a[1] + a[2] + a[3]
        quants = ([jnp.where(ci == float(c), x_ref[0, g, c], 0.0)
                   for c in range(_C)]
                  + [x_ref[0, g, c] for c in range(_C)]
                  + a)
        for q, arr in enumerate(quants):
            acc = arr[0:8]
            for i in range(1, _RT // 8):
                acc = acc + arr[i * 8:(i + 1) * 8]
            acc = acc[:, :128] + acc[:, 128:]
            accs[q] = acc if accs[q] is None else accs[q] + acc
    for q in range(_NACC):
        o_ref[0, q] = accs[q]


@jax.jit
def kernel(input, target, weight):
    mesh = plsc.VectorSubcoreMesh(
        core_axis_name="c", subcore_axis_name="s", num_cores=2,
        num_subcores=16)
    partials = pl.kernel(
        _dice_body,
        out_type=jax.ShapeDtypeStruct((_B, _D, _ACC_ROWS, _LANES),
                                      jnp.float32),
        mesh=mesh,
        scratch_types=[
            pltpu.VMEM((_C * _CROWS, _W), jnp.float32),
            pltpu.VMEM((_CROWS, _W), jnp.float32),
            pltpu.VMEM((_C * _CROWS, _W), jnp.float32),
            pltpu.VMEM((_CROWS, _W), jnp.float32),
            pltpu.VMEM((_ACC_ROWS, _LANES), jnp.float32),
            pltpu.SemaphoreType.DMA,
            pltpu.SemaphoreType.DMA,
        ],
        compiler_params=pltpu.CompilerParams(use_tc_tiling_on_sc=True),
    )(input, target)

    ngrid = _NW // _DBLK
    tc_part = pl.pallas_call(
        _tc_body,
        out_shape=jax.ShapeDtypeStruct((ngrid, _NACC, 8, 128),
                                       jnp.float32),
        grid=(ngrid,),
        in_specs=[
            pl.BlockSpec((1, _DBLK, _C, _RT, _W),
                         lambda p: (p // (_D // _DBLK), p % (_D // _DBLK),
                                    0, 0, 0)),
            pl.BlockSpec((1, _DBLK, 1, _RT, _W),
                         lambda p: (p // (_D // _DBLK), p % (_D // _DBLK),
                                    0, 0, 0)),
        ],
        out_specs=pl.BlockSpec((1, _NACC, 8, 128), lambda p: (p, 0, 0, 0)),
    )(input, target)

    p = partials.sum(axis=(1, 3))
    p = p[:, :_NACC] + tc_part.sum(axis=(2, 3)).reshape(
        _B, ngrid // _B, _NACC).sum(axis=1)
    inter = p[:, 0:_NCLASS]
    sumi = p[:, _NCLASS:2 * _NCLASS]
    ge = p[:, 2 * _NCLASS:2 * _NCLASS + 4]
    total_px = jnp.float32(_D * _P)
    cnt = jnp.stack(
        [total_px - ge[:, 0]]
        + [ge[:, k - 1] - ge[:, k] for k in range(1, 4)]
        + [ge[:, 3]], axis=1)
    dice = 2.0 * (inter + _SMOOTH) / (sumi + cnt + _SMOOTH)
    loss_c = 1.0 - jnp.sum(dice, axis=0) / _B
    return jnp.sum(weight * loss_c)

# --- scband reference (transcript-rebuilt; emitter-appended) ---
"""Pipeline reference for scband-multiclassdice-88115549045609 (READ-ONLY COPY).

The authoritative reference and input builder live on the scoring server;
editing this copy changes nothing except your own understanding.
"""

import jax, jax.numpy as jnp
import numpy as np

THRESHOLDS = [0.25, 0.375, 0.5, 0.625]
NUM_CLASSES = 5
SMOOTH = 1.0


def setup_inputs(seed: int = 0) -> dict:
    key = jax.random.key(seed)
    k1, k2 = jax.random.split(key)
    inp = jax.random.uniform(k1, (2, 16, 5, 256, 256), dtype=jnp.float32)
    tgt = jax.random.uniform(k2, (2, 16, 1, 256, 256), dtype=jnp.float32)
    weight = jnp.full((NUM_CLASSES,), 0.2, dtype=jnp.float32)
    return {"input": inp, "target": tgt, "weight": weight}


def _dice_loss(inp_c, tgt_c):
    # standard per-class binary dice: 1 - mean over batch of 2*(inter+s)/(sum_i+sum_t+s)
    N = inp_c.shape[0]
    i = inp_c.reshape(N, -1)
    t = tgt_c.reshape(N, -1)
    inter = jnp.sum(i * t, axis=1)
    dice = 2.0 * (inter + SMOOTH) / (jnp.sum(i, axis=1) + jnp.sum(t, axis=1) + SMOOTH)
    return 1.0 - jnp.sum(dice) / N


def reference(input, target, weight):
    # permute (0,2,1,3,4): [B, D, C, H, W] -> [B, C, D, H, W]
    x = jnp.transpose(input, (0, 2, 1, 3, 4))
    t = jnp.transpose(target, (0, 2, 1, 3, 4))  # [B, 1, D, H, W]
    # threshold-based class index (later thresholds overwrite earlier ones)
    ci = jnp.zeros(t.shape, dtype=jnp.int32)
    for i, th in enumerate(THRESHOLDS):
        ci = jnp.where(t >= th, i + 1, ci)
    # make_one_hot: scatter along dim 1 -> [B, NUM_CLASSES, D, H, W]
    onehot = jax.nn.one_hot(ci[:, 0], NUM_CLASSES, axis=1, dtype=jnp.float32)
    # MulticlassDiceLoss: weighted sum of per-class dice losses
    total = jnp.asarray(0.0, dtype=jnp.float32)
    for c in range(NUM_CLASSES):
        total = total + weight[c] * _dice_loss(x[:, c], onehot[:, c])
    return total

if __name__ == "__main__":
    import jax
    _d = setup_inputs()
    print(jax.jit(kernel)(*tuple(_d.values())))

</pallas_src>

<mosaic_0001>
#map = affine_map<(d0, d1) -> (0, 0, 0, 0, 0)>
#map1 = affine_map<(d0, d1) -> (0, 0, 0, 0)>
module attributes {stable_mosaic.version = 14 : i64} {
  func.func @_dice_body(%arg0: i32, %arg1: i32, %arg2: memref<2x16x5x256x256xf32, #tpu.memory_space<hbm>>, %arg3: memref<2x16x1x256x256xf32, #tpu.memory_space<hbm>>, %arg4: memref<2x16x16x16xf32, #tpu.memory_space<hbm>>, %arg5: memref<160x256xf32, #tpu.memory_space<vmem>>, %arg6: memref<32x256xf32, #tpu.memory_space<vmem>>, %arg7: memref<160x256xf32, #tpu.memory_space<vmem>>, %arg8: memref<32x256xf32, #tpu.memory_space<vmem>>, %arg9: memref<16x16xf32, #tpu.memory_space<vmem>>, %arg10: memref<!tpu.dma_semaphore, #tpu.memory_space<semaphore_mem>>, %arg11: memref<!tpu.dma_semaphore, #tpu.memory_space<semaphore_mem>>) attributes {dimension_semantics = [#tpu.dimension_semantics<core_parallel>, #tpu.dimension_semantics<subcore_parallel>], iteration_bounds = array<i64: 2, 16>, scalar_prefetch = 0 : i64, scratch_operands = 7 : i64, tpu.core_type = #tpu.core_type<sc_vector_subcore>, window_params = [{transform_indices = #map}, {transform_indices = #map}, {transform_indices = #map1}]} {
    %mul3A = arith.constant 2 : i32
    %mul3A_0 = arith.muli %arg1, %mul3A : i32
    %add3A = arith.addi %mul3A_0, %arg0 : i32
    %jit3A = arith.constant 16 : i32
    %div3A = arith.divsi %add3A, %jit3A : i32
    %sign3A = arith.constant 0 : i32
    %sign3A_1 = arith.cmpi sgt, %add3A, %sign3A : i32
    %sign3A_2 = arith.extui %sign3A_1 : i1 to i32
    %sign3A_3 = arith.constant 0 : i32
    %sign3A_4 = arith.cmpi slt, %add3A, %sign3A_3 : i32
    %sign3A_5 = arith.extui %sign3A_4 : i1 to i32
    %sign3A_6 = arith.subi %sign3A_2, %sign3A_5 : i32
    %sign3A_7 = arith.constant 0 : i32
    %sign3A_8 = arith.cmpi sgt, %jit3A, %sign3A_7 : i32
    %sign3A_9 = arith.extui %sign3A_8 : i1 to i32
    %sign3A_10 = arith.constant 0 : i32
    %sign3A_11 = arith.cmpi slt, %jit3A, %sign3A_10 : i32
    %sign3A_12 = arith.extui %sign3A_11 : i1 to i32
    %sign3A_13 = arith.subi %sign3A_9, %sign3A_12 : i32
    %ne3A = arith.cmpi ne, %sign3A_6, %sign3A_13 : i32
    %rem3A = arith.remsi %add3A, %jit3A : i32
    %ne3A_14 = arith.constant 0 : i32
    %ne3A_15 = arith.cmpi ne, %rem3A, %ne3A_14 : i32
    %and3A = arith.andi %ne3A, %ne3A_15 : i1
    %sub3A = arith.constant 1 : i32
    %sub3A_16 = arith.subi %div3A, %sub3A : i32
    %select_n3A = arith.select %and3A, %sub3A_16, %div3A : i32
    %jit3A_17 = arith.constant 16 : i32
    %eq3A = arith.constant 0 : i32
    %eq3A_18 = arith.cmpi eq, %jit3A_17, %eq3A : i32
    %jit3A_19 = arith.constant 1 : i32
    %select_n3A_20 = arith.select %eq3A_18, %jit3A_19, %jit3A_17 : i32
    %rem3A_21 = arith.remsi %add3A, %select_n3A_20 : i32
    %ne3A_22 = arith.constant 0 : i32
    %ne3A_23 = arith.cmpi ne, %rem3A_21, %ne3A_22 : i32
    %lt3A = arith.constant 0 : i32
    %lt3A_24 = arith.cmpi slt, %rem3A_21, %lt3A : i32
    %lt3A_25 = arith.constant 0 : i32
    %lt3A_26 = arith.cmpi slt, %select_n3A_20, %lt3A_25 : i32
    %ne3A_27 = arith.xori %lt3A_24, %lt3A_26 : i1
    %and3A_28 = arith.andi %ne3A_27, %ne3A_23 : i1
    %add3A_29 = arith.addi %rem3A_21, %select_n3A_20 : i32
    %select_n3A_30 = arith.select %and3A_28, %add3A_29, %rem3A_21 : i32
    %broadcast_in_dim3A = arith.constant 0.000000e+00 : f32
    %broadcast_in_dim3A_31 = vector.broadcast %broadcast_in_dim3A : f32 to vector<16xf32>
    %dma_start3A = arith.constant 0 : i32
    %dma_start3A_32 = arith.constant 192 : i32
    %dma_start3A_33 = arith.constant 0 : i32
    %dma_start3A_34 = tpu.memref_slice %arg3[%select_n3A, %select_n3A_30, %dma_start3A, %dma_start3A_32, %dma_start3A_33] : memref<2x16x1x256x256xf32, #tpu.memory_space<hbm>> -> memref<1x1x1x32x256xf32, #tpu.memory_space<hbm>>
    %dma_start3A_35 = tpu.memref_squeeze %dma_start3A_34 : memref<1x1x1x32x256xf32, #tpu.memory_space<hbm>> -> memref<32x256xf32, #tpu.memory_space<hbm>>
    %dma_start3A_36 = arith.constant 192 : i32
    %dma_start3A_37 = arith.constant 0 : i32
    %dma_start3A_38 = tpu.memref_slice %arg3[%select_n3A, %select_n3A_30, %dma_start3A, %dma_start3A_36, %dma_start3A_37] : memref<2x16x1x256x256xf32, #tpu.memory_space<hbm>> -> memref<1x1x1x32x256xf32, #tpu.memory_space<hbm>>
    %dma_start3A_39 = tpu.memref_squeeze %dma_start3A_38 : memref<1x1x1x32x256xf32, #tpu.memory_space<hbm>> -> memref<32x256xf32, #tpu.memory_space<hbm>>
    tpu.enqueue_dma source(%dma_start3A_39 : memref<32x256xf32, #tpu.memory_space<hbm>>) target(%arg6 : memref<32x256xf32, #tpu.memory_space<vmem>>) target_semaphore(%arg10 : memref<!tpu.dma_semaphore, #tpu.memory_space<semaphore_mem>>)
    %dma_start3A_40 = arith.constant 0 : i32
    %dma_start3A_41 = arith.constant 0 : i32
    %dma_start3A_42 = arith.constant 0 : i32
    %dma_start3A_43 = tpu.memref_slice %arg5[%dma_start3A_41, %dma_start3A_42] : memref<160x256xf32, #tpu.memory_space<vmem>> -> memref<32x256xf32, #tpu.memory_space<vmem>>
    %dma_start3A_44 = arith.constant 192 : i32
    %dma_start3A_45 = arith.constant 0 : i32
    %dma_start3A_46 = tpu.memref_slice %arg2[%select_n3A, %select_n3A_30, %dma_start3A_40, %dma_start3A_44, %dma_start3A_45] : memref<2x16x5x256x256xf32, #tpu.memory_space<hbm>> -> memref<1x1x1x32x256xf32, #tpu.memory_space<hbm>>
    %dma_start3A_47 = tpu.memref_squeeze %dma_start3A_46 : memref<1x1x1x32x256xf32, #tpu.memory_space<hbm>> -> memref<32x256xf32, #tpu.memory_space<hbm>>
    %dma_start3A_48 = arith.constant 0 : i32
    %dma_start3A_49 = arith.constant 0 : i32
    %dma_start3A_50 = tpu.memref_slice %arg5[%dma_start3A_48, %dma_start3A_49] : memref<160x256xf32, #tpu.memory_space<vmem>> -> memref<32x256xf32, #tpu.memory_space<vmem>>
    %dma_start3A_51 = arith.constant 192 : i32
    %dma_start3A_52 = arith.constant 0 : i32
    %dma_start3A_53 = tpu.memref_slice %arg2[%select_n3A, %select_n3A_30, %dma_start3A_40, %dma_start3A_51, %dma_start3A_52] : memref<2x16x5x256x256xf32, #tpu.memory_space<hbm>> -> memref<1x1x1x32x256xf32, #tpu.memory_space<hbm>>
    %dma_start3A_54 = tpu.memref_squeeze %dma_start3A_53 : memref<1x1x1x32x256xf32, #tpu.memory_space<hbm>> -> memref<32x256xf32, #tpu.memory_space<hbm>>
    tpu.enqueue_dma source(%dma_start3A_54 : memref<32x256xf32, #tpu.memory_space<hbm>>) target(%dma_start3A_50 : memref<32x256xf32, #tpu.memory_space<vmem>>) target_semaphore(%arg10 : memref<!tpu.dma_semaphore, #tpu.memory_space<semaphore_mem>>)
    %dma_start3A_55 = arith.constant 1 : i32
    %dma_start3A_56 = arith.constant 32 : i32
    %dma_start3A_57 = arith.constant 0 : i32
    %dma_start3A_58 = tpu.memref_slice %arg5[%dma_start3A_56, %dma_start3A_57] : memref<160x256xf32, #tpu.memory_space<vmem>> -> memref<32x256xf32, #tpu.memory_space<vmem>>
    %dma_start3A_59 = arith.constant 192 : i32
    %dma_start3A_60 = arith.constant 0 : i32
    %dma_start3A_61 = tpu.memref_slice %arg2[%select_n3A, %select_n3A_30, %dma_start3A_55, %dma_start3A_59, %dma_start3A_60] : memref<2x16x5x256x256xf32, #tpu.memory_space<hbm>> -> memref<1x1x1x32x256xf32, #tpu.memory_space<hbm>>
    %dma_start3A_62 = tpu.memref_squeeze %dma_start3A_61 : memref<1x1x1x32x256xf32, #tpu.memory_space<hbm>> -> memref<32x256xf32, #tpu.memory_space<hbm>>
    %dma_start3A_63 = arith.constant 32 : i32
    %dma_start3A_64 = arith.constant 0 : i32
    %dma_start3A_65 = tpu.memref_slice %arg5[%dma_start3A_63, %dma_start3A_64] : memref<160x256xf32, #tpu.memory_space<vmem>> -> memref<32x256xf32, #tpu.memory_space<vmem>>
    %dma_start3A_66 = arith.constant 192 : i32
    %dma_start3A_67 = arith.constant 0 : i32
    %dma_start3A_68 = tpu.memref_slice %arg2[%select_n3A, %select_n3A_30, %dma_start3A_55, %dma_start3A_66, %dma_start3A_67] : memref<2x16x5x256x256xf32, #tpu.memory_space<hbm>> -> memref<1x1x1x32x256xf32, #tpu.memory_space<hbm>>
    %dma_start3A_69 = tpu.memref_squeeze %dma_start3A_68 : memref<1x1x1x32x256xf32, #tpu.memory_space<hbm>> -> memref<32x256xf32, #tpu.memory_space<hbm>>
    tpu.enqueue_dma source(%dma_start3A_69 : memref<32x256xf32, #tpu.memory_space<hbm>>) target(%dma_start3A_65 : memref<32x256xf32, #tpu.memory_space<vmem>>) target_semaphore(%arg10 : memref<!tpu.dma_semaphore, #tpu.memory_space<semaphore_mem>>)
    %dma_start3A_70 = arith.constant 2 : i32
    %dma_start3A_71 = arith.constant 64 : i32
    %dma_start3A_72 = arith.constant 0 : i32
    %dma_start3A_73 = tpu.memref_slice %arg5[%dma_start3A_71, %dma_start3A_72] : memref<160x256xf32, #tpu.memory_space<vmem>> -> memref<32x256xf32, #tpu.memory_space<vmem>>
    %dma_start3A_74 = arith.constant 192 : i32
    %dma_start3A_75 = arith.constant 0 : i32
    %dma_start3A_76 = tpu.memref_slice %arg2[%select_n3A, %select_n3A_30, %dma_start3A_70, %dma_start3A_74, %dma_start3A_75] : memref<2x16x5x256x256xf32, #tpu.memory_space<hbm>> -> memref<1x1x1x32x256xf32, #tpu.memory_space<hbm>>
    %dma_start3A_77 = tpu.memref_squeeze %dma_start3A_76 : memref<1x1x1x32x256xf32, #tpu.memory_space<hbm>> -> memref<32x256xf32, #tpu.memory_space<hbm>>
    %dma_start3A_78 = arith.constant 64 : i32
    %dma_start3A_79 = arith.constant 0 : i32
    %dma_start3A_80 = tpu.memref_slice %arg5[%dma_start3A_78, %dma_start3A_79] : memref<160x256xf32, #tpu.memory_space<vmem>> -> memref<32x256xf32, #tpu.memory_space<vmem>>
    %dma_start3A_81 = arith.constant 192 : i32
    %dma_start3A_82 = arith.constant 0 : i32
    %dma_start3A_83 = tpu.memref_slice %arg2[%select_n3A, %select_n3A_30, %dma_start3A_70, %dma_start3A_81, %dma_start3A_82] : memref<2x16x5x256x256xf32, #tpu.memory_space<hbm>> -> memref<1x1x1x32x256xf32, #tpu.memory_space<hbm>>
    %dma_start3A_84 = tpu.memref_squeeze %dma_start3A_83 : memref<1x1x1x32x256xf32, #tpu.memory_space<hbm>> -> memref<32x256xf32, #tpu.memory_space<hbm>>
    tpu.enqueue_dma source(%dma_start3A_84 : memref<32x256xf32, #tpu.memory_space<hbm>>) target(%dma_start3A_80 : memref<32x256xf32, #tpu.memory_space<vmem>>) target_semaphore(%arg10 : memref<!tpu.dma_semaphore, #tpu.memory_space<semaphore_mem>>)
    %dma_start3A_85 = arith.constant 3 : i32
    %dma_start3A_86 = arith.constant 96 : i32
    %dma_start3A_87 = arith.constant 0 : i32
    %dma_start3A_88 = tpu.memref_slice %arg5[%dma_start3A_86, %dma_start3A_87] : memref<160x256xf32, #tpu.memory_space<vmem>> -> memref<32x256xf32, #tpu.memory_space<vmem>>
    %dma_start3A_89 = arith.constant 192 : i32
    %dma_start3A_90 = arith.constant 0 : i32
    %dma_start3A_91 = tpu.memref_slice %arg2[%select_n3A, %select_n3A_30, %dma_start3A_85, %dma_start3A_89, %dma_start3A_90] : memref<2x16x5x256x256xf32, #tpu.memory_space<hbm>> -> memref<1x1x1x32x256xf32, #tpu.memory_space<hbm>>
    %dma_start3A_92 = tpu.memref_squeeze %dma_start3A_91 : memref<1x1x1x32x256xf32, #tpu.memory_space<hbm>> -> memref<32x256xf32, #tpu.memory_space<hbm>>
    %dma_start3A_93 = arith.constant 96 : i32
    %dma_start3A_94 = arith.constant 0 : i32
    %dma_start3A_95 = tpu.memref_slice %arg5[%dma_start3A_93, %dma_start3A_94] : memref<160x256xf32, #tpu.memory_space<vmem>> -> memref<32x256xf32, #tpu.memory_space<vmem>>
    %dma_start3A_96 = arith.constant 192 : i32
    %dma_start3A_97 = arith.constant 0 : i32
    %dma_start3A_98 = tpu.memref_slice %arg2[%select_n3A, %select_n3A_30, %dma_start3A_85, %dma_start3A_96, %dma_start3A_97] : memref<2x16x5x256x256xf32, #tpu.memory_space<hbm>> -> memref<1x1x1x32x256xf32, #tpu.memory_space<hbm>>
    %dma_start3A_99 = tpu.memref_squeeze %dma_start3A_98 : memref<1x1x1x32x256xf32, #tpu.memory_space<hbm>> -> memref<32x256xf32, #tpu.memory_space<hbm>>
    tpu.enqueue_dma source(%dma_start3A_99 : memref<32x256xf32, #tpu.memory_space<hbm>>) target(%dma_start3A_95 : memref<32x256xf32, #tpu.memory_space<vmem>>) target_semaphore(%arg10 : memref<!tpu.dma_semaphore, #tpu.memory_space<semaphore_mem>>)
    %dma_start3A_100 = arith.constant 4 : i32
    %dma_start3A_101 = arith.constant 128 : i32
    %dma_start3A_102 = arith.constant 0 : i32
    %dma_start3A_103 = tpu.memref_slice %arg5[%dma_start3A_101, %dma_start3A_102] : memref<160x256xf32, #tpu.memory_space<vmem>> -> memref<32x256xf32, #tpu.memory_space<vmem>>
    %dma_start3A_104 = arith.constant 192 : i32
    %dma_start3A_105 = arith.constant 0 : i32
    %dma_start3A_106 = tpu.memref_slice %arg2[%select_n3A, %select_n3A_30, %dma_start3A_100, %dma_start3A_104, %dma_start3A_105] : memref<2x16x5x256x256xf32, #tpu.memory_space<hbm>> -> memref<1x1x1x32x256xf32, #tpu.memory_space<hbm>>
    %dma_start3A_107 = tpu.memref_squeeze %dma_start3A_106 : memref<1x1x1x32x256xf32, #tpu.memory_space<hbm>> -> memref<32x256xf32, #tpu.memory_space<hbm>>
    %dma_start3A_108 = arith.constant 128 : i32
    %dma_start3A_109 = arith.constant 0 : i32
    %dma_start3A_110 = tpu.memref_slice %arg5[%dma_start3A_108, %dma_start3A_109] : memref<160x256xf32, #tpu.memory_space<vmem>> -> memref<32x256xf32, #tpu.memory_space<vmem>>
    %dma_start3A_111 = arith.constant 192 : i32
    %dma_start3A_112 = arith.constant 0 : i32
    %dma_start3A_113 = tpu.memref_slice %arg2[%select_n3A, %select_n3A_30, %dma_start3A_100, %dma_start3A_111, %dma_start3A_112] : memref<2x16x5x256x256xf32, #tpu.memory_space<hbm>> -> memref<1x1x1x32x256xf32, #tpu.memory_space<hbm>>
    %dma_start3A_114 = tpu.memref_squeeze %dma_start3A_113 : memref<1x1x1x32x256xf32, #tpu.memory_space<hbm>> -> memref<32x256xf32, #tpu.memory_space<hbm>>
    tpu.enqueue_dma source(%dma_start3A_114 : memref<32x256xf32, #tpu.memory_space<hbm>>) target(%dma_start3A_110 : memref<32x256xf32, #tpu.memory_space<vmem>>) target_semaphore(%arg10 : memref<!tpu.dma_semaphore, #tpu.memory_space<semaphore_mem>>)
    %dma_start3A_115 = arith.constant 0 : i32
    %dma_start3A_116 = arith.constant 224 : i32
    %dma_start3A_117 = arith.constant 0 : i32
    %dma_start3A_118 = tpu.memref_slice %arg3[%select_n3A, %select_n3A_30, %dma_start3A_115, %dma_start3A_116, %dma_start3A_117] : memref<2x16x1x256x256xf32, #tpu.memory_space<hbm>> -> memref<1x1x1x32x256xf32, #tpu.memory_space<hbm>>
    %dma_start3A_119 = tpu.memref_squeeze %dma_start3A_118 : memref<1x1x1x32x256xf32, #tpu.memory_space<hbm>> -> memref<32x256xf32, #tpu.memory_space<hbm>>
    %dma_start3A_120 = arith.constant 224 : i32
    %dma_start3A_121 = arith.constant 0 : i32
    %dma_start3A_122 = tpu.memref_slice %arg3[%select_n3A, %select_n3A_30, %dma_start3A_115, %dma_start3A_120, %dma_start3A_121] : memref<2x16x1x256x256xf32, #tpu.memory_space<hbm>> -> memref<1x1x1x32x256xf32, #tpu.memory_space<hbm>>
    %dma_start3A_123 = tpu.memref_squeeze %dma_start3A_122 : memref<1x1x1x32x256xf32, #tpu.memory_space<hbm>> -> memref<32x256xf32, #tpu.memory_space<hbm>>
    tpu.enqueue_dma source(%dma_start3A_123 : memref<32x256xf32, #tpu.memory_space<hbm>>) target(%arg8 : memref<32x256xf32, #tpu.memory_space<vmem>>) target_semaphore(%arg11 : memref<!tpu.dma_semaphore, #tpu.memory_space<semaphore_mem>>)
    %dma_start3A_124 = arith.constant 0 : i32
    %dma_start3A_125 = arith.constant 0 : i32
    %dma_start3A_126 = arith.constant 0 : i32
    %dma_start3A_127 = tpu.memref_slice %arg7[%dma_start3A_125, %dma_start3A_126] : memref<160x256xf32, #tpu.memory_space<vmem>> -> memref<32x256xf32, #tpu.memory_space<vmem>>
    %dma_start3A_128 = arith.constant 224 : i32
    %dma_start3A_129 = arith.constant 0 : i32
    %dma_start3A_130 = tpu.memref_slice %arg2[%select_n3A, %select_n3A_30, %dma_start3A_124, %dma_start3A_128, %dma_start3A_129] : memref<2x16x5x256x256xf32, #tpu.memory_space<hbm>> -> memref<1x1x1x32x256xf32, #tpu.memory_space<hbm>>
    %dma_start3A_131 = tpu.memref_squeeze %dma_start3A_130 : memref<1x1x1x32x256xf32, #tpu.memory_space<hbm>> -> memref<32x256xf32, #tpu.memory_space<hbm>>
    %dma_start3A_132 = arith.constant 0 : i32
    %dma_start3A_133 = arith.constant 0 : i32
    %dma_start3A_134 = tpu.memref_slice %arg7[%dma_start3A_132, %dma_start3A_133] : memref<160x256xf32, #tpu.memory_space<vmem>> -> memref<32x256xf32, #tpu.memory_space<vmem>>
    %dma_start3A_135 = arith.constant 224 : i32
    %dma_start3A_136 = arith.constant 0 : i32
    %dma_start3A_137 = tpu.memref_slice %arg2[%select_n3A, %select_n3A_30, %dma_start3A_124, %dma_start3A_135, %dma_start3A_136] : memref<2x16x5x256x256xf32, #tpu.memory_space<hbm>> -> memref<1x1x1x32x256xf32, #tpu.memory_space<hbm>>
    %dma_start3A_138 = tpu.memref_squeeze %dma_start3A_137 : memref<1x1x1x32x256xf32, #tpu.memory_space<hbm>> -> memref<32x256xf32, #tpu.memory_space<hbm>>
    tpu.enqueue_dma source(%dma_start3A_138 : memref<32x256xf32, #tpu.memory_space<hbm>>) target(%dma_start3A_134 : memref<32x256xf32, #tpu.memory_space<vmem>>) target_semaphore(%arg11 : memref<!tpu.dma_semaphore, #tpu.memory_space<semaphore_mem>>)
    %dma_start3A_139 = arith.constant 1 : i32
    %dma_start3A_140 = arith.constant 32 : i32
    %dma_start3A_141 = arith.constant 0 : i32
    %dma_start3A_142 = tpu.memref_slice %arg7[%dma_start3A_140, %dma_start3A_141] : memref<160x256xf32, #tpu.memory_space<vmem>> -> memref<32x256xf32, #tpu.memory_space<vmem>>
    %dma_start3A_143 = arith.constant 224 : i32
    %dma_start3A_144 = arith.constant 0 : i32
    %dma_start3A_145 = tpu.memref_slice %arg2[%select_n3A, %select_n3A_30, %dma_start3A_139, %dma_start3A_143, %dma_start3A_144] : memref<2x16x5x256x256xf32, #tpu.memory_space<hbm>> -> memref<1x1x1x32x256xf32, #tpu.memory_space<hbm>>
    %dma_start3A_146 = tpu.memref_squeeze %dma_start3A_145 : memref<1x1x1x32x256xf32, #tpu.memory_space<hbm>> -> memref<32x256xf32, #tpu.memory_space<hbm>>
    %dma_start3A_147 = arith.constant 32 : i32
    %dma_start3A_148 = arith.constant 0 : i32
    %dma_start3A_149 = tpu.memref_slice %arg7[%dma_start3A_147, %dma_start3A_148] : memref<160x256xf32, #tpu.memory_space<vmem>> -> memref<32x256xf32, #tpu.memory_space<vmem>>
    %dma_start3A_150 = arith.constant 224 : i32
    %dma_start3A_151 = arith.constant 0 : i32
    %dma_start3A_152 = tpu.memref_slice %arg2[%select_n3A, %select_n3A_30, %dma_start3A_139, %dma_start3A_150, %dma_start3A_151] : memref<2x16x5x256x256xf32, #tpu.memory_space<hbm>> -> memref<1x1x1x32x256xf32, #tpu.memory_space<hbm>>
    %dma_start3A_153 = tpu.memref_squeeze %dma_start3A_152 : memref<1x1x1x32x256xf32, #tpu.memory_space<hbm>> -> memref<32x256xf32, #tpu.memory_space<hbm>>
    tpu.enqueue_dma source(%dma_start3A_153 : memref<32x256xf32, #tpu.memory_space<hbm>>) target(%dma_start3A_149 : memref<32x256xf32, #tpu.memory_space<vmem>>) target_semaphore(%arg11 : memref<!tpu.dma_semaphore, #tpu.memory_space<semaphore_mem>>)
    %dma_start3A_154 = arith.constant 2 : i32
    %dma_start3A_155 = arith.constant 64 : i32
    %dma_start3A_156 = arith.constant 0 : i32
    %dma_start3A_157 = tpu.memref_slice %arg7[%dma_start3A_155, %dma_start3A_156] : memref<160x256xf32, #tpu.memory_space<vmem>> -> memref<32x256xf32, #tpu.memory_space<vmem>>
    %dma_start3A_158 = arith.constant 224 : i32
    %dma_start3A_159 = arith.constant 0 : i32
    %dma_start3A_160 = tpu.memref_slice %arg2[%select_n3A, %select_n3A_30, %dma_start3A_154, %dma_start3A_158, %dma_start3A_159] : memref<2x16x5x256x256xf32, #tpu.memory_space<hbm>> -> memref<1x1x1x32x256xf32, #tpu.memory_space<hbm>>
    %dma_start3A_161 = tpu.memref_squeeze %dma_start3A_160 : memref<1x1x1x32x256xf32, #tpu.memory_space<hbm>> -> memref<32x256xf32, #tpu.memory_space<hbm>>
    %dma_start3A_162 = arith.constant 64 : i32
    %dma_start3A_163 = arith.constant 0 : i32
    %dma_start3A_164 = tpu.memref_slice %arg7[%dma_start3A_162, %dma_start3A_163] : memref<160x256xf32, #tpu.memory_space<vmem>> -> memref<32x256xf32, #tpu.memory_space<vmem>>
    %dma_start3A_165 = arith.constant 224 : i32
    %dma_start3A_166 = arith.constant 0 : i32
    %dma_start3A_167 = tpu.memref_slice %arg2[%select_n3A, %select_n3A_30, %dma_start3A_154, %dma_start3A_165, %dma_start3A_166] : memref<2x16x5x256x256xf32, #tpu.memory_space<hbm>> -> memref<1x1x1x32x256xf32, #tpu.memory_space<hbm>>
    %dma_start3A_168 = tpu.memref_squeeze %dma_start3A_167 : memref<1x1x1x32x256xf32, #tpu.memory_space<hbm>> -> memref<32x256xf32, #tpu.memory_space<hbm>>
    tpu.enqueue_dma source(%dma_start3A_168 : memref<32x256xf32, #tpu.memory_space<hbm>>) target(%dma_start3A_164 : memref<32x256xf32, #tpu.memory_space<vmem>>) target_semaphore(%arg11 : memref<!tpu.dma_semaphore, #tpu.memory_space<semaphore_mem>>)
    %dma_start3A_169 = arith.constant 3 : i32
    %dma_start3A_170 = arith.constant 96 : i32
    %dma_start3A_171 = arith.constant 0 : i32
    %dma_start3A_172 = tpu.memref_slice %arg7[%dma_start3A_170, %dma_start3A_171] : memref<160x256xf32, #tpu.memory_space<vmem>> -> memref<32x256xf32, #tpu.memory_space<vmem>>
    %dma_start3A_173 = arith.constant 224 : i32
    %dma_start3A_174 = arith.constant 0 : i32
    %dma_start3A_175 = tpu.memref_slice %arg2[%select_n3A, %select_n3A_30, %dma_start3A_169, %dma_start3A_173, %dma_start3A_174] : memref<2x16x5x256x256xf32, #tpu.memory_space<hbm>> -> memref<1x1x1x32x256xf32, #tpu.memory_space<hbm>>
    %dma_start3A_176 = tpu.memref_squeeze %dma_start3A_175 : memref<1x1x1x32x256xf32, #tpu.memory_space<hbm>> -> memref<32x256xf32, #tpu.memory_space<hbm>>
    %dma_start3A_177 = arith.constant 96 : i32
    %dma_start3A_178 = arith.constant 0 : i32
    %dma_start3A_179 = tpu.memref_slice %arg7[%dma_start3A_177, %dma_start3A_178] : memref<160x256xf32, #tpu.memory_space<vmem>> -> memref<32x256xf32, #tpu.memory_space<vmem>>
    %dma_start3A_180 = arith.constant 224 : i32
    %dma_start3A_181 = arith.constant 0 : i32
    %dma_start3A_182 = tpu.memref_slice %arg2[%select_n3A, %select_n3A_30, %dma_start3A_169, %dma_start3A_180, %dma_start3A_181] : memref<2x16x5x256x256xf32, #tpu.memory_space<hbm>> -> memref<1x1x1x32x256xf32, #tpu.memory_space<hbm>>
    %dma_start3A_183 = tpu.memref_squeeze %dma_start3A_182 : memref<1x1x1x32x256xf32, #tpu.memory_space<hbm>> -> memref<32x256xf32, #tpu.memory_space<hbm>>
    tpu.enqueue_dma source(%dma_start3A_183 : memref<32x256xf32, #tpu.memory_space<hbm>>) target(%dma_start3A_179 : memref<32x256xf32, #tpu.memory_space<vmem>>) target_semaphore(%arg11 : memref<!tpu.dma_semaphore, #tpu.memory_space<semaphore_mem>>)
    %dma_start3A_184 = arith.constant 4 : i32
    %dma_start3A_185 = arith.constant 128 : i32
    %dma_start3A_186 = arith.constant 0 : i32
    %dma_start3A_187 = tpu.memref_slice %arg7[%dma_start3A_185, %dma_start3A_186] : memref<160x256xf32, #tpu.memory_space<vmem>> -> memref<32x256xf32, #tpu.memory_space<vmem>>
    %dma_start3A_188 = arith.constant 224 : i32
    %dma_start3A_189 = arith.constant 0 : i32
    %dma_start3A_190 = tpu.memref_slice %arg2[%select_n3A, %select_n3A_30, %dma_start3A_184, %dma_start3A_188, %dma_start3A_189] : memref<2x16x5x256x256xf32, #tpu.memory_space<hbm>> -> memref<1x1x1x32x256xf32, #tpu.memory_space<hbm>>
    %dma_start3A_191 = tpu.memref_squeeze %dma_start3A_190 : memref<1x1x1x32x256xf32, #tpu.memory_space<hbm>> -> memref<32x256xf32, #tpu.memory_space<hbm>>
    %dma_start3A_192 = arith.constant 128 : i32
    %dma_start3A_193 = arith.constant 0 : i32
    %dma_start3A_194 = tpu.memref_slice %arg7[%dma_start3A_192, %dma_start3A_193] : memref<160x256xf32, #tpu.memory_space<vmem>> -> memref<32x256xf32, #tpu.memory_space<vmem>>
    %dma_start3A_195 = arith.constant 224 : i32
    %dma_start3A_196 = arith.constant 0 : i32
    %dma_start3A_197 = tpu.memref_slice %arg2[%select_n3A, %select_n3A_30, %dma_start3A_184, %dma_start3A_195, %dma_start3A_196] : memref<2x16x5x256x256xf32, #tpu.memory_space<hbm>> -> memref<1x1x1x32x256xf32, #tpu.memory_space<hbm>>
    %dma_start3A_198 = tpu.memref_squeeze %dma_start3A_197 : memref<1x1x1x32x256xf32, #tpu.memory_space<hbm>> -> memref<32x256xf32, #tpu.memory_space<hbm>>
    tpu.enqueue_dma source(%dma_start3A_198 : memref<32x256xf32, #tpu.memory_space<hbm>>) target(%dma_start3A_194 : memref<32x256xf32, #tpu.memory_space<vmem>>) target_semaphore(%arg11 : memref<!tpu.dma_semaphore, #tpu.memory_space<semaphore_mem>>)
    %dma_wait3A = arith.constant 0 : i32
    %dma_wait3A_199 = arith.constant 192 : i32
    %dma_wait3A_200 = arith.constant 0 : i32
    %dma_wait3A_201 = tpu.memref_slice %arg3[%select_n3A, %select_n3A_30, %dma_wait3A, %dma_wait3A_199, %dma_wait3A_200] : memref<2x16x1x256x256xf32, #tpu.memory_space<hbm>> -> memref<1x1x1x32x256xf32, #tpu.memory_space<hbm>>
    %dma_wait3A_202 = tpu.memref_squeeze %dma_wait3A_201 : memref<1x1x1x32x256xf32, #tpu.memory_space<hbm>> -> memref<32x256xf32, #tpu.memory_space<hbm>>
    %dma_wait3A_203 = arith.constant 192 : i32
    %dma_wait3A_204 = arith.constant 0 : i32
    %dma_wait3A_205 = tpu.memref_slice %arg3[%select_n3A, %select_n3A_30, %dma_wait3A, %dma_wait3A_203, %dma_wait3A_204] : memref<2x16x1x256x256xf32, #tpu.memory_space<hbm>> -> memref<1x1x1x32x256xf32, #tpu.memory_space<hbm>>
    %dma_wait3A_206 = tpu.memref_squeeze %dma_wait3A_205 : memref<1x1x1x32x256xf32, #tpu.memory_space<hbm>> -> memref<32x256xf32, #tpu.memory_space<hbm>>
    tpu.wait_dma2 semaphore(%arg10 : memref<!tpu.dma_semaphore, #tpu.memory_space<semaphore_mem>>) src(%dma_wait3A_206 : memref<32x256xf32, #tpu.memory_space<hbm>>) dst(%arg6 : memref<32x256xf32, #tpu.memory_space<vmem>>)
    %dma_wait3A_207 = arith.constant 0 : i32
    %dma_wait3A_208 = arith.constant 0 : i32
    %dma_wait3A_209 = arith.constant 0 : i32
    %dma_wait3A_210 = tpu.memref_slice %arg5[%dma_wait3A_208, %dma_wait3A_209] : memref<160x256xf32, #tpu.memory_space<vmem>> -> memref<32x256xf32, #tpu.memory_space<vmem>>
    %dma_wait3A_211 = arith.constant 192 : i32
    %dma_wait3A_212 = arith.constant 0 : i32
    %dma_wait3A_213 = tpu.memref_slice %arg2[%select_n3A, %select_n3A_30, %dma_wait3A_207, %dma_wait3A_211, %dma_wait3A_212] : memref<2x16x5x256x256xf32, #tpu.memory_space<hbm>> -> memref<1x1x1x32x256xf32, #tpu.memory_space<hbm>>
    %dma_wait3A_214 = tpu.memref_squeeze %dma_wait3A_213 : memref<1x1x1x32x256xf32, #tpu.memory_space<hbm>> -> memref<32x256xf32, #tpu.memory_space<hbm>>
    %dma_wait3A_215 = arith.constant 0 : i32
    %dma_wait3A_216 = arith.constant 0 : i32
    %dma_wait3A_217 = tpu.memref_slice %arg5[%dma_wait3A_215, %dma_wait3A_216] : memref<160x256xf32, #tpu.memory_space<vmem>> -> memref<32x256xf32, #tpu.memory_space<vmem>>
    %dma_wait3A_218 = arith.constant 192 : i32
    %dma_wait3A_219 = arith.constant 0 : i32
    %dma_wait3A_220 = tpu.memref_slice %arg2[%select_n3A, %select_n3A_30, %dma_wait3A_207, %dma_wait3A_218, %dma_wait3A_219] : memref<2x16x5x256x256xf32, #tpu.memory_space<hbm>> -> memref<1x1x1x32x256xf32, #tpu.memory_space<hbm>>
    %dma_wait3A_221 = tpu.memref_squeeze %dma_wait3A_220 : memref<1x1x1x32x256xf32, #tpu.memory_space<hbm>> -> memref<32x256xf32, #tpu.memory_space<hbm>>
    tpu.wait_dma2 semaphore(%arg10 : memref<!tpu.dma_semaphore, #tpu.memory_space<semaphore_mem>>) src(%dma_wait3A_221 : memref<32x256xf32, #tpu.memory_space<hbm>>) dst(%dma_wait3A_217 : memref<32x256xf32, #tpu.memory_space<vmem>>)
    %dma_wait3A_222 = arith.constant 1 : i32
    %dma_wait3A_223 = arith.constant 32 : i32
    %dma_wait3A_224 = arith.constant 0 : i32
    %dma_wait3A_225 = tpu.memref_slice %arg5[%dma_wait3A_223, %dma_wait3A_224] : memref<160x256xf32, #tpu.memory_space<vmem>> -> memref<32x256xf32, #tpu.memory_space<vmem>>
    %dma_wait3A_226 = arith.constant 192 : i32
    %dma_wait3A_227 = arith.constant 0 : i32
    %dma_wait3A_228 = tpu.memref_slice %arg2[%select_n3A, %select_n3A_30, %dma_wait3A_222, %dma_wait3A_226, %dma_wait3A_227] : memref<2x16x5x256x256xf32, #tpu.memory_space<hbm>> -> memref<1x1x1x32x256xf32, #tpu.memory_space<hbm>>
    %dma_wait3A_229 = tpu.memref_squeeze %dma_wait3A_228 : memref<1x1x1x32x256xf32, #tpu.memory_space<hbm>> -> memref<32x256xf32, #tpu.memory_space<hbm>>
    %dma_wait3A_230 = arith.constant 32 : i32
    %dma_wait3A_231 = arith.constant 0 : i32
    %dma_wait3A_232 = tpu.memref_slice %arg5[%dma_wait3A_230, %dma_wait3A_231] : memref<160x256xf32, #tpu.memory_space<vmem>> -> memref<32x256xf32, #tpu.memory_space<vmem>>
    %dma_wait3A_233 = arith.constant 192 : i32
    %dma_wait3A_234 = arith.constant 0 : i32
    %dma_wait3A_235 = tpu.memref_slice %arg2[%select_n3A, %select_n3A_30, %dma_wait3A_222, %dma_wait3A_233, %dma_wait3A_234] : memref<2x16x5x256x256xf32, #tpu.memory_space<hbm>> -> memref<1x1x1x32x256xf32, #tpu.memory_space<hbm>>
    %dma_wait3A_236 = tpu.memref_squeeze %dma_wait3A_235 : memref<1x1x1x32x256xf32, #tpu.memory_space<hbm>> -> memref<32x256xf32, #tpu.memory_space<hbm>>
    tpu.wait_dma2 semaphore(%arg10 : memref<!tpu.dma_semaphore, #tpu.memory_space<semaphore_mem>>) src(%dma_wait3A_236 : memref<32x256xf32, #tpu.memory_space<hbm>>) dst(%dma_wait3A_232 : memref<32x256xf32, #tpu.memory_space<vmem>>)
    %dma_wait3A_237 = arith.constant 2 : i32
    %dma_wait3A_238 = arith.constant 64 : i32
    %dma_wait3A_239 = arith.constant 0 : i32
    %dma_wait3A_240 = tpu.memref_slice %arg5[%dma_wait3A_238, %dma_wait3A_239] : memref<160x256xf32, #tpu.memory_space<vmem>> -> memref<32x256xf32, #tpu.memory_space<vmem>>
    %dma_wait3A_241 = arith.constant 192 : i32
    %dma_wait3A_242 = arith.constant 0 : i32
    %dma_wait3A_243 = tpu.memref_slice %arg2[%select_n3A, %select_n3A_30, %dma_wait3A_237, %dma_wait3A_241, %dma_wait3A_242] : memref<2x16x5x256x256xf32, #tpu.memory_space<hbm>> -> memref<1x1x1x32x256xf32, #tpu.memory_space<hbm>>
    %dma_wait3A_244 = tpu.memref_squeeze %dma_wait3A_243 : memref<1x1x1x32x256xf32, #tpu.memory_space<hbm>> -> memref<32x256xf32, #tpu.memory_space<hbm>>
    %dma_wait3A_245 = arith.constant 64 : i32
    %dma_wait3A_246 = arith.constant 0 : i32
    %dma_wait3A_247 = tpu.memref_slice %arg5[%dma_wait3A_245, %dma_wait3A_246] : memref<160x256xf32, #tpu.memory_space<vmem>> -> memref<32x256xf32, #tpu.memory_space<vmem>>
    %dma_wait3A_248 = arith.constant 192 : i32
    %dma_wait3A_249 = arith.constant 0 : i32
    %dma_wait3A_250 = tpu.memref_slice %arg2[%select_n3A, %select_n3A_30, %dma_wait3A_237, %dma_wait3A_248, %dma_wait3A_249] : memref<2x16x5x256x256xf32, #tpu.memory_space<hbm>> -> memref<1x1x1x32x256xf32, #tpu.memory_space<hbm>>
    %dma_wait3A_251 = tpu.memref_squeeze %dma_wait3A_250 : memref<1x1x1x32x256xf32, #tpu.memory_space<hbm>> -> memref<32x256xf32, #tpu.memory_space<hbm>>
    tpu.wait_dma2 semaphore(%arg10 : memref<!tpu.dma_semaphore, #tpu.memory_space<semaphore_mem>>) src(%dma_wait3A_251 : memref<32x256xf32, #tpu.memory_space<hbm>>) dst(%dma_wait3A_247 : memref<32x256xf32, #tpu.memory_space<vmem>>)
    %dma_wait3A_252 = arith.constant 3 : i32
    %dma_wait3A_253 = arith.constant 96 : i32
    %dma_wait3A_254 = arith.constant 0 : i32
    %dma_wait3A_255 = tpu.memref_slice %arg5[%dma_wait3A_253, %dma_wait3A_254] : memref<160x256xf32, #tpu.memory_space<vmem>> -> memref<32x256xf32, #tpu.memory_space<vmem>>
    %dma_wait3A_256 = arith.constant 192 : i32
    %dma_wait3A_257 = arith.constant 0 : i32
    %dma_wait3A_258 = tpu.memref_slice %arg2[%select_n3A, %select_n3A_30, %dma_wait3A_252, %dma_wait3A_256, %dma_wait3A_257] : memref<2x16x5x256x256xf32, #tpu.memory_space<hbm>> -> memref<1x1x1x32x256xf32, #tpu.memory_space<hbm>>
    %dma_wait3A_259 = tpu.memref_squeeze %dma_wait3A_258 : memref<1x1x1x32x256xf32, #tpu.memory_space<hbm>> -> memref<32x256xf32, #tpu.memory_space<hbm>>
    %dma_wait3A_260 = arith.constant 96 : i32
    %dma_wait3A_261 = arith.constant 0 : i32
    %dma_wait3A_262 = tpu.memref_slice %arg5[%dma_wait3A_260, %dma_wait3A_261] : memref<160x256xf32, #tpu.memory_space<vmem>> -> memref<32x256xf32, #tpu.memory_space<vmem>>
    %dma_wait3A_263 = arith.constant 192 : i32
    %dma_wait3A_264 = arith.constant 0 : i32
    %dma_wait3A_265 = tpu.memref_slice %arg2[%select_n3A, %select_n3A_30, %dma_wait3A_252, %dma_wait3A_263, %dma_wait3A_264] : memref<2x16x5x256x256xf32, #tpu.memory_space<hbm>> -> memref<1x1x1x32x256xf32, #tpu.memory_space<hbm>>
    %dma_wait3A_266 = tpu.memref_squeeze %dma_wait3A_265 : memref<1x1x1x32x256xf32, #tpu.memory_space<hbm>> -> memref<32x256xf32, #tpu.memory_space<hbm>>
    tpu.wait_dma2 semaphore(%arg10 : memref<!tpu.dma_semaphore, #tpu.memory_space<semaphore_mem>>) src(%dma_wait3A_266 : memref<32x256xf32, #tpu.memory_space<hbm>>) dst(%dma_wait3A_262 : memref<32x256xf32, #tpu.memory_space<vmem>>)
    %dma_wait3A_267 = arith.constant 4 : i32
    %dma_wait3A_268 = arith.constant 128 : i32
    %dma_wait3A_269 = arith.constant 0 : i32
    %dma_wait3A_270 = tpu.memref_slice %arg5[%dma_wait3A_268, %dma_wait3A_269] : memref<160x256xf32, #tpu.memory_space<vmem>> -> memref<32x256xf32, #tpu.memory_space<vmem>>
    %dma_wait3A_271 = arith.constant 192 : i32
    %dma_wait3A_272 = arith.constant 0 : i32
    %dma_wait3A_273 = tpu.memref_slice %arg2[%select_n3A, %select_n3A_30, %dma_wait3A_267, %dma_wait3A_271, %dma_wait3A_272] : memref<2x16x5x256x256xf32, #tpu.memory_space<hbm>> -> memref<1x1x1x32x256xf32, #tpu.memory_space<hbm>>
    %dma_wait3A_274 = tpu.memref_squeeze %dma_wait3A_273 : memref<1x1x1x32x256xf32, #tpu.memory_space<hbm>> -> memref<32x256xf32, #tpu.memory_space<hbm>>
    %dma_wait3A_275 = arith.constant 128 : i32
    %dma_wait3A_276 = arith.constant 0 : i32
    %dma_wait3A_277 = tpu.memref_slice %arg5[%dma_wait3A_275, %dma_wait3A_276] : memref<160x256xf32, #tpu.memory_space<vmem>> -> memref<32x256xf32, #tpu.memory_space<vmem>>
    %dma_wait3A_278 = arith.constant 192 : i32
    %dma_wait3A_279 = arith.constant 0 : i32
    %dma_wait3A_280 = tpu.memref_slice %arg2[%select_n3A, %select_n3A_30, %dma_wait3A_267, %dma_wait3A_278, %dma_wait3A_279] : memref<2x16x5x256x256xf32, #tpu.memory_space<hbm>> -> memref<1x1x1x32x256xf32, #tpu.memory_space<hbm>>
    %dma_wait3A_281 = tpu.memref_squeeze %dma_wait3A_280 : memref<1x1x1x32x256xf32, #tpu.memory_space<hbm>> -> memref<32x256xf32, #tpu.memory_space<hbm>>
    tpu.wait_dma2 semaphore(%arg10 : memref<!tpu.dma_semaphore, #tpu.memory_space<semaphore_mem>>) src(%dma_wait3A_281 : memref<32x256xf32, #tpu.memory_space<hbm>>) dst(%dma_wait3A_277 : memref<32x256xf32, #tpu.memory_space<vmem>>)
    %parallel_loop3A = arith.constant 0 : i32
    %parallel_loop3A_282 = arith.constant 512 : i32
    %parallel_loop3A_283 = arith.constant 1 : i32
    %parallel_loop3A_284:14 = scf.for %parallel_loop3A_468 = %parallel_loop3A to %parallel_loop3A_282 step %parallel_loop3A_283 iter_args(%parallel_loop3A_469 = %broadcast_in_dim3A_31, %parallel_loop3A_470 = %broadcast_in_dim3A_31, %parallel_loop3A_471 = %broadcast_in_dim3A_31, %parallel_loop3A_472 = %broadcast_in_dim3A_31, %parallel_loop3A_473 = %broadcast_in_dim3A_31, %parallel_loop3A_474 = %broadcast_in_dim3A_31, %parallel_loop3A_475 = %broadcast_in_dim3A_31, %parallel_loop3A_476 = %broadcast_in_dim3A_31, %parallel_loop3A_477 = %broadcast_in_dim3A_31, %parallel_loop3A_478 = %broadcast_in_dim3A_31, %parallel_loop3A_479 = %broadcast_in_dim3A_31, %parallel_loop3A_480 = %broadcast_in_dim3A_31, %parallel_loop3A_481 = %broadcast_in_dim3A_31, %parallel_loop3A_482 = %broadcast_in_dim3A_31) -> (vector<16xf32>, vector<16xf32>, vector<16xf32>, vector<16xf32>, vector<16xf32>, vector<16xf32>, vector<16xf32>, vector<16xf32>, vector<16xf32>, vector<16xf32>, vector<16xf32>, vector<16xf32>, vector<16xf32>, vector<16xf32>)  : i32 {
      %parallel_loop3A_483 = arith.constant 16 : i32
      %parallel_loop3A_484 = arith.divsi %parallel_loop3A_468, %parallel_loop3A_483 : i32
      %parallel_loop3A_485 = arith.constant 0 : i32
      %parallel_loop3A_486 = arith.cmpi sgt, %parallel_loop3A_468, %parallel_loop3A_485 : i32
      %parallel_loop3A_487 = arith.extui %parallel_loop3A_486 : i1 to i32
      %parallel_loop3A_488 = arith.constant 0 : i32
      %parallel_loop3A_489 = arith.cmpi slt, %parallel_loop3A_468, %parallel_loop3A_488 : i32
      %parallel_loop3A_490 = arith.extui %parallel_loop3A_489 : i1 to i32
      %parallel_loop3A_491 = arith.subi %parallel_loop3A_487, %parallel_loop3A_490 : i32
      %parallel_loop3A_492 = arith.constant 0 : i32
      %parallel_loop3A_493 = arith.cmpi sgt, %parallel_loop3A_483, %parallel_loop3A_492 : i32
      %parallel_loop3A_494 = arith.extui %parallel_loop3A_493 : i1 to i32
      %parallel_loop3A_495 = arith.constant 0 : i32
      %parallel_loop3A_496 = arith.cmpi slt, %parallel_loop3A_483, %parallel_loop3A_495 : i32
      %parallel_loop3A_497 = arith.extui %parallel_loop3A_496 : i1 to i32
      %parallel_loop3A_498 = arith.subi %parallel_loop3A_494, %parallel_loop3A_497 : i32
      %parallel_loop3A_499 = arith.cmpi ne, %parallel_loop3A_491, %parallel_loop3A_498 : i32
      %parallel_loop3A_500 = arith.remsi %parallel_loop3A_468, %parallel_loop3A_483 : i32
      %parallel_loop3A_501 = arith.constant 0 : i32
      %parallel_loop3A_502 = arith.cmpi ne, %parallel_loop3A_500, %parallel_loop3A_501 : i32
      %parallel_loop3A_503 = arith.andi %parallel_loop3A_499, %parallel_loop3A_502 : i1
      %parallel_loop3A_504 = arith.constant 1 : i32
      %parallel_loop3A_505 = arith.subi %parallel_loop3A_484, %parallel_loop3A_504 : i32
      %parallel_loop3A_506 = arith.select %parallel_loop3A_503, %parallel_loop3A_505, %parallel_loop3A_484 : i32
      %parallel_loop3A_507 = arith.constant 16 : i32
      %parallel_loop3A_508 = arith.constant 0 : i32
      %parallel_loop3A_509 = arith.cmpi eq, %parallel_loop3A_507, %parallel_loop3A_508 : i32
      %parallel_loop3A_510 = arith.constant 1 : i32
      %parallel_loop3A_511 = arith.select %parallel_loop3A_509, %parallel_loop3A_510, %parallel_loop3A_507 : i32
      %parallel_loop3A_512 = arith.remsi %parallel_loop3A_468, %parallel_loop3A_511 : i32
      %parallel_loop3A_513 = arith.constant 0 : i32
      %parallel_loop3A_514 = arith.cmpi ne, %parallel_loop3A_512, %parallel_loop3A_513 : i32
      %parallel_loop3A_515 = arith.constant 0 : i32
      %parallel_loop3A_516 = arith.cmpi slt, %parallel_loop3A_512, %parallel_loop3A_515 : i32
      %parallel_loop3A_517 = arith.constant 0 : i32
      %parallel_loop3A_518 = arith.cmpi slt, %parallel_loop3A_511, %parallel_loop3A_517 : i32
      %parallel_loop3A_519 = arith.xori %parallel_loop3A_516, %parallel_loop3A_518 : i1
      %parallel_loop3A_520 = arith.andi %parallel_loop3A_519, %parallel_loop3A_514 : i1
      %parallel_loop3A_521 = arith.addi %parallel_loop3A_512, %parallel_loop3A_511 : i32
      %parallel_loop3A_522 = arith.select %parallel_loop3A_520, %parallel_loop3A_521, %parallel_loop3A_512 : i32
      %parallel_loop3A_523 = arith.constant 16 : i32
      %parallel_loop3A_524 = arith.muli %parallel_loop3A_522, %parallel_loop3A_523 : i32
      %parallel_loop3A_525 = arith.index_cast %parallel_loop3A_506 : i32 to index
      %parallel_loop3A_526 = arith.index_cast %parallel_loop3A_524 : i32 to index
      %parallel_loop3A_527 = tpu.vector_load %arg6[%parallel_loop3A_525, %parallel_loop3A_526] {strides = array<i32>} : memref<32x256xf32, #tpu.memory_space<vmem>>, vector<1x16xf32>,
      %parallel_loop3A_528 = vector.shape_cast %parallel_loop3A_527 : vector<1x16xf32> to vector<16xf32>
      %parallel_loop3A_529 = arith.constant 2.500000e-01 : f32
      %parallel_loop3A_530 = vector.broadcast %parallel_loop3A_529 : f32 to vector<16xf32>
      %parallel_loop3A_531 = arith.cmpf oge, %parallel_loop3A_528, %parallel_loop3A_530 : vector<16xf32>
      %parallel_loop3A_532 = arith.constant 1.000000e+00 : f32
      %parallel_loop3A_533 = arith.constant 0.000000e+00 : f32
      %parallel_loop3A_534 = vector.broadcast %parallel_loop3A_532 : f32 to vector<16xf32>
      %parallel_loop3A_535 = vector.broadcast %parallel_loop3A_533 : f32 to vector<16xf32>
      %parallel_loop3A_536 = arith.select %parallel_loop3A_531, %parallel_loop3A_534, %parallel_loop3A_535 : vector<16xi1>, vector<16xf32>
      %parallel_loop3A_537 = arith.constant 3.750000e-01 : f32
      %parallel_loop3A_538 = vector.broadcast %parallel_loop3A_537 : f32 to vector<16xf32>
      %parallel_loop3A_539 = arith.cmpf oge, %parallel_loop3A_528, %parallel_loop3A_538 : vector<16xf32>
      %parallel_loop3A_540 = arith.constant 1.000000e+00 : f32
      %parallel_loop3A_541 = arith.constant 0.000000e+00 : f32
      %parallel_loop3A_542 = vector.broadcast %parallel_loop3A_540 : f32 to vector<16xf32>
      %parallel_loop3A_543 = vector.broadcast %parallel_loop3A_541 : f32 to vector<16xf32>
      %parallel_loop3A_544 = arith.select %parallel_loop3A_539, %parallel_loop3A_542, %parallel_loop3A_543 : vector<16xi1>, vector<16xf32>
      %parallel_loop3A_545 = arith.constant 5.000000e-01 : f32
      %parallel_loop3A_546 = vector.broadcast %parallel_loop3A_545 : f32 to vector<16xf32>
      %parallel_loop3A_547 = arith.cmpf oge, %parallel_loop3A_528, %parallel_loop3A_546 : vector<16xf32>
      %parallel_loop3A_548 = arith.constant 1.000000e+00 : f32
      %parallel_loop3A_549 = arith.constant 0.000000e+00 : f32
      %parallel_loop3A_550 = vector.broadcast %parallel_loop3A_548 : f32 to vector<16xf32>
      %parallel_loop3A_551 = vector.broadcast %parallel_loop3A_549 : f32 to vector<16xf32>
      %parallel_loop3A_552 = arith.select %parallel_loop3A_547, %parallel_loop3A_550, %parallel_loop3A_551 : vector<16xi1>, vector<16xf32>
      %parallel_loop3A_553 = arith.constant 6.250000e-01 : f32
      %parallel_loop3A_554 = vector.broadcast %parallel_loop3A_553 : f32 to vector<16xf32>
      %parallel_loop3A_555 = arith.cmpf oge, %parallel_loop3A_528, %parallel_loop3A_554 : vector<16xf32>
      %parallel_loop3A_556 = arith.constant 1.000000e+00 : f32
      %parallel_loop3A_557 = arith.constant 0.000000e+00 : f32
      %parallel_loop3A_558 = vector.broadcast %parallel_loop3A_556 : f32 to vector<16xf32>
      %parallel_loop3A_559 = vector.broadcast %parallel_loop3A_557 : f32 to vector<16xf32>
      %parallel_loop3A_560 = arith.select %parallel_loop3A_555, %parallel_loop3A_558, %parallel_loop3A_559 : vector<16xi1>, vector<16xf32>
      %parallel_loop3A_561 = arith.addf %parallel_loop3A_536, %parallel_loop3A_544 : vector<16xf32>
      %parallel_loop3A_562 = arith.addf %parallel_loop3A_561, %parallel_loop3A_552 : vector<16xf32>
      %parallel_loop3A_563 = arith.addf %parallel_loop3A_562, %parallel_loop3A_560 : vector<16xf32>
      %parallel_loop3A_564 = arith.constant 0 : i32
      %parallel_loop3A_565 = arith.addi %parallel_loop3A_564, %parallel_loop3A_506 : i32
      %parallel_loop3A_566 = arith.index_cast %parallel_loop3A_565 : i32 to index
      %parallel_loop3A_567 = arith.index_cast %parallel_loop3A_524 : i32 to index
      %parallel_loop3A_568 = tpu.vector_load %arg5[%parallel_loop3A_566, %parallel_loop3A_567] {strides = array<i32>} : memref<160x256xf32, #tpu.memory_space<vmem>>, vector<1x16xf32>,
      %parallel_loop3A_569 = vector.shape_cast %parallel_loop3A_568 : vector<1x16xf32> to vector<16xf32>
      %parallel_loop3A_570 = arith.constant 32 : i32
      %parallel_loop3A_571 = arith.addi %parallel_loop3A_570, %parallel_loop3A_506 : i32
      %parallel_loop3A_572 = arith.index_cast %parallel_loop3A_571 : i32 to index
      %parallel_loop3A_573 = arith.index_cast %parallel_loop3A_524 : i32 to index
      %parallel_loop3A_574 = tpu.vector_load %arg5[%parallel_loop3A_572, %parallel_loop3A_573] {strides = array<i32>} : memref<160x256xf32, #tpu.memory_space<vmem>>, vector<1x16xf32>,
      %parallel_loop3A_575 = vector.shape_cast %parallel_loop3A_574 : vector<1x16xf32> to vector<16xf32>
      %parallel_loop3A_576 = arith.constant 64 : i32
      %parallel_loop3A_577 = arith.addi %parallel_loop3A_576, %parallel_loop3A_506 : i32
      %parallel_loop3A_578 = arith.index_cast %parallel_loop3A_577 : i32 to index
      %parallel_loop3A_579 = arith.index_cast %parallel_loop3A_524 : i32 to index
      %parallel_loop3A_580 = tpu.vector_load %arg5[%parallel_loop3A_578, %parallel_loop3A_579] {strides = array<i32>} : memref<160x256xf32, #tpu.memory_space<vmem>>, vector<1x16xf32>,
      %parallel_loop3A_581 = vector.shape_cast %parallel_loop3A_580 : vector<1x16xf32> to vector<16xf32>
      %parallel_loop3A_582 = arith.constant 96 : i32
      %parallel_loop3A_583 = arith.addi %parallel_loop3A_582, %parallel_loop3A_506 : i32
      %parallel_loop3A_584 = arith.index_cast %parallel_loop3A_583 : i32 to index
      %parallel_loop3A_585 = arith.index_cast %parallel_loop3A_524 : i32 to index
      %parallel_loop3A_586 = tpu.vector_load %arg5[%parallel_loop3A_584, %parallel_loop3A_585] {strides = array<i32>} : memref<160x256xf32, #tpu.memory_space<vmem>>, vector<1x16xf32>,
      %parallel_loop3A_587 = vector.shape_cast %parallel_loop3A_586 : vector<1x16xf32> to vector<16xf32>
      %parallel_loop3A_588 = arith.constant 128 : i32
      %parallel_loop3A_589 = arith.addi %parallel_loop3A_588, %parallel_loop3A_506 : i32
      %parallel_loop3A_590 = arith.index_cast %parallel_loop3A_589 : i32 to index
      %parallel_loop3A_591 = arith.index_cast %parallel_loop3A_524 : i32 to index
      %parallel_loop3A_592 = tpu.vector_load %arg5[%parallel_loop3A_590, %parallel_loop3A_591] {strides = array<i32>} : memref<160x256xf32, #tpu.memory_space<vmem>>, vector<1x16xf32>,
      %parallel_loop3A_593 = vector.shape_cast %parallel_loop3A_592 : vector<1x16xf32> to vector<16xf32>
      %parallel_loop3A_594 = arith.constant 0.000000e+00 : f32
      %parallel_loop3A_595 = vector.broadcast %parallel_loop3A_594 : f32 to vector<16xf32>
      %parallel_loop3A_596 = arith.cmpf oeq, %parallel_loop3A_563, %parallel_loop3A_595 : vector<16xf32>
      %parallel_loop3A_597 = arith.constant 0.000000e+00 : f32
      %parallel_loop3A_598 = vector.broadcast %parallel_loop3A_597 : f32 to vector<16xf32>
      %parallel_loop3A_599 = arith.select %parallel_loop3A_596, %parallel_loop3A_569, %parallel_loop3A_598 : vector<16xi1>, vector<16xf32>
      %parallel_loop3A_600 = arith.constant 1.000000e+00 : f32
      %parallel_loop3A_601 = vector.broadcast %parallel_loop3A_600 : f32 to vector<16xf32>
      %parallel_loop3A_602 = arith.cmpf oeq, %parallel_loop3A_563, %parallel_loop3A_601 : vector<16xf32>
      %parallel_loop3A_603 = arith.constant 0.000000e+00 : f32
      %parallel_loop3A_604 = vector.broadcast %parallel_loop3A_603 : f32 to vector<16xf32>
      %parallel_loop3A_605 = arith.select %parallel_loop3A_602, %parallel_loop3A_575, %parallel_loop3A_604 : vector<16xi1>, vector<16xf32>
      %parallel_loop3A_606 = arith.constant 2.000000e+00 : f32
      %parallel_loop3A_607 = vector.broadcast %parallel_loop3A_606 : f32 to vector<16xf32>
      %parallel_loop3A_608 = arith.cmpf oeq, %parallel_loop3A_563, %parallel_loop3A_607 : vector<16xf32>
      %parallel_loop3A_609 = arith.constant 0.000000e+00 : f32
      %parallel_loop3A_610 = vector.broadcast %parallel_loop3A_609 : f32 to vector<16xf32>
      %parallel_loop3A_611 = arith.select %parallel_loop3A_608, %parallel_loop3A_581, %parallel_loop3A_610 : vector<16xi1>, vector<16xf32>
      %parallel_loop3A_612 = arith.constant 3.000000e+00 : f32
      %parallel_loop3A_613 = vector.broadcast %parallel_loop3A_612 : f32 to vector<16xf32>
      %parallel_loop3A_614 = arith.cmpf oeq, %parallel_loop3A_563, %parallel_loop3A_613 : vector<16xf32>
      %parallel_loop3A_615 = arith.constant 0.000000e+00 : f32
      %parallel_loop3A_616 = vector.broadcast %parallel_loop3A_615 : f32 to vector<16xf32>
      %parallel_loop3A_617 = arith.select %parallel_loop3A_614, %parallel_loop3A_587, %parallel_loop3A_616 : vector<16xi1>, vector<16xf32>
      %parallel_loop3A_618 = arith.constant 4.000000e+00 : f32
      %parallel_loop3A_619 = vector.broadcast %parallel_loop3A_618 : f32 to vector<16xf32>
      %parallel_loop3A_620 = arith.cmpf oeq, %parallel_loop3A_563, %parallel_loop3A_619 : vector<16xf32>
      %parallel_loop3A_621 = arith.constant 0.000000e+00 : f32
      %parallel_loop3A_622 = vector.broadcast %parallel_loop3A_621 : f32 to vector<16xf32>
      %parallel_loop3A_623 = arith.select %parallel_loop3A_620, %parallel_loop3A_593, %parallel_loop3A_622 : vector<16xi1>, vector<16xf32>
      %parallel_loop3A_624 = arith.addf %parallel_loop3A_469, %parallel_loop3A_599 : vector<16xf32>
      %parallel_loop3A_625 = arith.addf %parallel_loop3A_470, %parallel_loop3A_605 : vector<16xf32>
      %parallel_loop3A_626 = arith.addf %parallel_loop3A_471, %parallel_loop3A_611 : vector<16xf32>
      %parallel_loop3A_627 = arith.addf %parallel_loop3A_472, %parallel_loop3A_617 : vector<16xf32>
      %parallel_loop3A_628 = arith.addf %parallel_loop3A_473, %parallel_loop3A_623 : vector<16xf32>
      %parallel_loop3A_629 = arith.addf %parallel_loop3A_474, %parallel_loop3A_569 : vector<16xf32>
      %parallel_loop3A_630 = arith.addf %parallel_loop3A_475, %parallel_loop3A_575 : vector<16xf32>
      %parallel_loop3A_631 = arith.addf %parallel_loop3A_476, %parallel_loop3A_581 : vector<16xf32>
      %parallel_loop3A_632 = arith.addf %parallel_loop3A_477, %parallel_loop3A_587 : vector<16xf32>
      %parallel_loop3A_633 = arith.addf %parallel_loop3A_478, %parallel_loop3A_593 : vector<16xf32>
      %parallel_loop3A_634 = arith.addf %parallel_loop3A_479, %parallel_loop3A_536 : vector<16xf32>
      %parallel_loop3A_635 = arith.addf %parallel_loop3A_480, %parallel_loop3A_544 : vector<16xf32>
      %parallel_loop3A_636 = arith.addf %parallel_loop3A_481, %parallel_loop3A_552 : vector<16xf32>
      %parallel_loop3A_637 = arith.addf %parallel_loop3A_482, %parallel_loop3A_560 : vector<16xf32>
      scf.yield %parallel_loop3A_624, %parallel_loop3A_625, %parallel_loop3A_626, %parallel_loop3A_627, %parallel_loop3A_628, %parallel_loop3A_629, %parallel_loop3A_630, %parallel_loop3A_631, %parallel_loop3A_632, %parallel_loop3A_633, %parallel_loop3A_634, %parallel_loop3A_635, %parallel_loop3A_636, %parallel_loop3A_637 : vector<16xf32>, vector<16xf32>, vector<16xf32>, vector<16xf32>, vector<16xf32>, vector<16xf32>, vector<16xf32>, vector<16xf32>, vector<16xf32>, vector<16xf32>, vector<16xf32>, vector<16xf32>, vector<16xf32>, vector<16xf32>
    } {sc.loop_unroll_factor = 4 : i64, sc.parallel_access}
    %dma_wait3A_285 = arith.constant 0 : i32
    %dma_wait3A_286 = arith.constant 224 : i32
    %dma_wait3A_287 = arith.constant 0 : i32
    %dma_wait3A_288 = tpu.memref_slice %arg3[%select_n3A, %select_n3A_30, %dma_wait3A_285, %dma_wait3A_286, %dma_wait3A_287] : memref<2x16x1x256x256xf32, #tpu.memory_space<hbm>> -> memref<1x1x1x32x256xf32, #tpu.memory_space<hbm>>
    %dma_wait3A_289 = tpu.memref_squeeze %dma_wait3A_288 : memref<1x1x1x32x256xf32, #tpu.memory_space<hbm>> -> memref<32x256xf32, #tpu.memory_space<hbm>>
    %dma_wait3A_290 = arith.constant 224 : i32
    %dma_wait3A_291 = arith.constant 0 : i32
    %dma_wait3A_292 = tpu.memref_slice %arg3[%select_n3A, %select_n3A_30, %dma_wait3A_285, %dma_wait3A_290, %dma_wait3A_291] : memref<2x16x1x256x256xf32, #tpu.memory_space<hbm>> -> memref<1x1x1x32x256xf32, #tpu.memory_space<hbm>>
    %dma_wait3A_293 = tpu.memref_squeeze %dma_wait3A_292 : memref<1x1x1x32x256xf32, #tpu.memory_space<hbm>> -> memref<32x256xf32, #tpu.memory_space<hbm>>
    tpu.wait_dma2 semaphore(%arg11 : memref<!tpu.dma_semaphore, #tpu.memory_space<semaphore_mem>>) src(%dma_wait3A_293 : memref<32x256xf32, #tpu.memory_space<hbm>>) dst(%arg8 : memref<32x256xf32, #tpu.memory_space<vmem>>)
    %dma_wait3A_294 = arith.constant 0 : i32
    %dma_wait3A_295 = arith.constant 0 : i32
    %dma_wait3A_296 = arith.constant 0 : i32
    %dma_wait3A_297 = tpu.memref_slice %arg7[%dma_wait3A_295, %dma_wait3A_296] : memref<160x256xf32, #tpu.memory_space<vmem>> -> memref<32x256xf32, #tpu.memory_space<vmem>>
    %dma_wait3A_298 = arith.constant 224 : i32
    %dma_wait3A_299 = arith.constant 0 : i32
    %dma_wait3A_300 = tpu.memref_slice %arg2[%select_n3A, %select_n3A_30, %dma_wait3A_294, %dma_wait3A_298, %dma_wait3A_299] : memref<2x16x5x256x256xf32, #tpu.memory_space<hbm>> -> memref<1x1x1x32x256xf32, #tpu.memory_space<hbm>>
    %dma_wait3A_301 = tpu.memref_squeeze %dma_wait3A_300 : memref<1x1x1x32x256xf32, #tpu.memory_space<hbm>> -> memref<32x256xf32, #tpu.memory_space<hbm>>
    %dma_wait3A_302 = arith.constant 0 : i32
    %dma_wait3A_303 = arith.constant 0 : i32
    %dma_wait3A_304 = tpu.memref_slice %arg7[%dma_wait3A_302, %dma_wait3A_303] : memref<160x256xf32, #tpu.memory_space<vmem>> -> memref<32x256xf32, #tpu.memory_space<vmem>>
    %dma_wait3A_305 = arith.constant 224 : i32
    %dma_wait3A_306 = arith.constant 0 : i32
    %dma_wait3A_307 = tpu.memref_slice %arg2[%select_n3A, %select_n3A_30, %dma_wait3A_294, %dma_wait3A_305, %dma_wait3A_306] : memref<2x16x5x256x256xf32, #tpu.memory_space<hbm>> -> memref<1x1x1x32x256xf32, #tpu.memory_space<hbm>>
    %dma_wait3A_308 = tpu.memref_squeeze %dma_wait3A_307 : memref<1x1x1x32x256xf32, #tpu.memory_space<hbm>> -> memref<32x256xf32, #tpu.memory_space<hbm>>
    tpu.wait_dma2 semaphore(%arg11 : memref<!tpu.dma_semaphore, #tpu.memory_space<semaphore_mem>>) src(%dma_wait3A_308 : memref<32x256xf32, #tpu.memory_space<hbm>>) dst(%dma_wait3A_304 : memref<32x256xf32, #tpu.memory_space<vmem>>)
    %dma_wait3A_309 = arith.constant 1 : i32
    %dma_wait3A_310 = arith.constant 32 : i32
    %dma_wait3A_311 = arith.constant 0 : i32
    %dma_wait3A_312 = tpu.memref_slice %arg7[%dma_wait3A_310, %dma_wait3A_311] : memref<160x256xf32, #tpu.memory_space<vmem>> -> memref<32x256xf32, #tpu.memory_space<vmem>>
    %dma_wait3A_313 = arith.constant 224 : i32
    %dma_wait3A_314 = arith.constant 0 : i32
    %dma_wait3A_315 = tpu.memref_slice %arg2[%select_n3A, %select_n3A_30, %dma_wait3A_309, %dma_wait3A_313, %dma_wait3A_314] : memref<2x16x5x256x256xf32, #tpu.memory_space<hbm>> -> memref<1x1x1x32x256xf32, #tpu.memory_space<hbm>>
    %dma_wait3A_316 = tpu.memref_squeeze %dma_wait3A_315 : memref<1x1x1x32x256xf32, #tpu.memory_space<hbm>> -> memref<32x256xf32, #tpu.memory_space<hbm>>
    %dma_wait3A_317 = arith.constant 32 : i32
    %dma_wait3A_318 = arith.constant 0 : i32
    %dma_wait3A_319 = tpu.memref_slice %arg7[%dma_wait3A_317, %dma_wait3A_318] : memref<160x256xf32, #tpu.memory_space<vmem>> -> memref<32x256xf32, #tpu.memory_space<vmem>>
    %dma_wait3A_320 = arith.constant 224 : i32
    %dma_wait3A_321 = arith.constant 0 : i32
    %dma_wait3A_322 = tpu.memref_slice %arg2[%select_n3A, %select_n3A_30, %dma_wait3A_309, %dma_wait3A_320, %dma_wait3A_321] : memref<2x16x5x256x256xf32, #tpu.memory_space<hbm>> -> memref<1x1x1x32x256xf32, #tpu.memory_space<hbm>>
    %dma_wait3A_323 = tpu.memref_squeeze %dma_wait3A_322 : memref<1x1x1x32x256xf32, #tpu.memory_space<hbm>> -> memref<32x256xf32, #tpu.memory_space<hbm>>
    tpu.wait_dma2 semaphore(%arg11 : memref<!tpu.dma_semaphore, #tpu.memory_space<semaphore_mem>>) src(%dma_wait3A_323 : memref<32x256xf32, #tpu.memory_space<hbm>>) dst(%dma_wait3A_319 : memref<32x256xf32, #tpu.memory_space<vmem>>)
    %dma_wait3A_324 = arith.constant 2 : i32
    %dma_wait3A_325 = arith.constant 64 : i32
    %dma_wait3A_326 = arith.constant 0 : i32
    %dma_wait3A_327 = tpu.memref_slice %arg7[%dma_wait3A_325, %dma_wait3A_326] : memref<160x256xf32, #tpu.memory_space<vmem>> -> memref<32x256xf32, #tpu.memory_space<vmem>>
    %dma_wait3A_328 = arith.constant 224 : i32
    %dma_wait3A_329 = arith.constant 0 : i32
    %dma_wait3A_330 = tpu.memref_slice %arg2[%select_n3A, %select_n3A_30, %dma_wait3A_324, %dma_wait3A_328, %dma_wait3A_329] : memref<2x16x5x256x256xf32, #tpu.memory_space<hbm>> -> memref<1x1x1x32x256xf32, #tpu.memory_space<hbm>>
    %dma_wait3A_331 = tpu.memref_squeeze %dma_wait3A_330 : memref<1x1x1x32x256xf32, #tpu.memory_space<hbm>> -> memref<32x256xf32, #tpu.memory_space<hbm>>
    %dma_wait3A_332 = arith.constant 64 : i32
    %dma_wait3A_333 = arith.constant 0 : i32
    %dma_wait3A_334 = tpu.memref_slice %arg7[%dma_wait3A_332, %dma_wait3A_333] : memref<160x256xf32, #tpu.memory_space<vmem>> -> memref<32x256xf32, #tpu.memory_space<vmem>>
    %dma_wait3A_335 = arith.constant 224 : i32
    %dma_wait3A_336 = arith.constant 0 : i32
    %dma_wait3A_337 = tpu.memref_slice %arg2[%select_n3A, %select_n3A_30, %dma_wait3A_324, %dma_wait3A_335, %dma_wait3A_336] : memref<2x16x5x256x256xf32, #tpu.memory_space<hbm>> -> memref<1x1x1x32x256xf32, #tpu.memory_space<hbm>>
    %dma_wait3A_338 = tpu.memref_squeeze %dma_wait3A_337 : memref<1x1x1x32x256xf32, #tpu.memory_space<hbm>> -> memref<32x256xf32, #tpu.memory_space<hbm>>
    tpu.wait_dma2 semaphore(%arg11 : memref<!tpu.dma_semaphore, #tpu.memory_space<semaphore_mem>>) src(%dma_wait3A_338 : memref<32x256xf32, #tpu.memory_space<hbm>>) dst(%dma_wait3A_334 : memref<32x256xf32, #tpu.memory_space<vmem>>)
    %dma_wait3A_339 = arith.constant 3 : i32
    %dma_wait3A_340 = arith.constant 96 : i32
    %dma_wait3A_341 = arith.constant 0 : i32
    %dma_wait3A_342 = tpu.memref_slice %arg7[%dma_wait3A_340, %dma_wait3A_341] : memref<160x256xf32, #tpu.memory_space<vmem>> -> memref<32x256xf32, #tpu.memory_space<vmem>>
    %dma_wait3A_343 = arith.constant 224 : i32
    %dma_wait3A_344 = arith.constant 0 : i32
    %dma_wait3A_345 = tpu.memref_slice %arg2[%select_n3A, %select_n3A_30, %dma_wait3A_339, %dma_wait3A_343, %dma_wait3A_344] : memref<2x16x5x256x256xf32, #tpu.memory_space<hbm>> -> memref<1x1x1x32x256xf32, #tpu.memory_space<hbm>>
    %dma_wait3A_346 = tpu.memref_squeeze %dma_wait3A_345 : memref<1x1x1x32x256xf32, #tpu.memory_space<hbm>> -> memref<32x256xf32, #tpu.memory_space<hbm>>
    %dma_wait3A_347 = arith.constant 96 : i32
    %dma_wait3A_348 = arith.constant 0 : i32
    %dma_wait3A_349 = tpu.memref_slice %arg7[%dma_wait3A_347, %dma_wait3A_348] : memref<160x256xf32, #tpu.memory_space<vmem>> -> memref<32x256xf32, #tpu.memory_space<vmem>>
    %dma_wait3A_350 = arith.constant 224 : i32
    %dma_wait3A_351 = arith.constant 0 : i32
    %dma_wait3A_352 = tpu.memref_slice %arg2[%select_n3A, %select_n3A_30, %dma_wait3A_339, %dma_wait3A_350, %dma_wait3A_351] : memref<2x16x5x256x256xf32, #tpu.memory_space<hbm>> -> memref<1x1x1x32x256xf32, #tpu.memory_space<hbm>>
    %dma_wait3A_353 = tpu.memref_squeeze %dma_wait3A_352 : memref<1x1x1x32x256xf32, #tpu.memory_space<hbm>> -> memref<32x256xf32, #tpu.memory_space<hbm>>
    tpu.wait_dma2 semaphore(%arg11 : memref<!tpu.dma_semaphore, #tpu.memory_space<semaphore_mem>>) src(%dma_wait3A_353 : memref<32x256xf32, #tpu.memory_space<hbm>>) dst(%dma_wait3A_349 : memref<32x256xf32, #tpu.memory_space<vmem>>)
    %dma_wait3A_354 = arith.constant 4 : i32
    %dma_wait3A_355 = arith.constant 128 : i32
    %dma_wait3A_356 = arith.constant 0 : i32
    %dma_wait3A_357 = tpu.memref_slice %arg7[%dma_wait3A_355, %dma_wait3A_356] : memref<160x256xf32, #tpu.memory_space<vmem>> -> memref<32x256xf32, #tpu.memory_space<vmem>>
    %dma_wait3A_358 = arith.constant 224 : i32
    %dma_wait3A_359 = arith.constant 0 : i32
    %dma_wait3A_360 = tpu.memref_slice %arg2[%select_n3A, %select_n3A_30, %dma_wait3A_354, %dma_wait3A_358, %dma_wait3A_359] : memref<2x16x5x256x256xf32, #tpu.memory_space<hbm>> -> memref<1x1x1x32x256xf32, #tpu.memory_space<hbm>>
    %dma_wait3A_361 = tpu.memref_squeeze %dma_wait3A_360 : memref<1x1x1x32x256xf32, #tpu.memory_space<hbm>> -> memref<32x256xf32, #tpu.memory_space<hbm>>
    %dma_wait3A_362 = arith.constant 128 : i32
    %dma_wait3A_363 = arith.constant 0 : i32
    %dma_wait3A_364 = tpu.memref_slice %arg7[%dma_wait3A_362, %dma_wait3A_363] : memref<160x256xf32, #tpu.memory_space<vmem>> -> memref<32x256xf32, #tpu.memory_space<vmem>>
    %dma_wait3A_365 = arith.constant 224 : i32
    %dma_wait3A_366 = arith.constant 0 : i32
    %dma_wait3A_367 = tpu.memref_slice %arg2[%select_n3A, %select_n3A_30, %dma_wait3A_354, %dma_wait3A_365, %dma_wait3A_366] : memref<2x16x5x256x256xf32, #tpu.memory_space<hbm>> -> memref<1x1x1x32x256xf32, #tpu.memory_space<hbm>>
    %dma_wait3A_368 = tpu.memref_squeeze %dma_wait3A_367 : memref<1x1x1x32x256xf32, #tpu.memory_space<hbm>> -> memref<32x256xf32, #tpu.memory_space<hbm>>
    tpu.wait_dma2 semaphore(%arg11 : memref<!tpu.dma_semaphore, #tpu.memory_space<semaphore_mem>>) src(%dma_wait3A_368 : memref<32x256xf32, #tpu.memory_space<hbm>>) dst(%dma_wait3A_364 : memref<32x256xf32, #tpu.memory_space<vmem>>)
    %parallel_loop3A_369 = arith.constant 0 : i32
    %parallel_loop3A_370 = arith.constant 512 : i32
    %parallel_loop3A_371 = arith.constant 1 : i32
    %parallel_loop3A_372:14 = scf.for %parallel_loop3A_468 = %parallel_loop3A_369 to %parallel_loop3A_370 step %parallel_loop3A_371 iter_args(%parallel_loop3A_469 = %parallel_loop3A_284#0, %parallel_loop3A_470 = %parallel_loop3A_284#1, %parallel_loop3A_471 = %parallel_loop3A_284#2, %parallel_loop3A_472 = %parallel_loop3A_284#3, %parallel_loop3A_473 = %parallel_loop3A_284#4, %parallel_loop3A_474 = %parallel_loop3A_284#5, %parallel_loop3A_475 = %parallel_loop3A_284#6, %parallel_loop3A_476 = %parallel_loop3A_284#7, %parallel_loop3A_477 = %parallel_loop3A_284#8, %parallel_loop3A_478 = %parallel_loop3A_284#9, %parallel_loop3A_479 = %parallel_loop3A_284#10, %parallel_loop3A_480 = %parallel_loop3A_284#11, %parallel_loop3A_481 = %parallel_loop3A_284#12, %parallel_loop3A_482 = %parallel_loop3A_284#13) -> (vector<16xf32>, vector<16xf32>, vector<16xf32>, vector<16xf32>, vector<16xf32>, vector<16xf32>, vector<16xf32>, vector<16xf32>, vector<16xf32>, vector<16xf32>, vector<16xf32>, vector<16xf32>, vector<16xf32>, vector<16xf32>)  : i32 {
      %parallel_loop3A_483 = arith.constant 16 : i32
      %parallel_loop3A_484 = arith.divsi %parallel_loop3A_468, %parallel_loop3A_483 : i32
      %parallel_loop3A_485 = arith.constant 0 : i32
      %parallel_loop3A_486 = arith.cmpi sgt, %parallel_loop3A_468, %parallel_loop3A_485 : i32
      %parallel_loop3A_487 = arith.extui %parallel_loop3A_486 : i1 to i32
      %parallel_loop3A_488 = arith.constant 0 : i32
      %parallel_loop3A_489 = arith.cmpi slt, %parallel_loop3A_468, %parallel_loop3A_488 : i32
      %parallel_loop3A_490 = arith.extui %parallel_loop3A_489 : i1 to i32
      %parallel_loop3A_491 = arith.subi %parallel_loop3A_487, %parallel_loop3A_490 : i32
      %parallel_loop3A_492 = arith.constant 0 : i32
      %parallel_loop3A_493 = arith.cmpi sgt, %parallel_loop3A_483, %parallel_loop3A_492 : i32
      %parallel_loop3A_494 = arith.extui %parallel_loop3A_493 : i1 to i32
      %parallel_loop3A_495 = arith.constant 0 : i32
      %parallel_loop3A_496 = arith.cmpi slt, %parallel_loop3A_483, %parallel_loop3A_495 : i32
      %parallel_loop3A_497 = arith.extui %parallel_loop3A_496 : i1 to i32
      %parallel_loop3A_498 = arith.subi %parallel_loop3A_494, %parallel_loop3A_497 : i32
      %parallel_loop3A_499 = arith.cmpi ne, %parallel_loop3A_491, %parallel_loop3A_498 : i32
      %parallel_loop3A_500 = arith.remsi %parallel_loop3A_468, %parallel_loop3A_483 : i32
      %parallel_loop3A_501 = arith.constant 0 : i32
      %parallel_loop3A_502 = arith.cmpi ne, %parallel_loop3A_500, %parallel_loop3A_501 : i32
      %parallel_loop3A_503 = arith.andi %parallel_loop3A_499, %parallel_loop3A_502 : i1
      %parallel_loop3A_504 = arith.constant 1 : i32
      %parallel_loop3A_505 = arith.subi %parallel_loop3A_484, %parallel_loop3A_504 : i32
      %parallel_loop3A_506 = arith.select %parallel_loop3A_503, %parallel_loop3A_505, %parallel_loop3A_484 : i32
      %parallel_loop3A_507 = arith.constant 16 : i32
      %parallel_loop3A_508 = arith.constant 0 : i32
      %parallel_loop3A_509 = arith.cmpi eq, %parallel_loop3A_507, %parallel_loop3A_508 : i32
      %parallel_loop3A_510 = arith.constant 1 : i32
      %parallel_loop3A_511 = arith.select %parallel_loop3A_509, %parallel_loop3A_510, %parallel_loop3A_507 : i32
      %parallel_loop3A_512 = arith.remsi %parallel_loop3A_468, %parallel_loop3A_511 : i32
      %parallel_loop3A_513 = arith.constant 0 : i32
      %parallel_loop3A_514 = arith.cmpi ne, %parallel_loop3A_512, %parallel_loop3A_513 : i32
      %parallel_loop3A_515 = arith.constant 0 : i32
      %parallel_loop3A_516 = arith.cmpi slt, %parallel_loop3A_512, %parallel_loop3A_515 : i32
      %parallel_loop3A_517 = arith.constant 0 : i32
      %parallel_loop3A_518 = arith.cmpi slt, %parallel_loop3A_511, %parallel_loop3A_517 : i32
      %parallel_loop3A_519 = arith.xori %parallel_loop3A_516, %parallel_loop3A_518 : i1
      %parallel_loop3A_520 = arith.andi %parallel_loop3A_519, %parallel_loop3A_514 : i1
      %parallel_loop3A_521 = arith.addi %parallel_loop3A_512, %parallel_loop3A_511 : i32
      %parallel_loop3A_522 = arith.select %parallel_loop3A_520, %parallel_loop3A_521, %parallel_loop3A_512 : i32
      %parallel_loop3A_523 = arith.constant 16 : i32
      %parallel_loop3A_524 = arith.muli %parallel_loop3A_522, %parallel_loop3A_523 : i32
      %parallel_loop3A_525 = arith.index_cast %parallel_loop3A_506 : i32 to index
      %parallel_loop3A_526 = arith.index_cast %parallel_loop3A_524 : i32 to index
      %parallel_loop3A_527 = tpu.vector_load %arg8[%parallel_loop3A_525, %parallel_loop3A_526] {strides = array<i32>} : memref<32x256xf32, #tpu.memory_space<vmem>>, vector<1x16xf32>,
      %parallel_loop3A_528 = vector.shape_cast %parallel_loop3A_527 : vector<1x16xf32> to vector<16xf32>
      %parallel_loop3A_529 = arith.constant 2.500000e-01 : f32
      %parallel_loop3A_530 = vector.broadcast %parallel_loop3A_529 : f32 to vector<16xf32>
      %parallel_loop3A_531 = arith.cmpf oge, %parallel_loop3A_528, %parallel_loop3A_530 : vector<16xf32>
      %parallel_loop3A_532 = arith.constant 1.000000e+00 : f32
      %parallel_loop3A_533 = arith.constant 0.000000e+00 : f32
      %parallel_loop3A_534 = vector.broadcast %parallel_loop3A_532 : f32 to vector<16xf32>
      %parallel_loop3A_535 = vector.broadcast %parallel_loop3A_533 : f32 to vector<16xf32>
      %parallel_loop3A_536 = arith.select %parallel_loop3A_531, %parallel_loop3A_534, %parallel_loop3A_535 : vector<16xi1>, vector<16xf32>
      %parallel_loop3A_537 = arith.constant 3.750000e-01 : f32
      %parallel_loop3A_538 = vector.broadcast %parallel_loop3A_537 : f32 to vector<16xf32>
      %parallel_loop3A_539 = arith.cmpf oge, %parallel_loop3A_528, %parallel_loop3A_538 : vector<16xf32>
      %parallel_loop3A_540 = arith.constant 1.000000e+00 : f32
      %parallel_loop3A_541 = arith.constant 0.000000e+00 : f32
      %parallel_loop3A_542 = vector.broadcast %parallel_loop3A_540 : f32 to vector<16xf32>
      %parallel_loop3A_543 = vector.broadcast %parallel_loop3A_541 : f32 to vector<16xf32>
      %parallel_loop3A_544 = arith.select %parallel_loop3A_539, %parallel_loop3A_542, %parallel_loop3A_543 : vector<16xi1>, vector<16xf32>
      %parallel_loop3A_545 = arith.constant 5.000000e-01 : f32
      %parallel_loop3A_546 = vector.broadcast %parallel_loop3A_545 : f32 to vector<16xf32>
      %parallel_loop3A_547 = arith.cmpf oge, %parallel_loop3A_528, %parallel_loop3A_546 : vector<16xf32>
      %parallel_loop3A_548 = arith.constant 1.000000e+00 : f32
      %parallel_loop3A_549 = arith.constant 0.000000e+00 : f32
      %parallel_loop3A_550 = vector.broadcast %parallel_loop3A_548 : f32 to vector<16xf32>
      %parallel_loop3A_551 = vector.broadcast %parallel_loop3A_549 : f32 to vector<16xf32>
      %parallel_loop3A_552 = arith.select %parallel_loop3A_547, %parallel_loop3A_550, %parallel_loop3A_551 : vector<16xi1>, vector<16xf32>
      %parallel_loop3A_553 = arith.constant 6.250000e-01 : f32
      %parallel_loop3A_554 = vector.broadcast %parallel_loop3A_553 : f32 to vector<16xf32>
      %parallel_loop3A_555 = arith.cmpf oge, %parallel_loop3A_528, %parallel_loop3A_554 : vector<16xf32>
      %parallel_loop3A_556 = arith.constant 1.000000e+00 : f32
      %parallel_loop3A_557 = arith.constant 0.000000e+00 : f32
      %parallel_loop3A_558 = vector.broadcast %parallel_loop3A_556 : f32 to vector<16xf32>
      %parallel_loop3A_559 = vector.broadcast %parallel_loop3A_557 : f32 to vector<16xf32>
      %parallel_loop3A_560 = arith.select %parallel_loop3A_555, %parallel_loop3A_558, %parallel_loop3A_559 : vector<16xi1>, vector<16xf32>
      %parallel_loop3A_561 = arith.addf %parallel_loop3A_536, %parallel_loop3A_544 : vector<16xf32>
      %parallel_loop3A_562 = arith.addf %parallel_loop3A_561, %parallel_loop3A_552 : vector<16xf32>
      %parallel_loop3A_563 = arith.addf %parallel_loop3A_562, %parallel_loop3A_560 : vector<16xf32>
      %parallel_loop3A_564 = arith.constant 0 : i32
      %parallel_loop3A_565 = arith.addi %parallel_loop3A_564, %parallel_loop3A_506 : i32
      %parallel_loop3A_566 = arith.index_cast %parallel_loop3A_565 : i32 to index
      %parallel_loop3A_567 = arith.index_cast %parallel_loop3A_524 : i32 to index
      %parallel_loop3A_568 = tpu.vector_load %arg7[%parallel_loop3A_566, %parallel_loop3A_567] {strides = array<i32>} : memref<160x256xf32, #tpu.memory_space<vmem>>, vector<1x16xf32>,
      %parallel_loop3A_569 = vector.shape_cast %parallel_loop3A_568 : vector<1x16xf32> to vector<16xf32>
      %parallel_loop3A_570 = arith.constant 32 : i32
      %parallel_loop3A_571 = arith.addi %parallel_loop3A_570, %parallel_loop3A_506 : i32
      %parallel_loop3A_572 = arith.index_cast %parallel_loop3A_571 : i32 to index
      %parallel_loop3A_573 = arith.index_cast %parallel_loop3A_524 : i32 to index
      %parallel_loop3A_574 = tpu.vector_load %arg7[%parallel_loop3A_572, %parallel_loop3A_573] {strides = array<i32>} : memref<160x256xf32, #tpu.memory_space<vmem>>, vector<1x16xf32>,
      %parallel_loop3A_575 = vector.shape_cast %parallel_loop3A_574 : vector<1x16xf32> to vector<16xf32>
      %parallel_loop3A_576 = arith.constant 64 : i32
      %parallel_loop3A_577 = arith.addi %parallel_loop3A_576, %parallel_loop3A_506 : i32
      %parallel_loop3A_578 = arith.index_cast %parallel_loop3A_577 : i32 to index
      %parallel_loop3A_579 = arith.index_cast %parallel_loop3A_524 : i32 to index
      %parallel_loop3A_580 = tpu.vector_load %arg7[%parallel_loop3A_578, %parallel_loop3A_579] {strides = array<i32>} : memref<160x256xf32, #tpu.memory_space<vmem>>, vector<1x16xf32>,
      %parallel_loop3A_581 = vector.shape_cast %parallel_loop3A_580 : vector<1x16xf32> to vector<16xf32>
      %parallel_loop3A_582 = arith.constant 96 : i32
      %parallel_loop3A_583 = arith.addi %parallel_loop3A_582, %parallel_loop3A_506 : i32
      %parallel_loop3A_584 = arith.index_cast %parallel_loop3A_583 : i32 to index
      %parallel_loop3A_585 = arith.index_cast %parallel_loop3A_524 : i32 to index
      %parallel_loop3A_586 = tpu.vector_load %arg7[%parallel_loop3A_584, %parallel_loop3A_585] {strides = array<i32>} : memref<160x256xf32, #tpu.memory_space<vmem>>, vector<1x16xf32>,
      %parallel_loop3A_587 = vector.shape_cast %parallel_loop3A_586 : vector<1x16xf32> to vector<16xf32>
      %parallel_loop3A_588 = arith.constant 128 : i32
      %parallel_loop3A_589 = arith.addi %parallel_loop3A_588, %parallel_loop3A_506 : i32
      %parallel_loop3A_590 = arith.index_cast %parallel_loop3A_589 : i32 to index
      %parallel_loop3A_591 = arith.index_cast %parallel_loop3A_524 : i32 to index
      %parallel_loop3A_592 = tpu.vector_load %arg7[%parallel_loop3A_590, %parallel_loop3A_591] {strides = array<i32>} : memref<160x256xf32, #tpu.memory_space<vmem>>, vector<1x16xf32>,
      %parallel_loop3A_593 = vector.shape_cast %parallel_loop3A_592 : vector<1x16xf32> to vector<16xf32>
      %parallel_loop3A_594 = arith.constant 0.000000e+00 : f32
      %parallel_loop3A_595 = vector.broadcast %parallel_loop3A_594 : f32 to vector<16xf32>
      %parallel_loop3A_596 = arith.cmpf oeq, %parallel_loop3A_563, %parallel_loop3A_595 : vector<16xf32>
      %parallel_loop3A_597 = arith.constant 0.000000e+00 : f32
      %parallel_loop3A_598 = vector.broadcast %parallel_loop3A_597 : f32 to vector<16xf32>
      %parallel_loop3A_599 = arith.select %parallel_loop3A_596, %parallel_loop3A_569, %parallel_loop3A_598 : vector<16xi1>, vector<16xf32>
      %parallel_loop3A_600 = arith.constant 1.000000e+00 : f32
      %parallel_loop3A_601 = vector.broadcast %parallel_loop3A_600 : f32 to vector<16xf32>
      %parallel_loop3A_602 = arith.cmpf oeq, %parallel_loop3A_563, %parallel_loop3A_601 : vector<16xf32>
      %parallel_loop3A_603 = arith.constant 0.000000e+00 : f32
      %parallel_loop3A_604 = vector.broadcast %parallel_loop3A_603 : f32 to vector<16xf32>
      %parallel_loop3A_605 = arith.select %parallel_loop3A_602, %parallel_loop3A_575, %parallel_loop3A_604 : vector<16xi1>, vector<16xf32>
      %parallel_loop3A_606 = arith.constant 2.000000e+00 : f32
      %parallel_loop3A_607 = vector.broadcast %parallel_loop3A_606 : f32 to vector<16xf32>
      %parallel_loop3A_608 = arith.cmpf oeq, %parallel_loop3A_563, %parallel_loop3A_607 : vector<16xf32>
      %parallel_loop3A_609 = arith.constant 0.000000e+00 : f32
      %parallel_loop3A_610 = vector.broadcast %parallel_loop3A_609 : f32 to vector<16xf32>
      %parallel_loop3A_611 = arith.select %parallel_loop3A_608, %parallel_loop3A_581, %parallel_loop3A_610 : vector<16xi1>, vector<16xf32>
      %parallel_loop3A_612 = arith.constant 3.000000e+00 : f32
      %parallel_loop3A_613 = vector.broadcast %parallel_loop3A_612 : f32 to vector<16xf32>
      %parallel_loop3A_614 = arith.cmpf oeq, %parallel_loop3A_563, %parallel_loop3A_613 : vector<16xf32>
      %parallel_loop3A_615 = arith.constant 0.000000e+00 : f32
      %parallel_loop3A_616 = vector.broadcast %parallel_loop3A_615 : f32 to vector<16xf32>
      %parallel_loop3A_617 = arith.select %parallel_loop3A_614, %parallel_loop3A_587, %parallel_loop3A_616 : vector<16xi1>, vector<16xf32>
      %parallel_loop3A_618 = arith.constant 4.000000e+00 : f32
      %parallel_loop3A_619 = vector.broadcast %parallel_loop3A_618 : f32 to vector<16xf32>
      %parallel_loop3A_620 = arith.cmpf oeq, %parallel_loop3A_563, %parallel_loop3A_619 : vector<16xf32>
      %parallel_loop3A_621 = arith.constant 0.000000e+00 : f32
      %parallel_loop3A_622 = vector.broadcast %parallel_loop3A_621 : f32 to vector<16xf32>
      %parallel_loop3A_623 = arith.select %parallel_loop3A_620, %parallel_loop3A_593, %parallel_loop3A_622 : vector<16xi1>, vector<16xf32>
      %parallel_loop3A_624 = arith.addf %parallel_loop3A_469, %parallel_loop3A_599 : vector<16xf32>
      %parallel_loop3A_625 = arith.addf %parallel_loop3A_470, %parallel_loop3A_605 : vector<16xf32>
      %parallel_loop3A_626 = arith.addf %parallel_loop3A_471, %parallel_loop3A_611 : vector<16xf32>
      %parallel_loop3A_627 = arith.addf %parallel_loop3A_472, %parallel_loop3A_617 : vector<16xf32>
      %parallel_loop3A_628 = arith.addf %parallel_loop3A_473, %parallel_loop3A_623 : vector<16xf32>
      %parallel_loop3A_629 = arith.addf %parallel_loop3A_474, %parallel_loop3A_569 : vector<16xf32>
      %parallel_loop3A_630 = arith.addf %parallel_loop3A_475, %parallel_loop3A_575 : vector<16xf32>
      %parallel_loop3A_631 = arith.addf %parallel_loop3A_476, %parallel_loop3A_581 : vector<16xf32>
      %parallel_loop3A_632 = arith.addf %parallel_loop3A_477, %parallel_loop3A_587 : vector<16xf32>
      %parallel_loop3A_633 = arith.addf %parallel_loop3A_478, %parallel_loop3A_593 : vector<16xf32>
      %parallel_loop3A_634 = arith.addf %parallel_loop3A_479, %parallel_loop3A_536 : vector<16xf32>
      %parallel_loop3A_635 = arith.addf %parallel_loop3A_480, %parallel_loop3A_544 : vector<16xf32>
      %parallel_loop3A_636 = arith.addf %parallel_loop3A_481, %parallel_loop3A_552 : vector<16xf32>
      %parallel_loop3A_637 = arith.addf %parallel_loop3A_482, %parallel_loop3A_560 : vector<16xf32>
      scf.yield %parallel_loop3A_624, %parallel_loop3A_625, %parallel_loop3A_626, %parallel_loop3A_627, %parallel_loop3A_628, %parallel_loop3A_629, %parallel_loop3A_630, %parallel_loop3A_631, %parallel_loop3A_632, %parallel_loop3A_633, %parallel_loop3A_634, %parallel_loop3A_635, %parallel_loop3A_636, %parallel_loop3A_637 : vector<16xf32>, vector<16xf32>, vector<16xf32>, vector<16xf32>, vector<16xf32>, vector<16xf32>, vector<16xf32>, vector<16xf32>, vector<16xf32>, vector<16xf32>, vector<16xf32>, vector<16xf32>, vector<16xf32>, vector<16xf32>
    } {sc.loop_unroll_factor = 4 : i64, sc.parallel_access}
    %swap3A = arith.constant 0 : i32
    %swap3A_373 = arith.index_cast %swap3A : i32 to index
    %swap3A_374 = arith.constant 0 : index
    %swap3A_375 = tpu.vector_load %arg9[%swap3A_373, %swap3A_374] {strides = array<i32>} : memref<16x16xf32, #tpu.memory_space<vmem>>, vector<1x16xf32>,
    %swap3A_376 = vector.shape_cast %swap3A_375 : vector<1x16xf32> to vector<16xf32>
    %swap3A_377 = vector.shape_cast %parallel_loop3A_372#0 : vector<16xf32> to vector<1x16xf32>
    tpu.vector_store %arg9[%swap3A_373, %swap3A_374], %swap3A_377 {strides = array<i32>} : memref<16x16xf32, #tpu.memory_space<vmem>>, vector<1x16xf32>,
    %swap3A_378 = arith.constant 1 : i32
    %swap3A_379 = arith.index_cast %swap3A_378 : i32 to index
    %swap3A_380 = arith.constant 0 : index
    %swap3A_381 = tpu.vector_load %arg9[%swap3A_379, %swap3A_380] {strides = array<i32>} : memref<16x16xf32, #tpu.memory_space<vmem>>, vector<1x16xf32>,
    %swap3A_382 = vector.shape_cast %swap3A_381 : vector<1x16xf32> to vector<16xf32>
    %swap3A_383 = vector.shape_cast %parallel_loop3A_372#1 : vector<16xf32> to vector<1x16xf32>
    tpu.vector_store %arg9[%swap3A_379, %swap3A_380], %swap3A_383 {strides = array<i32>} : memref<16x16xf32, #tpu.memory_space<vmem>>, vector<1x16xf32>,
    %swap3A_384 = arith.constant 2 : i32
    %swap3A_385 = arith.index_cast %swap3A_384 : i32 to index
    %swap3A_386 = arith.constant 0 : index
    %swap3A_387 = tpu.vector_load %arg9[%swap3A_385, %swap3A_386] {strides = array<i32>} : memref<16x16xf32, #tpu.memory_space<vmem>>, vector<1x16xf32>,
    %swap3A_388 = vector.shape_cast %swap3A_387 : vector<1x16xf32> to vector<16xf32>
    %swap3A_389 = vector.shape_cast %parallel_loop3A_372#2 : vector<16xf32> to vector<1x16xf32>
    tpu.vector_store %arg9[%swap3A_385, %swap3A_386], %swap3A_389 {strides = array<i32>} : memref<16x16xf32, #tpu.memory_space<vmem>>, vector<1x16xf32>,
    %swap3A_390 = arith.constant 3 : i32
    %swap3A_391 = arith.index_cast %swap3A_390 : i32 to index
    %swap3A_392 = arith.constant 0 : index
    %swap3A_393 = tpu.vector_load %arg9[%swap3A_391, %swap3A_392] {strides = array<i32>} : memref<16x16xf32, #tpu.memory_space<vmem>>, vector<1x16xf32>,
    %swap3A_394 = vector.shape_cast %swap3A_393 : vector<1x16xf32> to vector<16xf32>
    %swap3A_395 = vector.shape_cast %parallel_loop3A_372#3 : vector<16xf32> to vector<1x16xf32>
    tpu.vector_store %arg9[%swap3A_391, %swap3A_392], %swap3A_395 {strides = array<i32>} : memref<16x16xf32, #tpu.memory_space<vmem>>, vector<1x16xf32>,
    %swap3A_396 = arith.constant 4 : i32
    %swap3A_397 = arith.index_cast %swap3A_396 : i32 to index
    %swap3A_398 = arith.constant 0 : index
    %swap3A_399 = tpu.vector_load %arg9[%swap3A_397, %swap3A_398] {strides = array<i32>} : memref<16x16xf32, #tpu.memory_space<vmem>>, vector<1x16xf32>,
    %swap3A_400 = vector.shape_cast %swap3A_399 : vector<1x16xf32> to vector<16xf32>
    %swap3A_401 = vector.shape_cast %parallel_loop3A_372#4 : vector<16xf32> to vector<1x16xf32>
    tpu.vector_store %arg9[%swap3A_397, %swap3A_398], %swap3A_401 {strides = array<i32>} : memref<16x16xf32, #tpu.memory_space<vmem>>, vector<1x16xf32>,
    %swap3A_402 = arith.constant 5 : i32
    %swap3A_403 = arith.index_cast %swap3A_402 : i32 to index
    %swap3A_404 = arith.constant 0 : index
    %swap3A_405 = tpu.vector_load %arg9[%swap3A_403, %swap3A_404] {strides = array<i32>} : memref<16x16xf32, #tpu.memory_space<vmem>>, vector<1x16xf32>,
    %swap3A_406 = vector.shape_cast %swap3A_405 : vector<1x16xf32> to vector<16xf32>
    %swap3A_407 = vector.shape_cast %parallel_loop3A_372#5 : vector<16xf32> to vector<1x16xf32>
    tpu.vector_store %arg9[%swap3A_403, %swap3A_404], %swap3A_407 {strides = array<i32>} : memref<16x16xf32, #tpu.memory_space<vmem>>, vector<1x16xf32>,
    %swap3A_408 = arith.constant 6 : i32
    %swap3A_409 = arith.index_cast %swap3A_408 : i32 to index
    %swap3A_410 = arith.constant 0 : index
    %swap3A_411 = tpu.vector_load %arg9[%swap3A_409, %swap3A_410] {strides = array<i32>} : memref<16x16xf32, #tpu.memory_space<vmem>>, vector<1x16xf32>,
    %swap3A_412 = vector.shape_cast %swap3A_411 : vector<1x16xf32> to vector<16xf32>
    %swap3A_413 = vector.shape_cast %parallel_loop3A_372#6 : vector<16xf32> to vector<1x16xf32>
    tpu.vector_store %arg9[%swap3A_409, %swap3A_410], %swap3A_413 {strides = array<i32>} : memref<16x16xf32, #tpu.memory_space<vmem>>, vector<1x16xf32>,
    %swap3A_414 = arith.constant 7 : i32
    %swap3A_415 = arith.index_cast %swap3A_414 : i32 to index
    %swap3A_416 = arith.constant 0 : index
    %swap3A_417 = tpu.vector_load %arg9[%swap3A_415, %swap3A_416] {strides = array<i32>} : memref<16x16xf32, #tpu.memory_space<vmem>>, vector<1x16xf32>,
    %swap3A_418 = vector.shape_cast %swap3A_417 : vector<1x16xf32> to vector<16xf32>
    %swap3A_419 = vector.shape_cast %parallel_loop3A_372#7 : vector<16xf32> to vector<1x16xf32>
    tpu.vector_store %arg9[%swap3A_415, %swap3A_416], %swap3A_419 {strides = array<i32>} : memref<16x16xf32, #tpu.memory_space<vmem>>, vector<1x16xf32>,
    %swap3A_420 = arith.constant 8 : i32
    %swap3A_421 = arith.index_cast %swap3A_420 : i32 to index
    %swap3A_422 = arith.constant 0 : index
    %swap3A_423 = tpu.vector_load %arg9[%swap3A_421, %swap3A_422] {strides = array<i32>} : memref<16x16xf32, #tpu.memory_space<vmem>>, vector<1x16xf32>,
    %swap3A_424 = vector.shape_cast %swap3A_423 : vector<1x16xf32> to vector<16xf32>
    %swap3A_425 = vector.shape_cast %parallel_loop3A_372#8 : vector<16xf32> to vector<1x16xf32>
    tpu.vector_store %arg9[%swap3A_421, %swap3A_422], %swap3A_425 {strides = array<i32>} : memref<16x16xf32, #tpu.memory_space<vmem>>, vector<1x16xf32>,
    %swap3A_426 = arith.constant 9 : i32
    %swap3A_427 = arith.index_cast %swap3A_426 : i32 to index
    %swap3A_428 = arith.constant 0 : index
    %swap3A_429 = tpu.vector_load %arg9[%swap3A_427, %swap3A_428] {strides = array<i32>} : memref<16x16xf32, #tpu.memory_space<vmem>>, vector<1x16xf32>,
    %swap3A_430 = vector.shape_cast %swap3A_429 : vector<1x16xf32> to vector<16xf32>
    %swap3A_431 = vector.shape_cast %parallel_loop3A_372#9 : vector<16xf32> to vector<1x16xf32>
    tpu.vector_store %arg9[%swap3A_427, %swap3A_428], %swap3A_431 {strides = array<i32>} : memref<16x16xf32, #tpu.memory_space<vmem>>, vector<1x16xf32>,
    %swap3A_432 = arith.constant 10 : i32
    %swap3A_433 = arith.index_cast %swap3A_432 : i32 to index
    %swap3A_434 = arith.constant 0 : index
    %swap3A_435 = tpu.vector_load %arg9[%swap3A_433, %swap3A_434] {strides = array<i32>} : memref<16x16xf32, #tpu.memory_space<vmem>>, vector<1x16xf32>,
    %swap3A_436 = vector.shape_cast %swap3A_435 : vector<1x16xf32> to vector<16xf32>
    %swap3A_437 = vector.shape_cast %parallel_loop3A_372#10 : vector<16xf32> to vector<1x16xf32>
    tpu.vector_store %arg9[%swap3A_433, %swap3A_434], %swap3A_437 {strides = array<i32>} : memref<16x16xf32, #tpu.memory_space<vmem>>, vector<1x16xf32>,
    %swap3A_438 = arith.constant 11 : i32
    %swap3A_439 = arith.index_cast %swap3A_438 : i32 to index
    %swap3A_440 = arith.constant 0 : index
    %swap3A_441 = tpu.vector_load %arg9[%swap3A_439, %swap3A_440] {strides = array<i32>} : memref<16x16xf32, #tpu.memory_space<vmem>>, vector<1x16xf32>,
    %swap3A_442 = vector.shape_cast %swap3A_441 : vector<1x16xf32> to vector<16xf32>
    %swap3A_443 = vector.shape_cast %parallel_loop3A_372#11 : vector<16xf32> to vector<1x16xf32>
    tpu.vector_store %arg9[%swap3A_439, %swap3A_440], %swap3A_443 {strides = array<i32>} : memref<16x16xf32, #tpu.memory_space<vmem>>, vector<1x16xf32>,
    %swap3A_444 = arith.constant 12 : i32
    %swap3A_445 = arith.index_cast %swap3A_444 : i32 to index
    %swap3A_446 = arith.constant 0 : index
    %swap3A_447 = tpu.vector_load %arg9[%swap3A_445, %swap3A_446] {strides = array<i32>} : memref<16x16xf32, #tpu.memory_space<vmem>>, vector<1x16xf32>,
    %swap3A_448 = vector.shape_cast %swap3A_447 : vector<1x16xf32> to vector<16xf32>
    %swap3A_449 = vector.shape_cast %parallel_loop3A_372#12 : vector<16xf32> to vector<1x16xf32>
    tpu.vector_store %arg9[%swap3A_445, %swap3A_446], %swap3A_449 {strides = array<i32>} : memref<16x16xf32, #tpu.memory_space<vmem>>, vector<1x16xf32>,
    %swap3A_450 = arith.constant 13 : i32
    %swap3A_451 = arith.index_cast %swap3A_450 : i32 to index
    %swap3A_452 = arith.constant 0 : index
    %swap3A_453 = tpu.vector_load %arg9[%swap3A_451, %swap3A_452] {strides = array<i32>} : memref<16x16xf32, #tpu.memory_space<vmem>>, vector<1x16xf32>,
    %swap3A_454 = vector.shape_cast %swap3A_453 : vector<1x16xf32> to vector<16xf32>
    %swap3A_455 = vector.shape_cast %parallel_loop3A_372#13 : vector<16xf32> to vector<1x16xf32>
    tpu.vector_store %arg9[%swap3A_451, %swap3A_452], %swap3A_455 {strides = array<i32>} : memref<16x16xf32, #tpu.memory_space<vmem>>, vector<1x16xf32>,
    %swap3A_456 = arith.constant 14 : i32
    %swap3A_457 = arith.index_cast %swap3A_456 : i32 to index
    %swap3A_458 = arith.constant 0 : index
    %swap3A_459 = tpu.vector_load %arg9[%swap3A_457, %swap3A_458] {strides = array<i32>} : memref<16x16xf32, #tpu.memory_space<vmem>>, vector<1x16xf32>,
    %swap3A_460 = vector.shape_cast %swap3A_459 : vector<1x16xf32> to vector<16xf32>
    %swap3A_461 = vector.shape_cast %broadcast_in_dim3A_31 : vector<16xf32> to vector<1x16xf32>
    tpu.vector_store %arg9[%swap3A_457, %swap3A_458], %swap3A_461 {strides = array<i32>} : memref<16x16xf32, #tpu.memory_space<vmem>>, vector<1x16xf32>,
    %swap3A_462 = arith.constant 15 : i32
    %swap3A_463 = arith.index_cast %swap3A_462 : i32 to index
    %swap3A_464 = arith.constant 0 : index
    %swap3A_465 = tpu.vector_load %arg9[%swap3A_463, %swap3A_464] {strides = array<i32>} : memref<16x16xf32, #tpu.memory_space<vmem>>, vector<1x16xf32>,
    %swap3A_466 = vector.shape_cast %swap3A_465 : vector<1x16xf32> to vector<16xf32>
    %swap3A_467 = vector.shape_cast %broadcast_in_dim3A_31 : vector<16xf32> to vector<1x16xf32>
    tpu.vector_store %arg9[%swap3A_463, %swap3A_464], %swap3A_467 {strides = array<i32>} : memref<16x16xf32, #tpu.memory_space<vmem>>, vector<1x16xf32>,
    "tpu.region"() ({
      %run_scoped3A = tpu.sem_alloc : memref<!tpu.dma_semaphore, #tpu.memory_space<semaphore_mem>>
      %dma_start3A_468 = arith.constant 0 : i32
      %dma_start3A_469 = arith.constant 0 : i32
      %dma_start3A_470 = tpu.memref_slice %arg4[%select_n3A, %select_n3A_30, %dma_start3A_468, %dma_start3A_469] : memref<2x16x16x16xf32, #tpu.memory_space<hbm>> -> memref<1x1x16x16xf32, #tpu.memory_space<hbm>>
      %dma_start3A_471 = tpu.memref_squeeze %dma_start3A_470 : memref<1x1x16x16xf32, #tpu.memory_space<hbm>> -> memref<16x16xf32, #tpu.memory_space<hbm>>
      %dma_start3A_472 = arith.constant 0 : i32
      %dma_start3A_473 = arith.constant 0 : i32
      %dma_start3A_474 = tpu.memref_slice %arg4[%select_n3A, %select_n3A_30, %dma_start3A_472, %dma_start3A_473] : memref<2x16x16x16xf32, #tpu.memory_space<hbm>> -> memref<1x1x16x16xf32, #tpu.memory_space<hbm>>
      %dma_start3A_475 = tpu.memref_squeeze %dma_start3A_474 : memref<1x1x16x16xf32, #tpu.memory_space<hbm>> -> memref<16x16xf32, #tpu.memory_space<hbm>>
      tpu.enqueue_dma source(%arg9 : memref<16x16xf32, #tpu.memory_space<vmem>>) target(%dma_start3A_475 : memref<16x16xf32, #tpu.memory_space<hbm>>) target_semaphore(%run_scoped3A : memref<!tpu.dma_semaphore, #tpu.memory_space<semaphore_mem>>)
      %dma_wait3A_476 = arith.constant 0 : i32
      %dma_wait3A_477 = arith.constant 0 : i32
      %dma_wait3A_478 = tpu.memref_slice %arg4[%select_n3A, %select_n3A_30, %dma_wait3A_476, %dma_wait3A_477] : memref<2x16x16x16xf32, #tpu.memory_space<hbm>> -> memref<1x1x16x16xf32, #tpu.memory_space<hbm>>
      %dma_wait3A_479 = tpu.memref_squeeze %dma_wait3A_478 : memref<1x1x16x16xf32, #tpu.memory_space<hbm>> -> memref<16x16xf32, #tpu.memory_space<hbm>>
      %dma_wait3A_480 = arith.constant 0 : i32
      %dma_wait3A_481 = arith.constant 0 : i32
      %dma_wait3A_482 = tpu.memref_slice %arg4[%select_n3A, %select_n3A_30, %dma_wait3A_480, %dma_wait3A_481] : memref<2x16x16x16xf32, #tpu.memory_space<hbm>> -> memref<1x1x16x16xf32, #tpu.memory_space<hbm>>
      %dma_wait3A_483 = tpu.memref_squeeze %dma_wait3A_482 : memref<1x1x16x16xf32, #tpu.memory_space<hbm>> -> memref<16x16xf32, #tpu.memory_space<hbm>>
      tpu.wait_dma2 semaphore(%run_scoped3A : memref<!tpu.dma_semaphore, #tpu.memory_space<semaphore_mem>>) src(%arg9 : memref<16x16xf32, #tpu.memory_space<vmem>>) dst(%dma_wait3A_483 : memref<16x16xf32, #tpu.memory_space<hbm>>)
      tpu.yield
    }) : () -> ()
    return
  }
}

module attributes {stable_mosaic.version = 14 : i64} {
  func.func @_tc_body(%arg0: i32, %arg1: memref<1x4x5x192x256xf32, #tpu.memory_space<vmem>>, %arg2: memref<1x4x1x192x256xf32, #tpu.memory_space<vmem>>, %arg3: memref<1x14x8x128xf32, #tpu.memory_space<vmem>>) attributes {dimension_semantics = [#tpu.dimension_semantics<arbitrary>], iteration_bounds = array<i64: 8>, scalar_prefetch = 0 : i64, scratch_operands = 0 : i64, tpu.core_type = #tpu.core_type<tc>, window_params = [{transform_indices = @transform_0, window_bounds = array<i64: 1, 4, 5, 192, 256>}, {transform_indices = @transform_1, window_bounds = array<i64: 1, 4, 1, 192, 256>}, {transform_indices = @transform_2, window_bounds = array<i64: 1, 14, 8, 128>}]} {
    %get3A = arith.constant 0 : index
    %get3A_0 = arith.constant 0 : index
    %get3A_1 = arith.constant 0 : index
    %get3A_2 = arith.constant 0 : index
    %get3A_3 = arith.constant 0 : index
    %get3A_4 = vector.load %arg2[%get3A, %get3A_0, %get3A_1, %get3A_2, %get3A_3] : memref<1x4x1x192x256xf32, #tpu.memory_space<vmem>>, vector<1x1x1x192x256xf32>
    %get3A_5 = vector.shape_cast %get3A_4 : vector<1x1x1x192x256xf32> to vector<192x256xf32>
    %ge3A = arith.constant 2.500000e-01 : f32
    %ge3A_6 = vector.broadcast %ge3A : f32 to vector<192x256xf32>
    %ge3A_7 = arith.cmpf oge, %get3A_5, %ge3A_6 : vector<192x256xf32>
    %jit3A = arith.constant 1.000000e+00 : f32
    %jit3A_8 = arith.constant 0.000000e+00 : f32
    %broadcast_in_dim3A = vector.broadcast %jit3A : f32 to vector<192x256xf32>
    %broadcast_in_dim3A_9 = vector.broadcast %jit3A_8 : f32 to vector<192x256xf32>
    %select_n3A = arith.select %ge3A_7, %broadcast_in_dim3A, %broadcast_in_dim3A_9 : vector<192x256xi1>, vector<192x256xf32>
    %ge3A_10 = arith.constant 3.750000e-01 : f32
    %ge3A_11 = vector.broadcast %ge3A_10 : f32 to vector<192x256xf32>
    %ge3A_12 = arith.cmpf oge, %get3A_5, %ge3A_11 : vector<192x256xf32>
    %jit3A_13 = arith.constant 1.000000e+00 : f32
    %jit3A_14 = arith.constant 0.000000e+00 : f32
    %broadcast_in_dim3A_15 = vector.broadcast %jit3A_13 : f32 to vector<192x256xf32>
    %broadcast_in_dim3A_16 = vector.broadcast %jit3A_14 : f32 to vector<192x256xf32>
    %select_n3A_17 = arith.select %ge3A_12, %broadcast_in_dim3A_15, %broadcast_in_dim3A_16 : vector<192x256xi1>, vector<192x256xf32>
    %ge3A_18 = arith.constant 5.000000e-01 : f32
    %ge3A_19 = vector.broadcast %ge3A_18 : f32 to vector<192x256xf32>
    %ge3A_20 = arith.cmpf oge, %get3A_5, %ge3A_19 : vector<192x256xf32>
    %jit3A_21 = arith.constant 1.000000e+00 : f32
    %jit3A_22 = arith.constant 0.000000e+00 : f32
    %broadcast_in_dim3A_23 = vector.broadcast %jit3A_21 : f32 to vector<192x256xf32>
    %broadcast_in_dim3A_24 = vector.broadcast %jit3A_22 : f32 to vector<192x256xf32>
    %select_n3A_25 = arith.select %ge3A_20, %broadcast_in_dim3A_23, %broadcast_in_dim3A_24 : vector<192x256xi1>, vector<192x256xf32>
    %ge3A_26 = arith.constant 6.250000e-01 : f32
    %ge3A_27 = vector.broadcast %ge3A_26 : f32 to vector<192x256xf32>
    %ge3A_28 = arith.cmpf oge, %get3A_5, %ge3A_27 : vector<192x256xf32>
    %jit3A_29 = arith.constant 1.000000e+00 : f32
    %jit3A_30 = arith.constant 0.000000e+00 : f32
    %broadcast_in_dim3A_31 = vector.broadcast %jit3A_29 : f32 to vector<192x256xf32>
    %broadcast_in_dim3A_32 = vector.broadcast %jit3A_30 : f32 to vector<192x256xf32>
    %select_n3A_33 = arith.select %ge3A_28, %broadcast_in_dim3A_31, %broadcast_in_dim3A_32 : vector<192x256xi1>, vector<192x256xf32>
    %add3A = arith.addf %select_n3A, %select_n3A_17 : vector<192x256xf32>
    %add3A_34 = arith.addf %add3A, %select_n3A_25 : vector<192x256xf32>
    %add3A_35 = arith.addf %add3A_34, %select_n3A_33 : vector<192x256xf32>
    %eq3A = arith.constant 0.000000e+00 : f32
    %eq3A_36 = vector.broadcast %eq3A : f32 to vector<192x256xf32>
    %eq3A_37 = arith.cmpf oeq, %add3A_35, %eq3A_36 : vector<192x256xf32>
    %get3A_38 = arith.constant 0 : index
    %get3A_39 = arith.constant 0 : index
    %get3A_40 = arith.constant 0 : index
    %get3A_41 = arith.constant 0 : index
    %get3A_42 = arith.constant 0 : index
    %get3A_43 = vector.load %arg1[%get3A_38, %get3A_39, %get3A_40, %get3A_41, %get3A_42] : memref<1x4x5x192x256xf32, #tpu.memory_space<vmem>>, vector<1x1x1x192x256xf32>
    %get3A_44 = vector.shape_cast %get3A_43 : vector<1x1x1x192x256xf32> to vector<192x256xf32>
    %jit3A_45 = arith.constant 0.000000e+00 : f32
    %broadcast_in_dim3A_46 = vector.broadcast %jit3A_45 : f32 to vector<192x256xf32>
    %select_n3A_47 = arith.select %eq3A_37, %get3A_44, %broadcast_in_dim3A_46 : vector<192x256xi1>, vector<192x256xf32>
    %eq3A_48 = arith.constant 1.000000e+00 : f32
    %eq3A_49 = vector.broadcast %eq3A_48 : f32 to vector<192x256xf32>
    %eq3A_50 = arith.cmpf oeq, %add3A_35, %eq3A_49 : vector<192x256xf32>
    %get3A_51 = arith.constant 0 : index
    %get3A_52 = arith.constant 0 : index
    %get3A_53 = arith.constant 1 : index
    %get3A_54 = arith.constant 0 : index
    %get3A_55 = arith.constant 0 : index
    %get3A_56 = vector.load %arg1[%get3A_51, %get3A_52, %get3A_53, %get3A_54, %get3A_55] : memref<1x4x5x192x256xf32, #tpu.memory_space<vmem>>, vector<1x1x1x192x256xf32>
    %get3A_57 = vector.shape_cast %get3A_56 : vector<1x1x1x192x256xf32> to vector<192x256xf32>
    %jit3A_58 = arith.constant 0.000000e+00 : f32
    %broadcast_in_dim3A_59 = vector.broadcast %jit3A_58 : f32 to vector<192x256xf32>
    %select_n3A_60 = arith.select %eq3A_50, %get3A_57, %broadcast_in_dim3A_59 : vector<192x256xi1>, vector<192x256xf32>
    %eq3A_61 = arith.constant 2.000000e+00 : f32
    %eq3A_62 = vector.broadcast %eq3A_61 : f32 to vector<192x256xf32>
    %eq3A_63 = arith.cmpf oeq, %add3A_35, %eq3A_62 : vector<192x256xf32>
    %get3A_64 = arith.constant 0 : index
    %get3A_65 = arith.constant 0 : index
    %get3A_66 = arith.constant 2 : index
    %get3A_67 = arith.constant 0 : index
    %get3A_68 = arith.constant 0 : index
    %get3A_69 = vector.load %arg1[%get3A_64, %get3A_65, %get3A_66, %get3A_67, %get3A_68] : memref<1x4x5x192x256xf32, #tpu.memory_space<vmem>>, vector<1x1x1x192x256xf32>
    %get3A_70 = vector.shape_cast %get3A_69 : vector<1x1x1x192x256xf32> to vector<192x256xf32>
    %jit3A_71 = arith.constant 0.000000e+00 : f32
    %broadcast_in_dim3A_72 = vector.broadcast %jit3A_71 : f32 to vector<192x256xf32>
    %select_n3A_73 = arith.select %eq3A_63, %get3A_70, %broadcast_in_dim3A_72 : vector<192x256xi1>, vector<192x256xf32>
    %eq3A_74 = arith.constant 3.000000e+00 : f32
    %eq3A_75 = vector.broadcast %eq3A_74 : f32 to vector<192x256xf32>
    %eq3A_76 = arith.cmpf oeq, %add3A_35, %eq3A_75 : vector<192x256xf32>
    %get3A_77 = arith.constant 0 : index
    %get3A_78 = arith.constant 0 : index
    %get3A_79 = arith.constant 3 : index
    %get3A_80 = arith.constant 0 : index
    %get3A_81 = arith.constant 0 : index
    %get3A_82 = vector.load %arg1[%get3A_77, %get3A_78, %get3A_79, %get3A_80, %get3A_81] : memref<1x4x5x192x256xf32, #tpu.memory_space<vmem>>, vector<1x1x1x192x256xf32>
    %get3A_83 = vector.shape_cast %get3A_82 : vector<1x1x1x192x256xf32> to vector<192x256xf32>
    %jit3A_84 = arith.constant 0.000000e+00 : f32
    %broadcast_in_dim3A_85 = vector.broadcast %jit3A_84 : f32 to vector<192x256xf32>
    %select_n3A_86 = arith.select %eq3A_76, %get3A_83, %broadcast_in_dim3A_85 : vector<192x256xi1>, vector<192x256xf32>
    %eq3A_87 = arith.constant 4.000000e+00 : f32
    %eq3A_88 = vector.broadcast %eq3A_87 : f32 to vector<192x256xf32>
    %eq3A_89 = arith.cmpf oeq, %add3A_35, %eq3A_88 : vector<192x256xf32>
    %get3A_90 = arith.constant 0 : index
    %get3A_91 = arith.constant 0 : index
    %get3A_92 = arith.constant 4 : index
    %get3A_93 = arith.constant 0 : index
    %get3A_94 = arith.constant 0 : index
    %get3A_95 = vector.load %arg1[%get3A_90, %get3A_91, %get3A_92, %get3A_93, %get3A_94] : memref<1x4x5x192x256xf32, #tpu.memory_space<vmem>>, vector<1x1x1x192x256xf32>
    %get3A_96 = vector.shape_cast %get3A_95 : vector<1x1x1x192x256xf32> to vector<192x256xf32>
    %jit3A_97 = arith.constant 0.000000e+00 : f32
    %broadcast_in_dim3A_98 = vector.broadcast %jit3A_97 : f32 to vector<192x256xf32>
    %select_n3A_99 = arith.select %eq3A_89, %get3A_96, %broadcast_in_dim3A_98 : vector<192x256xi1>, vector<192x256xf32>
    %get3A_100 = arith.constant 0 : index
    %get3A_101 = arith.constant 0 : index
    %get3A_102 = arith.constant 0 : index
    %get3A_103 = arith.constant 0 : index
    %get3A_104 = arith.constant 0 : index
    %get3A_105 = vector.load %arg1[%get3A_100, %get3A_101, %get3A_102, %get3A_103, %get3A_104] : memref<1x4x5x192x256xf32, #tpu.memory_space<vmem>>, vector<1x1x1x192x256xf32>
    %get3A_106 = vector.shape_cast %get3A_105 : vector<1x1x1x192x256xf32> to vector<192x256xf32>
    %get3A_107 = arith.constant 0 : index
    %get3A_108 = arith.constant 0 : index
    %get3A_109 = arith.constant 1 : index
    %get3A_110 = arith.constant 0 : index
    %get3A_111 = arith.constant 0 : index
    %get3A_112 = vector.load %arg1[%get3A_107, %get3A_108, %get3A_109, %get3A_110, %get3A_111] : memref<1x4x5x192x256xf32, #tpu.memory_space<vmem>>, vector<1x1x1x192x256xf32>
    %get3A_113 = vector.shape_cast %get3A_112 : vector<1x1x1x192x256xf32> to vector<192x256xf32>
    %get3A_114 = arith.constant 0 : index
    %get3A_115 = arith.constant 0 : index
    %get3A_116 = arith.constant 2 : index
    %get3A_117 = arith.constant 0 : index
    %get3A_118 = arith.constant 0 : index
    %get3A_119 = vector.load %arg1[%get3A_114, %get3A_115, %get3A_116, %get3A_117, %get3A_118] : memref<1x4x5x192x256xf32, #tpu.memory_space<vmem>>, vector<1x1x1x192x256xf32>
    %get3A_120 = vector.shape_cast %get3A_119 : vector<1x1x1x192x256xf32> to vector<192x256xf32>
    %get3A_121 = arith.constant 0 : index
    %get3A_122 = arith.constant 0 : index
    %get3A_123 = arith.constant 3 : index
    %get3A_124 = arith.constant 0 : index
    %get3A_125 = arith.constant 0 : index
    %get3A_126 = vector.load %arg1[%get3A_121, %get3A_122, %get3A_123, %get3A_124, %get3A_125] : memref<1x4x5x192x256xf32, #tpu.memory_space<vmem>>, vector<1x1x1x192x256xf32>
    %get3A_127 = vector.shape_cast %get3A_126 : vector<1x1x1x192x256xf32> to vector<192x256xf32>
    %get3A_128 = arith.constant 0 : index
    %get3A_129 = arith.constant 0 : index
    %get3A_130 = arith.constant 4 : index
    %get3A_131 = arith.constant 0 : index
    %get3A_132 = arith.constant 0 : index
    %get3A_133 = vector.load %arg1[%get3A_128, %get3A_129, %get3A_130, %get3A_131, %get3A_132] : memref<1x4x5x192x256xf32, #tpu.memory_space<vmem>>, vector<1x1x1x192x256xf32>
    %get3A_134 = vector.shape_cast %get3A_133 : vector<1x1x1x192x256xf32> to vector<192x256xf32>
    %slice3A = vector.extract_strided_slice %select_n3A_47 {offsets = [0, 0], sizes = [8, 256], strides = [1, 1]} : vector<192x256xf32> to vector<8x256xf32>
    %slice3A_135 = vector.extract_strided_slice %select_n3A_47 {offsets = [8, 0], sizes = [8, 256], strides = [1, 1]} : vector<192x256xf32> to vector<8x256xf32>
    %add3A_136 = arith.addf %slice3A, %slice3A_135 : vector<8x256xf32>
    %slice3A_137 = vector.extract_strided_slice %select_n3A_47 {offsets = [16, 0], sizes = [8, 256], strides = [1, 1]} : vector<192x256xf32> to vector<8x256xf32>
    %add3A_138 = arith.addf %add3A_136, %slice3A_137 : vector<8x256xf32>
    %slice3A_139 = vector.extract_strided_slice %select_n3A_47 {offsets = [24, 0], sizes = [8, 256], strides = [1, 1]} : vector<192x256xf32> to vector<8x256xf32>
    %add3A_140 = arith.addf %add3A_138, %slice3A_139 : vector<8x256xf32>
    %slice3A_141 = vector.extract_strided_slice %select_n3A_47 {offsets = [32, 0], sizes = [8, 256], strides = [1, 1]} : vector<192x256xf32> to vector<8x256xf32>
    %add3A_142 = arith.addf %add3A_140, %slice3A_141 : vector<8x256xf32>
    %slice3A_143 = vector.extract_strided_slice %select_n3A_47 {offsets = [40, 0], sizes = [8, 256], strides = [1, 1]} : vector<192x256xf32> to vector<8x256xf32>
    %add3A_144 = arith.addf %add3A_142, %slice3A_143 : vector<8x256xf32>
    %slice3A_145 = vector.extract_strided_slice %select_n3A_47 {offsets = [48, 0], sizes = [8, 256], strides = [1, 1]} : vector<192x256xf32> to vector<8x256xf32>
    %add3A_146 = arith.addf %add3A_144, %slice3A_145 : vector<8x256xf32>
    %slice3A_147 = vector.extract_strided_slice %select_n3A_47 {offsets = [56, 0], sizes = [8, 256], strides = [1, 1]} : vector<192x256xf32> to vector<8x256xf32>
    %add3A_148 = arith.addf %add3A_146, %slice3A_147 : vector<8x256xf32>
    %slice3A_149 = vector.extract_strided_slice %select_n3A_47 {offsets = [64, 0], sizes = [8, 256], strides = [1, 1]} : vector<192x256xf32> to vector<8x256xf32>
    %add3A_150 = arith.addf %add3A_148, %slice3A_149 : vector<8x256xf32>
    %slice3A_151 = vector.extract_strided_slice %select_n3A_47 {offsets = [72, 0], sizes = [8, 256], strides = [1, 1]} : vector<192x256xf32> to vector<8x256xf32>
    %add3A_152 = arith.addf %add3A_150, %slice3A_151 : vector<8x256xf32>
    %slice3A_153 = vector.extract_strided_slice %select_n3A_47 {offsets = [80, 0], sizes = [8, 256], strides = [1, 1]} : vector<192x256xf32> to vector<8x256xf32>
    %add3A_154 = arith.addf %add3A_152, %slice3A_153 : vector<8x256xf32>
    %slice3A_155 = vector.extract_strided_slice %select_n3A_47 {offsets = [88, 0], sizes = [8, 256], strides = [1, 1]} : vector<192x256xf32> to vector<8x256xf32>
    %add3A_156 = arith.addf %add3A_154, %slice3A_155 : vector<8x256xf32>
    %slice3A_157 = vector.extract_strided_slice %select_n3A_47 {offsets = [96, 0], sizes = [8, 256], strides = [1, 1]} : vector<192x256xf32> to vector<8x256xf32>
    %add3A_158 = arith.addf %add3A_156, %slice3A_157 : vector<8x256xf32>
    %slice3A_159 = vector.extract_strided_slice %select_n3A_47 {offsets = [104, 0], sizes = [8, 256], strides = [1, 1]} : vector<192x256xf32> to vector<8x256xf32>
    %add3A_160 = arith.addf %add3A_158, %slice3A_159 : vector<8x256xf32>
    %slice3A_161 = vector.extract_strided_slice %select_n3A_47 {offsets = [112, 0], sizes = [8, 256], strides = [1, 1]} : vector<192x256xf32> to vector<8x256xf32>
    %add3A_162 = arith.addf %add3A_160, %slice3A_161 : vector<8x256xf32>
    %slice3A_163 = vector.extract_strided_slice %select_n3A_47 {offsets = [120, 0], sizes = [8, 256], strides = [1, 1]} : vector<192x256xf32> to vector<8x256xf32>
    %add3A_164 = arith.addf %add3A_162, %slice3A_163 : vector<8x256xf32>
    %slice3A_165 = vector.extract_strided_slice %select_n3A_47 {offsets = [128, 0], sizes = [8, 256], strides = [1, 1]} : vector<192x256xf32> to vector<8x256xf32>
    %add3A_166 = arith.addf %add3A_164, %slice3A_165 : vector<8x256xf32>
    %slice3A_167 = vector.extract_strided_slice %select_n3A_47 {offsets = [136, 0], sizes = [8, 256], strides = [1, 1]} : vector<192x256xf32> to vector<8x256xf32>
    %add3A_168 = arith.addf %add3A_166, %slice3A_167 : vector<8x256xf32>
    %slice3A_169 = vector.extract_strided_slice %select_n3A_47 {offsets = [144, 0], sizes = [8, 256], strides = [1, 1]} : vector<192x256xf32> to vector<8x256xf32>
    %add3A_170 = arith.addf %add3A_168, %slice3A_169 : vector<8x256xf32>
    %slice3A_171 = vector.extract_strided_slice %select_n3A_47 {offsets = [152, 0], sizes = [8, 256], strides = [1, 1]} : vector<192x256xf32> to vector<8x256xf32>
    %add3A_172 = arith.addf %add3A_170, %slice3A_171 : vector<8x256xf32>
    %slice3A_173 = vector.extract_strided_slice %select_n3A_47 {offsets = [160, 0], sizes = [8, 256], strides = [1, 1]} : vector<192x256xf32> to vector<8x256xf32>
    %add3A_174 = arith.addf %add3A_172, %slice3A_173 : vector<8x256xf32>
    %slice3A_175 = vector.extract_strided_slice %select_n3A_47 {offsets = [168, 0], sizes = [8, 256], strides = [1, 1]} : vector<192x256xf32> to vector<8x256xf32>
    %add3A_176 = arith.addf %add3A_174, %slice3A_175 : vector<8x256xf32>
    %slice3A_177 = vector.extract_strided_slice %select_n3A_47 {offsets = [176, 0], sizes = [8, 256], strides = [1, 1]} : vector<192x256xf32> to vector<8x256xf32>
    %add3A_178 = arith.addf %add3A_176, %slice3A_177 : vector<8x256xf32>
    %slice3A_179 = vector.extract_strided_slice %select_n3A_47 {offsets = [184, 0], sizes = [8, 256], strides = [1, 1]} : vector<192x256xf32> to vector<8x256xf32>
    %add3A_180 = arith.addf %add3A_178, %slice3A_179 : vector<8x256xf32>
    %slice3A_181 = vector.extract_strided_slice %add3A_180 {offsets = [0, 0], sizes = [8, 128], strides = [1, 1]} : vector<8x256xf32> to vector<8x128xf32>
    %slice3A_182 = vector.extract_strided_slice %add3A_180 {offsets = [0, 128], sizes = [8, 128], strides = [1, 1]} : vector<8x256xf32> to vector<8x128xf32>
    %add3A_183 = arith.addf %slice3A_181, %slice3A_182 : vector<8x128xf32>
    %slice3A_184 = vector.extract_strided_slice %select_n3A_60 {offsets = [0, 0], sizes = [8, 256], strides = [1, 1]} : vector<192x256xf32> to vector<8x256xf32>
    %slice3A_185 = vector.extract_strided_slice %select_n3A_60 {offsets = [8, 0], sizes = [8, 256], strides = [1, 1]} : vector<192x256xf32> to vector<8x256xf32>
    %add3A_186 = arith.addf %slice3A_184, %slice3A_185 : vector<8x256xf32>
    %slice3A_187 = vector.extract_strided_slice %select_n3A_60 {offsets = [16, 0], sizes = [8, 256], strides = [1, 1]} : vector<192x256xf32> to vector<8x256xf32>
    %add3A_188 = arith.addf %add3A_186, %slice3A_187 : vector<8x256xf32>
    %slice3A_189 = vector.extract_strided_slice %select_n3A_60 {offsets = [24, 0], sizes = [8, 256], strides = [1, 1]} : vector<192x256xf32> to vector<8x256xf32>
    %add3A_190 = arith.addf %add3A_188, %slice3A_189 : vector<8x256xf32>
    %slice3A_191 = vector.extract_strided_slice %select_n3A_60 {offsets = [32, 0], sizes = [8, 256], strides = [1, 1]} : vector<192x256xf32> to vector<8x256xf32>
    %add3A_192 = arith.addf %add3A_190, %slice3A_191 : vector<8x256xf32>
    %slice3A_193 = vector.extract_strided_slice %select_n3A_60 {offsets = [40, 0], sizes = [8, 256], strides = [1, 1]} : vector<192x256xf32> to vector<8x256xf32>
    %add3A_194 = arith.addf %add3A_192, %slice3A_193 : vector<8x256xf32>
    %slice3A_195 = vector.extract_strided_slice %select_n3A_60 {offsets = [48, 0], sizes = [8, 256], strides = [1, 1]} : vector<192x256xf32> to vector<8x256xf32>
    %add3A_196 = arith.addf %add3A_194, %slice3A_195 : vector<8x256xf32>
    %slice3A_197 = vector.extract_strided_slice %select_n3A_60 {offsets = [56, 0], sizes = [8, 256], strides = [1, 1]} : vector<192x256xf32> to vector<8x256xf32>
    %add3A_198 = arith.addf %add3A_196, %slice3A_197 : vector<8x256xf32>
    %slice3A_199 = vector.extract_strided_slice %select_n3A_60 {offsets = [64, 0], sizes = [8, 256], strides = [1, 1]} : vector<192x256xf32> to vector<8x256xf32>
    %add3A_200 = arith.addf %add3A_198, %slice3A_199 : vector<8x256xf32>
    %slice3A_201 = vector.extract_strided_slice %select_n3A_60 {offsets = [72, 0], sizes = [8, 256], strides = [1, 1]} : vector<192x256xf32> to vector<8x256xf32>
    %add3A_202 = arith.addf %add3A_200, %slice3A_201 : vector<8x256xf32>
    %slice3A_203 = vector.extract_strided_slice %select_n3A_60 {offsets = [80, 0], sizes = [8, 256], strides = [1, 1]} : vector<192x256xf32> to vector<8x256xf32>
    %add3A_204 = arith.addf %add3A_202, %slice3A_203 : vector<8x256xf32>
    %slice3A_205 = vector.extract_strided_slice %select_n3A_60 {offsets = [88, 0], sizes = [8, 256], strides = [1, 1]} : vector<192x256xf32> to vector<8x256xf32>
    %add3A_206 = arith.addf %add3A_204, %slice3A_205 : vector<8x256xf32>
    %slice3A_207 = vector.extract_strided_slice %select_n3A_60 {offsets = [96, 0], sizes = [8, 256], strides = [1, 1]} : vector<192x256xf32> to vector<8x256xf32>
    %add3A_208 = arith.addf %add3A_206, %slice3A_207 : vector<8x256xf32>
    %slice3A_209 = vector.extract_strided_slice %select_n3A_60 {offsets = [104, 0], sizes = [8, 256], strides = [1, 1]} : vector<192x256xf32> to vector<8x256xf32>
    %add3A_210 = arith.addf %add3A_208, %slice3A_209 : vector<8x256xf32>
    %slice3A_211 = vector.extract_strided_slice %select_n3A_60 {offsets = [112, 0], sizes = [8, 256], strides = [1, 1]} : vector<192x256xf32> to vector<8x256xf32>
    %add3A_212 = arith.addf %add3A_210, %slice3A_211 : vector<8x256xf32>
    %slice3A_213 = vector.extract_strided_slice %select_n3A_60 {offsets = [120, 0], sizes = [8, 256], strides = [1, 1]} : vector<192x256xf32> to vector<8x256xf32>
    %add3A_214 = arith.addf %add3A_212, %slice3A_213 : vector<8x256xf32>
    %slice3A_215 = vector.extract_strided_slice %select_n3A_60 {offsets = [128, 0], sizes = [8, 256], strides = [1, 1]} : vector<192x256xf32> to vector<8x256xf32>
    %add3A_216 = arith.addf %add3A_214, %slice3A_215 : vector<8x256xf32>
    %slice3A_217 = vector.extract_strided_slice %select_n3A_60 {offsets = [136, 0], sizes = [8, 256], strides = [1, 1]} : vector<192x256xf32> to vector<8x256xf32>
    %add3A_218 = arith.addf %add3A_216, %slice3A_217 : vector<8x256xf32>
    %slice3A_219 = vector.extract_strided_slice %select_n3A_60 {offsets = [144, 0], sizes = [8, 256], strides = [1, 1]} : vector<192x256xf32> to vector<8x256xf32>
    %add3A_220 = arith.addf %add3A_218, %slice3A_219 : vector<8x256xf32>
    %slice3A_221 = vector.extract_strided_slice %select_n3A_60 {offsets = [152, 0], sizes = [8, 256], strides = [1, 1]} : vector<192x256xf32> to vector<8x256xf32>
    %add3A_222 = arith.addf %add3A_220, %slice3A_221 : vector<8x256xf32>
    %slice3A_223 = vector.extract_strided_slice %select_n3A_60 {offsets = [160, 0], sizes = [8, 256], strides = [1, 1]} : vector<192x256xf32> to vector<8x256xf32>
    %add3A_224 = arith.addf %add3A_222, %slice3A_223 : vector<8x256xf32>
    %slice3A_225 = vector.extract_strided_slice %select_n3A_60 {offsets = [168, 0], sizes = [8, 256], strides = [1, 1]} : vector<192x256xf32> to vector<8x256xf32>
    %add3A_226 = arith.addf %add3A_224, %slice3A_225 : vector<8x256xf32>
    %slice3A_227 = vector.extract_strided_slice %select_n3A_60 {offsets = [176, 0], sizes = [8, 256], strides = [1, 1]} : vector<192x256xf32> to vector<8x256xf32>
    %add3A_228 = arith.addf %add3A_226, %slice3A_227 : vector<8x256xf32>
    %slice3A_229 = vector.extract_strided_slice %select_n3A_60 {offsets = [184, 0], sizes = [8, 256], strides = [1, 1]} : vector<192x256xf32> to vector<8x256xf32>
    %add3A_230 = arith.addf %add3A_228, %slice3A_229 : vector<8x256xf32>
    %slice3A_231 = vector.extract_strided_slice %add3A_230 {offsets = [0, 0], sizes = [8, 128], strides = [1, 1]} : vector<8x256xf32> to vector<8x128xf32>
    %slice3A_232 = vector.extract_strided_slice %add3A_230 {offsets = [0, 128], sizes = [8, 128], strides = [1, 1]} : vector<8x256xf32> to vector<8x128xf32>
    %add3A_233 = arith.addf %slice3A_231, %slice3A_232 : vector<8x128xf32>
    %slice3A_234 = vector.extract_strided_slice %select_n3A_73 {offsets = [0, 0], sizes = [8, 256], strides = [1, 1]} : vector<192x256xf32> to vector<8x256xf32>
    %slice3A_235 = vector.extract_strided_slice %select_n3A_73 {offsets = [8, 0], sizes = [8, 256], strides = [1, 1]} : vector<192x256xf32> to vector<8x256xf32>
    %add3A_236 = arith.addf %slice3A_234, %slice3A_235 : vector<8x256xf32>
    %slice3A_237 = vector.extract_strided_slice %select_n3A_73 {offsets = [16, 0], sizes = [8, 256], strides = [1, 1]} : vector<192x256xf32> to vector<8x256xf32>
    %add3A_238 = arith.addf %add3A_236, %slice3A_237 : vector<8x256xf32>
    %slice3A_239 = vector.extract_strided_slice %select_n3A_73 {offsets = [24, 0], sizes = [8, 256], strides = [1, 1]} : vector<192x256xf32> to vector<8x256xf32>
    %add3A_240 = arith.addf %add3A_238, %slice3A_239 : vector<8x256xf32>
    %slice3A_241 = vector.extract_strided_slice %select_n3A_73 {offsets = [32, 0], sizes = [8, 256], strides = [1, 1]} : vector<192x256xf32> to vector<8x256xf32>
    %add3A_242 = arith.addf %add3A_240, %slice3A_241 : vector<8x256xf32>
    %slice3A_243 = vector.extract_strided_slice %select_n3A_73 {offsets = [40, 0], sizes = [8, 256], strides = [1, 1]} : vector<192x256xf32> to vector<8x256xf32>
    %add3A_244 = arith.addf %add3A_242, %slice3A_243 : vector<8x256xf32>
    %slice3A_245 = vector.extract_strided_slice %select_n3A_73 {offsets = [48, 0], sizes = [8, 256], strides = [1, 1]} : vector<192x256xf32> to vector<8x256xf32>
    %add3A_246 = arith.addf %add3A_244, %slice3A_245 : vector<8x256xf32>
    %slice3A_247 = vector.extract_strided_slice %select_n3A_73 {offsets = [56, 0], sizes = [8, 256], strides = [1, 1]} : vector<192x256xf32> to vector<8x256xf32>
    %add3A_248 = arith.addf %add3A_246, %slice3A_247 : vector<8x256xf32>
    %slice3A_249 = vector.extract_strided_slice %select_n3A_73 {offsets = [64, 0], sizes = [8, 256], strides = [1, 1]} : vector<192x256xf32> to vector<8x256xf32>
    %add3A_250 = arith.addf %add3A_248, %slice3A_249 : vector<8x256xf32>
    %slice3A_251 = vector.extract_strided_slice %select_n3A_73 {offsets = [72, 0], sizes = [8, 256], strides = [1, 1]} : vector<192x256xf32> to vector<8x256xf32>
    %add3A_252 = arith.addf %add3A_250, %slice3A_251 : vector<8x256xf32>
    %slice3A_253 = vector.extract_strided_slice %select_n3A_73 {offsets = [80, 0], sizes = [8, 256], strides = [1, 1]} : vector<192x256xf32> to vector<8x256xf32>
    %add3A_254 = arith.addf %add3A_252, %slice3A_253 : vector<8x256xf32>
    %slice3A_255 = vector.extract_strided_slice %select_n3A_73 {offsets = [88, 0], sizes = [8, 256], strides = [1, 1]} : vector<192x256xf32> to vector<8x256xf32>
    %add3A_256 = arith.addf %add3A_254, %slice3A_255 : vector<8x256xf32>
    %slice3A_257 = vector.extract_strided_slice %select_n3A_73 {offsets = [96, 0], sizes = [8, 256], strides = [1, 1]} : vector<192x256xf32> to vector<8x256xf32>
    %add3A_258 = arith.addf %add3A_256, %slice3A_257 : vector<8x256xf32>
    %slice3A_259 = vector.extract_strided_slice %select_n3A_73 {offsets = [104, 0], sizes = [8, 256], strides = [1, 1]} : vector<192x256xf32> to vector<8x256xf32>
    %add3A_260 = arith.addf %add3A_258, %slice3A_259 : vector<8x256xf32>
    %slice3A_261 = vector.extract_strided_slice %select_n3A_73 {offsets = [112, 0], sizes = [8, 256], strides = [1, 1]} : vector<192x256xf32> to vector<8x256xf32>
    %add3A_262 = arith.addf %add3A_260, %slice3A_261 : vector<8x256xf32>
    %slice3A_263 = vector.extract_strided_slice %select_n3A_73 {offsets = [120, 0], sizes = [8, 256], strides = [1, 1]} : vector<192x256xf32> to vector<8x256xf32>
    %add3A_264 = arith.addf %add3A_262, %slice3A_263 : vector<8x256xf32>
    %slice3A_265 = vector.extract_strided_slice %select_n3A_73 {offsets = [128, 0], sizes = [8, 256], strides = [1, 1]} : vector<192x256xf32> to vector<8x256xf32>
    %add3A_266 = arith.addf %add3A_264, %slice3A_265 : vector<8x256xf32>
    %slice3A_267 = vector.extract_strided_slice %select_n3A_73 {offsets = [136, 0], sizes = [8, 256], strides = [1, 1]} : vector<192x256xf32> to vector<8x256xf32>
    %add3A_268 = arith.addf %add3A_266, %slice3A_267 : vector<8x256xf32>
    %slice3A_269 = vector.extract_strided_slice %select_n3A_73 {offsets = [144, 0], sizes = [8, 256], strides = [1, 1]} : vector<192x256xf32> to vector<8x256xf32>
    %add3A_270 = arith.addf %add3A_268, %slice3A_269 : vector<8x256xf32>
    %slice3A_271 = vector.extract_strided_slice %select_n3A_73 {offsets = [152, 0], sizes = [8, 256], strides = [1, 1]} : vector<192x256xf32> to vector<8x256xf32>
    %add3A_272 = arith.addf %add3A_270, %slice3A_271 : vector<8x256xf32>
    %slice3A_273 = vector.extract_strided_slice %select_n3A_73 {offsets = [160, 0], sizes = [8, 256], strides = [1, 1]} : vector<192x256xf32> to vector<8x256xf32>
    %add3A_274 = arith.addf %add3A_272, %slice3A_273 : vector<8x256xf32>
    %slice3A_275 = vector.extract_strided_slice %select_n3A_73 {offsets = [168, 0], sizes = [8, 256], strides = [1, 1]} : vector<192x256xf32> to vector<8x256xf32>
    %add3A_276 = arith.addf %add3A_274, %slice3A_275 : vector<8x256xf32>
    %slice3A_277 = vector.extract_strided_slice %select_n3A_73 {offsets = [176, 0], sizes = [8, 256], strides = [1, 1]} : vector<192x256xf32> to vector<8x256xf32>
    %add3A_278 = arith.addf %add3A_276, %slice3A_277 : vector<8x256xf32>
    %slice3A_279 = vector.extract_strided_slice %select_n3A_73 {offsets = [184, 0], sizes = [8, 256], strides = [1, 1]} : vector<192x256xf32> to vector<8x256xf32>
    %add3A_280 = arith.addf %add3A_278, %slice3A_279 : vector<8x256xf32>
    %slice3A_281 = vector.extract_strided_slice %add3A_280 {offsets = [0, 0], sizes = [8, 128], strides = [1, 1]} : vector<8x256xf32> to vector<8x128xf32>
    %slice3A_282 = vector.extract_strided_slice %add3A_280 {offsets = [0, 128], sizes = [8, 128], strides = [1, 1]} : vector<8x256xf32> to vector<8x128xf32>
    %add3A_283 = arith.addf %slice3A_281, %slice3A_282 : vector<8x128xf32>
    %slice3A_284 = vector.extract_strided_slice %select_n3A_86 {offsets = [0, 0], sizes = [8, 256], strides = [1, 1]} : vector<192x256xf32> to vector<8x256xf32>
    %slice3A_285 = vector.extract_strided_slice %select_n3A_86 {offsets = [8, 0], sizes = [8, 256], strides = [1, 1]} : vector<192x256xf32> to vector<8x256xf32>
    %add3A_286 = arith.addf %slice3A_284, %slice3A_285 : vector<8x256xf32>
    %slice3A_287 = vector.extract_strided_slice %select_n3A_86 {offsets = [16, 0], sizes = [8, 256], strides = [1, 1]} : vector<192x256xf32> to vector<8x256xf32>
    %add3A_288 = arith.addf %add3A_286, %slice3A_287 : vector<8x256xf32>
    %slice3A_289 = vector.extract_strided_slice %select_n3A_86 {offsets = [24, 0], sizes = [8, 256], strides = [1, 1]} : vector<192x256xf32> to vector<8x256xf32>
    %add3A_290 = arith.addf %add3A_288, %slice3A_289 : vector<8x256xf32>
    %slice3A_291 = vector.extract_strided_slice %select_n3A_86 {offsets = [32, 0], sizes = [8, 256], strides = [1, 1]} : vector<192x256xf32> to vector<8x256xf32>
    %add3A_292 = arith.addf %add3A_290, %slice3A_291 : vector<8x256xf32>
    %slice3A_293 = vector.extract_strided_slice %select_n3A_86 {offsets = [40, 0], sizes = [8, 256], strides = [1, 1]} : vector<192x256xf32> to vector<8x256xf32>
    %add3A_294 = arith.addf %add3A_292, %slice3A_293 : vector<8x256xf32>
    %slice3A_295 = vector.extract_strided_slice %select_n3A_86 {offsets = [48, 0], sizes = [8, 256], strides = [1, 1]} : vector<192x256xf32> to vector<8x256xf32>
    %add3A_296 = arith.addf %add3A_294, %slice3A_295 : vector<8x256xf32>
    %slice3A_297 = vector.extract_strided_slice %select_n3A_86 {offsets = [56, 0], sizes = [8, 256], strides = [1, 1]} : vector<192x256xf32> to vector<8x256xf32>
    %add3A_298 = arith.addf %add3A_296, %slice3A_297 : vector<8x256xf32>
    %slice3A_299 = vector.extract_strided_slice %select_n3A_86 {offsets = [64, 0], sizes = [8, 256], strides = [1, 1]} : vector<192x256xf32> to vector<8x256xf32>
    %add3A_300 = arith.addf %add3A_298, %slice3A_299 : vector<8x256xf32>
    %slice3A_301 = vector.extract_strided_slice %select_n3A_86 {offsets = [72, 0], sizes = [8, 256], strides = [1, 1]} : vector<192x256xf32> to vector<8x256xf32>
    %add3A_302 = arith.addf %add3A_300, %slice3A_301 : vector<8x256xf32>
    %slice3A_303 = vector.extract_strided_slice %select_n3A_86 {offsets = [80, 0], sizes = [8, 256], strides = [1, 1]} : vector<192x256xf32> to vector<8x256xf32>
    %add3A_304 = arith.addf %add3A_302, %slice3A_303 : vector<8x256xf32>
    %slice3A_305 = vector.extract_strided_slice %select_n3A_86 {offsets = [88, 0], sizes = [8, 256], strides = [1, 1]} : vector<192x256xf32> to vector<8x256xf32>
    %add3A_306 = arith.addf %add3A_304, %slice3A_305 : vector<8x256xf32>
    %slice3A_307 = vector.extract_strided_slice %select_n3A_86 {offsets = [96, 0], sizes = [8, 256], strides = [1, 1]} : vector<192x256xf32> to vector<8x256xf32>
    %add3A_308 = arith.addf %add3A_306, %slice3A_307 : vector<8x256xf32>
    %slice3A_309 = vector.extract_strided_slice %select_n3A_86 {offsets = [104, 0], sizes = [8, 256], strides = [1, 1]} : vector<192x256xf32> to vector<8x256xf32>
    %add3A_310 = arith.addf %add3A_308, %slice3A_309 : vector<8x256xf32>
    %slice3A_311 = vector.extract_strided_slice %select_n3A_86 {offsets = [112, 0], sizes = [8, 256], strides = [1, 1]} : vector<192x256xf32> to vector<8x256xf32>
    %add3A_312 = arith.addf %add3A_310, %slice3A_311 : vector<8x256xf32>
    %slice3A_313 = vector.extract_strided_slice %select_n3A_86 {offsets = [120, 0], sizes = [8, 256], strides = [1, 1]} : vector<192x256xf32> to vector<8x256xf32>
    %add3A_314 = arith.addf %add3A_312, %slice3A_313 : vector<8x256xf32>
    %slice3A_315 = vector.extract_strided_slice %select_n3A_86 {offsets = [128, 0], sizes = [8, 256], strides = [1, 1]} : vector<192x256xf32> to vector<8x256xf32>
    %add3A_316 = arith.addf %add3A_314, %slice3A_315 : vector<8x256xf32>
    %slice3A_317 = vector.extract_strided_slice %select_n3A_86 {offsets = [136, 0], sizes = [8, 256], strides = [1, 1]} : vector<192x256xf32> to vector<8x256xf32>
    %add3A_318 = arith.addf %add3A_316, %slice3A_317 : vector<8x256xf32>
    %slice3A_319 = vector.extract_strided_slice %select_n3A_86 {offsets = [144, 0], sizes = [8, 256], strides = [1, 1]} : vector<192x256xf32> to vector<8x256xf32>
    %add3A_320 = arith.addf %add3A_318, %slice3A_319 : vector<8x256xf32>
    %slice3A_321 = vector.extract_strided_slice %select_n3A_86 {offsets = [152, 0], sizes = [8, 256], strides = [1, 1]} : vector<192x256xf32> to vector<8x256xf32>
    %add3A_322 = arith.addf %add3A_320, %slice3A_321 : vector<8x256xf32>
    %slice3A_323 = vector.extract_strided_slice %select_n3A_86 {offsets = [160, 0], sizes = [8, 256], strides = [1, 1]} : vector<192x256xf32> to vector<8x256xf32>
    %add3A_324 = arith.addf %add3A_322, %slice3A_323 : vector<8x256xf32>
    %slice3A_325 = vector.extract_strided_slice %select_n3A_86 {offsets = [168, 0], sizes = [8, 256], strides = [1, 1]} : vector<192x256xf32> to vector<8x256xf32>
    %add3A_326 = arith.addf %add3A_324, %slice3A_325 : vector<8x256xf32>
    %slice3A_327 = vector.extract_strided_slice %select_n3A_86 {offsets = [176, 0], sizes = [8, 256], strides = [1, 1]} : vector<192x256xf32> to vector<8x256xf32>
    %add3A_328 = arith.addf %add3A_326, %slice3A_327 : vector<8x256xf32>
    %slice3A_329 = vector.extract_strided_slice %select_n3A_86 {offsets = [184, 0], sizes = [8, 256], strides = [1, 1]} : vector<192x256xf32> to vector<8x256xf32>
    %add3A_330 = arith.addf %add3A_328, %slice3A_329 : vector<8x256xf32>
    %slice3A_331 = vector.extract_strided_slice %add3A_330 {offsets = [0, 0], sizes = [8, 128], strides = [1, 1]} : vector<8x256xf32> to vector<8x128xf32>
    %slice3A_332 = vector.extract_strided_slice %add3A_330 {offsets = [0, 128], sizes = [8, 128], strides = [1, 1]} : vector<8x256xf32> to vector<8x128xf32>
    %add3A_333 = arith.addf %slice3A_331, %slice3A_332 : vector<8x128xf32>
    %slice3A_334 = vector.extract_strided_slice %select_n3A_99 {offsets = [0, 0], sizes = [8, 256], strides = [1, 1]} : vector<192x256xf32> to vector<8x256xf32>
    %slice3A_335 = vector.extract_strided_slice %select_n3A_99 {offsets = [8, 0], sizes = [8, 256], strides = [1, 1]} : vector<192x256xf32> to vector<8x256xf32>
    %add3A_336 = arith.addf %slice3A_334, %slice3A_335 : vector<8x256xf32>
    %slice3A_337 = vector.extract_strided_slice %select_n3A_99 {offsets = [16, 0], sizes = [8, 256], strides = [1, 1]} : vector<192x256xf32> to vector<8x256xf32>
    %add3A_338 = arith.addf %add3A_336, %slice3A_337 : vector<8x256xf32>
    %slice3A_339 = vector.extract_strided_slice %select_n3A_99 {offsets = [24, 0], sizes = [8, 256], strides = [1, 1]} : vector<192x256xf32> to vector<8x256xf32>
    %add3A_340 = arith.addf %add3A_338, %slice3A_339 : vector<8x256xf32>
    %slice3A_341 = vector.extract_strided_slice %select_n3A_99 {offsets = [32, 0], sizes = [8, 256], strides = [1, 1]} : vector<192x256xf32> to vector<8x256xf32>
    %add3A_342 = arith.addf %add3A_340, %slice3A_341 : vector<8x256xf32>
    %slice3A_343 = vector.extract_strided_slice %select_n3A_99 {offsets = [40, 0], sizes = [8, 256], strides = [1, 1]} : vector<192x256xf32> to vector<8x256xf32>
    %add3A_344 = arith.addf %add3A_342, %slice3A_343 : vector<8x256xf32>
    %slice3A_345 = vector.extract_strided_slice %select_n3A_99 {offsets = [48, 0], sizes = [8, 256], strides = [1, 1]} : vector<192x256xf32> to vector<8x256xf32>
    %add3A_346 = arith.addf %add3A_344, %slice3A_345 : vector<8x256xf32>
    %slice3A_347 = vector.extract_strided_slice %select_n3A_99 {offsets = [56, 0], sizes = [8, 256], strides = [1, 1]} : vector<192x256xf32> to vector<8x256xf32>
    %add3A_348 = arith.addf %add3A_346, %slice3A_347 : vector<8x256xf32>
    %slice3A_349 = vector.extract_strided_slice %select_n3A_99 {offsets = [64, 0], sizes = [8, 256], strides = [1, 1]} : vector<192x256xf32> to vector<8x256xf32>
    %add3A_350 = arith.addf %add3A_348, %slice3A_349 : vector<8x256xf32>
    %slice3A_351 = vector.extract_strided_slice %select_n3A_99 {offsets = [72, 0], sizes = [8, 256], strides = [1, 1]} : vector<192x256xf32> to vector<8x256xf32>
    %add3A_352 = arith.addf %add3A_350, %slice3A_351 : vector<8x256xf32>
    %slice3A_353 = vector.extract_strided_slice %select_n3A_99 {offsets = [80, 0], sizes = [8, 256], strides = [1, 1]} : vector<192x256xf32> to vector<8x256xf32>
    %add3A_354 = arith.addf %add3A_352, %slice3A_353 : vector<8x256xf32>
    %slice3A_355 = vector.extract_strided_slice %select_n3A_99 {offsets = [88, 0], sizes = [8, 256], strides = [1, 1]} : vector<192x256xf32> to vector<8x256xf32>
    %add3A_356 = arith.addf %add3A_354, %slice3A_355 : vector<8x256xf32>
    %slice3A_357 = vector.extract_strided_slice %select_n3A_99 {offsets = [96, 0], sizes = [8, 256], strides = [1, 1]} : vector<192x256xf32> to vector<8x256xf32>
    %add3A_358 = arith.addf %add3A_356, %slice3A_357 : vector<8x256xf32>
    %slice3A_359 = vector.extract_strided_slice %select_n3A_99 {offsets = [104, 0], sizes = [8, 256], strides = [1, 1]} : vector<192x256xf32> to vector<8x256xf32>
    %add3A_360 = arith.addf %add3A_358, %slice3A_359 : vector<8x256xf32>
    %slice3A_361 = vector.extract_strided_slice %select_n3A_99 {offsets = [112, 0], sizes = [8, 256], strides = [1, 1]} : vector<192x256xf32> to vector<8x256xf32>
    %add3A_362 = arith.addf %add3A_360, %slice3A_361 : vector<8x256xf32>
    %slice3A_363 = vector.extract_strided_slice %select_n3A_99 {offsets = [120, 0], sizes = [8, 256], strides = [1, 1]} : vector<192x256xf32> to vector<8x256xf32>
    %add3A_364 = arith.addf %add3A_362, %slice3A_363 : vector<8x256xf32>
    %slice3A_365 = vector.extract_strided_slice %select_n3A_99 {offsets = [128, 0], sizes = [8, 256], strides = [1, 1]} : vector<192x256xf32> to vector<8x256xf32>
    %add3A_366 = arith.addf %add3A_364, %slice3A_365 : vector<8x256xf32>
    %slice3A_367 = vector.extract_strided_slice %select_n3A_99 {offsets = [136, 0], sizes = [8, 256], strides = [1, 1]} : vector<192x256xf32> to vector<8x256xf32>
    %add3A_368 = arith.addf %add3A_366, %slice3A_367 : vector<8x256xf32>
    %slice3A_369 = vector.extract_strided_slice %select_n3A_99 {offsets = [144, 0], sizes = [8, 256], strides = [1, 1]} : vector<192x256xf32> to vector<8x256xf32>
    %add3A_370 = arith.addf %add3A_368, %slice3A_369 : vector<8x256xf32>
    %slice3A_371 = vector.extract_strided_slice %select_n3A_99 {offsets = [152, 0], sizes = [8, 256], strides = [1, 1]} : vector<192x256xf32> to vector<8x256xf32>
    %add3A_372 = arith.addf %add3A_370, %slice3A_371 : vector<8x256xf32>
    %slice3A_373 = vector.extract_strided_slice %select_n3A_99 {offsets = [160, 0], sizes = [8, 256], strides = [1, 1]} : vector<192x256xf32> to vector<8x256xf32>
    %add3A_374 = arith.addf %add3A_372, %slice3A_373 : vector<8x256xf32>
    %slice3A_375 = vector.extract_strided_slice %select_n3A_99 {offsets = [168, 0], sizes = [8, 256], strides = [1, 1]} : vector<192x256xf32> to vector<8x256xf32>
    %add3A_376 = arith.addf %add3A_374, %slice3A_375 : vector<8x256xf32>
    %slice3A_377 = vector.extract_strided_slice %select_n3A_99 {offsets = [176, 0], sizes = [8, 256], strides = [1, 1]} : vector<192x256xf32> to vector<8x256xf32>
    %add3A_378 = arith.addf %add3A_376, %slice3A_377 : vector<8x256xf32>
    %slice3A_379 = vector.extract_strided_slice %select_n3A_99 {offsets = [184, 0], sizes = [8, 256], strides = [1, 1]} : vector<192x256xf32> to vector<8x256xf32>
    %add3A_380 = arith.addf %add3A_378, %slice3A_379 : vector<8x256xf32>
    %slice3A_381 = vector.extract_strided_slice %add3A_380 {offsets = [0, 0], sizes = [8, 128], strides = [1, 1]} : vector<8x256xf32> to vector<8x128xf32>
    %slice3A_382 = vector.extract_strided_slice %add3A_380 {offsets = [0, 128], sizes = [8, 128], strides = [1, 1]} : vector<8x256xf32> to vector<8x128xf32>
    %add3A_383 = arith.addf %slice3A_381, %slice3A_382 : vector<8x128xf32>
    %slice3A_384 = vector.extract_strided_slice %get3A_106 {offsets = [0, 0], sizes = [8, 256], strides = [1, 1]} : vector<192x256xf32> to vector<8x256xf32>
    %slice3A_385 = vector.extract_strided_slice %get3A_106 {offsets = [8, 0], sizes = [8, 256], strides = [1, 1]} : vector<192x256xf32> to vector<8x256xf32>
    %add3A_386 = arith.addf %slice3A_384, %slice3A_385 : vector<8x256xf32>
    %slice3A_387 = vector.extract_strided_slice %get3A_106 {offsets = [16, 0], sizes = [8, 256], strides = [1, 1]} : vector<192x256xf32> to vector<8x256xf32>
    %add3A_388 = arith.addf %add3A_386, %slice3A_387 : vector<8x256xf32>
    %slice3A_389 = vector.extract_strided_slice %get3A_106 {offsets = [24, 0], sizes = [8, 256], strides = [1, 1]} : vector<192x256xf32> to vector<8x256xf32>
    %add3A_390 = arith.addf %add3A_388, %slice3A_389 : vector<8x256xf32>
    %slice3A_391 = vector.extract_strided_slice %get3A_106 {offsets = [32, 0], sizes = [8, 256], strides = [1, 1]} : vector<192x256xf32> to vector<8x256xf32>
    %add3A_392 = arith.addf %add3A_390, %slice3A_391 : vector<8x256xf32>
    %slice3A_393 = vector.extract_strided_slice %get3A_106 {offsets = [40, 0], sizes = [8, 256], strides = [1, 1]} : vector<192x256xf32> to vector<8x256xf32>
    %add3A_394 = arith.addf %add3A_392, %slice3A_393 : vector<8x256xf32>
    %slice3A_395 = vector.extract_strided_slice %get3A_106 {offsets = [48, 0], sizes = [8, 256], strides = [1, 1]} : vector<192x256xf32> to vector<8x256xf32>
    %add3A_396 = arith.addf %add3A_394, %slice3A_395 : vector<8x256xf32>
    %slice3A_397 = vector.extract_strided_slice %get3A_106 {offsets = [56, 0], sizes = [8, 256], strides = [1, 1]} : vector<192x256xf32> to vector<8x256xf32>
    %add3A_398 = arith.addf %add3A_396, %slice3A_397 : vector<8x256xf32>
    %slice3A_399 = vector.extract_strided_slice %get3A_106 {offsets = [64, 0], sizes = [8, 256], strides = [1, 1]} : vector<192x256xf32> to vector<8x256xf32>
    %add3A_400 = arith.addf %add3A_398, %slice3A_399 : vector<8x256xf32>
    %slice3A_401 = vector.extract_strided_slice %get3A_106 {offsets = [72, 0], sizes = [8, 256], strides = [1, 1]} : vector<192x256xf32> to vector<8x256xf32>
    %add3A_402 = arith.addf %add3A_400, %slice3A_401 : vector<8x256xf32>
    %slice3A_403 = vector.extract_strided_slice %get3A_106 {offsets = [80, 0], sizes = [8, 256], strides = [1, 1]} : vector<192x256xf32> to vector<8x256xf32>
    %add3A_404 = arith.addf %add3A_402, %slice3A_403 : vector<8x256xf32>
    %slice3A_405 = vector.extract_strided_slice %get3A_106 {offsets = [88, 0], sizes = [8, 256], strides = [1, 1]} : vector<192x256xf32> to vector<8x256xf32>
    %add3A_406 = arith.addf %add3A_404, %slice3A_405 : vector<8x256xf32>
    %slice3A_407 = vector.extract_strided_slice %get3A_106 {offsets = [96, 0], sizes = [8, 256], strides = [1, 1]} : vector<192x256xf32> to vector<8x256xf32>
    %add3A_408 = arith.addf %add3A_406, %slice3A_407 : vector<8x256xf32>
    %slice3A_409 = vector.extract_strided_slice %get3A_106 {offsets = [104, 0], sizes = [8, 256], strides = [1, 1]} : vector<192x256xf32> to vector<8x256xf32>
    %add3A_410 = arith.addf %add3A_408, %slice3A_409 : vector<8x256xf32>
    %slice3A_411 = vector.extract_strided_slice %get3A_106 {offsets = [112, 0], sizes = [8, 256], strides = [1, 1]} : vector<192x256xf32> to vector<8x256xf32>
    %add3A_412 = arith.addf %add3A_410, %slice3A_411 : vector<8x256xf32>
    %slice3A_413 = vector.extract_strided_slice %get3A_106 {offsets = [120, 0], sizes = [8, 256], strides = [1, 1]} : vector<192x256xf32> to vector<8x256xf32>
    %add3A_414 = arith.addf %add3A_412, %slice3A_413 : vector<8x256xf32>
    %slice3A_415 = vector.extract_strided_slice %get3A_106 {offsets = [128, 0], sizes = [8, 256], strides = [1, 1]} : vector<192x256xf32> to vector<8x256xf32>
    %add3A_416 = arith.addf %add3A_414, %slice3A_415 : vector<8x256xf32>
    %slice3A_417 = vector.extract_strided_slice %get3A_106 {offsets = [136, 0], sizes = [8, 256], strides = [1, 1]} : vector<192x256xf32> to vector<8x256xf32>
    %add3A_418 = arith.addf %add3A_416, %slice3A_417 : vector<8x256xf32>
    %slice3A_419 = vector.extract_strided_slice %get3A_106 {offsets = [144, 0], sizes = [8, 256], strides = [1, 1]} : vector<192x256xf32> to vector<8x256xf32>
    %add3A_420 = arith.addf %add3A_418, %slice3A_419 : vector<8x256xf32>
    %slice3A_421 = vector.extract_strided_slice %get3A_106 {offsets = [152, 0], sizes = [8, 256], strides = [1, 1]} : vector<192x256xf32> to vector<8x256xf32>
    %add3A_422 = arith.addf %add3A_420, %slice3A_421 : vector<8x256xf32>
    %slice3A_423 = vector.extract_strided_slice %get3A_106 {offsets = [160, 0], sizes = [8, 256], strides = [1, 1]} : vector<192x256xf32> to vector<8x256xf32>
    %add3A_424 = arith.addf %add3A_422, %slice3A_423 : vector<8x256xf32>
    %slice3A_425 = vector.extract_strided_slice %get3A_106 {offsets = [168, 0], sizes = [8, 256], strides = [1, 1]} : vector<192x256xf32> to vector<8x256xf32>
    %add3A_426 = arith.addf %add3A_424, %slice3A_425 : vector<8x256xf32>
    %slice3A_427 = vector.extract_strided_slice %get3A_106 {offsets = [176, 0], sizes = [8, 256], strides = [1, 1]} : vector<192x256xf32> to vector<8x256xf32>
    %add3A_428 = arith.addf %add3A_426, %slice3A_427 : vector<8x256xf32>
    %slice3A_429 = vector.extract_strided_slice %get3A_106 {offsets = [184, 0], sizes = [8, 256], strides = [1, 1]} : vector<192x256xf32> to vector<8x256xf32>
    %add3A_430 = arith.addf %add3A_428, %slice3A_429 : vector<8x256xf32>
    %slice3A_431 = vector.extract_strided_slice %add3A_430 {offsets = [0, 0], sizes = [8, 128], strides = [1, 1]} : vector<8x256xf32> to vector<8x128xf32>
    %slice3A_432 = vector.extract_strided_slice %add3A_430 {offsets = [0, 128], sizes = [8, 128], strides = [1, 1]} : vector<8x256xf32> to vector<8x128xf32>
    %add3A_433 = arith.addf %slice3A_431, %slice3A_432 : vector<8x128xf32>
    %slice3A_434 = vector.extract_strided_slice %get3A_113 {offsets = [0, 0], sizes = [8, 256], strides = [1, 1]} : vector<192x256xf32> to vector<8x256xf32>
    %slice3A_435 = vector.extract_strided_slice %get3A_113 {offsets = [8, 0], sizes = [8, 256], strides = [1, 1]} : vector<192x256xf32> to vector<8x256xf32>
    %add3A_436 = arith.addf %slice3A_434, %slice3A_435 : vector<8x256xf32>
    %slice3A_437 = vector.extract_strided_slice %get3A_113 {offsets = [16, 0], sizes = [8, 256], strides = [1, 1]} : vector<192x256xf32> to vector<8x256xf32>
    %add3A_438 = arith.addf %add3A_436, %slice3A_437 : vector<8x256xf32>
    %slice3A_439 = vector.extract_strided_slice %get3A_113 {offsets = [24, 0], sizes = [8, 256], strides = [1, 1]} : vector<192x256xf32> to vector<8x256xf32>
    %add3A_440 = arith.addf %add3A_438, %slice3A_439 : vector<8x256xf32>
    %slice3A_441 = vector.extract_strided_slice %get3A_113 {offsets = [32, 0], sizes = [8, 256], strides = [1, 1]} : vector<192x256xf32> to vector<8x256xf32>
    %add3A_442 = arith.addf %add3A_440, %slice3A_441 : vector<8x256xf32>
    %slice3A_443 = vector.extract_strided_slice %get3A_113 {offsets = [40, 0], sizes = [8, 256], strides = [1, 1]} : vector<192x256xf32> to vector<8x256xf32>
    %add3A_444 = arith.addf %add3A_442, %slice3A_443 : vector<8x256xf32>
    %slice3A_445 = vector.extract_strided_slice %get3A_113 {offsets = [48, 0], sizes = [8, 256], strides = [1, 1]} : vector<192x256xf32> to vector<8x256xf32>
    %add3A_446 = arith.addf %add3A_444, %slice3A_445 : vector<8x256xf32>
    %slice3A_447 = vector.extract_strided_slice %get3A_113 {offsets = [56, 0], sizes = [8, 256], strides = [1, 1]} : vector<192x256xf32> to vector<8x256xf32>
    %add3A_448 = arith.addf %add3A_446, %slice3A_447 : vector<8x256xf32>
    %slice3A_449 = vector.extract_strided_slice %get3A_113 {offsets = [64, 0], sizes = [8, 256], strides = [1, 1]} : vector<192x256xf32> to vector<8x256xf32>
    %add3A_450 = arith.addf %add3A_448, %slice3A_449 : vector<8x256xf32>
    %slice3A_451 = vector.extract_strided_slice %get3A_113 {offsets = [72, 0], sizes = [8, 256], strides = [1, 1]} : vector<192x256xf32> to vector<8x256xf32>
    %add3A_452 = arith.addf %add3A_450, %slice3A_451 : vector<8x256xf32>
    %slice3A_453 = vector.extract_strided_slice %get3A_113 {offsets = [80, 0], sizes = [8, 256], strides = [1, 1]} : vector<192x256xf32> to vector<8x256xf32>
    %add3A_454 = arith.addf %add3A_452, %slice3A_453 : vector<8x256xf32>
    %slice3A_455 = vector.extract_strided_slice %get3A_113 {offsets = [88, 0], sizes = [8, 256], strides = [1, 1]} : vector<192x256xf32> to vector<8x256xf32>
    %add3A_456 = arith.addf %add3A_454, %slice3A_455 : vector<8x256xf32>
    %slice3A_457 = vector.extract_strided_slice %get3A_113 {offsets = [96, 0], sizes = [8, 256], strides = [1, 1]} : vector<192x256xf32> to vector<8x256xf32>
    %add3A_458 = arith.addf %add3A_456, %slice3A_457 : vector<8x256xf32>
    %slice3A_459 = vector.extract_strided_slice %get3A_113 {offsets = [104, 0], sizes = [8, 256], strides = [1, 1]} : vector<192x256xf32> to vector<8x256xf32>
    %add3A_460 = arith.addf %add3A_458, %slice3A_459 : vector<8x256xf32>
    %slice3A_461 = vector.extract_strided_slice %get3A_113 {offsets = [112, 0], sizes = [8, 256], strides = [1, 1]} : vector<192x256xf32> to vector<8x256xf32>
    %add3A_462 = arith.addf %add3A_460, %slice3A_461 : vector<8x256xf32>
    %slice3A_463 = vector.extract_strided_slice %get3A_113 {offsets = [120, 0], sizes = [8, 256], strides = [1, 1]} : vector<192x256xf32> to vector<8x256xf32>
    %add3A_464 = arith.addf %add3A_462, %slice3A_463 : vector<8x256xf32>
    %slice3A_465 = vector.extract_strided_slice %get3A_113 {offsets = [128, 0], sizes = [8, 256], strides = [1, 1]} : vector<192x256xf32> to vector<8x256xf32>
    %add3A_466 = arith.addf %add3A_464, %slice3A_465 : vector<8x256xf32>
    %slice3A_467 = vector.extract_strided_slice %get3A_113 {offsets = [136, 0], sizes = [8, 256], strides = [1, 1]} : vector<192x256xf32> to vector<8x256xf32>
    %add3A_468 = arith.addf %add3A_466, %slice3A_467 : vector<8x256xf32>
    %slice3A_469 = vector.extract_strided_slice %get3A_113 {offsets = [144, 0], sizes = [8, 256], strides = [1, 1]} : vector<192x256xf32> to vector<8x256xf32>
    %add3A_470 = arith.addf %add3A_468, %slice3A_469 : vector<8x256xf32>
    %slice3A_471 = vector.extract_strided_slice %get3A_113 {offsets = [152, 0], sizes = [8, 256], strides = [1, 1]} : vector<192x256xf32> to vector<8x256xf32>
    %add3A_472 = arith.addf %add3A_470, %slice3A_471 : vector<8x256xf32>
    %slice3A_473 = vector.extract_strided_slice %get3A_113 {offsets = [160, 0], sizes = [8, 256], strides = [1, 1]} : vector<192x256xf32> to vector<8x256xf32>
    %add3A_474 = arith.addf %add3A_472, %slice3A_473 : vector<8x256xf32>
    %slice3A_475 = vector.extract_strided_slice %get3A_113 {offsets = [168, 0], sizes = [8, 256], strides = [1, 1]} : vector<192x256xf32> to vector<8x256xf32>
    %add3A_476 = arith.addf %add3A_474, %slice3A_475 : vector<8x256xf32>
    %slice3A_477 = vector.extract_strided_slice %get3A_113 {offsets = [176, 0], sizes = [8, 256], strides = [1, 1]} : vector<192x256xf32> to vector<8x256xf32>
    %add3A_478 = arith.addf %add3A_476, %slice3A_477 : vector<8x256xf32>
    %slice3A_479 = vector.extract_strided_slice %get3A_113 {offsets = [184, 0], sizes = [8, 256], strides = [1, 1]} : vector<192x256xf32> to vector<8x256xf32>
    %add3A_480 = arith.addf %add3A_478, %slice3A_479 : vector<8x256xf32>
    %slice3A_481 = vector.extract_strided_slice %add3A_480 {offsets = [0, 0], sizes = [8, 128], strides = [1, 1]} : vector<8x256xf32> to vector<8x128xf32>
    %slice3A_482 = vector.extract_strided_slice %add3A_480 {offsets = [0, 128], sizes = [8, 128], strides = [1, 1]} : vector<8x256xf32> to vector<8x128xf32>
    %add3A_483 = arith.addf %slice3A_481, %slice3A_482 : vector<8x128xf32>
    %slice3A_484 = vector.extract_strided_slice %get3A_120 {offsets = [0, 0], sizes = [8, 256], strides = [1, 1]} : vector<192x256xf32> to vector<8x256xf32>
    %slice3A_485 = vector.extract_strided_slice %get3A_120 {offsets = [8, 0], sizes = [8, 256], strides = [1, 1]} : vector<192x256xf32> to vector<8x256xf32>
    %add3A_486 = arith.addf %slice3A_484, %slice3A_485 : vector<8x256xf32>
    %slice3A_487 = vector.extract_strided_slice %get3A_120 {offsets = [16, 0], sizes = [8, 256], strides = [1, 1]} : vector<192x256xf32> to vector<8x256xf32>
    %add3A_488 = arith.addf %add3A_486, %slice3A_487 : vector<8x256xf32>
    %slice3A_489 = vector.extract_strided_slice %get3A_120 {offsets = [24, 0], sizes = [8, 256], strides = [1, 1]} : vector<192x256xf32> to vector<8x256xf32>
    %add3A_490 = arith.addf %add3A_488, %slice3A_489 : vector<8x256xf32>
    %slice3A_491 = vector.extract_strided_slice %get3A_120 {offsets = [32, 0], sizes = [8, 256], strides = [1, 1]} : vector<192x256xf32> to vector<8x256xf32>
    %add3A_492 = arith.addf %add3A_490, %slice3A_491 : vector<8x256xf32>
    %slice3A_493 = vector.extract_strided_slice %get3A_120 {offsets = [40, 0], sizes = [8, 256], strides = [1, 1]} : vector<192x256xf32> to vector<8x256xf32>
    %add3A_494 = arith.addf %add3A_492, %slice3A_493 : vector<8x256xf32>
    %slice3A_495 = vector.extract_strided_slice %get3A_120 {offsets = [48, 0], sizes = [8, 256], strides = [1, 1]} : vector<192x256xf32> to vector<8x256xf32>
    %add3A_496 = arith.addf %add3A_494, %slice3A_495 : vector<8x256xf32>
    %slice3A_497 = vector.extract_strided_slice %get3A_120 {offsets = [56, 0], sizes = [8, 256], strides = [1, 1]} : vector<192x256xf32> to vector<8x256xf32>
    %add3A_498 = arith.addf %add3A_496, %slice3A_497 : vector<8x256xf32>
    %slice3A_499 = vector.extract_strided_slice %get3A_120 {offsets = [64, 0], sizes = [8, 256], strides = [1, 1]} : vector<192x256xf32> to vector<8x256xf32>
    %add3A_500 = arith.addf %add3A_498, %slice3A_499 : vector<8x256xf32>
    %slice3A_501 = vector.extract_strided_slice %get3A_120 {offsets = [72, 0], sizes = [8, 256], strides = [1, 1]} : vector<192x256xf32> to vector<8x256xf32>
    %add3A_502 = arith.addf %add3A_500, %slice3A_501 : vector<8x256xf32>
    %slice3A_503 = vector.extract_strided_slice %get3A_120 {offsets = [80, 0], sizes = [8, 256], strides = [1, 1]} : vector<192x256xf32> to vector<8x256xf32>
    %add3A_504 = arith.addf %add3A_502, %slice3A_503 : vector<8x256xf32>
    %slice3A_505 = vector.extract_strided_slice %get3A_120 {offsets = [88, 0], sizes = [8, 256], strides = [1, 1]} : vector<192x256xf32> to vector<8x256xf32>
    %add3A_506 = arith.addf %add3A_504, %slice3A_505 : vector<8x256xf32>
    %slice3A_507 = vector.extract_strided_slice %get3A_120 {offsets = [96, 0], sizes = [8, 256], strides = [1, 1]} : vector<192x256xf32> to vector<8x256xf32>
    %add3A_508 = arith.addf %add3A_506, %slice3A_507 : vector<8x256xf32>
    %slice3A_509 = vector.extract_strided_slice %get3A_120 {offsets = [104, 0], sizes = [8, 256], strides = [1, 1]} : vector<192x256xf32> to vector<8x256xf32>
    %add3A_510 = arith.addf %add3A_508, %slice3A_509 : vector<8x256xf32>
    %slice3A_511 = vector.extract_strided_slice %get3A_120 {offsets = [112, 0], sizes = [8, 256], strides = [1, 1]} : vector<192x256xf32> to vector<8x256xf32>
    %add3A_512 = arith.addf %add3A_510, %slice3A_511 : vector<8x256xf32>
    %slice3A_513 = vector.extract_strided_slice %get3A_120 {offsets = [120, 0], sizes = [8, 256], strides = [1, 1]} : vector<192x256xf32> to vector<8x256xf32>
    %add3A_514 = arith.addf %add3A_512, %slice3A_513 : vector<8x256xf32>
    %slice3A_515 = vector.extract_strided_slice %get3A_120 {offsets = [128, 0], sizes = [8, 256], strides = [1, 1]} : vector<192x256xf32> to vector<8x256xf32>
    %add3A_516 = arith.addf %add3A_514, %slice3A_515 : vector<8x256xf32>
    %slice3A_517 = vector.extract_strided_slice %get3A_120 {offsets = [136, 0], sizes = [8, 256], strides = [1, 1]} : vector<192x256xf32> to vector<8x256xf32>
    %add3A_518 = arith.addf %add3A_516, %slice3A_517 : vector<8x256xf32>
    %slice3A_519 = vector.extract_strided_slice %get3A_120 {offsets = [144, 0], sizes = [8, 256], strides = [1, 1]} : vector<192x256xf32> to vector<8x256xf32>
    %add3A_520 = arith.addf %add3A_518, %slice3A_519 : vector<8x256xf32>
    %slice3A_521 = vector.extract_strided_slice %get3A_120 {offsets = [152, 0], sizes = [8, 256], strides = [1, 1]} : vector<192x256xf32> to vector<8x256xf32>
    %add3A_522 = arith.addf %add3A_520, %slice3A_521 : vector<8x256xf32>
    %slice3A_523 = vector.extract_strided_slice %get3A_120 {offsets = [160, 0], sizes = [8, 256], strides = [1, 1]} : vector<192x256xf32> to vector<8x256xf32>
    %add3A_524 = arith.addf %add3A_522, %slice3A_523 : vector<8x256xf32>
    %slice3A_525 = vector.extract_strided_slice %get3A_120 {offsets = [168, 0], sizes = [8, 256], strides = [1, 1]} : vector<192x256xf32> to vector<8x256xf32>
    %add3A_526 = arith.addf %add3A_524, %slice3A_525 : vector<8x256xf32>
    %slice3A_527 = vector.extract_strided_slice %get3A_120 {offsets = [176, 0], sizes = [8, 256], strides = [1, 1]} : vector<192x256xf32> to vector<8x256xf32>
    %add3A_528 = arith.addf %add3A_526, %slice3A_527 : vector<8x256xf32>
    %slice3A_529 = vector.extract_strided_slice %get3A_120 {offsets = [184, 0], sizes = [8, 256], strides = [1, 1]} : vector<192x256xf32> to vector<8x256xf32>
    %add3A_530 = arith.addf %add3A_528, %slice3A_529 : vector<8x256xf32>
    %slice3A_531 = vector.extract_strided_slice %add3A_530 {offsets = [0, 0], sizes = [8, 128], strides = [1, 1]} : vector<8x256xf32> to vector<8x128xf32>
    %slice3A_532 = vector.extract_strided_slice %add3A_530 {offsets = [0, 128], sizes = [8, 128], strides = [1, 1]} : vector<8x256xf32> to vector<8x128xf32>
    %add3A_533 = arith.addf %slice3A_531, %slice3A_532 : vector<8x128xf32>
    %slice3A_534 = vector.extract_strided_slice %get3A_127 {offsets = [0, 0], sizes = [8, 256], strides = [1, 1]} : vector<192x256xf32> to vector<8x256xf32>
    %slice3A_535 = vector.extract_strided_slice %get3A_127 {offsets = [8, 0], sizes = [8, 256], strides = [1, 1]} : vector<192x256xf32> to vector<8x256xf32>
    %add3A_536 = arith.addf %slice3A_534, %slice3A_535 : vector<8x256xf32>
    %slice3A_537 = vector.extract_strided_slice %get3A_127 {offsets = [16, 0], sizes = [8, 256], strides = [1, 1]} : vector<192x256xf32> to vector<8x256xf32>
    %add3A_538 = arith.addf %add3A_536, %slice3A_537 : vector<8x256xf32>
    %slice3A_539 = vector.extract_strided_slice %get3A_127 {offsets = [24, 0], sizes = [8, 256], strides = [1, 1]} : vector<192x256xf32> to vector<8x256xf32>
    %add3A_540 = arith.addf %add3A_538, %slice3A_539 : vector<8x256xf32>
    %slice3A_541 = vector.extract_strided_slice %get3A_127 {offsets = [32, 0], sizes = [8, 256], strides = [1, 1]} : vector<192x256xf32> to vector<8x256xf32>
    %add3A_542 = arith.addf %add3A_540, %slice3A_541 : vector<8x256xf32>
    %slice3A_543 = vector.extract_strided_slice %get3A_127 {offsets = [40, 0], sizes = [8, 256], strides = [1, 1]} : vector<192x256xf32> to vector<8x256xf32>
    %add3A_544 = arith.addf %add3A_542, %slice3A_543 : vector<8x256xf32>
    %slice3A_545 = vector.extract_strided_slice %get3A_127 {offsets = [48, 0], sizes = [8, 256], strides = [1, 1]} : vector<192x256xf32> to vector<8x256xf32>
    %add3A_546 = arith.addf %add3A_544, %slice3A_545 : vector<8x256xf32>
    %slice3A_547 = vector.extract_strided_slice %get3A_127 {offsets = [56, 0], sizes = [8, 256], strides = [1, 1]} : vector<192x256xf32> to vector<8x256xf32>
    %add3A_548 = arith.addf %add3A_546, %slice3A_547 : vector<8x256xf32>
    %slice3A_549 = vector.extract_strided_slice %get3A_127 {offsets = [64, 0], sizes = [8, 256], strides = [1, 1]} : vector<192x256xf32> to vector<8x256xf32>
    %add3A_550 = arith.addf %add3A_548, %slice3A_549 : vector<8x256xf32>
    %slice3A_551 = vector.extract_strided_slice %get3A_127 {offsets = [72, 0], sizes = [8, 256], strides = [1, 1]} : vector<192x256xf32> to vector<8x256xf32>
    %add3A_552 = arith.addf %add3A_550, %slice3A_551 : vector<8x256xf32>
    %slice3A_553 = vector.extract_strided_slice %get3A_127 {offsets = [80, 0], sizes = [8, 256], strides = [1, 1]} : vector<192x256xf32> to vector<8x256xf32>
    %add3A_554 = arith.addf %add3A_552, %slice3A_553 : vector<8x256xf32>
    %slice3A_555 = vector.extract_strided_slice %get3A_127 {offsets = [88, 0], sizes = [8, 256], strides = [1, 1]} : vector<192x256xf32> to vector<8x256xf32>
    %add3A_556 = arith.addf %add3A_554, %slice3A_555 : vector<8x256xf32>
    %slice3A_557 = vector.extract_strided_slice %get3A_127 {offsets = [96, 0], sizes = [8, 256], strides = [1, 1]} : vector<192x256xf32> to vector<8x256xf32>
    %add3A_558 = arith.addf %add3A_556, %slice3A_557 : vector<8x256xf32>
    %slice3A_559 = vector.extract_strided_slice %get3A_127 {offsets = [104, 0], sizes = [8, 256], strides = [1, 1]} : vector<192x256xf32> to vector<8x256xf32>
    %add3A_560 = arith.addf %add3A_558, %slice3A_559 : vector<8x256xf32>
    %slice3A_561 = vector.extract_strided_slice %get3A_127 {offsets = [112, 0], sizes = [8, 256], strides = [1, 1]} : vector<192x256xf32> to vector<8x256xf32>
    %add3A_562 = arith.addf %add3A_560, %slice3A_561 : vector<8x256xf32>
    %slice3A_563 = vector.extract_strided_slice %get3A_127 {offsets = [120, 0], sizes = [8, 256], strides = [1, 1]} : vector<192x256xf32> to vector<8x256xf32>
    %add3A_564 = arith.addf %add3A_562, %slice3A_563 : vector<8x256xf32>
    %slice3A_565 = vector.extract_strided_slice %get3A_127 {offsets = [128, 0], sizes = [8, 256], strides = [1, 1]} : vector<192x256xf32> to vector<8x256xf32>
    %add3A_566 = arith.addf %add3A_564, %slice3A_565 : vector<8x256xf32>
    %slice3A_567 = vector.extract_strided_slice %get3A_127 {offsets = [136, 0], sizes = [8, 256], strides = [1, 1]} : vector<192x256xf32> to vector<8x256xf32>
    %add3A_568 = arith.addf %add3A_566, %slice3A_567 : vector<8x256xf32>
    %slice3A_569 = vector.extract_strided_slice %get3A_127 {offsets = [144, 0], sizes = [8, 256], strides = [1, 1]} : vector<192x256xf32> to vector<8x256xf32>
    %add3A_570 = arith.addf %add3A_568, %slice3A_569 : vector<8x256xf32>
    %slice3A_571 = vector.extract_strided_slice %get3A_127 {offsets = [152, 0], sizes = [8, 256], strides = [1, 1]} : vector<192x256xf32> to vector<8x256xf32>
    %add3A_572 = arith.addf %add3A_570, %slice3A_571 : vector<8x256xf32>
    %slice3A_573 = vector.extract_strided_slice %get3A_127 {offsets = [160, 0], sizes = [8, 256], strides = [1, 1]} : vector<192x256xf32> to vector<8x256xf32>
    %add3A_574 = arith.addf %add3A_572, %slice3A_573 : vector<8x256xf32>
    %slice3A_575 = vector.extract_strided_slice %get3A_127 {offsets = [168, 0], sizes = [8, 256], strides = [1, 1]} : vector<192x256xf32> to vector<8x256xf32>
    %add3A_576 = arith.addf %add3A_574, %slice3A_575 : vector<8x256xf32>
    %slice3A_577 = vector.extract_strided_slice %get3A_127 {offsets = [176, 0], sizes = [8, 256], strides = [1, 1]} : vector<192x256xf32> to vector<8x256xf32>
    %add3A_578 = arith.addf %add3A_576, %slice3A_577 : vector<8x256xf32>
    %slice3A_579 = vector.extract_strided_slice %get3A_127 {offsets = [184, 0], sizes = [8, 256], strides = [1, 1]} : vector<192x256xf32> to vector<8x256xf32>
    %add3A_580 = arith.addf %add3A_578, %slice3A_579 : vector<8x256xf32>
    %slice3A_581 = vector.extract_strided_slice %add3A_580 {offsets = [0, 0], sizes = [8, 128], strides = [1, 1]} : vector<8x256xf32> to vector<8x128xf32>
    %slice3A_582 = vector.extract_strided_slice %add3A_580 {offsets = [0, 128], sizes = [8, 128], strides = [1, 1]} : vector<8x256xf32> to vector<8x128xf32>
    %add3A_583 = arith.addf %slice3A_581, %slice3A_582 : vector<8x128xf32>
    %slice3A_584 = vector.extract_strided_slice %get3A_134 {offsets = [0, 0], sizes = [8, 256], strides = [1, 1]} : vector<192x256xf32> to vector<8x256xf32>
    %slice3A_585 = vector.extract_strided_slice %get3A_134 {offsets = [8, 0], sizes = [8, 256], strides = [1, 1]} : vector<192x256xf32> to vector<8x256xf32>
    %add3A_586 = arith.addf %slice3A_584, %slice3A_585 : vector<8x256xf32>
    %slice3A_587 = vector.extract_strided_slice %get3A_134 {offsets = [16, 0], sizes = [8, 256], strides = [1, 1]} : vector<192x256xf32> to vector<8x256xf32>
    %add3A_588 = arith.addf %add3A_586, %slice3A_587 : vector<8x256xf32>
    %slice3A_589 = vector.extract_strided_slice %get3A_134 {offsets = [24, 0], sizes = [8, 256], strides = [1, 1]} : vector<192x256xf32> to vector<8x256xf32>
    %add3A_590 = arith.addf %add3A_588, %slice3A_589 : vector<8x256xf32>
    %slice3A_591 = vector.extract_strided_slice %get3A_134 {offsets = [32, 0], sizes = [8, 256], strides = [1, 1]} : vector<192x256xf32> to vector<8x256xf32>
    %add3A_592 = arith.addf %add3A_590, %slice3A_591 : vector<8x256xf32>
    %slice3A_593 = vector.extract_strided_slice %get3A_134 {offsets = [40, 0], sizes = [8, 256], strides = [1, 1]} : vector<192x256xf32> to vector<8x256xf32>
    %add3A_594 = arith.addf %add3A_592, %slice3A_593 : vector<8x256xf32>
    %slice3A_595 = vector.extract_strided_slice %get3A_134 {offsets = [48, 0], sizes = [8, 256], strides = [1, 1]} : vector<192x256xf32> to vector<8x256xf32>
    %add3A_596 = arith.addf %add3A_594, %slice3A_595 : vector<8x256xf32>
    %slice3A_597 = vector.extract_strided_slice %get3A_134 {offsets = [56, 0], sizes = [8, 256], strides = [1, 1]} : vector<192x256xf32> to vector<8x256xf32>
    %add3A_598 = arith.addf %add3A_596, %slice3A_597 : vector<8x256xf32>
    %slice3A_599 = vector.extract_strided_slice %get3A_134 {offsets = [64, 0], sizes = [8, 256], strides = [1, 1]} : vector<192x256xf32> to vector<8x256xf32>
    %add3A_600 = arith.addf %add3A_598, %slice3A_599 : vector<8x256xf32>
    %slice3A_601 = vector.extract_strided_slice %get3A_134 {offsets = [72, 0], sizes = [8, 256], strides = [1, 1]} : vector<192x256xf32> to vector<8x256xf32>
    %add3A_602 = arith.addf %add3A_600, %slice3A_601 : vector<8x256xf32>
    %slice3A_603 = vector.extract_strided_slice %get3A_134 {offsets = [80, 0], sizes = [8, 256], strides = [1, 1]} : vector<192x256xf32> to vector<8x256xf32>
    %add3A_604 = arith.addf %add3A_602, %slice3A_603 : vector<8x256xf32>
    %slice3A_605 = vector.extract_strided_slice %get3A_134 {offsets = [88, 0], sizes = [8, 256], strides = [1, 1]} : vector<192x256xf32> to vector<8x256xf32>
    %add3A_606 = arith.addf %add3A_604, %slice3A_605 : vector<8x256xf32>
    %slice3A_607 = vector.extract_strided_slice %get3A_134 {offsets = [96, 0], sizes = [8, 256], strides = [1, 1]} : vector<192x256xf32> to vector<8x256xf32>
    %add3A_608 = arith.addf %add3A_606, %slice3A_607 : vector<8x256xf32>
    %slice3A_609 = vector.extract_strided_slice %get3A_134 {offsets = [104, 0], sizes = [8, 256], strides = [1, 1]} : vector<192x256xf32> to vector<8x256xf32>
    %add3A_610 = arith.addf %add3A_608, %slice3A_609 : vector<8x256xf32>
    %slice3A_611 = vector.extract_strided_slice %get3A_134 {offsets = [112, 0], sizes = [8, 256], strides = [1, 1]} : vector<192x256xf32> to vector<8x256xf32>
    %add3A_612 = arith.addf %add3A_610, %slice3A_611 : vector<8x256xf32>
    %slice3A_613 = vector.extract_strided_slice %get3A_134 {offsets = [120, 0], sizes = [8, 256], strides = [1, 1]} : vector<192x256xf32> to vector<8x256xf32>
    %add3A_614 = arith.addf %add3A_612, %slice3A_613 : vector<8x256xf32>
    %slice3A_615 = vector.extract_strided_slice %get3A_134 {offsets = [128, 0], sizes = [8, 256], strides = [1, 1]} : vector<192x256xf32> to vector<8x256xf32>
    %add3A_616 = arith.addf %add3A_614, %slice3A_615 : vector<8x256xf32>
    %slice3A_617 = vector.extract_strided_slice %get3A_134 {offsets = [136, 0], sizes = [8, 256], strides = [1, 1]} : vector<192x256xf32> to vector<8x256xf32>
    %add3A_618 = arith.addf %add3A_616, %slice3A_617 : vector<8x256xf32>
    %slice3A_619 = vector.extract_strided_slice %get3A_134 {offsets = [144, 0], sizes = [8, 256], strides = [1, 1]} : vector<192x256xf32> to vector<8x256xf32>
    %add3A_620 = arith.addf %add3A_618, %slice3A_619 : vector<8x256xf32>
    %slice3A_621 = vector.extract_strided_slice %get3A_134 {offsets = [152, 0], sizes = [8, 256], strides = [1, 1]} : vector<192x256xf32> to vector<8x256xf32>
    %add3A_622 = arith.addf %add3A_620, %slice3A_621 : vector<8x256xf32>
    %slice3A_623 = vector.extract_strided_slice %get3A_134 {offsets = [160, 0], sizes = [8, 256], strides = [1, 1]} : vector<192x256xf32> to vector<8x256xf32>
    %add3A_624 = arith.addf %add3A_622, %slice3A_623 : vector<8x256xf32>
    %slice3A_625 = vector.extract_strided_slice %get3A_134 {offsets = [168, 0], sizes = [8, 256], strides = [1, 1]} : vector<192x256xf32> to vector<8x256xf32>
    %add3A_626 = arith.addf %add3A_624, %slice3A_625 : vector<8x256xf32>
    %slice3A_627 = vector.extract_strided_slice %get3A_134 {offsets = [176, 0], sizes = [8, 256], strides = [1, 1]} : vector<192x256xf32> to vector<8x256xf32>
    %add3A_628 = arith.addf %add3A_626, %slice3A_627 : vector<8x256xf32>
    %slice3A_629 = vector.extract_strided_slice %get3A_134 {offsets = [184, 0], sizes = [8, 256], strides = [1, 1]} : vector<192x256xf32> to vector<8x256xf32>
    %add3A_630 = arith.addf %add3A_628, %slice3A_629 : vector<8x256xf32>
    %slice3A_631 = vector.extract_strided_slice %add3A_630 {offsets = [0, 0], sizes = [8, 128], strides = [1, 1]} : vector<8x256xf32> to vector<8x128xf32>
    %slice3A_632 = vector.extract_strided_slice %add3A_630 {offsets = [0, 128], sizes = [8, 128], strides = [1, 1]} : vector<8x256xf32> to vector<8x128xf32>
    %add3A_633 = arith.addf %slice3A_631, %slice3A_632 : vector<8x128xf32>
    %slice3A_634 = vector.extract_strided_slice %select_n3A {offsets = [0, 0], sizes = [8, 256], strides = [1, 1]} : vector<192x256xf32> to vector<8x256xf32>
    %slice3A_635 = vector.extract_strided_slice %select_n3A {offsets = [8, 0], sizes = [8, 256], strides = [1, 1]} : vector<192x256xf32> to vector<8x256xf32>
    %add3A_636 = arith.addf %slice3A_634, %slice3A_635 : vector<8x256xf32>
    %slice3A_637 = vector.extract_strided_slice %select_n3A {offsets = [16, 0], sizes = [8, 256], strides = [1, 1]} : vector<192x256xf32> to vector<8x256xf32>
    %add3A_638 = arith.addf %add3A_636, %slice3A_637 : vector<8x256xf32>
    %slice3A_639 = vector.extract_strided_slice %select_n3A {offsets = [24, 0], sizes = [8, 256], strides = [1, 1]} : vector<192x256xf32> to vector<8x256xf32>
    %add3A_640 = arith.addf %add3A_638, %slice3A_639 : vector<8x256xf32>
    %slice3A_641 = vector.extract_strided_slice %select_n3A {offsets = [32, 0], sizes = [8, 256], strides = [1, 1]} : vector<192x256xf32> to vector<8x256xf32>
    %add3A_642 = arith.addf %add3A_640, %slice3A_641 : vector<8x256xf32>
    %slice3A_643 = vector.extract_strided_slice %select_n3A {offsets = [40, 0], sizes = [8, 256], strides = [1, 1]} : vector<192x256xf32> to vector<8x256xf32>
    %add3A_644 = arith.addf %add3A_642, %slice3A_643 : vector<8x256xf32>
    %slice3A_645 = vector.extract_strided_slice %select_n3A {offsets = [48, 0], sizes = [8, 256], strides = [1, 1]} : vector<192x256xf32> to vector<8x256xf32>
    %add3A_646 = arith.addf %add3A_644, %slice3A_645 : vector<8x256xf32>
    %slice3A_647 = vector.extract_strided_slice %select_n3A {offsets = [56, 0], sizes = [8, 256], strides = [1, 1]} : vector<192x256xf32> to vector<8x256xf32>
    %add3A_648 = arith.addf %add3A_646, %slice3A_647 : vector<8x256xf32>
    %slice3A_649 = vector.extract_strided_slice %select_n3A {offsets = [64, 0], sizes = [8, 256], strides = [1, 1]} : vector<192x256xf32> to vector<8x256xf32>
    %add3A_650 = arith.addf %add3A_648, %slice3A_649 : vector<8x256xf32>
    %slice3A_651 = vector.extract_strided_slice %select_n3A {offsets = [72, 0], sizes = [8, 256], strides = [1, 1]} : vector<192x256xf32> to vector<8x256xf32>
    %add3A_652 = arith.addf %add3A_650, %slice3A_651 : vector<8x256xf32>
    %slice3A_653 = vector.extract_strided_slice %select_n3A {offsets = [80, 0], sizes = [8, 256], strides = [1, 1]} : vector<192x256xf32> to vector<8x256xf32>
    %add3A_654 = arith.addf %add3A_652, %slice3A_653 : vector<8x256xf32>
    %slice3A_655 = vector.extract_strided_slice %select_n3A {offsets = [88, 0], sizes = [8, 256], strides = [1, 1]} : vector<192x256xf32> to vector<8x256xf32>
    %add3A_656 = arith.addf %add3A_654, %slice3A_655 : vector<8x256xf32>
    %slice3A_657 = vector.extract_strided_slice %select_n3A {offsets = [96, 0], sizes = [8, 256], strides = [1, 1]} : vector<192x256xf32> to vector<8x256xf32>
    %add3A_658 = arith.addf %add3A_656, %slice3A_657 : vector<8x256xf32>
    %slice3A_659 = vector.extract_strided_slice %select_n3A {offsets = [104, 0], sizes = [8, 256], strides = [1, 1]} : vector<192x256xf32> to vector<8x256xf32>
    %add3A_660 = arith.addf %add3A_658, %slice3A_659 : vector<8x256xf32>
    %slice3A_661 = vector.extract_strided_slice %select_n3A {offsets = [112, 0], sizes = [8, 256], strides = [1, 1]} : vector<192x256xf32> to vector<8x256xf32>
    %add3A_662 = arith.addf %add3A_660, %slice3A_661 : vector<8x256xf32>
    %slice3A_663 = vector.extract_strided_slice %select_n3A {offsets = [120, 0], sizes = [8, 256], strides = [1, 1]} : vector<192x256xf32> to vector<8x256xf32>
    %add3A_664 = arith.addf %add3A_662, %slice3A_663 : vector<8x256xf32>
    %slice3A_665 = vector.extract_strided_slice %select_n3A {offsets = [128, 0], sizes = [8, 256], strides = [1, 1]} : vector<192x256xf32> to vector<8x256xf32>
    %add3A_666 = arith.addf %add3A_664, %slice3A_665 : vector<8x256xf32>
    %slice3A_667 = vector.extract_strided_slice %select_n3A {offsets = [136, 0], sizes = [8, 256], strides = [1, 1]} : vector<192x256xf32> to vector<8x256xf32>
    %add3A_668 = arith.addf %add3A_666, %slice3A_667 : vector<8x256xf32>
    %slice3A_669 = vector.extract_strided_slice %select_n3A {offsets = [144, 0], sizes = [8, 256], strides = [1, 1]} : vector<192x256xf32> to vector<8x256xf32>
    %add3A_670 = arith.addf %add3A_668, %slice3A_669 : vector<8x256xf32>
    %slice3A_671 = vector.extract_strided_slice %select_n3A {offsets = [152, 0], sizes = [8, 256], strides = [1, 1]} : vector<192x256xf32> to vector<8x256xf32>
    %add3A_672 = arith.addf %add3A_670, %slice3A_671 : vector<8x256xf32>
    %slice3A_673 = vector.extract_strided_slice %select_n3A {offsets = [160, 0], sizes = [8, 256], strides = [1, 1]} : vector<192x256xf32> to vector<8x256xf32>
    %add3A_674 = arith.addf %add3A_672, %slice3A_673 : vector<8x256xf32>
    %slice3A_675 = vector.extract_strided_slice %select_n3A {offsets = [168, 0], sizes = [8, 256], strides = [1, 1]} : vector<192x256xf32> to vector<8x256xf32>
    %add3A_676 = arith.addf %add3A_674, %slice3A_675 : vector<8x256xf32>
    %slice3A_677 = vector.extract_strided_slice %select_n3A {offsets = [176, 0], sizes = [8, 256], strides = [1, 1]} : vector<192x256xf32> to vector<8x256xf32>
    %add3A_678 = arith.addf %add3A_676, %slice3A_677 : vector<8x256xf32>
    %slice3A_679 = vector.extract_strided_slice %select_n3A {offsets = [184, 0], sizes = [8, 256], strides = [1, 1]} : vector<192x256xf32> to vector<8x256xf32>
    %add3A_680 = arith.addf %add3A_678, %slice3A_679 : vector<8x256xf32>
    %slice3A_681 = vector.extract_strided_slice %add3A_680 {offsets = [0, 0], sizes = [8, 128], strides = [1, 1]} : vector<8x256xf32> to vector<8x128xf32>
    %slice3A_682 = vector.extract_strided_slice %add3A_680 {offsets = [0, 128], sizes = [8, 128], strides = [1, 1]} : vector<8x256xf32> to vector<8x128xf32>
    %add3A_683 = arith.addf %slice3A_681, %slice3A_682 : vector<8x128xf32>
    %slice3A_684 = vector.extract_strided_slice %select_n3A_17 {offsets = [0, 0], sizes = [8, 256], strides = [1, 1]} : vector<192x256xf32> to vector<8x256xf32>
    %slice3A_685 = vector.extract_strided_slice %select_n3A_17 {offsets = [8, 0], sizes = [8, 256], strides = [1, 1]} : vector<192x256xf32> to vector<8x256xf32>
    %add3A_686 = arith.addf %slice3A_684, %slice3A_685 : vector<8x256xf32>
    %slice3A_687 = vector.extract_strided_slice %select_n3A_17 {offsets = [16, 0], sizes = [8, 256], strides = [1, 1]} : vector<192x256xf32> to vector<8x256xf32>
    %add3A_688 = arith.addf %add3A_686, %slice3A_687 : vector<8x256xf32>
    %slice3A_689 = vector.extract_strided_slice %select_n3A_17 {offsets = [24, 0], sizes = [8, 256], strides = [1, 1]} : vector<192x256xf32> to vector<8x256xf32>
    %add3A_690 = arith.addf %add3A_688, %slice3A_689 : vector<8x256xf32>
    %slice3A_691 = vector.extract_strided_slice %select_n3A_17 {offsets = [32, 0], sizes = [8, 256], strides = [1, 1]} : vector<192x256xf32> to vector<8x256xf32>
    %add3A_692 = arith.addf %add3A_690, %slice3A_691 : vector<8x256xf32>
    %slice3A_693 = vector.extract_strided_slice %select_n3A_17 {offsets = [40, 0], sizes = [8, 256], strides = [1, 1]} : vector<192x256xf32> to vector<8x256xf32>
    %add3A_694 = arith.addf %add3A_692, %slice3A_693 : vector<8x256xf32>
    %slice3A_695 = vector.extract_strided_slice %select_n3A_17 {offsets = [48, 0], sizes = [8, 256], strides = [1, 1]} : vector<192x256xf32> to vector<8x256xf32>
    %add3A_696 = arith.addf %add3A_694, %slice3A_695 : vector<8x256xf32>
    %slice3A_697 = vector.extract_strided_slice %select_n3A_17 {offsets = [56, 0], sizes = [8, 256], strides = [1, 1]} : vector<192x256xf32> to vector<8x256xf32>
    %add3A_698 = arith.addf %add3A_696, %slice3A_697 : vector<8x256xf32>
    %slice3A_699 = vector.extract_strided_slice %select_n3A_17 {offsets = [64, 0], sizes = [8, 256], strides = [1, 1]} : vector<192x256xf32> to vector<8x256xf32>
    %add3A_700 = arith.addf %add3A_698, %slice3A_699 : vector<8x256xf32>
    %slice3A_701 = vector.extract_strided_slice %select_n3A_17 {offsets = [72, 0], sizes = [8, 256], strides = [1, 1]} : vector<192x256xf32> to vector<8x256xf32>
    %add3A_702 = arith.addf %add3A_700, %slice3A_701 : vector<8x256xf32>
    %slice3A_703 = vector.extract_strided_slice %select_n3A_17 {offsets = [80, 0], sizes = [8, 256], strides = [1, 1]} : vector<192x256xf32> to vector<8x256xf32>
    %add3A_704 = arith.addf %add3A_702, %slice3A_703 : vector<8x256xf32>
    %slice3A_705 = vector.extract_strided_slice %select_n3A_17 {offsets = [88, 0], sizes = [8, 256], strides = [1, 1]} : vector<192x256xf32> to vector<8x256xf32>
    %add3A_706 = arith.addf %add3A_704, %slice3A_705 : vector<8x256xf32>
    %slice3A_707 = vector.extract_strided_slice %select_n3A_17 {offsets = [96, 0], sizes = [8, 256], strides = [1, 1]} : vector<192x256xf32> to vector<8x256xf32>
    %add3A_708 = arith.addf %add3A_706, %slice3A_707 : vector<8x256xf32>
    %slice3A_709 = vector.extract_strided_slice %select_n3A_17 {offsets = [104, 0], sizes = [8, 256], strides = [1, 1]} : vector<192x256xf32> to vector<8x256xf32>
    %add3A_710 = arith.addf %add3A_708, %slice3A_709 : vector<8x256xf32>
    %slice3A_711 = vector.extract_strided_slice %select_n3A_17 {offsets = [112, 0], sizes = [8, 256], strides = [1, 1]} : vector<192x256xf32> to vector<8x256xf32>
    %add3A_712 = arith.addf %add3A_710, %slice3A_711 : vector<8x256xf32>
    %slice3A_713 = vector.extract_strided_slice %select_n3A_17 {offsets = [120, 0], sizes = [8, 256], strides = [1, 1]} : vector<192x256xf32> to vector<8x256xf32>
    %add3A_714 = arith.addf %add3A_712, %slice3A_713 : vector<8x256xf32>
    %slice3A_715 = vector.extract_strided_slice %select_n3A_17 {offsets = [128, 0], sizes = [8, 256], strides = [1, 1]} : vector<192x256xf32> to vector<8x256xf32>
    %add3A_716 = arith.addf %add3A_714, %slice3A_715 : vector<8x256xf32>
    %slice3A_717 = vector.extract_strided_slice %select_n3A_17 {offsets = [136, 0], sizes = [8, 256], strides = [1, 1]} : vector<192x256xf32> to vector<8x256xf32>
    %add3A_718 = arith.addf %add3A_716, %slice3A_717 : vector<8x256xf32>
    %slice3A_719 = vector.extract_strided_slice %select_n3A_17 {offsets = [144, 0], sizes = [8, 256], strides = [1, 1]} : vector<192x256xf32> to vector<8x256xf32>
    %add3A_720 = arith.addf %add3A_718, %slice3A_719 : vector<8x256xf32>
    %slice3A_721 = vector.extract_strided_slice %select_n3A_17 {offsets = [152, 0], sizes = [8, 256], strides = [1, 1]} : vector<192x256xf32> to vector<8x256xf32>
    %add3A_722 = arith.addf %add3A_720, %slice3A_721 : vector<8x256xf32>
    %slice3A_723 = vector.extract_strided_slice %select_n3A_17 {offsets = [160, 0], sizes = [8, 256], strides = [1, 1]} : vector<192x256xf32> to vector<8x256xf32>
    %add3A_724 = arith.addf %add3A_722, %slice3A_723 : vector<8x256xf32>
    %slice3A_725 = vector.extract_strided_slice %select_n3A_17 {offsets = [168, 0], sizes = [8, 256], strides = [1, 1]} : vector<192x256xf32> to vector<8x256xf32>
    %add3A_726 = arith.addf %add3A_724, %slice3A_725 : vector<8x256xf32>
    %slice3A_727 = vector.extract_strided_slice %select_n3A_17 {offsets = [176, 0], sizes = [8, 256], strides = [1, 1]} : vector<192x256xf32> to vector<8x256xf32>
    %add3A_728 = arith.addf %add3A_726, %slice3A_727 : vector<8x256xf32>
    %slice3A_729 = vector.extract_strided_slice %select_n3A_17 {offsets = [184, 0], sizes = [8, 256], strides = [1, 1]} : vector<192x256xf32> to vector<8x256xf32>
    %add3A_730 = arith.addf %add3A_728, %slice3A_729 : vector<8x256xf32>
    %slice3A_731 = vector.extract_strided_slice %add3A_730 {offsets = [0, 0], sizes = [8, 128], strides = [1, 1]} : vector<8x256xf32> to vector<8x128xf32>
    %slice3A_732 = vector.extract_strided_slice %add3A_730 {offsets = [0, 128], sizes = [8, 128], strides = [1, 1]} : vector<8x256xf32> to vector<8x128xf32>
    %add3A_733 = arith.addf %slice3A_731, %slice3A_732 : vector<8x128xf32>
    %slice3A_734 = vector.extract_strided_slice %select_n3A_25 {offsets = [0, 0], sizes = [8, 256], strides = [1, 1]} : vector<192x256xf32> to vector<8x256xf32>
    %slice3A_735 = vector.extract_strided_slice %select_n3A_25 {offsets = [8, 0], sizes = [8, 256], strides = [1, 1]} : vector<192x256xf32> to vector<8x256xf32>
    %add3A_736 = arith.addf %slice3A_734, %slice3A_735 : vector<8x256xf32>
    %slice3A_737 = vector.extract_strided_slice %select_n3A_25 {offsets = [16, 0], sizes = [8, 256], strides = [1, 1]} : vector<192x256xf32> to vector<8x256xf32>
    %add3A_738 = arith.addf %add3A_736, %slice3A_737 : vector<8x256xf32>
    %slice3A_739 = vector.extract_strided_slice %select_n3A_25 {offsets = [24, 0], sizes = [8, 256], strides = [1, 1]} : vector<192x256xf32> to vector<8x256xf32>
    %add3A_740 = arith.addf %add3A_738, %slice3A_739 : vector<8x256xf32>
    %slice3A_741 = vector.extract_strided_slice %select_n3A_25 {offsets = [32, 0], sizes = [8, 256], strides = [1, 1]} : vector<192x256xf32> to vector<8x256xf32>
    %add3A_742 = arith.addf %add3A_740, %slice3A_741 : vector<8x256xf32>
    %slice3A_743 = vector.extract_strided_slice %select_n3A_25 {offsets = [40, 0], sizes = [8, 256], strides = [1, 1]} : vector<192x256xf32> to vector<8x256xf32>
    %add3A_744 = arith.addf %add3A_742, %slice3A_743 : vector<8x256xf32>
    %slice3A_745 = vector.extract_strided_slice %select_n3A_25 {offsets = [48, 0], sizes = [8, 256], strides = [1, 1]} : vector<192x256xf32> to vector<8x256xf32>
    %add3A_746 = arith.addf %add3A_744, %slice3A_745 : vector<8x256xf32>
    %slice3A_747 = vector.extract_strided_slice %select_n3A_25 {offsets = [56, 0], sizes = [8, 256], strides = [1, 1]} : vector<192x256xf32> to vector<8x256xf32>
    %add3A_748 = arith.addf %add3A_746, %slice3A_747 : vector<8x256xf32>
    %slice3A_749 = vector.extract_strided_slice %select_n3A_25 {offsets = [64, 0], sizes = [8, 256], strides = [1, 1]} : vector<192x256xf32> to vector<8x256xf32>
    %add3A_750 = arith.addf %add3A_748, %slice3A_749 : vector<8x256xf32>
    %slice3A_751 = vector.extract_strided_slice %select_n3A_25 {offsets = [72, 0], sizes = [8, 256], strides = [1, 1]} : vector<192x256xf32> to vector<8x256xf32>
    %add3A_752 = arith.addf %add3A_750, %slice3A_751 : vector<8x256xf32>
    %slice3A_753 = vector.extract_strided_slice %select_n3A_25 {offsets = [80, 0], sizes = [8, 256], strides = [1, 1]} : vector<192x256xf32> to vector<8x256xf32>
    %add3A_754 = arith.addf %add3A_752, %slice3A_753 : vector<8x256xf32>
    %slice3A_755 = vector.extract_strided_slice %select_n3A_25 {offsets = [88, 0], sizes = [8, 256], strides = [1, 1]} : vector<192x256xf32> to vector<8x256xf32>
    %add3A_756 = arith.addf %add3A_754, %slice3A_755 : vector<8x256xf32>
    %slice3A_757 = vector.extract_strided_slice %select_n3A_25 {offsets = [96, 0], sizes = [8, 256], strides = [1, 1]} : vector<192x256xf32> to vector<8x256xf32>
    %add3A_758 = arith.addf %add3A_756, %slice3A_757 : vector<8x256xf32>
    %slice3A_759 = vector.extract_strided_slice %select_n3A_25 {offsets = [104, 0], sizes = [8, 256], strides = [1, 1]} : vector<192x256xf32> to vector<8x256xf32>
    %add3A_760 = arith.addf %add3A_758, %slice3A_759 : vector<8x256xf32>
    %slice3A_761 = vector.extract_strided_slice %select_n3A_25 {offsets = [112, 0], sizes = [8, 256], strides = [1, 1]} : vector<192x256xf32> to vector<8x256xf32>
    %add3A_762 = arith.addf %add3A_760, %slice3A_761 : vector<8x256xf32>
    %slice3A_763 = vector.extract_strided_slice %select_n3A_25 {offsets = [120, 0], sizes = [8, 256], strides = [1, 1]} : vector<192x256xf32> to vector<8x256xf32>
    %add3A_764 = arith.addf %add3A_762, %slice3A_763 : vector<8x256xf32>
    %slice3A_765 = vector.extract_strided_slice %select_n3A_25 {offsets = [128, 0], sizes = [8, 256], strides = [1, 1]} : vector<192x256xf32> to vector<8x256xf32>
    %add3A_766 = arith.addf %add3A_764, %slice3A_765 : vector<8x256xf32>
    %slice3A_767 = vector.extract_strided_slice %select_n3A_25 {offsets = [136, 0], sizes = [8, 256], strides = [1, 1]} : vector<192x256xf32> to vector<8x256xf32>
    %add3A_768 = arith.addf %add3A_766, %slice3A_767 : vector<8x256xf32>
    %slice3A_769 = vector.extract_strided_slice %select_n3A_25 {offsets = [144, 0], sizes = [8, 256], strides = [1, 1]} : vector<192x256xf32> to vector<8x256xf32>
    %add3A_770 = arith.addf %add3A_768, %slice3A_769 : vector<8x256xf32>
    %slice3A_771 = vector.extract_strided_slice %select_n3A_25 {offsets = [152, 0], sizes = [8, 256], strides = [1, 1]} : vector<192x256xf32> to vector<8x256xf32>
    %add3A_772 = arith.addf %add3A_770, %slice3A_771 : vector<8x256xf32>
    %slice3A_773 = vector.extract_strided_slice %select_n3A_25 {offsets = [160, 0], sizes = [8, 256], strides = [1, 1]} : vector<192x256xf32> to vector<8x256xf32>
    %add3A_774 = arith.addf %add3A_772, %slice3A_773 : vector<8x256xf32>
    %slice3A_775 = vector.extract_strided_slice %select_n3A_25 {offsets = [168, 0], sizes = [8, 256], strides = [1, 1]} : vector<192x256xf32> to vector<8x256xf32>
    %add3A_776 = arith.addf %add3A_774, %slice3A_775 : vector<8x256xf32>
    %slice3A_777 = vector.extract_strided_slice %select_n3A_25 {offsets = [176, 0], sizes = [8, 256], strides = [1, 1]} : vector<192x256xf32> to vector<8x256xf32>
    %add3A_778 = arith.addf %add3A_776, %slice3A_777 : vector<8x256xf32>
    %slice3A_779 = vector.extract_strided_slice %select_n3A_25 {offsets = [184, 0], sizes = [8, 256], strides = [1, 1]} : vector<192x256xf32> to vector<8x256xf32>
    %add3A_780 = arith.addf %add3A_778, %slice3A_779 : vector<8x256xf32>
    %slice3A_781 = vector.extract_strided_slice %add3A_780 {offsets = [0, 0], sizes = [8, 128], strides = [1, 1]} : vector<8x256xf32> to vector<8x128xf32>
    %slice3A_782 = vector.extract_strided_slice %add3A_780 {offsets = [0, 128], sizes = [8, 128], strides = [1, 1]} : vector<8x256xf32> to vector<8x128xf32>
    %add3A_783 = arith.addf %slice3A_781, %slice3A_782 : vector<8x128xf32>
    %slice3A_784 = vector.extract_strided_slice %select_n3A_33 {offsets = [0, 0], sizes = [8, 256], strides = [1, 1]} : vector<192x256xf32> to vector<8x256xf32>
    %slice3A_785 = vector.extract_strided_slice %select_n3A_33 {offsets = [8, 0], sizes = [8, 256], strides = [1, 1]} : vector<192x256xf32> to vector<8x256xf32>
    %add3A_786 = arith.addf %slice3A_784, %slice3A_785 : vector<8x256xf32>
    %slice3A_787 = vector.extract_strided_slice %select_n3A_33 {offsets = [16, 0], sizes = [8, 256], strides = [1, 1]} : vector<192x256xf32> to vector<8x256xf32>
    %add3A_788 = arith.addf %add3A_786, %slice3A_787 : vector<8x256xf32>
    %slice3A_789 = vector.extract_strided_slice %select_n3A_33 {offsets = [24, 0], sizes = [8, 256], strides = [1, 1]} : vector<192x256xf32> to vector<8x256xf32>
    %add3A_790 = arith.addf %add3A_788, %slice3A_789 : vector<8x256xf32>
    %slice3A_791 = vector.extract_strided_slice %select_n3A_33 {offsets = [32, 0], sizes = [8, 256], strides = [1, 1]} : vector<192x256xf32> to vector<8x256xf32>
    %add3A_792 = arith.addf %add3A_790, %slice3A_791 : vector<8x256xf32>
    %slice3A_793 = vector.extract_strided_slice %select_n3A_33 {offsets = [40, 0], sizes = [8, 256], strides = [1, 1]} : vector<192x256xf32> to vector<8x256xf32>
    %add3A_794 = arith.addf %add3A_792, %slice3A_793 : vector<8x256xf32>
    %slice3A_795 = vector.extract_strided_slice %select_n3A_33 {offsets = [48, 0], sizes = [8, 256], strides = [1, 1]} : vector<192x256xf32> to vector<8x256xf32>
    %add3A_796 = arith.addf %add3A_794, %slice3A_795 : vector<8x256xf32>
    %slice3A_797 = vector.extract_strided_slice %select_n3A_33 {offsets = [56, 0], sizes = [8, 256], strides = [1, 1]} : vector<192x256xf32> to vector<8x256xf32>
    %add3A_798 = arith.addf %add3A_796, %slice3A_797 : vector<8x256xf32>
    %slice3A_799 = vector.extract_strided_slice %select_n3A_33 {offsets = [64, 0], sizes = [8, 256], strides = [1, 1]} : vector<192x256xf32> to vector<8x256xf32>
    %add3A_800 = arith.addf %add3A_798, %slice3A_799 : vector<8x256xf32>
    %slice3A_801 = vector.extract_strided_slice %select_n3A_33 {offsets = [72, 0], sizes = [8, 256], strides = [1, 1]} : vector<192x256xf32> to vector<8x256xf32>
    %add3A_802 = arith.addf %add3A_800, %slice3A_801 : vector<8x256xf32>
    %slice3A_803 = vector.extract_strided_slice %select_n3A_33 {offsets = [80, 0], sizes = [8, 256], strides = [1, 1]} : vector<192x256xf32> to vector<8x256xf32>
    %add3A_804 = arith.addf %add3A_802, %slice3A_803 : vector<8x256xf32>
    %slice3A_805 = vector.extract_strided_slice %select_n3A_33 {offsets = [88, 0], sizes = [8, 256], strides = [1, 1]} : vector<192x256xf32> to vector<8x256xf32>
    %add3A_806 = arith.addf %add3A_804, %slice3A_805 : vector<8x256xf32>
    %slice3A_807 = vector.extract_strided_slice %select_n3A_33 {offsets = [96, 0], sizes = [8, 256], strides = [1, 1]} : vector<192x256xf32> to vector<8x256xf32>
    %add3A_808 = arith.addf %add3A_806, %slice3A_807 : vector<8x256xf32>
    %slice3A_809 = vector.extract_strided_slice %select_n3A_33 {offsets = [104, 0], sizes = [8, 256], strides = [1, 1]} : vector<192x256xf32> to vector<8x256xf32>
    %add3A_810 = arith.addf %add3A_808, %slice3A_809 : vector<8x256xf32>
    %slice3A_811 = vector.extract_strided_slice %select_n3A_33 {offsets = [112, 0], sizes = [8, 256], strides = [1, 1]} : vector<192x256xf32> to vector<8x256xf32>
    %add3A_812 = arith.addf %add3A_810, %slice3A_811 : vector<8x256xf32>
    %slice3A_813 = vector.extract_strided_slice %select_n3A_33 {offsets = [120, 0], sizes = [8, 256], strides = [1, 1]} : vector<192x256xf32> to vector<8x256xf32>
    %add3A_814 = arith.addf %add3A_812, %slice3A_813 : vector<8x256xf32>
    %slice3A_815 = vector.extract_strided_slice %select_n3A_33 {offsets = [128, 0], sizes = [8, 256], strides = [1, 1]} : vector<192x256xf32> to vector<8x256xf32>
    %add3A_816 = arith.addf %add3A_814, %slice3A_815 : vector<8x256xf32>
    %slice3A_817 = vector.extract_strided_slice %select_n3A_33 {offsets = [136, 0], sizes = [8, 256], strides = [1, 1]} : vector<192x256xf32> to vector<8x256xf32>
    %add3A_818 = arith.addf %add3A_816, %slice3A_817 : vector<8x256xf32>
    %slice3A_819 = vector.extract_strided_slice %select_n3A_33 {offsets = [144, 0], sizes = [8, 256], strides = [1, 1]} : vector<192x256xf32> to vector<8x256xf32>
    %add3A_820 = arith.addf %add3A_818, %slice3A_819 : vector<8x256xf32>
    %slice3A_821 = vector.extract_strided_slice %select_n3A_33 {offsets = [152, 0], sizes = [8, 256], strides = [1, 1]} : vector<192x256xf32> to vector<8x256xf32>
    %add3A_822 = arith.addf %add3A_820, %slice3A_821 : vector<8x256xf32>
    %slice3A_823 = vector.extract_strided_slice %select_n3A_33 {offsets = [160, 0], sizes = [8, 256], strides = [1, 1]} : vector<192x256xf32> to vector<8x256xf32>
    %add3A_824 = arith.addf %add3A_822, %slice3A_823 : vector<8x256xf32>
    %slice3A_825 = vector.extract_strided_slice %select_n3A_33 {offsets = [168, 0], sizes = [8, 256], strides = [1, 1]} : vector<192x256xf32> to vector<8x256xf32>
    %add3A_826 = arith.addf %add3A_824, %slice3A_825 : vector<8x256xf32>
    %slice3A_827 = vector.extract_strided_slice %select_n3A_33 {offsets = [176, 0], sizes = [8, 256], strides = [1, 1]} : vector<192x256xf32> to vector<8x256xf32>
    %add3A_828 = arith.addf %add3A_826, %slice3A_827 : vector<8x256xf32>
    %slice3A_829 = vector.extract_strided_slice %select_n3A_33 {offsets = [184, 0], sizes = [8, 256], strides = [1, 1]} : vector<192x256xf32> to vector<8x256xf32>
    %add3A_830 = arith.addf %add3A_828, %slice3A_829 : vector<8x256xf32>
    %slice3A_831 = vector.extract_strided_slice %add3A_830 {offsets = [0, 0], sizes = [8, 128], strides = [1, 1]} : vector<8x256xf32> to vector<8x128xf32>
    %slice3A_832 = vector.extract_strided_slice %add3A_830 {offsets = [0, 128], sizes = [8, 128], strides = [1, 1]} : vector<8x256xf32> to vector<8x128xf32>
    %add3A_833 = arith.addf %slice3A_831, %slice3A_832 : vector<8x128xf32>
    %get3A_834 = arith.constant 0 : index
    %get3A_835 = arith.constant 1 : index
    %get3A_836 = arith.constant 0 : index
    %get3A_837 = arith.constant 0 : index
    %get3A_838 = arith.constant 0 : index
    %get3A_839 = vector.load %arg2[%get3A_834, %get3A_835, %get3A_836, %get3A_837, %get3A_838] : memref<1x4x1x192x256xf32, #tpu.memory_space<vmem>>, vector<1x1x1x192x256xf32>
    %get3A_840 = vector.shape_cast %get3A_839 : vector<1x1x1x192x256xf32> to vector<192x256xf32>
    %ge3A_841 = arith.constant 2.500000e-01 : f32
    %ge3A_842 = vector.broadcast %ge3A_841 : f32 to vector<192x256xf32>
    %ge3A_843 = arith.cmpf oge, %get3A_840, %ge3A_842 : vector<192x256xf32>
    %jit3A_844 = arith.constant 1.000000e+00 : f32
    %jit3A_845 = arith.constant 0.000000e+00 : f32
    %broadcast_in_dim3A_846 = vector.broadcast %jit3A_844 : f32 to vector<192x256xf32>
    %broadcast_in_dim3A_847 = vector.broadcast %jit3A_845 : f32 to vector<192x256xf32>
    %select_n3A_848 = arith.select %ge3A_843, %broadcast_in_dim3A_846, %broadcast_in_dim3A_847 : vector<192x256xi1>, vector<192x256xf32>
    %ge3A_849 = arith.constant 3.750000e-01 : f32
    %ge3A_850 = vector.broadcast %ge3A_849 : f32 to vector<192x256xf32>
    %ge3A_851 = arith.cmpf oge, %get3A_840, %ge3A_850 : vector<192x256xf32>
    %jit3A_852 = arith.constant 1.000000e+00 : f32
    %jit3A_853 = arith.constant 0.000000e+00 : f32
    %broadcast_in_dim3A_854 = vector.broadcast %jit3A_852 : f32 to vector<192x256xf32>
    %broadcast_in_dim3A_855 = vector.broadcast %jit3A_853 : f32 to vector<192x256xf32>
    %select_n3A_856 = arith.select %ge3A_851, %broadcast_in_dim3A_854, %broadcast_in_dim3A_855 : vector<192x256xi1>, vector<192x256xf32>
    %ge3A_857 = arith.constant 5.000000e-01 : f32
    %ge3A_858 = vector.broadcast %ge3A_857 : f32 to vector<192x256xf32>
    %ge3A_859 = arith.cmpf oge, %get3A_840, %ge3A_858 : vector<192x256xf32>
    %jit3A_860 = arith.constant 1.000000e+00 : f32
    %jit3A_861 = arith.constant 0.000000e+00 : f32
    %broadcast_in_dim3A_862 = vector.broadcast %jit3A_860 : f32 to vector<192x256xf32>
    %broadcast_in_dim3A_863 = vector.broadcast %jit3A_861 : f32 to vector<192x256xf32>
    %select_n3A_864 = arith.select %ge3A_859, %broadcast_in_dim3A_862, %broadcast_in_dim3A_863 : vector<192x256xi1>, vector<192x256xf32>
    %ge3A_865 = arith.constant 6.250000e-01 : f32
    %ge3A_866 = vector.broadcast %ge3A_865 : f32 to vector<192x256xf32>
    %ge3A_867 = arith.cmpf oge, %get3A_840, %ge3A_866 : vector<192x256xf32>
    %jit3A_868 = arith.constant 1.000000e+00 : f32
    %jit3A_869 = arith.constant 0.000000e+00 : f32
    %broadcast_in_dim3A_870 = vector.broadcast %jit3A_868 : f32 to vector<192x256xf32>
    %broadcast_in_dim3A_871 = vector.broadcast %jit3A_869 : f32 to vector<192x256xf32>
    %select_n3A_872 = arith.select %ge3A_867, %broadcast_in_dim3A_870, %broadcast_in_dim3A_871 : vector<192x256xi1>, vector<192x256xf32>
    %add3A_873 = arith.addf %select_n3A_848, %select_n3A_856 : vector<192x256xf32>
    %add3A_874 = arith.addf %add3A_873, %select_n3A_864 : vector<192x256xf32>
    %add3A_875 = arith.addf %add3A_874, %select_n3A_872 : vector<192x256xf32>
    %eq3A_876 = arith.constant 0.000000e+00 : f32
    %eq3A_877 = vector.broadcast %eq3A_876 : f32 to vector<192x256xf32>
    %eq3A_878 = arith.cmpf oeq, %add3A_875, %eq3A_877 : vector<192x256xf32>
    %get3A_879 = arith.constant 0 : index
    %get3A_880 = arith.constant 1 : index
    %get3A_881 = arith.constant 0 : index
    %get3A_882 = arith.constant 0 : index
    %get3A_883 = arith.constant 0 : index
    %get3A_884 = vector.load %arg1[%get3A_879, %get3A_880, %get3A_881, %get3A_882, %get3A_883] : memref<1x4x5x192x256xf32, #tpu.memory_space<vmem>>, vector<1x1x1x192x256xf32>
    %get3A_885 = vector.shape_cast %get3A_884 : vector<1x1x1x192x256xf32> to vector<192x256xf32>
    %jit3A_886 = arith.constant 0.000000e+00 : f32
    %broadcast_in_dim3A_887 = vector.broadcast %jit3A_886 : f32 to vector<192x256xf32>
    %select_n3A_888 = arith.select %eq3A_878, %get3A_885, %broadcast_in_dim3A_887 : vector<192x256xi1>, vector<192x256xf32>
    %eq3A_889 = arith.constant 1.000000e+00 : f32
    %eq3A_890 = vector.broadcast %eq3A_889 : f32 to vector<192x256xf32>
    %eq3A_891 = arith.cmpf oeq, %add3A_875, %eq3A_890 : vector<192x256xf32>
    %get3A_892 = arith.constant 0 : index
    %get3A_893 = arith.constant 1 : index
    %get3A_894 = arith.constant 1 : index
    %get3A_895 = arith.constant 0 : index
    %get3A_896 = arith.constant 0 : index
    %get3A_897 = vector.load %arg1[%get3A_892, %get3A_893, %get3A_894, %get3A_895, %get3A_896] : memref<1x4x5x192x256xf32, #tpu.memory_space<vmem>>, vector<1x1x1x192x256xf32>
    %get3A_898 = vector.shape_cast %get3A_897 : vector<1x1x1x192x256xf32> to vector<192x256xf32>
    %jit3A_899 = arith.constant 0.000000e+00 : f32
    %broadcast_in_dim3A_900 = vector.broadcast %jit3A_899 : f32 to vector<192x256xf32>
    %select_n3A_901 = arith.select %eq3A_891, %get3A_898, %broadcast_in_dim3A_900 : vector<192x256xi1>, vector<192x256xf32>
    %eq3A_902 = arith.constant 2.000000e+00 : f32
    %eq3A_903 = vector.broadcast %eq3A_902 : f32 to vector<192x256xf32>
    %eq3A_904 = arith.cmpf oeq, %add3A_875, %eq3A_903 : vector<192x256xf32>
    %get3A_905 = arith.constant 0 : index
    %get3A_906 = arith.constant 1 : index
    %get3A_907 = arith.constant 2 : index
    %get3A_908 = arith.constant 0 : index
    %get3A_909 = arith.constant 0 : index
    %get3A_910 = vector.load %arg1[%get3A_905, %get3A_906, %get3A_907, %get3A_908, %get3A_909] : memref<1x4x5x192x256xf32, #tpu.memory_space<vmem>>, vector<1x1x1x192x256xf32>
    %get3A_911 = vector.shape_cast %get3A_910 : vector<1x1x1x192x256xf32> to vector<192x256xf32>
    %jit3A_912 = arith.constant 0.000000e+00 : f32
    %broadcast_in_dim3A_913 = vector.broadcast %jit3A_912 : f32 to vector<192x256xf32>
    %select_n3A_914 = arith.select %eq3A_904, %get3A_911, %broadcast_in_dim3A_913 : vector<192x256xi1>, vector<192x256xf32>
    %eq3A_915 = arith.constant 3.000000e+00 : f32
    %eq3A_916 = vector.broadcast %eq3A_915 : f32 to vector<192x256xf32>
    %eq3A_917 = arith.cmpf oeq, %add3A_875, %eq3A_916 : vector<192x256xf32>
    %get3A_918 = arith.constant 0 : index
    %get3A_919 = arith.constant 1 : index
    %get3A_920 = arith.constant 3 : index
    %get3A_921 = arith.constant 0 : index
    %get3A_922 = arith.constant 0 : index
    %get3A_923 = vector.load %arg1[%get3A_918, %get3A_919, %get3A_920, %get3A_921, %get3A_922] : memref<1x4x5x192x256xf32, #tpu.memory_space<vmem>>, vector<1x1x1x192x256xf32>
    %get3A_924 = vector.shape_cast %get3A_923 : vector<1x1x1x192x256xf32> to vector<192x256xf32>
    %jit3A_925 = arith.constant 0.000000e+00 : f32
    %broadcast_in_dim3A_926 = vector.broadcast %jit3A_925 : f32 to vector<192x256xf32>
    %select_n3A_927 = arith.select %eq3A_917, %get3A_924, %broadcast_in_dim3A_926 : vector<192x256xi1>, vector<192x256xf32>
    %eq3A_928 = arith.constant 4.000000e+00 : f32
    %eq3A_929 = vector.broadcast %eq3A_928 : f32 to vector<192x256xf32>
    %eq3A_930 = arith.cmpf oeq, %add3A_875, %eq3A_929 : vector<192x256xf32>
    %get3A_931 = arith.constant 0 : index
    %get3A_932 = arith.constant 1 : index
    %get3A_933 = arith.constant 4 : index
    %get3A_934 = arith.constant 0 : index
    %get3A_935 = arith.constant 0 : index
    %get3A_936 = vector.load %arg1[%get3A_931, %get3A_932, %get3A_933, %get3A_934, %get3A_935] : memref<1x4x5x192x256xf32, #tpu.memory_space<vmem>>, vector<1x1x1x192x256xf32>
    %get3A_937 = vector.shape_cast %get3A_936 : vector<1x1x1x192x256xf32> to vector<192x256xf32>
    %jit3A_938 = arith.constant 0.000000e+00 : f32
    %broadcast_in_dim3A_939 = vector.broadcast %jit3A_938 : f32 to vector<192x256xf32>
    %select_n3A_940 = arith.select %eq3A_930, %get3A_937, %broadcast_in_dim3A_939 : vector<192x256xi1>, vector<192x256xf32>
    %get3A_941 = arith.constant 0 : index
    %get3A_942 = arith.constant 1 : index
    %get3A_943 = arith.constant 0 : index
    %get3A_944 = arith.constant 0 : index
    %get3A_945 = arith.constant 0 : index
    %get3A_946 = vector.load %arg1[%get3A_941, %get3A_942, %get3A_943, %get3A_944, %get3A_945] : memref<1x4x5x192x256xf32, #tpu.memory_space<vmem>>, vector<1x1x1x192x256xf32>
    %get3A_947 = vector.shape_cast %get3A_946 : vector<1x1x1x192x256xf32> to vector<192x256xf32>
    %get3A_948 = arith.constant 0 : index
    %get3A_949 = arith.constant 1 : index
    %get3A_950 = arith.constant 1 : index
    %get3A_951 = arith.constant 0 : index
    %get3A_952 = arith.constant 0 : index
    %get3A_953 = vector.load %arg1[%get3A_948, %get3A_949, %get3A_950, %get3A_951, %get3A_952] : memref<1x4x5x192x256xf32, #tpu.memory_space<vmem>>, vector<1x1x1x192x256xf32>
    %get3A_954 = vector.shape_cast %get3A_953 : vector<1x1x1x192x256xf32> to vector<192x256xf32>
    %get3A_955 = arith.constant 0 : index
    %get3A_956 = arith.constant 1 : index
    %get3A_957 = arith.constant 2 : index
    %get3A_958 = arith.constant 0 : index
    %get3A_959 = arith.constant 0 : index
    %get3A_960 = vector.load %arg1[%get3A_955, %get3A_956, %get3A_957, %get3A_958, %get3A_959] : memref<1x4x5x192x256xf32, #tpu.memory_space<vmem>>, vector<1x1x1x192x256xf32>
    %get3A_961 = vector.shape_cast %get3A_960 : vector<1x1x1x192x256xf32> to vector<192x256xf32>
    %get3A_962 = arith.constant 0 : index
    %get3A_963 = arith.constant 1 : index
    %get3A_964 = arith.constant 3 : index
    %get3A_965 = arith.constant 0 : index
    %get3A_966 = arith.constant 0 : index
    %get3A_967 = vector.load %arg1[%get3A_962, %get3A_963, %get3A_964, %get3A_965, %get3A_966] : memref<1x4x5x192x256xf32, #tpu.memory_space<vmem>>, vector<1x1x1x192x256xf32>
    %get3A_968 = vector.shape_cast %get3A_967 : vector<1x1x1x192x256xf32> to vector<192x256xf32>
    %get3A_969 = arith.constant 0 : index
    %get3A_970 = arith.constant 1 : index
    %get3A_971 = arith.constant 4 : index
    %get3A_972 = arith.constant 0 : index
    %get3A_973 = arith.constant 0 : index
    %get3A_974 = vector.load %arg1[%get3A_969, %get3A_970, %get3A_971, %get3A_972, %get3A_973] : memref<1x4x5x192x256xf32, #tpu.memory_space<vmem>>, vector<1x1x1x192x256xf32>
    %get3A_975 = vector.shape_cast %get3A_974 : vector<1x1x1x192x256xf32> to vector<192x256xf32>
    %slice3A_976 = vector.extract_strided_slice %select_n3A_888 {offsets = [0, 0], sizes = [8, 256], strides = [1, 1]} : vector<192x256xf32> to vector<8x256xf32>
    %slice3A_977 = vector.extract_strided_slice %select_n3A_888 {offsets = [8, 0], sizes = [8, 256], strides = [1, 1]} : vector<192x256xf32> to vector<8x256xf32>
    %add3A_978 = arith.addf %slice3A_976, %slice3A_977 : vector<8x256xf32>
    %slice3A_979 = vector.extract_strided_slice %select_n3A_888 {offsets = [16, 0], sizes = [8, 256], strides = [1, 1]} : vector<192x256xf32> to vector<8x256xf32>
    %add3A_980 = arith.addf %add3A_978, %slice3A_979 : vector<8x256xf32>
    %slice3A_981 = vector.extract_strided_slice %select_n3A_888 {offsets = [24, 0], sizes = [8, 256], strides = [1, 1]} : vector<192x256xf32> to vector<8x256xf32>
    %add3A_982 = arith.addf %add3A_980, %slice3A_981 : vector<8x256xf32>
    %slice3A_983 = vector.extract_strided_slice %select_n3A_888 {offsets = [32, 0], sizes = [8, 256], strides = [1, 1]} : vector<192x256xf32> to vector<8x256xf32>
    %add3A_984 = arith.addf %add3A_982, %slice3A_983 : vector<8x256xf32>
    %slice3A_985 = vector.extract_strided_slice %select_n3A_888 {offsets = [40, 0], sizes = [8, 256], strides = [1, 1]} : vector<192x256xf32> to vector<8x256xf32>
    %add3A_986 = arith.addf %add3A_984, %slice3A_985 : vector<8x256xf32>
    %slice3A_987 = vector.extract_strided_slice %select_n3A_888 {offsets = [48, 0], sizes = [8, 256], strides = [1, 1]} : vector<192x256xf32> to vector<8x256xf32>
    %add3A_988 = arith.addf %add3A_986, %slice3A_987 : vector<8x256xf32>
    %slice3A_989 = vector.extract_strided_slice %select_n3A_888 {offsets = [56, 0], sizes = [8, 256], strides = [1, 1]} : vector<192x256xf32> to vector<8x256xf32>
    %add3A_990 = arith.addf %add3A_988, %slice3A_989 : vector<8x256xf32>
    %slice3A_991 = vector.extract_strided_slice %select_n3A_888 {offsets = [64, 0], sizes = [8, 256], strides = [1, 1]} : vector<192x256xf32> to vector<8x256xf32>
    %add3A_992 = arith.addf %add3A_990, %slice3A_991 : vector<8x256xf32>
    %slice3A_993 = vector.extract_strided_slice %select_n3A_888 {offsets = [72, 0], sizes = [8, 256], strides = [1, 1]} : vector<192x256xf32> to vector<8x256xf32>
    %add3A_994 = arith.addf %add3A_992, %slice3A_993 : vector<8x256xf32>
    %slice3A_995 = vector.extract_strided_slice %select_n3A_888 {offsets = [80, 0], sizes = [8, 256], strides = [1, 1]} : vector<192x256xf32> to vector<8x256xf32>
    %add3A_996 = arith.addf %add3A_994, %slice3A_995 : vector<8x256xf32>
    %slice3A_997 = vector.extract_strided_slice %select_n3A_888 {offsets = [88, 0], sizes = [8, 256], strides = [1, 1]} : vector<192x256xf32> to vector<8x256xf32>
    %add3A_998 = arith.addf %add3A_996, %slice3A_997 : vector<8x256xf32>
    %slice3A_999 = vector.extract_strided_slice %select_n3A_888 {offsets = [96, 0], sizes = [8, 256], strides = [1, 1]} : vector<192x256xf32> to vector<8x256xf32>
    %add3A_1000 = arith.addf %add3A_998, %slice3A_999 : vector<8x256xf32>
    %slice3A_1001 = vector.extract_strided_slice %select_n3A_888 {offsets = [104, 0], sizes = [8, 256], strides = [1, 1]} : vector<192x256xf32> to vector<8x256xf32>
    %add3A_1002 = arith.addf %add3A_1000, %slice3A_1001 : vector<8x256xf32>
    %slice3A_1003 = vector.extract_strided_slice %select_n3A_888 {offsets = [112, 0], sizes = [8, 256], strides = [1, 1]} : vector<192x256xf32> to vector<8x256xf32>
    %add3A_1004 = arith.addf %add3A_1002, %slice3A_1003 : vector<8x256xf32>
    %slice3A_1005 = vector.extract_strided_slice %select_n3A_888 {offsets = [120, 0], sizes = [8, 256], strides = [1, 1]} : vector<192x256xf32> to vector<8x256xf32>
    %add3A_1006 = arith.addf %add3A_1004, %slice3A_1005 : vector<8x256xf32>
    %slice3A_1007 = vector.extract_strided_slice %select_n3A_888 {offsets = [128, 0], sizes = [8, 256], strides = [1, 1]} : vector<192x256xf32> to vector<8x256xf32>
    %add3A_1008 = arith.addf %add3A_1006, %slice3A_1007 : vector<8x256xf32>
    %slice3A_1009 = vector.extract_strided_slice %select_n3A_888 {offsets = [136, 0], sizes = [8, 256], strides = [1, 1]} : vector<192x256xf32> to vector<8x256xf32>
    %add3A_1010 = arith.addf %add3A_1008, %slice3A_1009 : vector<8x256xf32>
    %slice3A_1011 = vector.extract_strided_slice %select_n3A_888 {offsets = [144, 0], sizes = [8, 256], strides = [1, 1]} : vector<192x256xf32> to vector<8x256xf32>
    %add3A_1012 = arith.addf %add3A_1010, %slice3A_1011 : vector<8x256xf32>
    %slice3A_1013 = vector.extract_strided_slice %select_n3A_888 {offsets = [152, 0], sizes = [8, 256], strides = [1, 1]} : vector<192x256xf32> to vector<8x256xf32>
    %add3A_1014 = arith.addf %add3A_1012, %slice3A_1013 : vector<8x256xf32>
    %slice3A_1015 = vector.extract_strided_slice %select_n3A_888 {offsets = [160, 0], sizes = [8, 256], strides = [1, 1]} : vector<192x256xf32> to vector<8x256xf32>
    %add3A_1016 = arith.addf %add3A_1014, %slice3A_1015 : vector<8x256xf32>
    %slice3A_1017 = vector.extract_strided_slice %select_n3A_888 {offsets = [168, 0], sizes = [8, 256], strides = [1, 1]} : vector<192x256xf32> to vector<8x256xf32>
    %add3A_1018 = arith.addf %add3A_1016, %slice3A_1017 : vector<8x256xf32>
    %slice3A_1019 = vector.extract_strided_slice %select_n3A_888 {offsets = [176, 0], sizes = [8, 256], strides = [1, 1]} : vector<192x256xf32> to vector<8x256xf32>
    %add3A_1020 = arith.addf %add3A_1018, %slice3A_1019 : vector<8x256xf32>
    %slice3A_1021 = vector.extract_strided_slice %select_n3A_888 {offsets = [184, 0], sizes = [8, 256], strides = [1, 1]} : vector<192x256xf32> to vector<8x256xf32>
    %add3A_1022 = arith.addf %add3A_1020, %slice3A_1021 : vector<8x256xf32>
    %slice3A_1023 = vector.extract_strided_slice %add3A_1022 {offsets = [0, 0], sizes = [8, 128], strides = [1, 1]} : vector<8x256xf32> to vector<8x128xf32>
    %slice3A_1024 = vector.extract_strided_slice %add3A_1022 {offsets = [0, 128], sizes = [8, 128], strides = [1, 1]} : vector<8x256xf32> to vector<8x128xf32>
    %add3A_1025 = arith.addf %slice3A_1023, %slice3A_1024 : vector<8x128xf32>
    %add3A_1026 = arith.addf %add3A_183, %add3A_1025 : vector<8x128xf32>
    %slice3A_1027 = vector.extract_strided_slice %select_n3A_901 {offsets = [0, 0], sizes = [8, 256], strides = [1, 1]} : vector<192x256xf32> to vector<8x256xf32>
    %slice3A_1028 = vector.extract_strided_slice %select_n3A_901 {offsets = [8, 0], sizes = [8, 256], strides = [1, 1]} : vector<192x256xf32> to vector<8x256xf32>
    %add3A_1029 = arith.addf %slice3A_1027, %slice3A_1028 : vector<8x256xf32>
    %slice3A_1030 = vector.extract_strided_slice %select_n3A_901 {offsets = [16, 0], sizes = [8, 256], strides = [1, 1]} : vector<192x256xf32> to vector<8x256xf32>
    %add3A_1031 = arith.addf %add3A_1029, %slice3A_1030 : vector<8x256xf32>
    %slice3A_1032 = vector.extract_strided_slice %select_n3A_901 {offsets = [24, 0], sizes = [8, 256], strides = [1, 1]} : vector<192x256xf32> to vector<8x256xf32>
    %add3A_1033 = arith.addf %add3A_1031, %slice3A_1032 : vector<8x256xf32>
    %slice3A_1034 = vector.extract_strided_slice %select_n3A_901 {offsets = [32, 0], sizes = [8, 256], strides = [1, 1]} : vector<192x256xf32> to vector<8x256xf32>
    %add3A_1035 = arith.addf %add3A_1033, %slice3A_1034 : vector<8x256xf32>
    %slice3A_1036 = vector.extract_strided_slice %select_n3A_901 {offsets = [40, 0], sizes = [8, 256], strides = [1, 1]} : vector<192x256xf32> to vector<8x256xf32>
    %add3A_1037 = arith.addf %add3A_1035, %slice3A_1036 : vector<8x256xf32>
    %slice3A_1038 = vector.extract_strided_slice %select_n3A_901 {offsets = [48, 0], sizes = [8, 256], strides = [1, 1]} : vector<192x256xf32> to vector<8x256xf32>
    %add3A_1039 = arith.addf %add3A_1037, %slice3A_1038 : vector<8x256xf32>
    %slice3A_1040 = vector.extract_strided_slice %select_n3A_901 {offsets = [56, 0], sizes = [8, 256], strides = [1, 1]} : vector<192x256xf32> to vector<8x256xf32>
    %add3A_1041 = arith.addf %add3A_1039, %slice3A_1040 : vector<8x256xf32>
    %slice3A_1042 = vector.extract_strided_slice %select_n3A_901 {offsets = [64, 0], sizes = [8, 256], strides = [1, 1]} : vector<192x256xf32> to vector<8x256xf32>
    %add3A_1043 = arith.addf %add3A_1041, %slice3A_1042 : vector<8x256xf32>
    %slice3A_1044 = vector.extract_strided_slice %select_n3A_901 {offsets = [72, 0], sizes = [8, 256], strides = [1, 1]} : vector<192x256xf32> to vector<8x256xf32>
    %add3A_1045 = arith.addf %add3A_1043, %slice3A_1044 : vector<8x256xf32>
    %slice3A_1046 = vector.extract_strided_slice %select_n3A_901 {offsets = [80, 0], sizes = [8, 256], strides = [1, 1]} : vector<192x256xf32> to vector<8x256xf32>
    %add3A_1047 = arith.addf %add3A_1045, %slice3A_1046 : vector<8x256xf32>
    %slice3A_1048 = vector.extract_strided_slice %select_n3A_901 {offsets = [88, 0], sizes = [8, 256], strides = [1, 1]} : vector<192x256xf32> to vector<8x256xf32>
    %add3A_1049 = arith.addf %add3A_1047, %slice3A_1048 : vector<8x256xf32>
    %slice3A_1050 = vector.extract_strided_slice %select_n3A_901 {offsets = [96, 0], sizes = [8, 256], strides = [1, 1]} : vector<192x256xf32> to vector<8x256xf32>
    %add3A_1051 = arith.addf %add3A_1049, %slice3A_1050 : vector<8x256xf32>
    %slice3A_1052 = vector.extract_strided_slice %select_n3A_901 {offsets = [104, 0], sizes = [8, 256], strides = [1, 1]} : vector<192x256xf32> to vector<8x256xf32>
    %add3A_1053 = arith.addf %add3A_1051, %slice3A_1052 : vector<8x256xf32>
    %slice3A_1054 = vector.extract_strided_slice %select_n3A_901 {offsets = [112, 0], sizes = [8, 256], strides = [1, 1]} : vector<192x256xf32> to vector<8x256xf32>
    %add3A_1055 = arith.addf %add3A_1053, %slice3A_1054 : vector<8x256xf32>
    %slice3A_1056 = vector.extract_strided_slice %select_n3A_901 {offsets = [120, 0], sizes = [8, 256], strides = [1, 1]} : vector<192x256xf32> to vector<8x256xf32>
    %add3A_1057 = arith.addf %add3A_1055, %slice3A_1056 : vector<8x256xf32>
    %slice3A_1058 = vector.extract_strided_slice %select_n3A_901 {offsets = [128, 0], sizes = [8, 256], strides = [1, 1]} : vector<192x256xf32> to vector<8x256xf32>
    %add3A_1059 = arith.addf %add3A_1057, %slice3A_1058 : vector<8x256xf32>
    %slice3A_1060 = vector.extract_strided_slice %select_n3A_901 {offsets = [136, 0], sizes = [8, 256], strides = [1, 1]} : vector<192x256xf32> to vector<8x256xf32>
    %add3A_1061 = arith.addf %add3A_1059, %slice3A_1060 : vector<8x256xf32>
    %slice3A_1062 = vector.extract_strided_slice %select_n3A_901 {offsets = [144, 0], sizes = [8, 256], strides = [1, 1]} : vector<192x256xf32> to vector<8x256xf32>
    %add3A_1063 = arith.addf %add3A_1061, %slice3A_1062 : vector<8x256xf32>
    %slice3A_1064 = vector.extract_strided_slice %select_n3A_901 {offsets = [152, 0], sizes = [8, 256], strides = [1, 1]} : vector<192x256xf32> to vector<8x256xf32>
    %add3A_1065 = arith.addf %add3A_1063, %slice3A_1064 : vector<8x256xf32>
    %slice3A_1066 = vector.extract_strided_slice %select_n3A_901 {offsets = [160, 0], sizes = [8, 256], strides = [1, 1]} : vector<192x256xf32> to vector<8x256xf32>
    %add3A_1067 = arith.addf %add3A_1065, %slice3A_1066 : vector<8x256xf32>
    %slice3A_1068 = vector.extract_strided_slice %select_n3A_901 {offsets = [168, 0], sizes = [8, 256], strides = [1, 1]} : vector<192x256xf32> to vector<8x256xf32>
    %add3A_1069 = arith.addf %add3A_1067, %slice3A_1068 : vector<8x256xf32>
    %slice3A_1070 = vector.extract_strided_slice %select_n3A_901 {offsets = [176, 0], sizes = [8, 256], strides = [1, 1]} : vector<192x256xf32> to vector<8x256xf32>
    %add3A_1071 = arith.addf %add3A_1069, %slice3A_1070 : vector<8x256xf32>
    %slice3A_1072 = vector.extract_strided_slice %select_n3A_901 {offsets = [184, 0], sizes = [8, 256], strides = [1, 1]} : vector<192x256xf32> to vector<8x256xf32>
    %add3A_1073 = arith.addf %add3A_1071, %slice3A_1072 : vector<8x256xf32>
    %slice3A_1074 = vector.extract_strided_slice %add3A_1073 {offsets = [0, 0], sizes = [8, 128], strides = [1, 1]} : vector<8x256xf32> to vector<8x128xf32>
    %slice3A_1075 = vector.extract_strided_slice %add3A_1073 {offsets = [0, 128], sizes = [8, 128], strides = [1, 1]} : vector<8x256xf32> to vector<8x128xf32>
    %add3A_1076 = arith.addf %slice3A_1074, %slice3A_1075 : vector<8x128xf32>
    %add3A_1077 = arith.addf %add3A_233, %add3A_1076 : vector<8x128xf32>
    %slice3A_1078 = vector.extract_strided_slice %select_n3A_914 {offsets = [0, 0], sizes = [8, 256], strides = [1, 1]} : vector<192x256xf32> to vector<8x256xf32>
    %slice3A_1079 = vector.extract_strided_slice %select_n3A_914 {offsets = [8, 0], sizes = [8, 256], strides = [1, 1]} : vector<192x256xf32> to vector<8x256xf32>
    %add3A_1080 = arith.addf %slice3A_1078, %slice3A_1079 : vector<8x256xf32>
    %slice3A_1081 = vector.extract_strided_slice %select_n3A_914 {offsets = [16, 0], sizes = [8, 256], strides = [1, 1]} : vector<192x256xf32> to vector<8x256xf32>
    %add3A_1082 = arith.addf %add3A_1080, %slice3A_1081 : vector<8x256xf32>
    %slice3A_1083 = vector.extract_strided_slice %select_n3A_914 {offsets = [24, 0], sizes = [8, 256], strides = [1, 1]} : vector<192x256xf32> to vector<8x256xf32>
    %add3A_1084 = arith.addf %add3A_1082, %slice3A_1083 : vector<8x256xf32>
    %slice3A_1085 = vector.extract_strided_slice %select_n3A_914 {offsets = [32, 0], sizes = [8, 256], strides = [1, 1]} : vector<192x256xf32> to vector<8x256xf32>
    %add3A_1086 = arith.addf %add3A_1084, %slice3A_1085 : vector<8x256xf32>
    %slice3A_1087 = vector.extract_strided_slice %select_n3A_914 {offsets = [40, 0], sizes = [8, 256], strides = [1, 1]} : vector<192x256xf32> to vector<8x256xf32>
    %add3A_1088 = arith.addf %add3A_1086, %slice3A_1087 : vector<8x256xf32>
    %slice3A_1089 = vector.extract_strided_slice %select_n3A_914 {offsets = [48, 0], sizes = [8, 256], strides = [1, 1]} : vector<192x256xf32> to vector<8x256xf32>
    %add3A_1090 = arith.addf %add3A_1088, %slice3A_1089 : vector<8x256xf32>
    %slice3A_1091 = vector.extract_strided_slice %select_n3A_914 {offsets = [56, 0], sizes = [8, 256], strides = [1, 1]} : vector<192x256xf32> to vector<8x256xf32>
    %add3A_1092 = arith.addf %add3A_1090, %slice3A_1091 : vector<8x256xf32>
    %slice3A_1093 = vector.extract_strided_slice %select_n3A_914 {offsets = [64, 0], sizes = [8, 256], strides = [1, 1]} : vector<192x256xf32> to vector<8x256xf32>
    %add3A_1094 = arith.addf %add3A_1092, %slice3A_1093 : vector<8x256xf32>
    %slice3A_1095 = vector.extract_strided_slice %select_n3A_914 {offsets = [72, 0], sizes = [8, 256], strides = [1, 1]} : vector<192x256xf32> to vector<8x256xf32>
    %add3A_1096 = arith.addf %add3A_1094, %slice3A_1095 : vector<8x256xf32>
    %slice3A_1097 = vector.extract_strided_slice %select_n3A_914 {offsets = [80, 0], sizes = [8, 256], strides = [1, 1]} : vector<192x256xf32> to vector<8x256xf32>
    %add3A_1098 = arith.addf %add3A_1096, %slice3A_1097 : vector<8x256xf32>
    %slice3A_1099 = vector.extract_strided_slice %select_n3A_914 {offsets = [88, 0], sizes = [8, 256], strides = [1, 1]} : vector<192x256xf32> to vector<8x256xf32>
    %add3A_1100 = arith.addf %add3A_1098, %slice3A_1099 : vector<8x256xf32>
    %slice3A_1101 = vector.extract_strided_slice %select_n3A_914 {offsets = [96, 0], sizes = [8, 256], strides = [1, 1]} : vector<192x256xf32> to vector<8x256xf32>
    %add3A_1102 = arith.addf %add3A_1100, %slice3A_1101 : vector<8x256xf32>
    %slice3A_1103 = vector.extract_strided_slice %select_n3A_914 {offsets = [104, 0], sizes = [8, 256], strides = [1, 1]} : vector<192x256xf32> to vector<8x256xf32>
    %add3A_1104 = arith.addf %add3A_1102, %slice3A_1103 : vector<8x256xf32>
    %slice3A_1105 = vector.extract_strided_slice %select_n3A_914 {offsets = [112, 0], sizes = [8, 256], strides = [1, 1]} : vector<192x256xf32> to vector<8x256xf32>
    %add3A_1106 = arith.addf %add3A_1104, %slice3A_1105 : vector<8x256xf32>
    %slice3A_1107 = vector.extract_strided_slice %select_n3A_914 {offsets = [120, 0], sizes = [8, 256], strides = [1, 1]} : vector<192x256xf32> to vector<8x256xf32>
    %add3A_1108 = arith.addf %add3A_1106, %slice3A_1107 : vector<8x256xf32>
    %slice3A_1109 = vector.extract_strided_slice %select_n3A_914 {offsets = [128, 0], sizes = [8, 256], strides = [1, 1]} : vector<192x256xf32> to vector<8x256xf32>
    %add3A_1110 = arith.addf %add3A_1108, %slice3A_1109 : vector<8x256xf32>
    %slice3A_1111 = vector.extract_strided_slice %select_n3A_914 {offsets = [136, 0], sizes = [8, 256], strides = [1, 1]} : vector<192x256xf32> to vector<8x256xf32>
    %add3A_1112 = arith.addf %add3A_1110, %slice3A_1111 : vector<8x256xf32>
    %slice3A_1113 = vector.extract_strided_slice %select_n3A_914 {offsets = [144, 0], sizes = [8, 256], strides = [1, 1]} : vector<192x256xf32> to vector<8x256xf32>
    %add3A_1114 = arith.addf %add3A_1112, %slice3A_1113 : vector<8x256xf32>
    %slice3A_1115 = vector.extract_strided_slice %select_n3A_914 {offsets = [152, 0], sizes = [8, 256], strides = [1, 1]} : vector<192x256xf32> to vector<8x256xf32>
    %add3A_1116 = arith.addf %add3A_1114, %slice3A_1115 : vector<8x256xf32>
    %slice3A_1117 = vector.extract_strided_slice %select_n3A_914 {offsets = [160, 0], sizes = [8, 256], strides = [1, 1]} : vector<192x256xf32> to vector<8x256xf32>
    %add3A_1118 = arith.addf %add3A_1116, %slice3A_1117 : vector<8x256xf32>
    %slice3A_1119 = vector.extract_strided_slice %select_n3A_914 {offsets = [168, 0], sizes = [8, 256], strides = [1, 1]} : vector<192x256xf32> to vector<8x256xf32>
    %add3A_1120 = arith.addf %add3A_1118, %slice3A_1119 : vector<8x256xf32>
    %slice3A_1121 = vector.extract_strided_slice %select_n3A_914 {offsets = [176, 0], sizes = [8, 256], strides = [1, 1]} : vector<192x256xf32> to vector<8x256xf32>
    %add3A_1122 = arith.addf %add3A_1120, %slice3A_1121 : vector<8x256xf32>
    %slice3A_1123 = vector.extract_strided_slice %select_n3A_914 {offsets = [184, 0], sizes = [8, 256], strides = [1, 1]} : vector<192x256xf32> to vector<8x256xf32>
    %add3A_1124 = arith.addf %add3A_1122, %slice3A_1123 : vector<8x256xf32>
    %slice3A_1125 = vector.extract_strided_slice %add3A_1124 {offsets = [0, 0], sizes = [8, 128], strides = [1, 1]} : vector<8x256xf32> to vector<8x128xf32>
    %slice3A_1126 = vector.extract_strided_slice %add3A_1124 {offsets = [0, 128], sizes = [8, 128], strides = [1, 1]} : vector<8x256xf32> to vector<8x128xf32>
    %add3A_1127 = arith.addf %slice3A_1125, %slice3A_1126 : vector<8x128xf32>
    %add3A_1128 = arith.addf %add3A_283, %add3A_1127 : vector<8x128xf32>
    %slice3A_1129 = vector.extract_strided_slice %select_n3A_927 {offsets = [0, 0], sizes = [8, 256], strides = [1, 1]} : vector<192x256xf32> to vector<8x256xf32>
    %slice3A_1130 = vector.extract_strided_slice %select_n3A_927 {offsets = [8, 0], sizes = [8, 256], strides = [1, 1]} : vector<192x256xf32> to vector<8x256xf32>
    %add3A_1131 = arith.addf %slice3A_1129, %slice3A_1130 : vector<8x256xf32>
    %slice3A_1132 = vector.extract_strided_slice %select_n3A_927 {offsets = [16, 0], sizes = [8, 256], strides = [1, 1]} : vector<192x256xf32> to vector<8x256xf32>
    %add3A_1133 = arith.addf %add3A_1131, %slice3A_1132 : vector<8x256xf32>
    %slice3A_1134 = vector.extract_strided_slice %select_n3A_927 {offsets = [24, 0], sizes = [8, 256], strides = [1, 1]} : vector<192x256xf32> to vector<8x256xf32>
    %add3A_1135 = arith.addf %add3A_1133, %slice3A_1134 : vector<8x256xf32>
    %slice3A_1136 = vector.extract_strided_slice %select_n3A_927 {offsets = [32, 0], sizes = [8, 256], strides = [1, 1]} : vector<192x256xf32> to vector<8x256xf32>
    %add3A_1137 = arith.addf %add3A_1135, %slice3A_1136 : vector<8x256xf32>
    %slice3A_1138 = vector.extract_strided_slice %select_n3A_927 {offsets = [40, 0], sizes = [8, 256], strides = [1, 1]} : vector<192x256xf32> to vector<8x256xf32>
    %add3A_1139 = arith.addf %add3A_1137, %slice3A_1138 : vector<8x256xf32>
    %slice3A_1140 = vector.extract_strided_slice %select_n3A_927 {offsets = [48, 0], sizes = [8, 256], strides = [1, 1]} : vector<192x256xf32> to vector<8x256xf32>
    %add3A_1141 = arith.addf %add3A_1139, %slice3A_1140 : vector<8x256xf32>
    %slice3A_1142 = vector.extract_strided_slice %select_n3A_927 {offsets = [56, 0], sizes = [8, 256], strides = [1, 1]} : vector<192x256xf32> to vector<8x256xf32>
    %add3A_1143 = arith.addf %add3A_1141, %slice3A_1142 : vector<8x256xf32>
    %slice3A_1144 = vector.extract_strided_slice %select_n3A_927 {offsets = [64, 0], sizes = [8, 256], strides = [1, 1]} : vector<192x256xf32> to vector<8x256xf32>
    %add3A_1145 = arith.addf %add3A_1143, %slice3A_1144 : vector<8x256xf32>
    %slice3A_1146 = vector.extract_strided_slice %select_n3A_927 {offsets = [72, 0], sizes = [8, 256], strides = [1, 1]} : vector<192x256xf32> to vector<8x256xf32>
    %add3A_1147 = arith.addf %add3A_1145, %slice3A_1146 : vector<8x256xf32>
    %slice3A_1148 = vector.extract_strided_slice %select_n3A_927 {offsets = [80, 0], sizes = [8, 256], strides = [1, 1]} : vector<192x256xf32> to vector<8x256xf32>
    %add3A_1149 = arith.addf %add3A_1147, %slice3A_1148 : vector<8x256xf32>
    %slice3A_1150 = vector.extract_strided_slice %select_n3A_927 {offsets = [88, 0], sizes = [8, 256], strides = [1, 1]} : vector<192x256xf32> to vector<8x256xf32>
    %add3A_1151 = arith.addf %add3A_1149, %slice3A_1150 : vector<8x256xf32>
    %slice3A_1152 = vector.extract_strided_slice %select_n3A_927 {offsets = [96, 0], sizes = [8, 256], strides = [1, 1]} : vector<192x256xf32> to vector<8x256xf32>
    %add3A_1153 = arith.addf %add3A_1151, %slice3A_1152 : vector<8x256xf32>
    %slice3A_1154 = vector.extract_strided_slice %select_n3A_927 {offsets = [104, 0], sizes = [8, 256], strides = [1, 1]} : vector<192x256xf32> to vector<8x256xf32>
    %add3A_1155 = arith.addf %add3A_1153, %slice3A_1154 : vector<8x256xf32>
    %slice3A_1156 = vector.extract_strided_slice %select_n3A_927 {offsets = [112, 0], sizes = [8, 256], strides = [1, 1]} : vector<192x256xf32> to vector<8x256xf32>
    %add3A_1157 = arith.addf %add3A_1155, %slice3A_1156 : vector<8x256xf32>
    %slice3A_1158 = vector.extract_strided_slice %select_n3A_927 {offsets = [120, 0], sizes = [8, 256], strides = [1, 1]} : vector<192x256xf32> to vector<8x256xf32>
    %add3A_1159 = arith.addf %add3A_1157, %slice3A_1158 : vector<8x256xf32>
    %slice3A_1160 = vector.extract_strided_slice %select_n3A_927 {offsets = [128, 0], sizes = [8, 256], strides = [1, 1]} : vector<192x256xf32> to vector<8x256xf32>
    %add3A_1161 = arith.addf %add3A_1159, %slice3A_1160 : vector<8x256xf32>
    %slice3A_1162 = vector.extract_strided_slice %select_n3A_927 {offsets = [136, 0], sizes = [8, 256], strides = [1, 1]} : vector<192x256xf32> to vector<8x256xf32>
    %add3A_1163 = arith.addf %add3A_1161, %slice3A_1162 : vector<8x256xf32>
    %slice3A_1164 = vector.extract_strided_slice %select_n3A_927 {offsets = [144, 0], sizes = [8, 256], strides = [1, 1]} : vector<192x256xf32> to vector<8x256xf32>
    %add3A_1165 = arith.addf %add3A_1163, %slice3A_1164 : vector<8x256xf32>
    %slice3A_1166 = vector.extract_strided_slice %select_n3A_927 {offsets = [152, 0], sizes = [8, 256], strides = [1, 1]} : vector<192x256xf32> to vector<8x256xf32>
    %add3A_1167 = arith.addf %add3A_1165, %slice3A_1166 : vector<8x256xf32>
    %slice3A_1168 = vector.extract_strided_slice %select_n3A_927 {offsets = [160, 0], sizes = [8, 256], strides = [1, 1]} : vector<192x256xf32> to vector<8x256xf32>
    %add3A_1169 = arith.addf %add3A_1167, %slice3A_1168 : vector<8x256xf32>
    %slice3A_1170 = vector.extract_strided_slice %select_n3A_927 {offsets = [168, 0], sizes = [8, 256], strides = [1, 1]} : vector<192x256xf32> to vector<8x256xf32>
    %add3A_1171 = arith.addf %add3A_1169, %slice3A_1170 : vector<8x256xf32>
    %slice3A_1172 = vector.extract_strided_slice %select_n3A_927 {offsets = [176, 0], sizes = [8, 256], strides = [1, 1]} : vector<192x256xf32> to vector<8x256xf32>
    %add3A_1173 = arith.addf %add3A_1171, %slice3A_1172 : vector<8x256xf32>
    %slice3A_1174 = vector.extract_strided_slice %select_n3A_927 {offsets = [184, 0], sizes = [8, 256], strides = [1, 1]} : vector<192x256xf32> to vector<8x256xf32>
    %add3A_1175 = arith.addf %add3A_1173, %slice3A_1174 : vector<8x256xf32>
    %slice3A_1176 = vector.extract_strided_slice %add3A_1175 {offsets = [0, 0], sizes = [8, 128], strides = [1, 1]} : vector<8x256xf32> to vector<8x128xf32>
    %slice3A_1177 = vector.extract_strided_slice %add3A_1175 {offsets = [0, 128], sizes = [8, 128], strides = [1, 1]} : vector<8x256xf32> to vector<8x128xf32>
    %add3A_1178 = arith.addf %slice3A_1176, %slice3A_1177 : vector<8x128xf32>
    %add3A_1179 = arith.addf %add3A_333, %add3A_1178 : vector<8x128xf32>
    %slice3A_1180 = vector.extract_strided_slice %select_n3A_940 {offsets = [0, 0], sizes = [8, 256], strides = [1, 1]} : vector<192x256xf32> to vector<8x256xf32>
    %slice3A_1181 = vector.extract_strided_slice %select_n3A_940 {offsets = [8, 0], sizes = [8, 256], strides = [1, 1]} : vector<192x256xf32> to vector<8x256xf32>
    %add3A_1182 = arith.addf %slice3A_1180, %slice3A_1181 : vector<8x256xf32>
    %slice3A_1183 = vector.extract_strided_slice %select_n3A_940 {offsets = [16, 0], sizes = [8, 256], strides = [1, 1]} : vector<192x256xf32> to vector<8x256xf32>
    %add3A_1184 = arith.addf %add3A_1182, %slice3A_1183 : vector<8x256xf32>
    %slice3A_1185 = vector.extract_strided_slice %select_n3A_940 {offsets = [24, 0], sizes = [8, 256], strides = [1, 1]} : vector<192x256xf32> to vector<8x256xf32>
    %add3A_1186 = arith.addf %add3A_1184, %slice3A_1185 : vector<8x256xf32>
    %slice3A_1187 = vector.extract_strided_slice %select_n3A_940 {offsets = [32, 0], sizes = [8, 256], strides = [1, 1]} : vector<192x256xf32> to vector<8x256xf32>
    %add3A_1188 = arith.addf %add3A_1186, %slice3A_1187 : vector<8x256xf32>
    %slice3A_1189 = vector.extract_strided_slice %select_n3A_940 {offsets = [40, 0], sizes = [8, 256], strides = [1, 1]} : vector<192x256xf32> to vector<8x256xf32>
    %add3A_1190 = arith.addf %add3A_1188, %slice3A_1189 : vector<8x256xf32>
    %slice3A_1191 = vector.extract_strided_slice %select_n3A_940 {offsets = [48, 0], sizes = [8, 256], strides = [1, 1]} : vector<192x256xf32> to vector<8x256xf32>
    %add3A_1192 = arith.addf %add3A_1190, %slice3A_1191 : vector<8x256xf32>
    %slice3A_1193 = vector.extract_strided_slice %select_n3A_940 {offsets = [56, 0], sizes = [8, 256], strides = [1, 1]} : vector<192x256xf32> to vector<8x256xf32>
    %add3A_1194 = arith.addf %add3A_1192, %slice3A_1193 : vector<8x256xf32>
    %slice3A_1195 = vector.extract_strided_slice %select_n3A_940 {offsets = [64, 0], sizes = [8, 256], strides = [1, 1]} : vector<192x256xf32> to vector<8x256xf32>
    %add3A_1196 = arith.addf %add3A_1194, %slice3A_1195 : vector<8x256xf32>
    %slice3A_1197 = vector.extract_strided_slice %select_n3A_940 {offsets = [72, 0], sizes = [8, 256], strides = [1, 1]} : vector<192x256xf32> to vector<8x256xf32>
    %add3A_1198 = arith.addf %add3A_1196, %slice3A_1197 : vector<8x256xf32>
    %slice3A_1199 = vector.extract_strided_slice %select_n3A_940 {offsets = [80, 0], sizes = [8, 256], strides = [1, 1]} : vector<192x256xf32> to vector<8x256xf32>
    %add3A_1200 = arith.addf %add3A_1198, %slice3A_1199 : vector<8x256xf32>
    %slice3A_1201 = vector.extract_strided_slice %select_n3A_940 {offsets = [88, 0], sizes = [8, 256], strides = [1, 1]} : vector<192x256xf32> to vector<8x256xf32>
    %add3A_1202 = arith.addf %add3A_1200, %slice3A_1201 : vector<8x256xf32>
    %slice3A_1203 = vector.extract_strided_slice %select_n3A_940 {offsets = [96, 0], sizes = [8, 256], strides = [1, 1]} : vector<192x256xf32> to vector<8x256xf32>
    %add3A_1204 = arith.addf %add3A_1202, %slice3A_1203 : vector<8x256xf32>
    %slice3A_1205 = vector.extract_strided_slice %select_n3A_940 {offsets = [104, 0], sizes = [8, 256], strides = [1, 1]} : vector<192x256xf32> to vector<8x256xf32>
    %add3A_1206 = arith.addf %add3A_1204, %slice3A_1205 : vector<8x256xf32>
    %slice3A_1207 = vector.extract_strided_slice %select_n3A_940 {offsets = [112, 0], sizes = [8, 256], strides = [1, 1]} : vector<192x256xf32> to vector<8x256xf32>
    %add3A_1208 = arith.addf %add3A_1206, %slice3A_1207 : vector<8x256xf32>
    %slice3A_1209 = vector.extract_strided_slice %select_n3A_940 {offsets = [120, 0], sizes = [8, 256], strides = [1, 1]} : vector<192x256xf32> to vector<8x256xf32>
    %add3A_1210 = arith.addf %add3A_1208, %slice3A_1209 : vector<8x256xf32>
    %slice3A_1211 = vector.extract_strided_slice %select_n3A_940 {offsets = [128, 0], sizes = [8, 256], strides = [1, 1]} : vector<192x256xf32> to vector<8x256xf32>
    %add3A_1212 = arith.addf %add3A_1210, %slice3A_1211 : vector<8x256xf32>
    %slice3A_1213 = vector.extract_strided_slice %select_n3A_940 {offsets = [136, 0], sizes = [8, 256], strides = [1, 1]} : vector<192x256xf32> to vector<8x256xf32>
    %add3A_1214 = arith.addf %add3A_1212, %slice3A_1213 : vector<8x256xf32>
    %slice3A_1215 = vector.extract_strided_slice %select_n3A_940 {offsets = [144, 0], sizes = [8, 256], strides = [1, 1]} : vector<192x256xf32> to vector<8x256xf32>
    %add3A_1216 = arith.addf %add3A_1214, %slice3A_1215 : vector<8x256xf32>
    %slice3A_1217 = vector.extract_strided_slice %select_n3A_940 {offsets = [152, 0], sizes = [8, 256], strides = [1, 1]} : vector<192x256xf32> to vector<8x256xf32>
    %add3A_1218 = arith.addf %add3A_1216, %slice3A_1217 : vector<8x256xf32>
    %slice3A_1219 = vector.extract_strided_slice %select_n3A_940 {offsets = [160, 0], sizes = [8, 256], strides = [1, 1]} : vector<192x256xf32> to vector<8x256xf32>
    %add3A_1220 = arith.addf %add3A_1218, %slice3A_1219 : vector<8x256xf32>
    %slice3A_1221 = vector.extract_strided_slice %select_n3A_940 {offsets = [168, 0], sizes = [8, 256], strides = [1, 1]} : vector<192x256xf32> to vector<8x256xf32>
    %add3A_1222 = arith.addf %add3A_1220, %slice3A_1221 : vector<8x256xf32>
    %slice3A_1223 = vector.extract_strided_slice %select_n3A_940 {offsets = [176, 0], sizes = [8, 256], strides = [1, 1]} : vector<192x256xf32> to vector<8x256xf32>
    %add3A_1224 = arith.addf %add3A_1222, %slice3A_1223 : vector<8x256xf32>
    %slice3A_1225 = vector.extract_strided_slice %select_n3A_940 {offsets = [184, 0], sizes = [8, 256], strides = [1, 1]} : vector<192x256xf32> to vector<8x256xf32>
    %add3A_1226 = arith.addf %add3A_1224, %slice3A_1225 : vector<8x256xf32>
    %slice3A_1227 = vector.extract_strided_slice %add3A_1226 {offsets = [0, 0], sizes = [8, 128], strides = [1, 1]} : vector<8x256xf32> to vector<8x128xf32>
    %slice3A_1228 = vector.extract_strided_slice %add3A_1226 {offsets = [0, 128], sizes = [8, 128], strides = [1, 1]} : vector<8x256xf32> to vector<8x128xf32>
    %add3A_1229 = arith.addf %slice3A_1227, %slice3A_1228 : vector<8x128xf32>
    %add3A_1230 = arith.addf %add3A_383, %add3A_1229 : vector<8x128xf32>
    %slice3A_1231 = vector.extract_strided_slice %get3A_947 {offsets = [0, 0], sizes = [8, 256], strides = [1, 1]} : vector<192x256xf32> to vector<8x256xf32>
    %slice3A_1232 = vector.extract_strided_slice %get3A_947 {offsets = [8, 0], sizes = [8, 256], strides = [1, 1]} : vector<192x256xf32> to vector<8x256xf32>
    %add3A_1233 = arith.addf %slice3A_1231, %slice3A_1232 : vector<8x256xf32>
    %slice3A_1234 = vector.extract_strided_slice %get3A_947 {offsets = [16, 0], sizes = [8, 256], strides = [1, 1]} : vector<192x256xf32> to vector<8x256xf32>
    %add3A_1235 = arith.addf %add3A_1233, %slice3A_1234 : vector<8x256xf32>
    %slice3A_1236 = vector.extract_strided_slice %get3A_947 {offsets = [24, 0], sizes = [8, 256], strides = [1, 1]} : vector<192x256xf32> to vector<8x256xf32>
    %add3A_1237 = arith.addf %add3A_1235, %slice3A_1236 : vector<8x256xf32>
    %slice3A_1238 = vector.extract_strided_slice %get3A_947 {offsets = [32, 0], sizes = [8, 256], strides = [1, 1]} : vector<192x256xf32> to vector<8x256xf32>
    %add3A_1239 = arith.addf %add3A_1237, %slice3A_1238 : vector<8x256xf32>
    %slice3A_1240 = vector.extract_strided_slice %get3A_947 {offsets = [40, 0], sizes = [8, 256], strides = [1, 1]} : vector<192x256xf32> to vector<8x256xf32>
    %add3A_1241 = arith.addf %add3A_1239, %slice3A_1240 : vector<8x256xf32>
    %slice3A_1242 = vector.extract_strided_slice %get3A_947 {offsets = [48, 0], sizes = [8, 256], strides = [1, 1]} : vector<192x256xf32> to vector<8x256xf32>
    %add3A_1243 = arith.addf %add3A_1241, %slice3A_1242 : vector<8x256xf32>
    %slice3A_1244 = vector.extract_strided_slice %get3A_947 {offsets = [56, 0], sizes = [8, 256], strides = [1, 1]} : vector<192x256xf32> to vector<8x256xf32>
    %add3A_1245 = arith.addf %add3A_1243, %slice3A_1244 : vector<8x256xf32>
    %slice3A_1246 = vector.extract_strided_slice %get3A_947 {offsets = [64, 0], sizes = [8, 256], strides = [1, 1]} : vector<192x256xf32> to vector<8x256xf32>
    %add3A_1247 = arith.addf %add3A_1245, %slice3A_1246 : vector<8x256xf32>
    %slice3A_1248 = vector.extract_strided_slice %get3A_947 {offsets = [72, 0], sizes = [8, 256], strides = [1, 1]} : vector<192x256xf32> to vector<8x256xf32>
    %add3A_1249 = arith.addf %add3A_1247, %slice3A_1248 : vector<8x256xf32>
    %slice3A_1250 = vector.extract_strided_slice %get3A_947 {offsets = [80, 0], sizes = [8, 256], strides = [1, 1]} : vector<192x256xf32> to vector<8x256xf32>
    %add3A_1251 = arith.addf %add3A_1249, %slice3A_1250 : vector<8x256xf32>
    %slice3A_1252 = vector.extract_strided_slice %get3A_947 {offsets = [88, 0], sizes = [8, 256], strides = [1, 1]} : vector<192x256xf32> to vector<8x256xf32>
    %add3A_1253 = arith.addf %add3A_1251, %slice3A_1252 : vector<8x256xf32>
    %slice3A_1254 = vector.extract_strided_slice %get3A_947 {offsets = [96, 0], sizes = [8, 256], strides = [1, 1]} : vector<192x256xf32> to vector<8x256xf32>
    %add3A_1255 = arith.addf %add3A_1253, %slice3A_1254 : vector<8x256xf32>
    %slice3A_1256 = vector.extract_strided_slice %get3A_947 {offsets = [104, 0], sizes = [8, 256], strides = [1, 1]} : vector<192x256xf32> to vector<8x256xf32>
    %add3A_1257 = arith.addf %add3A_1255, %slice3A_1256 : vector<8x256xf32>
    %slice3A_1258 = vector.extract_strided_slice %get3A_947 {offsets = [112, 0], sizes = [8, 256], strides = [1, 1]} : vector<192x256xf32> to vector<8x256xf32>
    %add3A_1259 = arith.addf %add3A_1257, %slice3A_1258 : vector<8x256xf32>
    %slice3A_1260 = vector.extract_strided_slice %get3A_947 {offsets = [120, 0], sizes = [8, 256], strides = [1, 1]} : vector<192x256xf32> to vector<8x256xf32>
    %add3A_1261 = arith.addf %add3A_1259, %slice3A_1260 : vector<8x256xf32>
    %slice3A_1262 = vector.extract_strided_slice %get3A_947 {offsets = [128, 0], sizes = [8, 256], strides = [1, 1]} : vector<192x256xf32> to vector<8x256xf32>
    %add3A_1263 = arith.addf %add3A_1261, %slice3A_1262 : vector<8x256xf32>
    %slice3A_1264 = vector.extract_strided_slice %get3A_947 {offsets = [136, 0], sizes = [8, 256], strides = [1, 1]} : vector<192x256xf32> to vector<8x256xf32>
    %add3A_1265 = arith.addf %add3A_1263, %slice3A_1264 : vector<8x256xf32>
    %slice3A_1266 = vector.extract_strided_slice %get3A_947 {offsets = [144, 0], sizes = [8, 256], strides = [1, 1]} : vector<192x256xf32> to vector<8x256xf32>
    %add3A_1267 = arith.addf %add3A_1265, %slice3A_1266 : vector<8x256xf32>
    %slice3A_1268 = vector.extract_strided_slice %get3A_947 {offsets = [152, 0], sizes = [8, 256], strides = [1, 1]} : vector<192x256xf32> to vector<8x256xf32>
    %add3A_1269 = arith.addf %add3A_1267, %slice3A_1268 : vector<8x256xf32>
    %slice3A_1270 = vector.extract_strided_slice %get3A_947 {offsets = [160, 0], sizes = [8, 256], strides = [1, 1]} : vector<192x256xf32> to vector<8x256xf32>
    %add3A_1271 = arith.addf %add3A_1269, %slice3A_1270 : vector<8x256xf32>
    %slice3A_1272 = vector.extract_strided_slice %get3A_947 {offsets = [168, 0], sizes = [8, 256], strides = [1, 1]} : vector<192x256xf32> to vector<8x256xf32>
    %add3A_1273 = arith.addf %add3A_1271, %slice3A_1272 : vector<8x256xf32>
    %slice3A_1274 = vector.extract_strided_slice %get3A_947 {offsets = [176, 0], sizes = [8, 256], strides = [1, 1]} : vector<192x256xf32> to vector<8x256xf32>
    %add3A_1275 = arith.addf %add3A_1273, %slice3A_1274 : vector<8x256xf32>
    %slice3A_1276 = vector.extract_strided_slice %get3A_947 {offsets = [184, 0], sizes = [8, 256], strides = [1, 1]} : vector<192x256xf32> to vector<8x256xf32>
    %add3A_1277 = arith.addf %add3A_1275, %slice3A_1276 : vector<8x256xf32>
    %slice3A_1278 = vector.extract_strided_slice %add3A_1277 {offsets = [0, 0], sizes = [8, 128], strides = [1, 1]} : vector<8x256xf32> to vector<8x128xf32>
    %slice3A_1279 = vector.extract_strided_slice %add3A_1277 {offsets = [0, 128], sizes = [8, 128], strides = [1, 1]} : vector<8x256xf32> to vector<8x128xf32>
    %add3A_1280 = arith.addf %slice3A_1278, %slice3A_1279 : vector<8x128xf32>
    %add3A_1281 = arith.addf %add3A_433, %add3A_1280 : vector<8x128xf32>
    %slice3A_1282 = vector.extract_strided_slice %get3A_954 {offsets = [0, 0], sizes = [8, 256], strides = [1, 1]} : vector<192x256xf32> to vector<8x256xf32>
    %slice3A_1283 = vector.extract_strided_slice %get3A_954 {offsets = [8, 0], sizes = [8, 256], strides = [1, 1]} : vector<192x256xf32> to vector<8x256xf32>
    %add3A_1284 = arith.addf %slice3A_1282, %slice3A_1283 : vector<8x256xf32>
    %slice3A_1285 = vector.extract_strided_slice %get3A_954 {offsets = [16, 0], sizes = [8, 256], strides = [1, 1]} : vector<192x256xf32> to vector<8x256xf32>
    %add3A_1286 = arith.addf %add3A_1284, %slice3A_1285 : vector<8x256xf32>
    %slice3A_1287 = vector.extract_strided_slice %get3A_954 {offsets = [24, 0], sizes = [8, 256], strides = [1, 1]} : vector<192x256xf32> to vector<8x256xf32>
    %add3A_1288 = arith.addf %add3A_1286, %slice3A_1287 : vector<8x256xf32>
    %slice3A_1289 = vector.extract_strided_slice %get3A_954 {offsets = [32, 0], sizes = [8, 256], strides = [1, 1]} : vector<192x256xf32> to vector<8x256xf32>
    %add3A_1290 = arith.addf %add3A_1288, %slice3A_1289 : vector<8x256xf32>
    %slice3A_1291 = vector.extract_strided_slice %get3A_954 {offsets = [40, 0], sizes = [8, 256], strides = [1, 1]} : vector<192x256xf32> to vector<8x256xf32>
    %add3A_1292 = arith.addf %add3A_1290, %slice3A_1291 : vector<8x256xf32>
    %slice3A_1293 = vector.extract_strided_slice %get3A_954 {offsets = [48, 0], sizes = [8, 256], strides = [1, 1]} : vector<192x256xf32> to vector<8x256xf32>
    %add3A_1294 = arith.addf %add3A_1292, %slice3A_1293 : vector<8x256xf32>
    %slice3A_1295 = vector.extract_strided_slice %get3A_954 {offsets = [56, 0], sizes = [8, 256], strides = [1, 1]} : vector<192x256xf32> to vector<8x256xf32>
    %add3A_1296 = arith.addf %add3A_1294, %slice3A_1295 : vector<8x256xf32>
    %slice3A_1297 = vector.extract_strided_slice %get3A_954 {offsets = [64, 0], sizes = [8, 256], strides = [1, 1]} : vector<192x256xf32> to vector<8x256xf32>
    %add3A_1298 = arith.addf %add3A_1296, %slice3A_1297 : vector<8x256xf32>
    %slice3A_1299 = vector.extract_strided_slice %get3A_954 {offsets = [72, 0], sizes = [8, 256], strides = [1, 1]} : vector<192x256xf32> to vector<8x256xf32>
    %add3A_1300 = arith.addf %add3A_1298, %slice3A_1299 : vector<8x256xf32>
    %slice3A_1301 = vector.extract_strided_slice %get3A_954 {offsets = [80, 0], sizes = [8, 256], strides = [1, 1]} : vector<192x256xf32> to vector<8x256xf32>
    %add3A_1302 = arith.addf %add3A_1300, %slice3A_1301 : vector<8x256xf32>
    %slice3A_1303 = vector.extract_strided_slice %get3A_954 {offsets = [88, 0], sizes = [8, 256], strides = [1, 1]} : vector<192x256xf32> to vector<8x256xf32>
    %add3A_1304 = arith.addf %add3A_1302, %slice3A_1303 : vector<8x256xf32>
    %slice3A_1305 = vector.extract_strided_slice %get3A_954 {offsets = [96, 0], sizes = [8, 256], strides = [1, 1]} : vector<192x256xf32> to vector<8x256xf32>
    %add3A_1306 = arith.addf %add3A_1304, %slice3A_1305 : vector<8x256xf32>
    %slice3A_1307 = vector.extract_strided_slice %get3A_954 {offsets = [104, 0], sizes = [8, 256], strides = [1, 1]} : vector<192x256xf32> to vector<8x256xf32>
    %add3A_1308 = arith.addf %add3A_1306, %slice3A_1307 : vector<8x256xf32>
    %slice3A_1309 = vector.extract_strided_slice %get3A_954 {offsets = [112, 0], sizes = [8, 256], strides = [1, 1]} : vector<192x256xf32> to vector<8x256xf32>
    %add3A_1310 = arith.addf %add3A_1308, %slice3A_1309 : vector<8x256xf32>
    %slice3A_1311 = vector.extract_strided_slice %get3A_954 {offsets = [120, 0], sizes = [8, 256], strides = [1, 1]} : vector<192x256xf32> to vector<8x256xf32>
    %add3A_1312 = arith.addf %add3A_1310, %slice3A_1311 : vector<8x256xf32>
    %slice3A_1313 = vector.extract_strided_slice %get3A_954 {offsets = [128, 0], sizes = [8, 256], strides = [1, 1]} : vector<192x256xf32> to vector<8x256xf32>
    %add3A_1314 = arith.addf %add3A_1312, %slice3A_1313 : vector<8x256xf32>
    %slice3A_1315 = vector.extract_strided_slice %get3A_954 {offsets = [136, 0], sizes = [8, 256], strides = [1, 1]} : vector<192x256xf32> to vector<8x256xf32>
    %add3A_1316 = arith.addf %add3A_1314, %slice3A_1315 : vector<8x256xf32>
    %slice3A_1317 = vector.extract_strided_slice %get3A_954 {offsets = [144, 0], sizes = [8, 256], strides = [1, 1]} : vector<192x256xf32> to vector<8x256xf32>
    %add3A_1318 = arith.addf %add3A_1316, %slice3A_1317 : vector<8x256xf32>
    %slice3A_1319 = vector.extract_strided_slice %get3A_954 {offsets = [152, 0], sizes = [8, 256], strides = [1, 1]} : vector<192x256xf32> to vector<8x256xf32>
    %add3A_1320 = arith.addf %add3A_1318, %slice3A_1319 : vector<8x256xf32>
    %slice3A_1321 = vector.extract_strided_slice %get3A_954 {offsets = [160, 0], sizes = [8, 256], strides = [1, 1]} : vector<192x256xf32> to vector<8x256xf32>
    %add3A_1322 = arith.addf %add3A_1320, %slice3A_1321 : vector<8x256xf32>
    %slice3A_1323 = vector.extract_strided_slice %get3A_954 {offsets = [168, 0], sizes = [8, 256], strides = [1, 1]} : vector<192x256xf32> to vector<8x256xf32>
    %add3A_1324 = arith.addf %add3A_1322, %slice3A_1323 : vector<8x256xf32>
    %slice3A_1325 = vector.extract_strided_slice %get3A_954 {offsets = [176, 0], sizes = [8, 256], strides = [1, 1]} : vector<192x256xf32> to vector<8x256xf32>
    %add3A_1326 = arith.addf %add3A_1324, %slice3A_1325 : vector<8x256xf32>
    %slice3A_1327 = vector.extract_strided_slice %get3A_954 {offsets = [184, 0], sizes = [8, 256], strides = [1, 1]} : vector<192x256xf32> to vector<8x256xf32>
    %add3A_1328 = arith.addf %add3A_1326, %slice3A_1327 : vector<8x256xf32>
    %slice3A_1329 = vector.extract_strided_slice %add3A_1328 {offsets = [0, 0], sizes = [8, 128], strides = [1, 1]} : vector<8x256xf32> to vector<8x128xf32>
    %slice3A_1330 = vector.extract_strided_slice %add3A_1328 {offsets = [0, 128], sizes = [8, 128], strides = [1, 1]} : vector<8x256xf32> to vector<8x128xf32>
    %add3A_1331 = arith.addf %slice3A_1329, %slice3A_1330 : vector<8x128xf32>
    %add3A_1332 = arith.addf %add3A_483, %add3A_1331 : vector<8x128xf32>
    %slice3A_1333 = vector.extract_strided_slice %get3A_961 {offsets = [0, 0], sizes = [8, 256], strides = [1, 1]} : vector<192x256xf32> to vector<8x256xf32>
    %slice3A_1334 = vector.extract_strided_slice %get3A_961 {offsets = [8, 0], sizes = [8, 256], strides = [1, 1]} : vector<192x256xf32> to vector<8x256xf32>
    %add3A_1335 = arith.addf %slice3A_1333, %slice3A_1334 : vector<8x256xf32>
    %slice3A_1336 = vector.extract_strided_slice %get3A_961 {offsets = [16, 0], sizes = [8, 256], strides = [1, 1]} : vector<192x256xf32> to vector<8x256xf32>
    %add3A_1337 = arith.addf %add3A_1335, %slice3A_1336 : vector<8x256xf32>
    %slice3A_1338 = vector.extract_strided_slice %get3A_961 {offsets = [24, 0], sizes = [8, 256], strides = [1, 1]} : vector<192x256xf32> to vector<8x256xf32>
    %add3A_1339 = arith.addf %add3A_1337, %slice3A_1338 : vector<8x256xf32>
    %slice3A_1340 = vector.extract_strided_slice %get3A_961 {offsets = [32, 0], sizes = [8, 256], strides = [1, 1]} : vector<192x256xf32> to vector<8x256xf32>
    %add3A_1341 = arith.addf %add3A_1339, %slice3A_1340 : vector<8x256xf32>
    %slice3A_1342 = vector.extract_strided_slice %get3A_961 {offsets = [40, 0], sizes = [8, 256], strides = [1, 1]} : vector<192x256xf32> to vector<8x256xf32>
    %add3A_1343 = arith.addf %add3A_1341, %slice3A_1342 : vector<8x256xf32>
    %slice3A_1344 = vector.extract_strided_slice %get3A_961 {offsets = [48, 0], sizes = [8, 256], strides = [1, 1]} : vector<192x256xf32> to vector<8x256xf32>
    %add3A_1345 = arith.addf %add3A_1343, %slice3A_1344 : vector<8x256xf32>
    %slice3A_1346 = vector.extract_strided_slice %get3A_961 {offsets = [56, 0], sizes = [8, 256], strides = [1, 1]} : vector<192x256xf32> to vector<8x256xf32>
    %add3A_1347 = arith.addf %add3A_1345, %slice3A_1346 : vector<8x256xf32>
    %slice3A_1348 = vector.extract_strided_slice %get3A_961 {offsets = [64, 0], sizes = [8, 256], strides = [1, 1]} : vector<192x256xf32> to vector<8x256xf32>
    %add3A_1349 = arith.addf %add3A_1347, %slice3A_1348 : vector<8x256xf32>
    %slice3A_1350 = vector.extract_strided_slice %get3A_961 {offsets = [72, 0], sizes = [8, 256], strides = [1, 1]} : vector<192x256xf32> to vector<8x256xf32>
    %add3A_1351 = arith.addf %add3A_1349, %slice3A_1350 : vector<8x256xf32>
    %slice3A_1352 = vector.extract_strided_slice %get3A_961 {offsets = [80, 0], sizes = [8, 256], strides = [1, 1]} : vector<192x256xf32> to vector<8x256xf32>
    %add3A_1353 = arith.addf %add3A_1351, %slice3A_1352 : vector<8x256xf32>
    %slice3A_1354 = vector.extract_strided_slice %get3A_961 {offsets = [88, 0], sizes = [8, 256], strides = [1, 1]} : vector<192x256xf32> to vector<8x256xf32>
    %add3A_1355 = arith.addf %add3A_1353, %slice3A_1354 : vector<8x256xf32>
    %slice3A_1356 = vector.extract_strided_slice %get3A_961 {offsets = [96, 0], sizes = [8, 256], strides = [1, 1]} : vector<192x256xf32> to vector<8x256xf32>
    %add3A_1357 = arith.addf %add3A_1355, %slice3A_1356 : vector<8x256xf32>
    %slice3A_1358 = vector.extract_strided_slice %get3A_961 {offsets = [104, 0], sizes = [8, 256], strides = [1, 1]} : vector<192x256xf32> to vector<8x256xf32>
    %add3A_1359 = arith.addf %add3A_1357, %slice3A_1358 : vector<8x256xf32>
    %slice3A_1360 = vector.extract_strided_slice %get3A_961 {offsets = [112, 0], sizes = [8, 256], strides = [1, 1]} : vector<192x256xf32> to vector<8x256xf32>
    %add3A_1361 = arith.addf %add3A_1359, %slice3A_1360 : vector<8x256xf32>
    %slice3A_1362 = vector.extract_strided_slice %get3A_961 {offsets = [120, 0], sizes = [8, 256], strides = [1, 1]} : vector<192x256xf32> to vector<8x256xf32>
    %add3A_1363 = arith.addf %add3A_1361, %slice3A_1362 : vector<8x256xf32>
    %slice3A_1364 = vector.extract_strided_slice %get3A_961 {offsets = [128, 0], sizes = [8, 256], strides = [1, 1]} : vector<192x256xf32> to vector<8x256xf32>
    %add3A_1365 = arith.addf %add3A_1363, %slice3A_1364 : vector<8x256xf32>
    %slice3A_1366 = vector.extract_strided_slice %get3A_961 {offsets = [136, 0], sizes = [8, 256], strides = [1, 1]} : vector<192x256xf32> to vector<8x256xf32>
    %add3A_1367 = arith.addf %add3A_1365, %slice3A_1366 : vector<8x256xf32>
    %slice3A_1368 = vector.extract_strided_slice %get3A_961 {offsets = [144, 0], sizes = [8, 256], strides = [1, 1]} : vector<192x256xf32> to vector<8x256xf32>
    %add3A_1369 = arith.addf %add3A_1367, %slice3A_1368 : vector<8x256xf32>
    %slice3A_1370 = vector.extract_strided_slice %get3A_961 {offsets = [152, 0], sizes = [8, 256], strides = [1, 1]} : vector<192x256xf32> to vector<8x256xf32>
    %add3A_1371 = arith.addf %add3A_1369, %slice3A_1370 : vector<8x256xf32>
    %slice3A_1372 = vector.extract_strided_slice %get3A_961 {offsets = [160, 0], sizes = [8, 256], strides = [1, 1]} : vector<192x256xf32> to vector<8x256xf32>
    %add3A_1373 = arith.addf %add3A_1371, %slice3A_1372 : vector<8x256xf32>
    %slice3A_1374 = vector.extract_strided_slice %get3A_961 {offsets = [168, 0], sizes = [8, 256], strides = [1, 1]} : vector<192x256xf32> to vector<8x256xf32>
    %add3A_1375 = arith.addf %add3A_1373, %slice3A_1374 : vector<8x256xf32>
    %slice3A_1376 = vector.extract_strided_slice %get3A_961 {offsets = [176, 0], sizes = [8, 256], strides = [1, 1]} : vector<192x256xf32> to vector<8x256xf32>
    %add3A_1377 = arith.addf %add3A_1375, %slice3A_1376 : vector<8x256xf32>
    %slice3A_1378 = vector.extract_strided_slice %get3A_961 {offsets = [184, 0], sizes = [8, 256], strides = [1, 1]} : vector<192x256xf32> to vector<8x256xf32>
    %add3A_1379 = arith.addf %add3A_1377, %slice3A_1378 : vector<8x256xf32>
    %slice3A_1380 = vector.extract_strided_slice %add3A_1379 {offsets = [0, 0], sizes = [8, 128], strides = [1, 1]} : vector<8x256xf32> to vector<8x128xf32>
    %slice3A_1381 = vector.extract_strided_slice %add3A_1379 {offsets = [0, 128], sizes = [8, 128], strides = [1, 1]} : vector<8x256xf32> to vector<8x128xf32>
    %add3A_1382 = arith.addf %slice3A_1380, %slice3A_1381 : vector<8x128xf32>
    %add3A_1383 = arith.addf %add3A_533, %add3A_1382 : vector<8x128xf32>
    %slice3A_1384 = vector.extract_strided_slice %get3A_968 {offsets = [0, 0], sizes = [8, 256], strides = [1, 1]} : vector<192x256xf32> to vector<8x256xf32>
    %slice3A_1385 = vector.extract_strided_slice %get3A_968 {offsets = [8, 0], sizes = [8, 256], strides = [1, 1]} : vector<192x256xf32> to vector<8x256xf32>
    %add3A_1386 = arith.addf %slice3A_1384, %slice3A_1385 : vector<8x256xf32>
    %slice3A_1387 = vector.extract_strided_slice %get3A_968 {offsets = [16, 0], sizes = [8, 256], strides = [1, 1]} : vector<192x256xf32> to vector<8x256xf32>
    %add3A_1388 = arith.addf %add3A_1386, %slice3A_1387 : vector<8x256xf32>
    %slice3A_1389 = vector.extract_strided_slice %get3A_968 {offsets = [24, 0], sizes = [8, 256], strides = [1, 1]} : vector<192x256xf32> to vector<8x256xf32>
    %add3A_1390 = arith.addf %add3A_1388, %slice3A_1389 : vector<8x256xf32>
    %slice3A_1391 = vector.extract_strided_slice %get3A_968 {offsets = [32, 0], sizes = [8, 256], strides = [1, 1]} : vector<192x256xf32> to vector<8x256xf32>
    %add3A_1392 = arith.addf %add3A_1390, %slice3A_1391 : vector<8x256xf32>
    %slice3A_1393 = vector.extract_strided_slice %get3A_968 {offsets = [40, 0], sizes = [8, 256], strides = [1, 1]} : vector<192x256xf32> to vector<8x256xf32>
    %add3A_1394 = arith.addf %add3A_1392, %slice3A_1393 : vector<8x256xf32>
    %slice3A_1395 = vector.extract_strided_slice %get3A_968 {offsets = [48, 0], sizes = [8, 256], strides = [1, 1]} : vector<192x256xf32> to vector<8x256xf32>
    %add3A_1396 = arith.addf %add3A_1394, %slice3A_1395 : vector<8x256xf32>
    %slice3A_1397 = vector.extract_strided_slice %get3A_968 {offsets = [56, 0], sizes = [8, 256], strides = [1, 1]} : vector<192x256xf32> to vector<8x256xf32>
    %add3A_1398 = arith.addf %add3A_1396, %slice3A_1397 : vector<8x256xf32>
    %slice3A_1399 = vector.extract_strided_slice %get3A_968 {offsets = [64, 0], sizes = [8, 256], strides = [1, 1]} : vector<192x256xf32> to vector<8x256xf32>
    %add3A_1400 = arith.addf %add3A_1398, %slice3A_1399 : vector<8x256xf32>
    %slice3A_1401 = vector.extract_strided_slice %get3A_968 {offsets = [72, 0], sizes = [8, 256], strides = [1, 1]} : vector<192x256xf32> to vector<8x256xf32>
    %add3A_1402 = arith.addf %add3A_1400, %slice3A_1401 : vector<8x256xf32>
    %slice3A_1403 = vector.extract_strided_slice %get3A_968 {offsets = [80, 0], sizes = [8, 256], strides = [1, 1]} : vector<192x256xf32> to vector<8x256xf32>
    %add3A_1404 = arith.addf %add3A_1402, %slice3A_1403 : vector<8x256xf32>
    %slice3A_1405 = vector.extract_strided_slice %get3A_968 {offsets = [88, 0], sizes = [8, 256], strides = [1, 1]} : vector<192x256xf32> to vector<8x256xf32>
    %add3A_1406 = arith.addf %add3A_1404, %slice3A_1405 : vector<8x256xf32>
    %slice3A_1407 = vector.extract_strided_slice %get3A_968 {offsets = [96, 0], sizes = [8, 256], strides = [1, 1]} : vector<192x256xf32> to vector<8x256xf32>
    %add3A_1408 = arith.addf %add3A_1406, %slice3A_1407 : vector<8x256xf32>
    %slice3A_1409 = vector.extract_strided_slice %get3A_968 {offsets = [104, 0], sizes = [8, 256], strides = [1, 1]} : vector<192x256xf32> to vector<8x256xf32>
    %add3A_1410 = arith.addf %add3A_1408, %slice3A_1409 : vector<8x256xf32>
    %slice3A_1411 = vector.extract_strided_slice %get3A_968 {offsets = [112, 0], sizes = [8, 256], strides = [1, 1]} : vector<192x256xf32> to vector<8x256xf32>
    %add3A_1412 = arith.addf %add3A_1410, %slice3A_1411 : vector<8x256xf32>
    %slice3A_1413 = vector.extract_strided_slice %get3A_968 {offsets = [120, 0], sizes = [8, 256], strides = [1, 1]} : vector<192x256xf32> to vector<8x256xf32>
    %add3A_1414 = arith.addf %add3A_1412, %slice3A_1413 : vector<8x256xf32>
    %slice3A_1415 = vector.extract_strided_slice %get3A_968 {offsets = [128, 0], sizes = [8, 256], strides = [1, 1]} : vector<192x256xf32> to vector<8x256xf32>
    %add3A_1416 = arith.addf %add3A_1414, %slice3A_1415 : vector<8x256xf32>
    %slice3A_1417 = vector.extract_strided_slice %get3A_968 {offsets = [136, 0], sizes = [8, 256], strides = [1, 1]} : vector<192x256xf32> to vector<8x256xf32>
    %add3A_1418 = arith.addf %add3A_1416, %slice3A_1417 : vector<8x256xf32>
    %slice3A_1419 = vector.extract_strided_slice %get3A_968 {offsets = [144, 0], sizes = [8, 256], strides = [1, 1]} : vector<192x256xf32> to vector<8x256xf32>
    %add3A_1420 = arith.addf %add3A_1418, %slice3A_1419 : vector<8x256xf32>
    %slice3A_1421 = vector.extract_strided_slice %get3A_968 {offsets = [152, 0], sizes = [8, 256], strides = [1, 1]} : vector<192x256xf32> to vector<8x256xf32>
    %add3A_1422 = arith.addf %add3A_1420, %slice3A_1421 : vector<8x256xf32>
    %slice3A_1423 = vector.extract_strided_slice %get3A_968 {offsets = [160, 0], sizes = [8, 256], strides = [1, 1]} : vector<192x256xf32> to vector<8x256xf32>
    %add3A_1424 = arith.addf %add3A_1422, %slice3A_1423 : vector<8x256xf32>
    %slice3A_1425 = vector.extract_strided_slice %get3A_968 {offsets = [168, 0], sizes = [8, 256], strides = [1, 1]} : vector<192x256xf32> to vector<8x256xf32>
    %add3A_1426 = arith.addf %add3A_1424, %slice3A_1425 : vector<8x256xf32>
    %slice3A_1427 = vector.extract_strided_slice %get3A_968 {offsets = [176, 0], sizes = [8, 256], strides = [1, 1]} : vector<192x256xf32> to vector<8x256xf32>
    %add3A_1428 = arith.addf %add3A_1426, %slice3A_1427 : vector<8x256xf32>
    %slice3A_1429 = vector.extract_strided_slice %get3A_968 {offsets = [184, 0], sizes = [8, 256], strides = [1, 1]} : vector<192x256xf32> to vector<8x256xf32>
    %add3A_1430 = arith.addf %add3A_1428, %slice3A_1429 : vector<8x256xf32>
    %slice3A_1431 = vector.extract_strided_slice %add3A_1430 {offsets = [0, 0], sizes = [8, 128], strides = [1, 1]} : vector<8x256xf32> to vector<8x128xf32>
    %slice3A_1432 = vector.extract_strided_slice %add3A_1430 {offsets = [0, 128], sizes = [8, 128], strides = [1, 1]} : vector<8x256xf32> to vector<8x128xf32>
    %add3A_1433 = arith.addf %slice3A_1431, %slice3A_1432 : vector<8x128xf32>
    %add3A_1434 = arith.addf %add3A_583, %add3A_1433 : vector<8x128xf32>
    %slice3A_1435 = vector.extract_strided_slice %get3A_975 {offsets = [0, 0], sizes = [8, 256], strides = [1, 1]} : vector<192x256xf32> to vector<8x256xf32>
    %slice3A_1436 = vector.extract_strided_slice %get3A_975 {offsets = [8, 0], sizes = [8, 256], strides = [1, 1]} : vector<192x256xf32> to vector<8x256xf32>
    %add3A_1437 = arith.addf %slice3A_1435, %slice3A_1436 : vector<8x256xf32>
    %slice3A_1438 = vector.extract_strided_slice %get3A_975 {offsets = [16, 0], sizes = [8, 256], strides = [1, 1]} : vector<192x256xf32> to vector<8x256xf32>
    %add3A_1439 = arith.addf %add3A_1437, %slice3A_1438 : vector<8x256xf32>
    %slice3A_1440 = vector.extract_strided_slice %get3A_975 {offsets = [24, 0], sizes = [8, 256], strides = [1, 1]} : vector<192x256xf32> to vector<8x256xf32>
    %add3A_1441 = arith.addf %add3A_1439, %slice3A_1440 : vector<8x256xf32>
    %slice3A_1442 = vector.extract_strided_slice %get3A_975 {offsets = [32, 0], sizes = [8, 256], strides = [1, 1]} : vector<192x256xf32> to vector<8x256xf32>
    %add3A_1443 = arith.addf %add3A_1441, %slice3A_1442 : vector<8x256xf32>
    %slice3A_1444 = vector.extract_strided_slice %get3A_975 {offsets = [40, 0], sizes = [8, 256], strides = [1, 1]} : vector<192x256xf32> to vector<8x256xf32>
    %add3A_1445 = arith.addf %add3A_1443, %slice3A_1444 : vector<8x256xf32>
    %slice3A_1446 = vector.extract_strided_slice %get3A_975 {offsets = [48, 0], sizes = [8, 256], strides = [1, 1]} : vector<192x256xf32> to vector<8x256xf32>
    %add3A_1447 = arith.addf %add3A_1445, %slice3A_1446 : vector<8x256xf32>
    %slice3A_1448 = vector.extract_strided_slice %get3A_975 {offsets = [56, 0], sizes = [8, 256], strides = [1, 1]} : vector<192x256xf32> to vector<8x256xf32>
    %add3A_1449 = arith.addf %add3A_1447, %slice3A_1448 : vector<8x256xf32>
    %slice3A_1450 = vector.extract_strided_slice %get3A_975 {offsets = [64, 0], sizes = [8, 256], strides = [1, 1]} : vector<192x256xf32> to vector<8x256xf32>
    %add3A_1451 = arith.addf %add3A_1449, %slice3A_1450 : vector<8x256xf32>
    %slice3A_1452 = vector.extract_strided_slice %get3A_975 {offsets = [72, 0], sizes = [8, 256], strides = [1, 1]} : vector<192x256xf32> to vector<8x256xf32>
    %add3A_1453 = arith.addf %add3A_1451, %slice3A_1452 : vector<8x256xf32>
    %slice3A_1454 = vector.extract_strided_slice %get3A_975 {offsets = [80, 0], sizes = [8, 256], strides = [1, 1]} : vector<192x256xf32> to vector<8x256xf32>
    %add3A_1455 = arith.addf %add3A_1453, %slice3A_1454 : vector<8x256xf32>
    %slice3A_1456 = vector.extract_strided_slice %get3A_975 {offsets = [88, 0], sizes = [8, 256], strides = [1, 1]} : vector<192x256xf32> to vector<8x256xf32>
    %add3A_1457 = arith.addf %add3A_1455, %slice3A_1456 : vector<8x256xf32>
    %slice3A_1458 = vector.extract_strided_slice %get3A_975 {offsets = [96, 0], sizes = [8, 256], strides = [1, 1]} : vector<192x256xf32> to vector<8x256xf32>
    %add3A_1459 = arith.addf %add3A_1457, %slice3A_1458 : vector<8x256xf32>
    %slice3A_1460 = vector.extract_strided_slice %get3A_975 {offsets = [104, 0], sizes = [8, 256], strides = [1, 1]} : vector<192x256xf32> to vector<8x256xf32>
    %add3A_1461 = arith.addf %add3A_1459, %slice3A_1460 : vector<8x256xf32>
    %slice3A_1462 = vector.extract_strided_slice %get3A_975 {offsets = [112, 0], sizes = [8, 256], strides = [1, 1]} : vector<192x256xf32> to vector<8x256xf32>
    %add3A_1463 = arith.addf %add3A_1461, %slice3A_1462 : vector<8x256xf32>
    %slice3A_1464 = vector.extract_strided_slice %get3A_975 {offsets = [120, 0], sizes = [8, 256], strides = [1, 1]} : vector<192x256xf32> to vector<8x256xf32>
    %add3A_1465 = arith.addf %add3A_1463, %slice3A_1464 : vector<8x256xf32>
    %slice3A_1466 = vector.extract_strided_slice %get3A_975 {offsets = [128, 0], sizes = [8, 256], strides = [1, 1]} : vector<192x256xf32> to vector<8x256xf32>
    %add3A_1467 = arith.addf %add3A_1465, %slice3A_1466 : vector<8x256xf32>
    %slice3A_1468 = vector.extract_strided_slice %get3A_975 {offsets = [136, 0], sizes = [8, 256], strides = [1, 1]} : vector<192x256xf32> to vector<8x256xf32>
    %add3A_1469 = arith.addf %add3A_1467, %slice3A_1468 : vector<8x256xf32>
    %slice3A_1470 = vector.extract_strided_slice %get3A_975 {offsets = [144, 0], sizes = [8, 256], strides = [1, 1]} : vector<192x256xf32> to vector<8x256xf32>
    %add3A_1471 = arith.addf %add3A_1469, %slice3A_1470 : vector<8x256xf32>
    %slice3A_1472 = vector.extract_strided_slice %get3A_975 {offsets = [152, 0], sizes = [8, 256], strides = [1, 1]} : vector<192x256xf32> to vector<8x256xf32>
    %add3A_1473 = arith.addf %add3A_1471, %slice3A_1472 : vector<8x256xf32>
    %slice3A_1474 = vector.extract_strided_slice %get3A_975 {offsets = [160, 0], sizes = [8, 256], strides = [1, 1]} : vector<192x256xf32> to vector<8x256xf32>
    %add3A_1475 = arith.addf %add3A_1473, %slice3A_1474 : vector<8x256xf32>
    %slice3A_1476 = vector.extract_strided_slice %get3A_975 {offsets = [168, 0], sizes = [8, 256], strides = [1, 1]} : vector<192x256xf32> to vector<8x256xf32>
    %add3A_1477 = arith.addf %add3A_1475, %slice3A_1476 : vector<8x256xf32>
    %slice3A_1478 = vector.extract_strided_slice %get3A_975 {offsets = [176, 0], sizes = [8, 256], strides = [1, 1]} : vector<192x256xf32> to vector<8x256xf32>
    %add3A_1479 = arith.addf %add3A_1477, %slice3A_1478 : vector<8x256xf32>
    %slice3A_1480 = vector.extract_strided_slice %get3A_975 {offsets = [184, 0], sizes = [8, 256], strides = [1, 1]} : vector<192x256xf32> to vector<8x256xf32>
    %add3A_1481 = arith.addf %add3A_1479, %slice3A_1480 : vector<8x256xf32>
    %slice3A_1482 = vector.extract_strided_slice %add3A_1481 {offsets = [0, 0], sizes = [8, 128], strides = [1, 1]} : vector<8x256xf32> to vector<8x128xf32>
    %slice3A_1483 = vector.extract_strided_slice %add3A_1481 {offsets = [0, 128], sizes = [8, 128], strides = [1, 1]} : vector<8x256xf32> to vector<8x128xf32>
    %add3A_1484 = arith.addf %slice3A_1482, %slice3A_1483 : vector<8x128xf32>
    %add3A_1485 = arith.addf %add3A_633, %add3A_1484 : vector<8x128xf32>
    %slice3A_1486 = vector.extract_strided_slice %select_n3A_848 {offsets = [0, 0], sizes = [8, 256], strides = [1, 1]} : vector<192x256xf32> to vector<8x256xf32>
    %slice3A_1487 = vector.extract_strided_slice %select_n3A_848 {offsets = [8, 0], sizes = [8, 256], strides = [1, 1]} : vector<192x256xf32> to vector<8x256xf32>
    %add3A_1488 = arith.addf %slice3A_1486, %slice3A_1487 : vector<8x256xf32>
    %slice3A_1489 = vector.extract_strided_slice %select_n3A_848 {offsets = [16, 0], sizes = [8, 256], strides = [1, 1]} : vector<192x256xf32> to vector<8x256xf32>
    %add3A_1490 = arith.addf %add3A_1488, %slice3A_1489 : vector<8x256xf32>
    %slice3A_1491 = vector.extract_strided_slice %select_n3A_848 {offsets = [24, 0], sizes = [8, 256], strides = [1, 1]} : vector<192x256xf32> to vector<8x256xf32>
    %add3A_1492 = arith.addf %add3A_1490, %slice3A_1491 : vector<8x256xf32>
    %slice3A_1493 = vector.extract_strided_slice %select_n3A_848 {offsets = [32, 0], sizes = [8, 256], strides = [1, 1]} : vector<192x256xf32> to vector<8x256xf32>
    %add3A_1494 = arith.addf %add3A_1492, %slice3A_1493 : vector<8x256xf32>
    %slice3A_1495 = vector.extract_strided_slice %select_n3A_848 {offsets = [40, 0], sizes = [8, 256], strides = [1, 1]} : vector<192x256xf32> to vector<8x256xf32>
    %add3A_1496 = arith.addf %add3A_1494, %slice3A_1495 : vector<8x256xf32>
    %slice3A_1497 = vector.extract_strided_slice %select_n3A_848 {offsets = [48, 0], sizes = [8, 256], strides = [1, 1]} : vector<192x256xf32> to vector<8x256xf32>
    %add3A_1498 = arith.addf %add3A_1496, %slice3A_1497 : vector<8x256xf32>
    %slice3A_1499 = vector.extract_strided_slice %select_n3A_848 {offsets = [56, 0], sizes = [8, 256], strides = [1, 1]} : vector<192x256xf32> to vector<8x256xf32>
    %add3A_1500 = arith.addf %add3A_1498, %slice3A_1499 : vector<8x256xf32>
    %slice3A_1501 = vector.extract_strided_slice %select_n3A_848 {offsets = [64, 0], sizes = [8, 256], strides = [1, 1]} : vector<192x256xf32> to vector<8x256xf32>
    %add3A_1502 = arith.addf %add3A_1500, %slice3A_1501 : vector<8x256xf32>
    %slice3A_1503 = vector.extract_strided_slice %select_n3A_848 {offsets = [72, 0], sizes = [8, 256], strides = [1, 1]} : vector<192x256xf32> to vector<8x256xf32>
    %add3A_1504 = arith.addf %add3A_1502, %slice3A_1503 : vector<8x256xf32>
    %slice3A_1505 = vector.extract_strided_slice %select_n3A_848 {offsets = [80, 0], sizes = [8, 256], strides = [1, 1]} : vector<192x256xf32> to vector<8x256xf32>
    %add3A_1506 = arith.addf %add3A_1504, %slice3A_1505 : vector<8x256xf32>
    %slice3A_1507 = vector.extract_strided_slice %select_n3A_848 {offsets = [88, 0], sizes = [8, 256], strides = [1, 1]} : vector<192x256xf32> to vector<8x256xf32>
    %add3A_1508 = arith.addf %add3A_1506, %slice3A_1507 : vector<8x256xf32>
    %slice3A_1509 = vector.extract_strided_slice %select_n3A_848 {offsets = [96, 0], sizes = [8, 256], strides = [1, 1]} : vector<192x256xf32> to vector<8x256xf32>
    %add3A_1510 = arith.addf %add3A_1508, %slice3A_1509 : vector<8x256xf32>
    %slice3A_1511 = vector.extract_strided_slice %select_n3A_848 {offsets = [104, 0], sizes = [8, 256], strides = [1, 1]} : vector<192x256xf32> to vector<8x256xf32>
    %add3A_1512 = arith.addf %add3A_1510, %slice3A_1511 : vector<8x256xf32>
    %slice3A_1513 = vector.extract_strided_slice %select_n3A_848 {offsets = [112, 0], sizes = [8, 256], strides = [1, 1]} : vector<192x256xf32> to vector<8x256xf32>
    %add3A_1514 = arith.addf %add3A_1512, %slice3A_1513 : vector<8x256xf32>
    %slice3A_1515 = vector.extract_strided_slice %select_n3A_848 {offsets = [120, 0], sizes = [8, 256], strides = [1, 1]} : vector<192x256xf32> to vector<8x256xf32>
    %add3A_1516 = arith.addf %add3A_1514, %slice3A_1515 : vector<8x256xf32>
    %slice3A_1517 = vector.extract_strided_slice %select_n3A_848 {offsets = [128, 0], sizes = [8, 256], strides = [1, 1]} : vector<192x256xf32> to vector<8x256xf32>
    %add3A_1518 = arith.addf %add3A_1516, %slice3A_1517 : vector<8x256xf32>
    %slice3A_1519 = vector.extract_strided_slice %select_n3A_848 {offsets = [136, 0], sizes = [8, 256], strides = [1, 1]} : vector<192x256xf32> to vector<8x256xf32>
    %add3A_1520 = arith.addf %add3A_1518, %slice3A_1519 : vector<8x256xf32>
    %slice3A_1521 = vector.extract_strided_slice %select_n3A_848 {offsets = [144, 0], sizes = [8, 256], strides = [1, 1]} : vector<192x256xf32> to vector<8x256xf32>
    %add3A_1522 = arith.addf %add3A_1520, %slice3A_1521 : vector<8x256xf32>
    %slice3A_1523 = vector.extract_strided_slice %select_n3A_848 {offsets = [152, 0], sizes = [8, 256], strides = [1, 1]} : vector<192x256xf32> to vector<8x256xf32>
    %add3A_1524 = arith.addf %add3A_1522, %slice3A_1523 : vector<8x256xf32>
    %slice3A_1525 = vector.extract_strided_slice %select_n3A_848 {offsets = [160, 0], sizes = [8, 256], strides = [1, 1]} : vector<192x256xf32> to vector<8x256xf32>
    %add3A_1526 = arith.addf %add3A_1524, %slice3A_1525 : vector<8x256xf32>
    %slice3A_1527 = vector.extract_strided_slice %select_n3A_848 {offsets = [168, 0], sizes = [8, 256], strides = [1, 1]} : vector<192x256xf32> to vector<8x256xf32>
    %add3A_1528 = arith.addf %add3A_1526, %slice3A_1527 : vector<8x256xf32>
    %slice3A_1529 = vector.extract_strided_slice %select_n3A_848 {offsets = [176, 0], sizes = [8, 256], strides = [1, 1]} : vector<192x256xf32> to vector<8x256xf32>
    %add3A_1530 = arith.addf %add3A_1528, %slice3A_1529 : vector<8x256xf32>
    %slice3A_1531 = vector.extract_strided_slice %select_n3A_848 {offsets = [184, 0], sizes = [8, 256], strides = [1, 1]} : vector<192x256xf32> to vector<8x256xf32>
    %add3A_1532 = arith.addf %add3A_1530, %slice3A_1531 : vector<8x256xf32>
    %slice3A_1533 = vector.extract_strided_slice %add3A_1532 {offsets = [0, 0], sizes = [8, 128], strides = [1, 1]} : vector<8x256xf32> to vector<8x128xf32>
    %slice3A_1534 = vector.extract_strided_slice %add3A_1532 {offsets = [0, 128], sizes = [8, 128], strides = [1, 1]} : vector<8x256xf32> to vector<8x128xf32>
    %add3A_1535 = arith.addf %slice3A_1533, %slice3A_1534 : vector<8x128xf32>
    %add3A_1536 = arith.addf %add3A_683, %add3A_1535 : vector<8x128xf32>
    %slice3A_1537 = vector.extract_strided_slice %select_n3A_856 {offsets = [0, 0], sizes = [8, 256], strides = [1, 1]} : vector<192x256xf32> to vector<8x256xf32>
    %slice3A_1538 = vector.extract_strided_slice %select_n3A_856 {offsets = [8, 0], sizes = [8, 256], strides = [1, 1]} : vector<192x256xf32> to vector<8x256xf32>
    %add3A_1539 = arith.addf %slice3A_1537, %slice3A_1538 : vector<8x256xf32>
    %slice3A_1540 = vector.extract_strided_slice %select_n3A_856 {offsets = [16, 0], sizes = [8, 256], strides = [1, 1]} : vector<192x256xf32> to vector<8x256xf32>
    %add3A_1541 = arith.addf %add3A_1539, %slice3A_1540 : vector<8x256xf32>
    %slice3A_1542 = vector.extract_strided_slice %select_n3A_856 {offsets = [24, 0], sizes = [8, 256], strides = [1, 1]} : vector<192x256xf32> to vector<8x256xf32>
    %add3A_1543 = arith.addf %add3A_1541, %slice3A_1542 : vector<8x256xf32>
    %slice3A_1544 = vector.extract_strided_slice %select_n3A_856 {offsets = [32, 0], sizes = [8, 256], strides = [1, 1]} : vector<192x256xf32> to vector<8x256xf32>
    %add3A_1545 = arith.addf %add3A_1543, %slice3A_1544 : vector<8x256xf32>
    %slice3A_1546 = vector.extract_strided_slice %select_n3A_856 {offsets = [40, 0], sizes = [8, 256], strides = [1, 1]} : vector<192x256xf32> to vector<8x256xf32>
    %add3A_1547 = arith.addf %add3A_1545, %slice3A_1546 : vector<8x256xf32>
    %slice3A_1548 = vector.extract_strided_slice %select_n3A_856 {offsets = [48, 0], sizes = [8, 256], strides = [1, 1]} : vector<192x256xf32> to vector<8x256xf32>
    %add3A_1549 = arith.addf %add3A_1547, %slice3A_1548 : vector<8x256xf32>
    %slice3A_1550 = vector.extract_strided_slice %select_n3A_856 {offsets = [56, 0], sizes = [8, 256], strides = [1, 1]} : vector<192x256xf32> to vector<8x256xf32>
    %add3A_1551 = arith.addf %add3A_1549, %slice3A_1550 : vector<8x256xf32>
    %slice3A_1552 = vector.extract_strided_slice %select_n3A_856 {offsets = [64, 0], sizes = [8, 256], strides = [1, 1]} : vector<192x256xf32> to vector<8x256xf32>
    %add3A_1553 = arith.addf %add3A_1551, %slice3A_1552 : vector<8x256xf32>
    %slice3A_1554 = vector.extract_strided_slice %select_n3A_856 {offsets = [72, 0], sizes = [8, 256], strides = [1, 1]} : vector<192x256xf32> to vector<8x256xf32>
    %add3A_1555 = arith.addf %add3A_1553, %slice3A_1554 : vector<8x256xf32>
    %slice3A_1556 = vector.extract_strided_slice %select_n3A_856 {offsets = [80, 0], sizes = [8, 256], strides = [1, 1]} : vector<192x256xf32> to vector<8x256xf32>
    %add3A_1557 = arith.addf %add3A_1555, %slice3A_1556 : vector<8x256xf32>
    %slice3A_1558 = vector.extract_strided_slice %select_n3A_856 {offsets = [88, 0], sizes = [8, 256], strides = [1, 1]} : vector<192x256xf32> to vector<8x256xf32>
    %add3A_1559 = arith.addf %add3A_1557, %slice3A_1558 : vector<8x256xf32>
    %slice3A_1560 = vector.extract_strided_slice %select_n3A_856 {offsets = [96, 0], sizes = [8, 256], strides = [1, 1]} : vector<192x256xf32> to vector<8x256xf32>
    %add3A_1561 = arith.addf %add3A_1559, %slice3A_1560 : vector<8x256xf32>
    %slice3A_1562 = vector.extract_strided_slice %select_n3A_856 {offsets = [104, 0], sizes = [8, 256], strides = [1, 1]} : vector<192x256xf32> to vector<8x256xf32>
    %add3A_1563 = arith.addf %add3A_1561, %slice3A_1562 : vector<8x256xf32>
    %slice3A_1564 = vector.extract_strided_slice %select_n3A_856 {offsets = [112, 0], sizes = [8, 256], strides = [1, 1]} : vector<192x256xf32> to vector<8x256xf32>
    %add3A_1565 = arith.addf %add3A_1563, %slice3A_1564 : vector<8x256xf32>
    %slice3A_1566 = vector.extract_strided_slice %select_n3A_856 {offsets = [120, 0], sizes = [8, 256], strides = [1, 1]} : vector<192x256xf32> to vector<8x256xf32>
    %add3A_1567 = arith.addf %add3A_1565, %slice3A_1566 : vector<8x256xf32>
    %slice3A_1568 = vector.extract_strided_slice %select_n3A_856 {offsets = [128, 0], sizes = [8, 256], strides = [1, 1]} : vector<192x256xf32> to vector<8x256xf32>
    %add3A_1569 = arith.addf %add3A_1567, %slice3A_1568 : vector<8x256xf32>
    %slice3A_1570 = vector.extract_strided_slice %select_n3A_856 {offsets = [136, 0], sizes = [8, 256], strides = [1, 1]} : vector<192x256xf32> to vector<8x256xf32>
    %add3A_1571 = arith.addf %add3A_1569, %slice3A_1570 : vector<8x256xf32>
    %slice3A_1572 = vector.extract_strided_slice %select_n3A_856 {offsets = [144, 0], sizes = [8, 256], strides = [1, 1]} : vector<192x256xf32> to vector<8x256xf32>
    %add3A_1573 = arith.addf %add3A_1571, %slice3A_1572 : vector<8x256xf32>
    %slice3A_1574 = vector.extract_strided_slice %select_n3A_856 {offsets = [152, 0], sizes = [8, 256], strides = [1, 1]} : vector<192x256xf32> to vector<8x256xf32>
    %add3A_1575 = arith.addf %add3A_1573, %slice3A_1574 : vector<8x256xf32>
    %slice3A_1576 = vector.extract_strided_slice %select_n3A_856 {offsets = [160, 0], sizes = [8, 256], strides = [1, 1]} : vector<192x256xf32> to vector<8x256xf32>
    %add3A_1577 = arith.addf %add3A_1575, %slice3A_1576 : vector<8x256xf32>
    %slice3A_1578 = vector.extract_strided_slice %select_n3A_856 {offsets = [168, 0], sizes = [8, 256], strides = [1, 1]} : vector<192x256xf32> to vector<8x256xf32>
    %add3A_1579 = arith.addf %add3A_1577, %slice3A_1578 : vector<8x256xf32>
    %slice3A_1580 = vector.extract_strided_slice %select_n3A_856 {offsets = [176, 0], sizes = [8, 256], strides = [1, 1]} : vector<192x256xf32> to vector<8x256xf32>
    %add3A_1581 = arith.addf %add3A_1579, %slice3A_1580 : vector<8x256xf32>
    %slice3A_1582 = vector.extract_strided_slice %select_n3A_856 {offsets = [184, 0], sizes = [8, 256], strides = [1, 1]} : vector<192x256xf32> to vector<8x256xf32>
    %add3A_1583 = arith.addf %add3A_1581, %slice3A_1582 : vector<8x256xf32>
    %slice3A_1584 = vector.extract_strided_slice %add3A_1583 {offsets = [0, 0], sizes = [8, 128], strides = [1, 1]} : vector<8x256xf32> to vector<8x128xf32>
    %slice3A_1585 = vector.extract_strided_slice %add3A_1583 {offsets = [0, 128], sizes = [8, 128], strides = [1, 1]} : vector<8x256xf32> to vector<8x128xf32>
    %add3A_1586 = arith.addf %slice3A_1584, %slice3A_1585 : vector<8x128xf32>
    %add3A_1587 = arith.addf %add3A_733, %add3A_1586 : vector<8x128xf32>
    %slice3A_1588 = vector.extract_strided_slice %select_n3A_864 {offsets = [0, 0], sizes = [8, 256], strides = [1, 1]} : vector<192x256xf32> to vector<8x256xf32>
    %slice3A_1589 = vector.extract_strided_slice %select_n3A_864 {offsets = [8, 0], sizes = [8, 256], strides = [1, 1]} : vector<192x256xf32> to vector<8x256xf32>
    %add3A_1590 = arith.addf %slice3A_1588, %slice3A_1589 : vector<8x256xf32>
    %slice3A_1591 = vector.extract_strided_slice %select_n3A_864 {offsets = [16, 0], sizes = [8, 256], strides = [1, 1]} : vector<192x256xf32> to vector<8x256xf32>
    %add3A_1592 = arith.addf %add3A_1590, %slice3A_1591 : vector<8x256xf32>
    %slice3A_1593 = vector.extract_strided_slice %select_n3A_864 {offsets = [24, 0], sizes = [8, 256], strides = [1, 1]} : vector<192x256xf32> to vector<8x256xf32>
    %add3A_1594 = arith.addf %add3A_1592, %slice3A_1593 : vector<8x256xf32>
    %slice3A_1595 = vector.extract_strided_slice %select_n3A_864 {offsets = [32, 0], sizes = [8, 256], strides = [1, 1]} : vector<192x256xf32> to vector<8x256xf32>
    %add3A_1596 = arith.addf %add3A_1594, %slice3A_1595 : vector<8x256xf32>
    %slice3A_1597 = vector.extract_strided_slice %select_n3A_864 {offsets = [40, 0], sizes = [8, 256], strides = [1, 1]} : vector<192x256xf32> to vector<8x256xf32>
    %add3A_1598 = arith.addf %add3A_1596, %slice3A_1597 : vector<8x256xf32>
    %slice3A_1599 = vector.extract_strided_slice %select_n3A_864 {offsets = [48, 0], sizes = [8, 256], strides = [1, 1]} : vector<192x256xf32> to vector<8x256xf32>
    %add3A_1600 = arith.addf %add3A_1598, %slice3A_1599 : vector<8x256xf32>
    %slice3A_1601 = vector.extract_strided_slice %select_n3A_864 {offsets = [56, 0], sizes = [8, 256], strides = [1, 1]} : vector<192x256xf32> to vector<8x256xf32>
    %add3A_1602 = arith.addf %add3A_1600, %slice3A_1601 : vector<8x256xf32>
    %slice3A_1603 = vector.extract_strided_slice %select_n3A_864 {offsets = [64, 0], sizes = [8, 256], strides = [1, 1]} : vector<192x256xf32> to vector<8x256xf32>
    %add3A_1604 = arith.addf %add3A_1602, %slice3A_1603 : vector<8x256xf32>
    %slice3A_1605 = vector.extract_strided_slice %select_n3A_864 {offsets = [72, 0], sizes = [8, 256], strides = [1, 1]} : vector<192x256xf32> to vector<8x256xf32>
    %add3A_1606 = arith.addf %add3A_1604, %slice3A_1605 : vector<8x256xf32>
    %slice3A_1607 = vector.extract_strided_slice %select_n3A_864 {offsets = [80, 0], sizes = [8, 256], strides = [1, 1]} : vector<192x256xf32> to vector<8x256xf32>
    %add3A_1608 = arith.addf %add3A_1606, %slice3A_1607 : vector<8x256xf32>
    %slice3A_1609 = vector.extract_strided_slice %select_n3A_864 {offsets = [88, 0], sizes = [8, 256], strides = [1, 1]} : vector<192x256xf32> to vector<8x256xf32>
    %add3A_1610 = arith.addf %add3A_1608, %slice3A_1609 : vector<8x256xf32>
    %slice3A_1611 = vector.extract_strided_slice %select_n3A_864 {offsets = [96, 0], sizes = [8, 256], strides = [1, 1]} : vector<192x256xf32> to vector<8x256xf32>
    %add3A_1612 = arith.addf %add3A_1610, %slice3A_1611 : vector<8x256xf32>
    %slice3A_1613 = vector.extract_strided_slice %select_n3A_864 {offsets = [104, 0], sizes = [8, 256], strides = [1, 1]} : vector<192x256xf32> to vector<8x256xf32>
    %add3A_1614 = arith.addf %add3A_1612, %slice3A_1613 : vector<8x256xf32>
    %slice3A_1615 = vector.extract_strided_slice %select_n3A_864 {offsets = [112, 0], sizes = [8, 256], strides = [1, 1]} : vector<192x256xf32> to vector<8x256xf32>
    %add3A_1616 = arith.addf %add3A_1614, %slice3A_1615 : vector<8x256xf32>
    %slice3A_1617 = vector.extract_strided_slice %select_n3A_864 {offsets = [120, 0], sizes = [8, 256], strides = [1, 1]} : vector<192x256xf32> to vector<8x256xf32>
    %add3A_1618 = arith.addf %add3A_1616, %slice3A_1617 : vector<8x256xf32>
    %slice3A_1619 = vector.extract_strided_slice %select_n3A_864 {offsets = [128, 0], sizes = [8, 256], strides = [1, 1]} : vector<192x256xf32> to vector<8x256xf32>
    %add3A_1620 = arith.addf %add3A_1618, %slice3A_1619 : vector<8x256xf32>
    %slice3A_1621 = vector.extract_strided_slice %select_n3A_864 {offsets = [136, 0], sizes = [8, 256], strides = [1, 1]} : vector<192x256xf32> to vector<8x256xf32>
    %add3A_1622 = arith.addf %add3A_1620, %slice3A_1621 : vector<8x256xf32>
    %slice3A_1623 = vector.extract_strided_slice %select_n3A_864 {offsets = [144, 0], sizes = [8, 256], strides = [1, 1]} : vector<192x256xf32> to vector<8x256xf32>
    %add3A_1624 = arith.addf %add3A_1622, %slice3A_1623 : vector<8x256xf32>
    %slice3A_1625 = vector.extract_strided_slice %select_n3A_864 {offsets = [152, 0], sizes = [8, 256], strides = [1, 1]} : vector<192x256xf32> to vector<8x256xf32>
    %add3A_1626 = arith.addf %add3A_1624, %slice3A_1625 : vector<8x256xf32>
    %slice3A_1627 = vector.extract_strided_slice %select_n3A_864 {offsets = [160, 0], sizes = [8, 256], strides = [1, 1]} : vector<192x256xf32> to vector<8x256xf32>
    %add3A_1628 = arith.addf %add3A_1626, %slice3A_1627 : vector<8x256xf32>
    %slice3A_1629 = vector.extract_strided_slice %select_n3A_864 {offsets = [168, 0], sizes = [8, 256], strides = [1, 1]} : vector<192x256xf32> to vector<8x256xf32>
    %add3A_1630 = arith.addf %add3A_1628, %slice3A_1629 : vector<8x256xf32>
    %slice3A_1631 = vector.extract_strided_slice %select_n3A_864 {offsets = [176, 0], sizes = [8, 256], strides = [1, 1]} : vector<192x256xf32> to vector<8x256xf32>
    %add3A_1632 = arith.addf %add3A_1630, %slice3A_1631 : vector<8x256xf32>
    %slice3A_1633 = vector.extract_strided_slice %select_n3A_864 {offsets = [184, 0], sizes = [8, 256], strides = [1, 1]} : vector<192x256xf32> to vector<8x256xf32>
    %add3A_1634 = arith.addf %add3A_1632, %slice3A_1633 : vector<8x256xf32>
    %slice3A_1635 = vector.extract_strided_slice %add3A_1634 {offsets = [0, 0], sizes = [8, 128], strides = [1, 1]} : vector<8x256xf32> to vector<8x128xf32>
    %slice3A_1636 = vector.extract_strided_slice %add3A_1634 {offsets = [0, 128], sizes = [8, 128], strides = [1, 1]} : vector<8x256xf32> to vector<8x128xf32>
    %add3A_1637 = arith.addf %slice3A_1635, %slice3A_1636 : vector<8x128xf32>
    %add3A_1638 = arith.addf %add3A_783, %add3A_1637 : vector<8x128xf32>
    %slice3A_1639 = vector.extract_strided_slice %select_n3A_872 {offsets = [0, 0], sizes = [8, 256], strides = [1, 1]} : vector<192x256xf32> to vector<8x256xf32>
    %slice3A_1640 = vector.extract_strided_slice %select_n3A_872 {offsets = [8, 0], sizes = [8, 256], strides = [1, 1]} : vector<192x256xf32> to vector<8x256xf32>
    %add3A_1641 = arith.addf %slice3A_1639, %slice3A_1640 : vector<8x256xf32>
    %slice3A_1642 = vector.extract_strided_slice %select_n3A_872 {offsets = [16, 0], sizes = [8, 256], strides = [1, 1]} : vector<192x256xf32> to vector<8x256xf32>
    %add3A_1643 = arith.addf %add3A_1641, %slice3A_1642 : vector<8x256xf32>
    %slice3A_1644 = vector.extract_strided_slice %select_n3A_872 {offsets = [24, 0], sizes = [8, 256], strides = [1, 1]} : vector<192x256xf32> to vector<8x256xf32>
    %add3A_1645 = arith.addf %add3A_1643, %slice3A_1644 : vector<8x256xf32>
    %slice3A_1646 = vector.extract_strided_slice %select_n3A_872 {offsets = [32, 0], sizes = [8, 256], strides = [1, 1]} : vector<192x256xf32> to vector<8x256xf32>
    %add3A_1647 = arith.addf %add3A_1645, %slice3A_1646 : vector<8x256xf32>
    %slice3A_1648 = vector.extract_strided_slice %select_n3A_872 {offsets = [40, 0], sizes = [8, 256], strides = [1, 1]} : vector<192x256xf32> to vector<8x256xf32>
    %add3A_1649 = arith.addf %add3A_1647, %slice3A_1648 : vector<8x256xf32>
    %slice3A_1650 = vector.extract_strided_slice %select_n3A_872 {offsets = [48, 0], sizes = [8, 256], strides = [1, 1]} : vector<192x256xf32> to vector<8x256xf32>
    %add3A_1651 = arith.addf %add3A_1649, %slice3A_1650 : vector<8x256xf32>
    %slice3A_1652 = vector.extract_strided_slice %select_n3A_872 {offsets = [56, 0], sizes = [8, 256], strides = [1, 1]} : vector<192x256xf32> to vector<8x256xf32>
    %add3A_1653 = arith.addf %add3A_1651, %slice3A_1652 : vector<8x256xf32>
    %slice3A_1654 = vector.extract_strided_slice %select_n3A_872 {offsets = [64, 0], sizes = [8, 256], strides = [1, 1]} : vector<192x256xf32> to vector<8x256xf32>
    %add3A_1655 = arith.addf %add3A_1653, %slice3A_1654 : vector<8x256xf32>
    %slice3A_1656 = vector.extract_strided_slice %select_n3A_872 {offsets = [72, 0], sizes = [8, 256], strides = [1, 1]} : vector<192x256xf32> to vector<8x256xf32>
    %add3A_1657 = arith.addf %add3A_1655, %slice3A_1656 : vector<8x256xf32>
    %slice3A_1658 = vector.extract_strided_slice %select_n3A_872 {offsets = [80, 0], sizes = [8, 256], strides = [1, 1]} : vector<192x256xf32> to vector<8x256xf32>
    %add3A_1659 = arith.addf %add3A_1657, %slice3A_1658 : vector<8x256xf32>
    %slice3A_1660 = vector.extract_strided_slice %select_n3A_872 {offsets = [88, 0], sizes = [8, 256], strides = [1, 1]} : vector<192x256xf32> to vector<8x256xf32>
    %add3A_1661 = arith.addf %add3A_1659, %slice3A_1660 : vector<8x256xf32>
    %slice3A_1662 = vector.extract_strided_slice %select_n3A_872 {offsets = [96, 0], sizes = [8, 256], strides = [1, 1]} : vector<192x256xf32> to vector<8x256xf32>
    %add3A_1663 = arith.addf %add3A_1661, %slice3A_1662 : vector<8x256xf32>
    %slice3A_1664 = vector.extract_strided_slice %select_n3A_872 {offsets = [104, 0], sizes = [8, 256], strides = [1, 1]} : vector<192x256xf32> to vector<8x256xf32>
    %add3A_1665 = arith.addf %add3A_1663, %slice3A_1664 : vector<8x256xf32>
    %slice3A_1666 = vector.extract_strided_slice %select_n3A_872 {offsets = [112, 0], sizes = [8, 256], strides = [1, 1]} : vector<192x256xf32> to vector<8x256xf32>
    %add3A_1667 = arith.addf %add3A_1665, %slice3A_1666 : vector<8x256xf32>
    %slice3A_1668 = vector.extract_strided_slice %select_n3A_872 {offsets = [120, 0], sizes = [8, 256], strides = [1, 1]} : vector<192x256xf32> to vector<8x256xf32>
    %add3A_1669 = arith.addf %add3A_1667, %slice3A_1668 : vector<8x256xf32>
    %slice3A_1670 = vector.extract_strided_slice %select_n3A_872 {offsets = [128, 0], sizes = [8, 256], strides = [1, 1]} : vector<192x256xf32> to vector<8x256xf32>
    %add3A_1671 = arith.addf %add3A_1669, %slice3A_1670 : vector<8x256xf32>
    %slice3A_1672 = vector.extract_strided_slice %select_n3A_872 {offsets = [136, 0], sizes = [8, 256], strides = [1, 1]} : vector<192x256xf32> to vector<8x256xf32>
    %add3A_1673 = arith.addf %add3A_1671, %slice3A_1672 : vector<8x256xf32>
    %slice3A_1674 = vector.extract_strided_slice %select_n3A_872 {offsets = [144, 0], sizes = [8, 256], strides = [1, 1]} : vector<192x256xf32> to vector<8x256xf32>
    %add3A_1675 = arith.addf %add3A_1673, %slice3A_1674 : vector<8x256xf32>
    %slice3A_1676 = vector.extract_strided_slice %select_n3A_872 {offsets = [152, 0], sizes = [8, 256], strides = [1, 1]} : vector<192x256xf32> to vector<8x256xf32>
    %add3A_1677 = arith.addf %add3A_1675, %slice3A_1676 : vector<8x256xf32>
    %slice3A_1678 = vector.extract_strided_slice %select_n3A_872 {offsets = [160, 0], sizes = [8, 256], strides = [1, 1]} : vector<192x256xf32> to vector<8x256xf32>
    %add3A_1679 = arith.addf %add3A_1677, %slice3A_1678 : vector<8x256xf32>
    %slice3A_1680 = vector.extract_strided_slice %select_n3A_872 {offsets = [168, 0], sizes = [8, 256], strides = [1, 1]} : vector<192x256xf32> to vector<8x256xf32>
    %add3A_1681 = arith.addf %add3A_1679, %slice3A_1680 : vector<8x256xf32>
    %slice3A_1682 = vector.extract_strided_slice %select_n3A_872 {offsets = [176, 0], sizes = [8, 256], strides = [1, 1]} : vector<192x256xf32> to vector<8x256xf32>
    %add3A_1683 = arith.addf %add3A_1681, %slice3A_1682 : vector<8x256xf32>
    %slice3A_1684 = vector.extract_strided_slice %select_n3A_872 {offsets = [184, 0], sizes = [8, 256], strides = [1, 1]} : vector<192x256xf32> to vector<8x256xf32>
    %add3A_1685 = arith.addf %add3A_1683, %slice3A_1684 : vector<8x256xf32>
    %slice3A_1686 = vector.extract_strided_slice %add3A_1685 {offsets = [0, 0], sizes = [8, 128], strides = [1, 1]} : vector<8x256xf32> to vector<8x128xf32>
    %slice3A_1687 = vector.extract_strided_slice %add3A_1685 {offsets = [0, 128], sizes = [8, 128], strides = [1, 1]} : vector<8x256xf32> to vector<8x128xf32>
    %add3A_1688 = arith.addf %slice3A_1686, %slice3A_1687 : vector<8x128xf32>
    %add3A_1689 = arith.addf %add3A_833, %add3A_1688 : vector<8x128xf32>
    %get3A_1690 = arith.constant 0 : index
    %get3A_1691 = arith.constant 2 : index
    %get3A_1692 = arith.constant 0 : index
    %get3A_1693 = arith.constant 0 : index
    %get3A_1694 = arith.constant 0 : index
    %get3A_1695 = vector.load %arg2[%get3A_1690, %get3A_1691, %get3A_1692, %get3A_1693, %get3A_1694] : memref<1x4x1x192x256xf32, #tpu.memory_space<vmem>>, vector<1x1x1x192x256xf32>
    %get3A_1696 = vector.shape_cast %get3A_1695 : vector<1x1x1x192x256xf32> to vector<192x256xf32>
    %ge3A_1697 = arith.constant 2.500000e-01 : f32
    %ge3A_1698 = vector.broadcast %ge3A_1697 : f32 to vector<192x256xf32>
    %ge3A_1699 = arith.cmpf oge, %get3A_1696, %ge3A_1698 : vector<192x256xf32>
    %jit3A_1700 = arith.constant 1.000000e+00 : f32
    %jit3A_1701 = arith.constant 0.000000e+00 : f32
    %broadcast_in_dim3A_1702 = vector.broadcast %jit3A_1700 : f32 to vector<192x256xf32>
    %broadcast_in_dim3A_1703 = vector.broadcast %jit3A_1701 : f32 to vector<192x256xf32>
    %select_n3A_1704 = arith.select %ge3A_1699, %broadcast_in_dim3A_1702, %broadcast_in_dim3A_1703 : vector<192x256xi1>, vector<192x256xf32>
    %ge3A_1705 = arith.constant 3.750000e-01 : f32
    %ge3A_1706 = vector.broadcast %ge3A_1705 : f32 to vector<192x256xf32>
    %ge3A_1707 = arith.cmpf oge, %get3A_1696, %ge3A_1706 : vector<192x256xf32>
    %jit3A_1708 = arith.constant 1.000000e+00 : f32
    %jit3A_1709 = arith.constant 0.000000e+00 : f32
    %broadcast_in_dim3A_1710 = vector.broadcast %jit3A_1708 : f32 to vector<192x256xf32>
    %broadcast_in_dim3A_1711 = vector.broadcast %jit3A_1709 : f32 to vector<192x256xf32>
    %select_n3A_1712 = arith.select %ge3A_1707, %broadcast_in_dim3A_1710, %broadcast_in_dim3A_1711 : vector<192x256xi1>, vector<192x256xf32>
    %ge3A_1713 = arith.constant 5.000000e-01 : f32
    %ge3A_1714 = vector.broadcast %ge3A_1713 : f32 to vector<192x256xf32>
    %ge3A_1715 = arith.cmpf oge, %get3A_1696, %ge3A_1714 : vector<192x256xf32>
    %jit3A_1716 = arith.constant 1.000000e+00 : f32
    %jit3A_1717 = arith.constant 0.000000e+00 : f32
    %broadcast_in_dim3A_1718 = vector.broadcast %jit3A_1716 : f32 to vector<192x256xf32>
    %broadcast_in_dim3A_1719 = vector.broadcast %jit3A_1717 : f32 to vector<192x256xf32>
    %select_n3A_1720 = arith.select %ge3A_1715, %broadcast_in_dim3A_1718, %broadcast_in_dim3A_1719 : vector<192x256xi1>, vector<192x256xf32>
    %ge3A_1721 = arith.constant 6.250000e-01 : f32
    %ge3A_1722 = vector.broadcast %ge3A_1721 : f32 to vector<192x256xf32>
    %ge3A_1723 = arith.cmpf oge, %get3A_1696, %ge3A_1722 : vector<192x256xf32>
    %jit3A_1724 = arith.constant 1.000000e+00 : f32
    %jit3A_1725 = arith.constant 0.000000e+00 : f32
    %broadcast_in_dim3A_1726 = vector.broadcast %jit3A_1724 : f32 to vector<192x256xf32>
    %broadcast_in_dim3A_1727 = vector.broadcast %jit3A_1725 : f32 to vector<192x256xf32>
    %select_n3A_1728 = arith.select %ge3A_1723, %broadcast_in_dim3A_1726, %broadcast_in_dim3A_1727 : vector<192x256xi1>, vector<192x256xf32>
    %add3A_1729 = arith.addf %select_n3A_1704, %select_n3A_1712 : vector<192x256xf32>
    %add3A_1730 = arith.addf %add3A_1729, %select_n3A_1720 : vector<192x256xf32>
    %add3A_1731 = arith.addf %add3A_1730, %select_n3A_1728 : vector<192x256xf32>
    %eq3A_1732 = arith.constant 0.000000e+00 : f32
    %eq3A_1733 = vector.broadcast %eq3A_1732 : f32 to vector<192x256xf32>
    %eq3A_1734 = arith.cmpf oeq, %add3A_1731, %eq3A_1733 : vector<192x256xf32>
    %get3A_1735 = arith.constant 0 : index
    %get3A_1736 = arith.constant 2 : index
    %get3A_1737 = arith.constant 0 : index
    %get3A_1738 = arith.constant 0 : index
    %get3A_1739 = arith.constant 0 : index
    %get3A_1740 = vector.load %arg1[%get3A_1735, %get3A_1736, %get3A_1737, %get3A_1738, %get3A_1739] : memref<1x4x5x192x256xf32, #tpu.memory_space<vmem>>, vector<1x1x1x192x256xf32>
    %get3A_1741 = vector.shape_cast %get3A_1740 : vector<1x1x1x192x256xf32> to vector<192x256xf32>
    %jit3A_1742 = arith.constant 0.000000e+00 : f32
    %broadcast_in_dim3A_1743 = vector.broadcast %jit3A_1742 : f32 to vector<192x256xf32>
    %select_n3A_1744 = arith.select %eq3A_1734, %get3A_1741, %broadcast_in_dim3A_1743 : vector<192x256xi1>, vector<192x256xf32>
    %eq3A_1745 = arith.constant 1.000000e+00 : f32
    %eq3A_1746 = vector.broadcast %eq3A_1745 : f32 to vector<192x256xf32>
    %eq3A_1747 = arith.cmpf oeq, %add3A_1731, %eq3A_1746 : vector<192x256xf32>
    %get3A_1748 = arith.constant 0 : index
    %get3A_1749 = arith.constant 2 : index
    %get3A_1750 = arith.constant 1 : index
    %get3A_1751 = arith.constant 0 : index
    %get3A_1752 = arith.constant 0 : index
    %get3A_1753 = vector.load %arg1[%get3A_1748, %get3A_1749, %get3A_1750, %get3A_1751, %get3A_1752] : memref<1x4x5x192x256xf32, #tpu.memory_space<vmem>>, vector<1x1x1x192x256xf32>
    %get3A_1754 = vector.shape_cast %get3A_1753 : vector<1x1x1x192x256xf32> to vector<192x256xf32>
    %jit3A_1755 = arith.constant 0.000000e+00 : f32
    %broadcast_in_dim3A_1756 = vector.broadcast %jit3A_1755 : f32 to vector<192x256xf32>
    %select_n3A_1757 = arith.select %eq3A_1747, %get3A_1754, %broadcast_in_dim3A_1756 : vector<192x256xi1>, vector<192x256xf32>
    %eq3A_1758 = arith.constant 2.000000e+00 : f32
    %eq3A_1759 = vector.broadcast %eq3A_1758 : f32 to vector<192x256xf32>
    %eq3A_1760 = arith.cmpf oeq, %add3A_1731, %eq3A_1759 : vector<192x256xf32>
    %get3A_1761 = arith.constant 0 : index
    %get3A_1762 = arith.constant 2 : index
    %get3A_1763 = arith.constant 2 : index
    %get3A_1764 = arith.constant 0 : index
    %get3A_1765 = arith.constant 0 : index
    %get3A_1766 = vector.load %arg1[%get3A_1761, %get3A_1762, %get3A_1763, %get3A_1764, %get3A_1765] : memref<1x4x5x192x256xf32, #tpu.memory_space<vmem>>, vector<1x1x1x192x256xf32>
    %get3A_1767 = vector.shape_cast %get3A_1766 : vector<1x1x1x192x256xf32> to vector<192x256xf32>
    %jit3A_1768 = arith.constant 0.000000e+00 : f32
    %broadcast_in_dim3A_1769 = vector.broadcast %jit3A_1768 : f32 to vector<192x256xf32>
    %select_n3A_1770 = arith.select %eq3A_1760, %get3A_1767, %broadcast_in_dim3A_1769 : vector<192x256xi1>, vector<192x256xf32>
    %eq3A_1771 = arith.constant 3.000000e+00 : f32
    %eq3A_1772 = vector.broadcast %eq3A_1771 : f32 to vector<192x256xf32>
    %eq3A_1773 = arith.cmpf oeq, %add3A_1731, %eq3A_1772 : vector<192x256xf32>
    %get3A_1774 = arith.constant 0 : index
    %get3A_1775 = arith.constant 2 : index
    %get3A_1776 = arith.constant 3 : index
    %get3A_1777 = arith.constant 0 : index
    %get3A_1778 = arith.constant 0 : index
    %get3A_1779 = vector.load %arg1[%get3A_1774, %get3A_1775, %get3A_1776, %get3A_1777, %get3A_1778] : memref<1x4x5x192x256xf32, #tpu.memory_space<vmem>>, vector<1x1x1x192x256xf32>
    %get3A_1780 = vector.shape_cast %get3A_1779 : vector<1x1x1x192x256xf32> to vector<192x256xf32>
    %jit3A_1781 = arith.constant 0.000000e+00 : f32
    %broadcast_in_dim3A_1782 = vector.broadcast %jit3A_1781 : f32 to vector<192x256xf32>
    %select_n3A_1783 = arith.select %eq3A_1773, %get3A_1780, %broadcast_in_dim3A_1782 : vector<192x256xi1>, vector<192x256xf32>
    %eq3A_1784 = arith.constant 4.000000e+00 : f32
    %eq3A_1785 = vector.broadcast %eq3A_1784 : f32 to vector<192x256xf32>
    %eq3A_1786 = arith.cmpf oeq, %add3A_1731, %eq3A_1785 : vector<192x256xf32>
    %get3A_1787 = arith.constant 0 : index
    %get3A_1788 = arith.constant 2 : index
    %get3A_1789 = arith.constant 4 : index
    %get3A_1790 = arith.constant 0 : index
    %get3A_1791 = arith.constant 0 : index
    %get3A_1792 = vector.load %arg1[%get3A_1787, %get3A_1788, %get3A_1789, %get3A_1790, %get3A_1791] : memref<1x4x5x192x256xf32, #tpu.memory_space<vmem>>, vector<1x1x1x192x256xf32>
    %get3A_1793 = vector.shape_cast %get3A_1792 : vector<1x1x1x192x256xf32> to vector<192x256xf32>
    %jit3A_1794 = arith.constant 0.000000e+00 : f32
    %broadcast_in_dim3A_1795 = vector.broadcast %jit3A_1794 : f32 to vector<192x256xf32>
    %select_n3A_1796 = arith.select %eq3A_1786, %get3A_1793, %broadcast_in_dim3A_1795 : vector<192x256xi1>, vector<192x256xf32>
    %get3A_1797 = arith.constant 0 : index
    %get3A_1798 = arith.constant 2 : index
    %get3A_1799 = arith.constant 0 : index
    %get3A_1800 = arith.constant 0 : index
    %get3A_1801 = arith.constant 0 : index
    %get3A_1802 = vector.load %arg1[%get3A_1797, %get3A_1798, %get3A_1799, %get3A_1800, %get3A_1801] : memref<1x4x5x192x256xf32, #tpu.memory_space<vmem>>, vector<1x1x1x192x256xf32>
    %get3A_1803 = vector.shape_cast %get3A_1802 : vector<1x1x1x192x256xf32> to vector<192x256xf32>
    %get3A_1804 = arith.constant 0 : index
    %get3A_1805 = arith.constant 2 : index
    %get3A_1806 = arith.constant 1 : index
    %get3A_1807 = arith.constant 0 : index
    %get3A_1808 = arith.constant 0 : index
    %get3A_1809 = vector.load %arg1[%get3A_1804, %get3A_1805, %get3A_1806, %get3A_1807, %get3A_1808] : memref<1x4x5x192x256xf32, #tpu.memory_space<vmem>>, vector<1x1x1x192x256xf32>
    %get3A_1810 = vector.shape_cast %get3A_1809 : vector<1x1x1x192x256xf32> to vector<192x256xf32>
    %get3A_1811 = arith.constant 0 : index
    %get3A_1812 = arith.constant 2 : index
    %get3A_1813 = arith.constant 2 : index
    %get3A_1814 = arith.constant 0 : index
    %get3A_1815 = arith.constant 0 : index
    %get3A_1816 = vector.load %arg1[%get3A_1811, %get3A_1812, %get3A_1813, %get3A_1814, %get3A_1815] : memref<1x4x5x192x256xf32, #tpu.memory_space<vmem>>, vector<1x1x1x192x256xf32>
    %get3A_1817 = vector.shape_cast %get3A_1816 : vector<1x1x1x192x256xf32> to vector<192x256xf32>
    %get3A_1818 = arith.constant 0 : index
    %get3A_1819 = arith.constant 2 : index
    %get3A_1820 = arith.constant 3 : index
    %get3A_1821 = arith.constant 0 : index
    %get3A_1822 = arith.constant 0 : index
    %get3A_1823 = vector.load %arg1[%get3A_1818, %get3A_1819, %get3A_1820, %get3A_1821, %get3A_1822] : memref<1x4x5x192x256xf32, #tpu.memory_space<vmem>>, vector<1x1x1x192x256xf32>
    %get3A_1824 = vector.shape_cast %get3A_1823 : vector<1x1x1x192x256xf32> to vector<192x256xf32>
    %get3A_1825 = arith.constant 0 : index
    %get3A_1826 = arith.constant 2 : index
    %get3A_1827 = arith.constant 4 : index
    %get3A_1828 = arith.constant 0 : index
    %get3A_1829 = arith.constant 0 : index
    %get3A_1830 = vector.load %arg1[%get3A_1825, %get3A_1826, %get3A_1827, %get3A_1828, %get3A_1829] : memref<1x4x5x192x256xf32, #tpu.memory_space<vmem>>, vector<1x1x1x192x256xf32>
    %get3A_1831 = vector.shape_cast %get3A_1830 : vector<1x1x1x192x256xf32> to vector<192x256xf32>
    %slice3A_1832 = vector.extract_strided_slice %select_n3A_1744 {offsets = [0, 0], sizes = [8, 256], strides = [1, 1]} : vector<192x256xf32> to vector<8x256xf32>
    %slice3A_1833 = vector.extract_strided_slice %select_n3A_1744 {offsets = [8, 0], sizes = [8, 256], strides = [1, 1]} : vector<192x256xf32> to vector<8x256xf32>
    %add3A_1834 = arith.addf %slice3A_1832, %slice3A_1833 : vector<8x256xf32>
    %slice3A_1835 = vector.extract_strided_slice %select_n3A_1744 {offsets = [16, 0], sizes = [8, 256], strides = [1, 1]} : vector<192x256xf32> to vector<8x256xf32>
    %add3A_1836 = arith.addf %add3A_1834, %slice3A_1835 : vector<8x256xf32>
    %slice3A_1837 = vector.extract_strided_slice %select_n3A_1744 {offsets = [24, 0], sizes = [8, 256], strides = [1, 1]} : vector<192x256xf32> to vector<8x256xf32>
    %add3A_1838 = arith.addf %add3A_1836, %slice3A_1837 : vector<8x256xf32>
    %slice3A_1839 = vector.extract_strided_slice %select_n3A_1744 {offsets = [32, 0], sizes = [8, 256], strides = [1, 1]} : vector<192x256xf32> to vector<8x256xf32>
    %add3A_1840 = arith.addf %add3A_1838, %slice3A_1839 : vector<8x256xf32>
    %slice3A_1841 = vector.extract_strided_slice %select_n3A_1744 {offsets = [40, 0], sizes = [8, 256], strides = [1, 1]} : vector<192x256xf32> to vector<8x256xf32>
    %add3A_1842 = arith.addf %add3A_1840, %slice3A_1841 : vector<8x256xf32>
    %slice3A_1843 = vector.extract_strided_slice %select_n3A_1744 {offsets = [48, 0], sizes = [8, 256], strides = [1, 1]} : vector<192x256xf32> to vector<8x256xf32>
    %add3A_1844 = arith.addf %add3A_1842, %slice3A_1843 : vector<8x256xf32>
    %slice3A_1845 = vector.extract_strided_slice %select_n3A_1744 {offsets = [56, 0], sizes = [8, 256], strides = [1, 1]} : vector<192x256xf32> to vector<8x256xf32>
    %add3A_1846 = arith.addf %add3A_1844, %slice3A_1845 : vector<8x256xf32>
    %slice3A_1847 = vector.extract_strided_slice %select_n3A_1744 {offsets = [64, 0], sizes = [8, 256], strides = [1, 1]} : vector<192x256xf32> to vector<8x256xf32>
    %add3A_1848 = arith.addf %add3A_1846, %slice3A_1847 : vector<8x256xf32>
    %slice3A_1849 = vector.extract_strided_slice %select_n3A_1744 {offsets = [72, 0], sizes = [8, 256], strides = [1, 1]} : vector<192x256xf32> to vector<8x256xf32>
    %add3A_1850 = arith.addf %add3A_1848, %slice3A_1849 : vector<8x256xf32>
    %slice3A_1851 = vector.extract_strided_slice %select_n3A_1744 {offsets = [80, 0], sizes = [8, 256], strides = [1, 1]} : vector<192x256xf32> to vector<8x256xf32>
    %add3A_1852 = arith.addf %add3A_1850, %slice3A_1851 : vector<8x256xf32>
    %slice3A_1853 = vector.extract_strided_slice %select_n3A_1744 {offsets = [88, 0], sizes = [8, 256], strides = [1, 1]} : vector<192x256xf32> to vector<8x256xf32>
    %add3A_1854 = arith.addf %add3A_1852, %slice3A_1853 : vector<8x256xf32>
    %slice3A_1855 = vector.extract_strided_slice %select_n3A_1744 {offsets = [96, 0], sizes = [8, 256], strides = [1, 1]} : vector<192x256xf32> to vector<8x256xf32>
    %add3A_1856 = arith.addf %add3A_1854, %slice3A_1855 : vector<8x256xf32>
    %slice3A_1857 = vector.extract_strided_slice %select_n3A_1744 {offsets = [104, 0], sizes = [8, 256], strides = [1, 1]} : vector<192x256xf32> to vector<8x256xf32>
    %add3A_1858 = arith.addf %add3A_1856, %slice3A_1857 : vector<8x256xf32>
    %slice3A_1859 = vector.extract_strided_slice %select_n3A_1744 {offsets = [112, 0], sizes = [8, 256], strides = [1, 1]} : vector<192x256xf32> to vector<8x256xf32>
    %add3A_1860 = arith.addf %add3A_1858, %slice3A_1859 : vector<8x256xf32>
    %slice3A_1861 = vector.extract_strided_slice %select_n3A_1744 {offsets = [120, 0], sizes = [8, 256], strides = [1, 1]} : vector<192x256xf32> to vector<8x256xf32>
    %add3A_1862 = arith.addf %add3A_1860, %slice3A_1861 : vector<8x256xf32>
    %slice3A_1863 = vector.extract_strided_slice %select_n3A_1744 {offsets = [128, 0], sizes = [8, 256], strides = [1, 1]} : vector<192x256xf32> to vector<8x256xf32>
    %add3A_1864 = arith.addf %add3A_1862, %slice3A_1863 : vector<8x256xf32>
    %slice3A_1865 = vector.extract_strided_slice %select_n3A_1744 {offsets = [136, 0], sizes = [8, 256], strides = [1, 1]} : vector<192x256xf32> to vector<8x256xf32>
    %add3A_1866 = arith.addf %add3A_1864, %slice3A_1865 : vector<8x256xf32>
    %slice3A_1867 = vector.extract_strided_slice %select_n3A_1744 {offsets = [144, 0], sizes = [8, 256], strides = [1, 1]} : vector<192x256xf32> to vector<8x256xf32>
    %add3A_1868 = arith.addf %add3A_1866, %slice3A_1867 : vector<8x256xf32>
    %slice3A_1869 = vector.extract_strided_slice %select_n3A_1744 {offsets = [152, 0], sizes = [8, 256], strides = [1, 1]} : vector<192x256xf32> to vector<8x256xf32>
    %add3A_1870 = arith.addf %add3A_1868, %slice3A_1869 : vector<8x256xf32>
    %slice3A_1871 = vector.extract_strided_slice %select_n3A_1744 {offsets = [160, 0], sizes = [8, 256], strides = [1, 1]} : vector<192x256xf32> to vector<8x256xf32>
    %add3A_1872 = arith.addf %add3A_1870, %slice3A_1871 : vector<8x256xf32>
    %slice3A_1873 = vector.extract_strided_slice %select_n3A_1744 {offsets = [168, 0], sizes = [8, 256], strides = [1, 1]} : vector<192x256xf32> to vector<8x256xf32>
    %add3A_1874 = arith.addf %add3A_1872, %slice3A_1873 : vector<8x256xf32>
    %slice3A_1875 = vector.extract_strided_slice %select_n3A_1744 {offsets = [176, 0], sizes = [8, 256], strides = [1, 1]} : vector<192x256xf32> to vector<8x256xf32>
    %add3A_1876 = arith.addf %add3A_1874, %slice3A_1875 : vector<8x256xf32>
    %slice3A_1877 = vector.extract_strided_slice %select_n3A_1744 {offsets = [184, 0], sizes = [8, 256], strides = [1, 1]} : vector<192x256xf32> to vector<8x256xf32>
    %add3A_1878 = arith.addf %add3A_1876, %slice3A_1877 : vector<8x256xf32>
    %slice3A_1879 = vector.extract_strided_slice %add3A_1878 {offsets = [0, 0], sizes = [8, 128], strides = [1, 1]} : vector<8x256xf32> to vector<8x128xf32>
    %slice3A_1880 = vector.extract_strided_slice %add3A_1878 {offsets = [0, 128], sizes = [8, 128], strides = [1, 1]} : vector<8x256xf32> to vector<8x128xf32>
    %add3A_1881 = arith.addf %slice3A_1879, %slice3A_1880 : vector<8x128xf32>
    %add3A_1882 = arith.addf %add3A_1026, %add3A_1881 : vector<8x128xf32>
    %slice3A_1883 = vector.extract_strided_slice %select_n3A_1757 {offsets = [0, 0], sizes = [8, 256], strides = [1, 1]} : vector<192x256xf32> to vector<8x256xf32>
    %slice3A_1884 = vector.extract_strided_slice %select_n3A_1757 {offsets = [8, 0], sizes = [8, 256], strides = [1, 1]} : vector<192x256xf32> to vector<8x256xf32>
    %add3A_1885 = arith.addf %slice3A_1883, %slice3A_1884 : vector<8x256xf32>
    %slice3A_1886 = vector.extract_strided_slice %select_n3A_1757 {offsets = [16, 0], sizes = [8, 256], strides = [1, 1]} : vector<192x256xf32> to vector<8x256xf32>
    %add3A_1887 = arith.addf %add3A_1885, %slice3A_1886 : vector<8x256xf32>
    %slice3A_1888 = vector.extract_strided_slice %select_n3A_1757 {offsets = [24, 0], sizes = [8, 256], strides = [1, 1]} : vector<192x256xf32> to vector<8x256xf32>
    %add3A_1889 = arith.addf %add3A_1887, %slice3A_1888 : vector<8x256xf32>
    %slice3A_1890 = vector.extract_strided_slice %select_n3A_1757 {offsets = [32, 0], sizes = [8, 256], strides = [1, 1]} : vector<192x256xf32> to vector<8x256xf32>
    %add3A_1891 = arith.addf %add3A_1889, %slice3A_1890 : vector<8x256xf32>
    %slice3A_1892 = vector.extract_strided_slice %select_n3A_1757 {offsets = [40, 0], sizes = [8, 256], strides = [1, 1]} : vector<192x256xf32> to vector<8x256xf32>
    %add3A_1893 = arith.addf %add3A_1891, %slice3A_1892 : vector<8x256xf32>
    %slice3A_1894 = vector.extract_strided_slice %select_n3A_1757 {offsets = [48, 0], sizes = [8, 256], strides = [1, 1]} : vector<192x256xf32> to vector<8x256xf32>
    %add3A_1895 = arith.addf %add3A_1893, %slice3A_1894 : vector<8x256xf32>
    %slice3A_1896 = vector.extract_strided_slice %select_n3A_1757 {offsets = [56, 0], sizes = [8, 256], strides = [1, 1]} : vector<192x256xf32> to vector<8x256xf32>
    %add3A_1897 = arith.addf %add3A_1895, %slice3A_1896 : vector<8x256xf32>
    %slice3A_1898 = vector.extract_strided_slice %select_n3A_1757 {offsets = [64, 0], sizes = [8, 256], strides = [1, 1]} : vector<192x256xf32> to vector<8x256xf32>
    %add3A_1899 = arith.addf %add3A_1897, %slice3A_1898 : vector<8x256xf32>
    %slice3A_1900 = vector.extract_strided_slice %select_n3A_1757 {offsets = [72, 0], sizes = [8, 256], strides = [1, 1]} : vector<192x256xf32> to vector<8x256xf32>
    %add3A_1901 = arith.addf %add3A_1899, %slice3A_1900 : vector<8x256xf32>
    %slice3A_1902 = vector.extract_strided_slice %select_n3A_1757 {offsets = [80, 0], sizes = [8, 256], strides = [1, 1]} : vector<192x256xf32> to vector<8x256xf32>
    %add3A_1903 = arith.addf %add3A_1901, %slice3A_1902 : vector<8x256xf32>
    %slice3A_1904 = vector.extract_strided_slice %select_n3A_1757 {offsets = [88, 0], sizes = [8, 256], strides = [1, 1]} : vector<192x256xf32> to vector<8x256xf32>
    %add3A_1905 = arith.addf %add3A_1903, %slice3A_1904 : vector<8x256xf32>
    %slice3A_1906 = vector.extract_strided_slice %select_n3A_1757 {offsets = [96, 0], sizes = [8, 256], strides = [1, 1]} : vector<192x256xf32> to vector<8x256xf32>
    %add3A_1907 = arith.addf %add3A_1905, %slice3A_1906 : vector<8x256xf32>
    %slice3A_1908 = vector.extract_strided_slice %select_n3A_1757 {offsets = [104, 0], sizes = [8, 256], strides = [1, 1]} : vector<192x256xf32> to vector<8x256xf32>
    %add3A_1909 = arith.addf %add3A_1907, %slice3A_1908 : vector<8x256xf32>
    %slice3A_1910 = vector.extract_strided_slice %select_n3A_1757 {offsets = [112, 0], sizes = [8, 256], strides = [1, 1]} : vector<192x256xf32> to vector<8x256xf32>
    %add3A_1911 = arith.addf %add3A_1909, %slice3A_1910 : vector<8x256xf32>
    %slice3A_1912 = vector.extract_strided_slice %select_n3A_1757 {offsets = [120, 0], sizes = [8, 256], strides = [1, 1]} : vector<192x256xf32> to vector<8x256xf32>
    %add3A_1913 = arith.addf %add3A_1911, %slice3A_1912 : vector<8x256xf32>
    %slice3A_1914 = vector.extract_strided_slice %select_n3A_1757 {offsets = [128, 0], sizes = [8, 256], strides = [1, 1]} : vector<192x256xf32> to vector<8x256xf32>
    %add3A_1915 = arith.addf %add3A_1913, %slice3A_1914 : vector<8x256xf32>
    %slice3A_1916 = vector.extract_strided_slice %select_n3A_1757 {offsets = [136, 0], sizes = [8, 256], strides = [1, 1]} : vector<192x256xf32> to vector<8x256xf32>
    %add3A_1917 = arith.addf %add3A_1915, %slice3A_1916 : vector<8x256xf32>
    %slice3A_1918 = vector.extract_strided_slice %select_n3A_1757 {offsets = [144, 0], sizes = [8, 256], strides = [1, 1]} : vector<192x256xf32> to vector<8x256xf32>
    %add3A_1919 = arith.addf %add3A_1917, %slice3A_1918 : vector<8x256xf32>
    %slice3A_1920 = vector.extract_strided_slice %select_n3A_1757 {offsets = [152, 0], sizes = [8, 256], strides = [1, 1]} : vector<192x256xf32> to vector<8x256xf32>
    %add3A_1921 = arith.addf %add3A_1919, %slice3A_1920 : vector<8x256xf32>
    %slice3A_1922 = vector.extract_strided_slice %select_n3A_1757 {offsets = [160, 0], sizes = [8, 256], strides = [1, 1]} : vector<192x256xf32> to vector<8x256xf32>
    %add3A_1923 = arith.addf %add3A_1921, %slice3A_1922 : vector<8x256xf32>
    %slice3A_1924 = vector.extract_strided_slice %select_n3A_1757 {offsets = [168, 0], sizes = [8, 256], strides = [1, 1]} : vector<192x256xf32> to vector<8x256xf32>
    %add3A_1925 = arith.addf %add3A_1923, %slice3A_1924 : vector<8x256xf32>
    %slice3A_1926 = vector.extract_strided_slice %select_n3A_1757 {offsets = [176, 0], sizes = [8, 256], strides = [1, 1]} : vector<192x256xf32> to vector<8x256xf32>
    %add3A_1927 = arith.addf %add3A_1925, %slice3A_1926 : vector<8x256xf32>
    %slice3A_1928 = vector.extract_strided_slice %select_n3A_1757 {offsets = [184, 0], sizes = [8, 256], strides = [1, 1]} : vector<192x256xf32> to vector<8x256xf32>
    %add3A_1929 = arith.addf %add3A_1927, %slice3A_1928 : vector<8x256xf32>
    %slice3A_1930 = vector.extract_strided_slice %add3A_1929 {offsets = [0, 0], sizes = [8, 128], strides = [1, 1]} : vector<8x256xf32> to vector<8x128xf32>
    %slice3A_1931 = vector.extract_strided_slice %add3A_1929 {offsets = [0, 128], sizes = [8, 128], strides = [1, 1]} : vector<8x256xf32> to vector<8x128xf32>
    %add3A_1932 = arith.addf %slice3A_1930, %slice3A_1931 : vector<8x128xf32>
    %add3A_1933 = arith.addf %add3A_1077, %add3A_1932 : vector<8x128xf32>
    %slice3A_1934 = vector.extract_strided_slice %select_n3A_1770 {offsets = [0, 0], sizes = [8, 256], strides = [1, 1]} : vector<192x256xf32> to vector<8x256xf32>
    %slice3A_1935 = vector.extract_strided_slice %select_n3A_1770 {offsets = [8, 0], sizes = [8, 256], strides = [1, 1]} : vector<192x256xf32> to vector<8x256xf32>
    %add3A_1936 = arith.addf %slice3A_1934, %slice3A_1935 : vector<8x256xf32>
    %slice3A_1937 = vector.extract_strided_slice %select_n3A_1770 {offsets = [16, 0], sizes = [8, 256], strides = [1, 1]} : vector<192x256xf32> to vector<8x256xf32>
    %add3A_1938 = arith.addf %add3A_1936, %slice3A_1937 : vector<8x256xf32>
    %slice3A_1939 = vector.extract_strided_slice %select_n3A_1770 {offsets = [24, 0], sizes = [8, 256], strides = [1, 1]} : vector<192x256xf32> to vector<8x256xf32>
    %add3A_1940 = arith.addf %add3A_1938, %slice3A_1939 : vector<8x256xf32>
    %slice3A_1941 = vector.extract_strided_slice %select_n3A_1770 {offsets = [32, 0], sizes = [8, 256], strides = [1, 1]} : vector<192x256xf32> to vector<8x256xf32>
    %add3A_1942 = arith.addf %add3A_1940, %slice3A_1941 : vector<8x256xf32>
    %slice3A_1943 = vector.extract_strided_slice %select_n3A_1770 {offsets = [40, 0], sizes = [8, 256], strides = [1, 1]} : vector<192x256xf32> to vector<8x256xf32>
    %add3A_1944 = arith.addf %add3A_1942, %slice3A_1943 : vector<8x256xf32>
    %slice3A_1945 = vector.extract_strided_slice %select_n3A_1770 {offsets = [48, 0], sizes = [8, 256], strides = [1, 1]} : vector<192x256xf32> to vector<8x256xf32>
    %add3A_1946 = arith.addf %add3A_1944, %slice3A_1945 : vector<8x256xf32>
    %slice3A_1947 = vector.extract_strided_slice %select_n3A_1770 {offsets = [56, 0], sizes = [8, 256], strides = [1, 1]} : vector<192x256xf32> to vector<8x256xf32>
    %add3A_1948 = arith.addf %add3A_1946, %slice3A_1947 : vector<8x256xf32>
    %slice3A_1949 = vector.extract_strided_slice %select_n3A_1770 {offsets = [64, 0], sizes = [8, 256], strides = [1, 1]} : vector<192x256xf32> to vector<8x256xf32>
    %add3A_1950 = arith.addf %add3A_1948, %slice3A_1949 : vector<8x256xf32>
    %slice3A_1951 = vector.extract_strided_slice %select_n3A_1770 {offsets = [72, 0], sizes = [8, 256], strides = [1, 1]} : vector<192x256xf32> to vector<8x256xf32>
    %add3A_1952 = arith.addf %add3A_1950, %slice3A_1951 : vector<8x256xf32>
    %slice3A_1953 = vector.extract_strided_slice %select_n3A_1770 {offsets = [80, 0], sizes = [8, 256], strides = [1, 1]} : vector<192x256xf32> to vector<8x256xf32>
    %add3A_1954 = arith.addf %add3A_1952, %slice3A_1953 : vector<8x256xf32>
    %slice3A_1955 = vector.extract_strided_slice %select_n3A_1770 {offsets = [88, 0], sizes = [8, 256], strides = [1, 1]} : vector<192x256xf32> to vector<8x256xf32>
    %add3A_1956 = arith.addf %add3A_1954, %slice3A_1955 : vector<8x256xf32>
    %slice3A_1957 = vector.extract_strided_slice %select_n3A_1770 {offsets = [96, 0], sizes = [8, 256], strides = [1, 1]} : vector<192x256xf32> to vector<8x256xf32>
    %add3A_1958 = arith.addf %add3A_1956, %slice3A_1957 : vector<8x256xf32>
    %slice3A_1959 = vector.extract_strided_slice %select_n3A_1770 {offsets = [104, 0], sizes = [8, 256], strides = [1, 1]} : vector<192x256xf32> to vector<8x256xf32>
    %add3A_1960 = arith.addf %add3A_1958, %slice3A_1959 : vector<8x256xf32>
    %slice3A_1961 = vector.extract_strided_slice %select_n3A_1770 {offsets = [112, 0], sizes = [8, 256], strides = [1, 1]} : vector<192x256xf32> to vector<8x256xf32>
    %add3A_1962 = arith.addf %add3A_1960, %slice3A_1961 : vector<8x256xf32>
    %slice3A_1963 = vector.extract_strided_slice %select_n3A_1770 {offsets = [120, 0], sizes = [8, 256], strides = [1, 1]} : vector<192x256xf32> to vector<8x256xf32>
    %add3A_1964 = arith.addf %add3A_1962, %slice3A_1963 : vector<8x256xf32>
    %slice3A_1965 = vector.extract_strided_slice %select_n3A_1770 {offsets = [128, 0], sizes = [8, 256], strides = [1, 1]} : vector<192x256xf32> to vector<8x256xf32>
    %add3A_1966 = arith.addf %add3A_1964, %slice3A_1965 : vector<8x256xf32>
    %slice3A_1967 = vector.extract_strided_slice %select_n3A_1770 {offsets = [136, 0], sizes = [8, 256], strides = [1, 1]} : vector<192x256xf32> to vector<8x256xf32>
    %add3A_1968 = arith.addf %add3A_1966, %slice3A_1967 : vector<8x256xf32>
    %slice3A_1969 = vector.extract_strided_slice %select_n3A_1770 {offsets = [144, 0], sizes = [8, 256], strides = [1, 1]} : vector<192x256xf32> to vector<8x256xf32>
    %add3A_1970 = arith.addf %add3A_1968, %slice3A_1969 : vector<8x256xf32>
    %slice3A_1971 = vector.extract_strided_slice %select_n3A_1770 {offsets = [152, 0], sizes = [8, 256], strides = [1, 1]} : vector<192x256xf32> to vector<8x256xf32>
    %add3A_1972 = arith.addf %add3A_1970, %slice3A_1971 : vector<8x256xf32>
    %slice3A_1973 = vector.extract_strided_slice %select_n3A_1770 {offsets = [160, 0], sizes = [8, 256], strides = [1, 1]} : vector<192x256xf32> to vector<8x256xf32>
    %add3A_1974 = arith.addf %add3A_1972, %slice3A_1973 : vector<8x256xf32>
    %slice3A_1975 = vector.extract_strided_slice %select_n3A_1770 {offsets = [168, 0], sizes = [8, 256], strides = [1, 1]} : vector<192x256xf32> to vector<8x256xf32>
    %add3A_1976 = arith.addf %add3A_1974, %slice3A_1975 : vector<8x256xf32>
    %slice3A_1977 = vector.extract_strided_slice %select_n3A_1770 {offsets = [176, 0], sizes = [8, 256], strides = [1, 1]} : vector<192x256xf32> to vector<8x256xf32>
    %add3A_1978 = arith.addf %add3A_1976, %slice3A_1977 : vector<8x256xf32>
    %slice3A_1979 = vector.extract_strided_slice %select_n3A_1770 {offsets = [184, 0], sizes = [8, 256], strides = [1, 1]} : vector<192x256xf32> to vector<8x256xf32>
    %add3A_1980 = arith.addf %add3A_1978, %slice3A_1979 : vector<8x256xf32>
    %slice3A_1981 = vector.extract_strided_slice %add3A_1980 {offsets = [0, 0], sizes = [8, 128], strides = [1, 1]} : vector<8x256xf32> to vector<8x128xf32>
    %slice3A_1982 = vector.extract_strided_slice %add3A_1980 {offsets = [0, 128], sizes = [8, 128], strides = [1, 1]} : vector<8x256xf32> to vector<8x128xf32>
    %add3A_1983 = arith.addf %slice3A_1981, %slice3A_1982 : vector<8x128xf32>
    %add3A_1984 = arith.addf %add3A_1128, %add3A_1983 : vector<8x128xf32>
    %slice3A_1985 = vector.extract_strided_slice %select_n3A_1783 {offsets = [0, 0], sizes = [8, 256], strides = [1, 1]} : vector<192x256xf32> to vector<8x256xf32>
    %slice3A_1986 = vector.extract_strided_slice %select_n3A_1783 {offsets = [8, 0], sizes = [8, 256], strides = [1, 1]} : vector<192x256xf32> to vector<8x256xf32>
    %add3A_1987 = arith.addf %slice3A_1985, %slice3A_1986 : vector<8x256xf32>
    %slice3A_1988 = vector.extract_strided_slice %select_n3A_1783 {offsets = [16, 0], sizes = [8, 256], strides = [1, 1]} : vector<192x256xf32> to vector<8x256xf32>
    %add3A_1989 = arith.addf %add3A_1987, %slice3A_1988 : vector<8x256xf32>
    %slice3A_1990 = vector.extract_strided_slice %select_n3A_1783 {offsets = [24, 0], sizes = [8, 256], strides = [1, 1]} : vector<192x256xf32> to vector<8x256xf32>
    %add3A_1991 = arith.addf %add3A_1989, %slice3A_1990 : vector<8x256xf32>
    %slice3A_1992 = vector.extract_strided_slice %select_n3A_1783 {offsets = [32, 0], sizes = [8, 256], strides = [1, 1]} : vector<192x256xf32> to vector<8x256xf32>
    %add3A_1993 = arith.addf %add3A_1991, %slice3A_1992 : vector<8x256xf32>
    %slice3A_1994 = vector.extract_strided_slice %select_n3A_1783 {offsets = [40, 0], sizes = [8, 256], strides = [1, 1]} : vector<192x256xf32> to vector<8x256xf32>
    %add3A_1995 = arith.addf %add3A_1993, %slice3A_1994 : vector<8x256xf32>
    %slice3A_1996 = vector.extract_strided_slice %select_n3A_1783 {offsets = [48, 0], sizes = [8, 256], strides = [1, 1]} : vector<192x256xf32> to vector<8x256xf32>
    %add3A_1997 = arith.addf %add3A_1995, %slice3A_1996 : vector<8x256xf32>
    %slice3A_1998 = vector.extract_strided_slice %select_n3A_1783 {offsets = [56, 0], sizes = [8, 256], strides = [1, 1]} : vector<192x256xf32> to vector<8x256xf32>
    %add3A_1999 = arith.addf %add3A_1997, %slice3A_1998 : vector<8x256xf32>
    %slice3A_2000 = vector.extract_strided_slice %select_n3A_1783 {offsets = [64, 0], sizes = [8, 256], strides = [1, 1]} : vector<192x256xf32> to vector<8x256xf32>
    %add3A_2001 = arith.addf %add3A_1999, %slice3A_2000 : vector<8x256xf32>
    %slice3A_2002 = vector.extract_strided_slice %select_n3A_1783 {offsets = [72, 0], sizes = [8, 256], strides = [1, 1]} : vector<192x256xf32> to vector<8x256xf32>
    %add3A_2003 = arith.addf %add3A_2001, %slice3A_2002 : vector<8x256xf32>
    %slice3A_2004 = vector.extract_strided_slice %select_n3A_1783 {offsets = [80, 0], sizes = [8, 256], strides = [1, 1]} : vector<192x256xf32> to vector<8x256xf32>
    %add3A_2005 = arith.addf %add3A_2003, %slice3A_2004 : vector<8x256xf32>
    %slice3A_2006 = vector.extract_strided_slice %select_n3A_1783 {offsets = [88, 0], sizes = [8, 256], strides = [1, 1]} : vector<192x256xf32> to vector<8x256xf32>
    %add3A_2007 = arith.addf %add3A_2005, %slice3A_2006 : vector<8x256xf32>
    %slice3A_2008 = vector.extract_strided_slice %select_n3A_1783 {offsets = [96, 0], sizes = [8, 256], strides = [1, 1]} : vector<192x256xf32> to vector<8x256xf32>
    %add3A_2009 = arith.addf %add3A_2007, %slice3A_2008 : vector<8x256xf32>
    %slice3A_2010 = vector.extract_strided_slice %select_n3A_1783 {offsets = [104, 0], sizes = [8, 256], strides = [1, 1]} : vector<192x256xf32> to vector<8x256xf32>
    %add3A_2011 = arith.addf %add3A_2009, %slice3A_2010 : vector<8x256xf32>
    %slice3A_2012 = vector.extract_strided_slice %select_n3A_1783 {offsets = [112, 0], sizes = [8, 256], strides = [1, 1]} : vector<192x256xf32> to vector<8x256xf32>
    %add3A_2013 = arith.addf %add3A_2011, %slice3A_2012 : vector<8x256xf32>
    %slice3A_2014 = vector.extract_strided_slice %select_n3A_1783 {offsets = [120, 0], sizes = [8, 256], strides = [1, 1]} : vector<192x256xf32> to vector<8x256xf32>
    %add3A_2015 = arith.addf %add3A_2013, %slice3A_2014 : vector<8x256xf32>
    %slice3A_2016 = vector.extract_strided_slice %select_n3A_1783 {offsets = [128, 0], sizes = [8, 256], strides = [1, 1]} : vector<192x256xf32> to vector<8x256xf32>
    %add3A_2017 = arith.addf %add3A_2015, %slice3A_2016 : vector<8x256xf32>
    %slice3A_2018 = vector.extract_strided_slice %select_n3A_1783 {offsets = [136, 0], sizes = [8, 256], strides = [1, 1]} : vector<192x256xf32> to vector<8x256xf32>
    %add3A_2019 = arith.addf %add3A_2017, %slice3A_2018 : vector<8x256xf32>
    %slice3A_2020 = vector.extract_strided_slice %select_n3A_1783 {offsets = [144, 0], sizes = [8, 256], strides = [1, 1]} : vector<192x256xf32> to vector<8x256xf32>
    %add3A_2021 = arith.addf %add3A_2019, %slice3A_2020 : vector<8x256xf32>
    %slice3A_2022 = vector.extract_strided_slice %select_n3A_1783 {offsets = [152, 0], sizes = [8, 256], strides = [1, 1]} : vector<192x256xf32> to vector<8x256xf32>
    %add3A_2023 = arith.addf %add3A_2021, %slice3A_2022 : vector<8x256xf32>
    %slice3A_2024 = vector.extract_strided_slice %select_n3A_1783 {offsets = [160, 0], sizes = [8, 256], strides = [1, 1]} : vector<192x256xf32> to vector<8x256xf32>
    %add3A_2025 = arith.addf %add3A_2023, %slice3A_2024 : vector<8x256xf32>
    %slice3A_2026 = vector.extract_strided_slice %select_n3A_1783 {offsets = [168, 0], sizes = [8, 256], strides = [1, 1]} : vector<192x256xf32> to vector<8x256xf32>
    %add3A_2027 = arith.addf %add3A_2025, %slice3A_2026 : vector<8x256xf32>
    %slice3A_2028 = vector.extract_strided_slice %select_n3A_1783 {offsets = [176, 0], sizes = [8, 256], strides = [1, 1]} : vector<192x256xf32> to vector<8x256xf32>
    %add3A_2029 = arith.addf %add3A_2027, %slice3A_2028 : vector<8x256xf32>
    %slice3A_2030 = vector.extract_strided_slice %select_n3A_1783 {offsets = [184, 0], sizes = [8, 256], strides = [1, 1]} : vector<192x256xf32> to vector<8x256xf32>
    %add3A_2031 = arith.addf %add3A_2029, %slice3A_2030 : vector<8x256xf32>
    %slice3A_2032 = vector.extract_strided_slice %add3A_2031 {offsets = [0, 0], sizes = [8, 128], strides = [1, 1]} : vector<8x256xf32> to vector<8x128xf32>
    %slice3A_2033 = vector.extract_strided_slice %add3A_2031 {offsets = [0, 128], sizes = [8, 128], strides = [1, 1]} : vector<8x256xf32> to vector<8x128xf32>
    %add3A_2034 = arith.addf %slice3A_2032, %slice3A_2033 : vector<8x128xf32>
    %add3A_2035 = arith.addf %add3A_1179, %add3A_2034 : vector<8x128xf32>
    %slice3A_2036 = vector.extract_strided_slice %select_n3A_1796 {offsets = [0, 0], sizes = [8, 256], strides = [1, 1]} : vector<192x256xf32> to vector<8x256xf32>
    %slice3A_2037 = vector.extract_strided_slice %select_n3A_1796 {offsets = [8, 0], sizes = [8, 256], strides = [1, 1]} : vector<192x256xf32> to vector<8x256xf32>
    %add3A_2038 = arith.addf %slice3A_2036, %slice3A_2037 : vector<8x256xf32>
    %slice3A_2039 = vector.extract_strided_slice %select_n3A_1796 {offsets = [16, 0], sizes = [8, 256], strides = [1, 1]} : vector<192x256xf32> to vector<8x256xf32>
    %add3A_2040 = arith.addf %add3A_2038, %slice3A_2039 : vector<8x256xf32>
    %slice3A_2041 = vector.extract_strided_slice %select_n3A_1796 {offsets = [24, 0], sizes = [8, 256], strides = [1, 1]} : vector<192x256xf32> to vector<8x256xf32>
    %add3A_2042 = arith.addf %add3A_2040, %slice3A_2041 : vector<8x256xf32>
    %slice3A_2043 = vector.extract_strided_slice %select_n3A_1796 {offsets = [32, 0], sizes = [8, 256], strides = [1, 1]} : vector<192x256xf32> to vector<8x256xf32>
    %add3A_2044 = arith.addf %add3A_2042, %slice3A_2043 : vector<8x256xf32>
    %slice3A_2045 = vector.extract_strided_slice %select_n3A_1796 {offsets = [40, 0], sizes = [8, 256], strides = [1, 1]} : vector<192x256xf32> to vector<8x256xf32>
    %add3A_2046 = arith.addf %add3A_2044, %slice3A_2045 : vector<8x256xf32>
    %slice3A_2047 = vector.extract_strided_slice %select_n3A_1796 {offsets = [48, 0], sizes = [8, 256], strides = [1, 1]} : vector<192x256xf32> to vector<8x256xf32>
    %add3A_2048 = arith.addf %add3A_2046, %slice3A_2047 : vector<8x256xf32>
    %slice3A_2049 = vector.extract_strided_slice %select_n3A_1796 {offsets = [56, 0], sizes = [8, 256], strides = [1, 1]} : vector<192x256xf32> to vector<8x256xf32>
    %add3A_2050 = arith.addf %add3A_2048, %slice3A_2049 : vector<8x256xf32>
    %slice3A_2051 = vector.extract_strided_slice %select_n3A_1796 {offsets = [64, 0], sizes = [8, 256], strides = [1, 1]} : vector<192x256xf32> to vector<8x256xf32>
    %add3A_2052 = arith.addf %add3A_2050, %slice3A_2051 : vector<8x256xf32>
    %slice3A_2053 = vector.extract_strided_slice %select_n3A_1796 {offsets = [72, 0], sizes = [8, 256], strides = [1, 1]} : vector<192x256xf32> to vector<8x256xf32>
    %add3A_2054 = arith.addf %add3A_2052, %slice3A_2053 : vector<8x256xf32>
    %slice3A_2055 = vector.extract_strided_slice %select_n3A_1796 {offsets = [80, 0], sizes = [8, 256], strides = [1, 1]} : vector<192x256xf32> to vector<8x256xf32>
    %add3A_2056 = arith.addf %add3A_2054, %slice3A_2055 : vector<8x256xf32>
    %slice3A_2057 = vector.extract_strided_slice %select_n3A_1796 {offsets = [88, 0], sizes = [8, 256], strides = [1, 1]} : vector<192x256xf32> to vector<8x256xf32>
    %add3A_2058 = arith.addf %add3A_2056, %slice3A_2057 : vector<8x256xf32>
    %slice3A_2059 = vector.extract_strided_slice %select_n3A_1796 {offsets = [96, 0], sizes = [8, 256], strides = [1, 1]} : vector<192x256xf32> to vector<8x256xf32>
    %add3A_2060 = arith.addf %add3A_2058, %slice3A_2059 : vector<8x256xf32>
    %slice3A_2061 = vector.extract_strided_slice %select_n3A_1796 {offsets = [104, 0], sizes = [8, 256], strides = [1, 1]} : vector<192x256xf32> to vector<8x256xf32>
    %add3A_2062 = arith.addf %add3A_2060, %slice3A_2061 : vector<8x256xf32>
    %slice3A_2063 = vector.extract_strided_slice %select_n3A_1796 {offsets = [112, 0], sizes = [8, 256], strides = [1, 1]} : vector<192x256xf32> to vector<8x256xf32>
    %add3A_2064 = arith.addf %add3A_2062, %slice3A_2063 : vector<8x256xf32>
    %slice3A_2065 = vector.extract_strided_slice %select_n3A_1796 {offsets = [120, 0], sizes = [8, 256], strides = [1, 1]} : vector<192x256xf32> to vector<8x256xf32>
    %add3A_2066 = arith.addf %add3A_2064, %slice3A_2065 : vector<8x256xf32>
    %slice3A_2067 = vector.extract_strided_slice %select_n3A_1796 {offsets = [128, 0], sizes = [8, 256], strides = [1, 1]} : vector<192x256xf32> to vector<8x256xf32>
    %add3A_2068 = arith.addf %add3A_2066, %slice3A_2067 : vector<8x256xf32>
    %slice3A_2069 = vector.extract_strided_slice %select_n3A_1796 {offsets = [136, 0], sizes = [8, 256], strides = [1, 1]} : vector<192x256xf32> to vector<8x256xf32>
    %add3A_2070 = arith.addf %add3A_2068, %slice3A_2069 : vector<8x256xf32>
    %slice3A_2071 = vector.extract_strided_slice %select_n3A_1796 {offsets = [144, 0], sizes = [8, 256], strides = [1, 1]} : vector<192x256xf32> to vector<8x256xf32>
    %add3A_2072 = arith.addf %add3A_2070, %slice3A_2071 : vector<8x256xf32>
    %slice3A_2073 = vector.extract_strided_slice %select_n3A_1796 {offsets = [152, 0], sizes = [8, 256], strides = [1, 1]} : vector<192x256xf32> to vector<8x256xf32>
    %add3A_2074 = arith.addf %add3A_2072, %slice3A_2073 : vector<8x256xf32>
    %slice3A_2075 = vector.extract_strided_slice %select_n3A_1796 {offsets = [160, 0], sizes = [8, 256], strides = [1, 1]} : vector<192x256xf32> to vector<8x256xf32>
    %add3A_2076 = arith.addf %add3A_2074, %slice3A_2075 : vector<8x256xf32>
    %slice3A_2077 = vector.extract_strided_slice %select_n3A_1796 {offsets = [168, 0], sizes = [8, 256], strides = [1, 1]} : vector<192x256xf32> to vector<8x256xf32>
    %add3A_2078 = arith.addf %add3A_2076, %slice3A_2077 : vector<8x256xf32>
    %slice3A_2079 = vector.extract_strided_slice %select_n3A_1796 {offsets = [176, 0], sizes = [8, 256], strides = [1, 1]} : vector<192x256xf32> to vector<8x256xf32>
    %add3A_2080 = arith.addf %add3A_2078, %slice3A_2079 : vector<8x256xf32>
    %slice3A_2081 = vector.extract_strided_slice %select_n3A_1796 {offsets = [184, 0], sizes = [8, 256], strides = [1, 1]} : vector<192x256xf32> to vector<8x256xf32>
    %add3A_2082 = arith.addf %add3A_2080, %slice3A_2081 : vector<8x256xf32>
    %slice3A_2083 = vector.extract_strided_slice %add3A_2082 {offsets = [0, 0], sizes = [8, 128], strides = [1, 1]} : vector<8x256xf32> to vector<8x128xf32>
    %slice3A_2084 = vector.extract_strided_slice %add3A_2082 {offsets = [0, 128], sizes = [8, 128], strides = [1, 1]} : vector<8x256xf32> to vector<8x128xf32>
    %add3A_2085 = arith.addf %slice3A_2083, %slice3A_2084 : vector<8x128xf32>
    %add3A_2086 = arith.addf %add3A_1230, %add3A_2085 : vector<8x128xf32>
    %slice3A_2087 = vector.extract_strided_slice %get3A_1803 {offsets = [0, 0], sizes = [8, 256], strides = [1, 1]} : vector<192x256xf32> to vector<8x256xf32>
    %slice3A_2088 = vector.extract_strided_slice %get3A_1803 {offsets = [8, 0], sizes = [8, 256], strides = [1, 1]} : vector<192x256xf32> to vector<8x256xf32>
    %add3A_2089 = arith.addf %slice3A_2087, %slice3A_2088 : vector<8x256xf32>
    %slice3A_2090 = vector.extract_strided_slice %get3A_1803 {offsets = [16, 0], sizes = [8, 256], strides = [1, 1]} : vector<192x256xf32> to vector<8x256xf32>
    %add3A_2091 = arith.addf %add3A_2089, %slice3A_2090 : vector<8x256xf32>
    %slice3A_2092 = vector.extract_strided_slice %get3A_1803 {offsets = [24, 0], sizes = [8, 256], strides = [1, 1]} : vector<192x256xf32> to vector<8x256xf32>
    %add3A_2093 = arith.addf %add3A_2091, %slice3A_2092 : vector<8x256xf32>
    %slice3A_2094 = vector.extract_strided_slice %get3A_1803 {offsets = [32, 0], sizes = [8, 256], strides = [1, 1]} : vector<192x256xf32> to vector<8x256xf32>
    %add3A_2095 = arith.addf %add3A_2093, %slice3A_2094 : vector<8x256xf32>
    %slice3A_2096 = vector.extract_strided_slice %get3A_1803 {offsets = [40, 0], sizes = [8, 256], strides = [1, 1]} : vector<192x256xf32> to vector<8x256xf32>
    %add3A_2097 = arith.addf %add3A_2095, %slice3A_2096 : vector<8x256xf32>
    %slice3A_2098 = vector.extract_strided_slice %get3A_1803 {offsets = [48, 0], sizes = [8, 256], strides = [1, 1]} : vector<192x256xf32> to vector<8x256xf32>
    %add3A_2099 = arith.addf %add3A_2097, %slice3A_2098 : vector<8x256xf32>
    %slice3A_2100 = vector.extract_strided_slice %get3A_1803 {offsets = [56, 0], sizes = [8, 256], strides = [1, 1]} : vector<192x256xf32> to vector<8x256xf32>
    %add3A_2101 = arith.addf %add3A_2099, %slice3A_2100 : vector<8x256xf32>
    %slice3A_2102 = vector.extract_strided_slice %get3A_1803 {offsets = [64, 0], sizes = [8, 256], strides = [1, 1]} : vector<192x256xf32> to vector<8x256xf32>
    %add3A_2103 = arith.addf %add3A_2101, %slice3A_2102 : vector<8x256xf32>
    %slice3A_2104 = vector.extract_strided_slice %get3A_1803 {offsets = [72, 0], sizes = [8, 256], strides = [1, 1]} : vector<192x256xf32> to vector<8x256xf32>
    %add3A_2105 = arith.addf %add3A_2103, %slice3A_2104 : vector<8x256xf32>
    %slice3A_2106 = vector.extract_strided_slice %get3A_1803 {offsets = [80, 0], sizes = [8, 256], strides = [1, 1]} : vector<192x256xf32> to vector<8x256xf32>
    %add3A_2107 = arith.addf %add3A_2105, %slice3A_2106 : vector<8x256xf32>
    %slice3A_2108 = vector.extract_strided_slice %get3A_1803 {offsets = [88, 0], sizes = [8, 256], strides = [1, 1]} : vector<192x256xf32> to vector<8x256xf32>
    %add3A_2109 = arith.addf %add3A_2107, %slice3A_2108 : vector<8x256xf32>
    %slice3A_2110 = vector.extract_strided_slice %get3A_1803 {offsets = [96, 0], sizes = [8, 256], strides = [1, 1]} : vector<192x256xf32> to vector<8x256xf32>
    %add3A_2111 = arith.addf %add3A_2109, %slice3A_2110 : vector<8x256xf32>
    %slice3A_2112 = vector.extract_strided_slice %get3A_1803 {offsets = [104, 0], sizes = [8, 256], strides = [1, 1]} : vector<192x256xf32> to vector<8x256xf32>
    %add3A_2113 = arith.addf %add3A_2111, %slice3A_2112 : vector<8x256xf32>
    %slice3A_2114 = vector.extract_strided_slice %get3A_1803 {offsets = [112, 0], sizes = [8, 256], strides = [1, 1]} : vector<192x256xf32> to vector<8x256xf32>
    %add3A_2115 = arith.addf %add3A_2113, %slice3A_2114 : vector<8x256xf32>
    %slice3A_2116 = vector.extract_strided_slice %get3A_1803 {offsets = [120, 0], sizes = [8, 256], strides = [1, 1]} : vector<192x256xf32> to vector<8x256xf32>
    %add3A_2117 = arith.addf %add3A_2115, %slice3A_2116 : vector<8x256xf32>
    %slice3A_2118 = vector.extract_strided_slice %get3A_1803 {offsets = [128, 0], sizes = [8, 256], strides = [1, 1]} : vector<192x256xf32> to vector<8x256xf32>
    %add3A_2119 = arith.addf %add3A_2117, %slice3A_2118 : vector<8x256xf32>
    %slice3A_2120 = vector.extract_strided_slice %get3A_1803 {offsets = [136, 0], sizes = [8, 256], strides = [1, 1]} : vector<192x256xf32> to vector<8x256xf32>
    %add3A_2121 = arith.addf %add3A_2119, %slice3A_2120 : vector<8x256xf32>
    %slice3A_2122 = vector.extract_strided_slice %get3A_1803 {offsets = [144, 0], sizes = [8, 256], strides = [1, 1]} : vector<192x256xf32> to vector<8x256xf32>
    %add3A_2123 = arith.addf %add3A_2121, %slice3A_2122 : vector<8x256xf32>
    %slice3A_2124 = vector.extract_strided_slice %get3A_1803 {offsets = [152, 0], sizes = [8, 256], strides = [1, 1]} : vector<192x256xf32> to vector<8x256xf32>
    %add3A_2125 = arith.addf %add3A_2123, %slice3A_2124 : vector<8x256xf32>
    %slice3A_2126 = vector.extract_strided_slice %get3A_1803 {offsets = [160, 0], sizes = [8, 256], strides = [1, 1]} : vector<192x256xf32> to vector<8x256xf32>
    %add3A_2127 = arith.addf %add3A_2125, %slice3A_2126 : vector<8x256xf32>
    %slice3A_2128 = vector.extract_strided_slice %get3A_1803 {offsets = [168, 0], sizes = [8, 256], strides = [1, 1]} : vector<192x256xf32> to vector<8x256xf32>
    %add3A_2129 = arith.addf %add3A_2127, %slice3A_2128 : vector<8x256xf32>
    %slice3A_2130 = vector.extract_strided_slice %get3A_1803 {offsets = [176, 0], sizes = [8, 256], strides = [1, 1]} : vector<192x256xf32> to vector<8x256xf32>
    %add3A_2131 = arith.addf %add3A_2129, %slice3A_2130 : vector<8x256xf32>
    %slice3A_2132 = vector.extract_strided_slice %get3A_1803 {offsets = [184, 0], sizes = [8, 256], strides = [1, 1]} : vector<192x256xf32> to vector<8x256xf32>
    %add3A_2133 = arith.addf %add3A_2131, %slice3A_2132 : vector<8x256xf32>
    %slice3A_2134 = vector.extract_strided_slice %add3A_2133 {offsets = [0, 0], sizes = [8, 128], strides = [1, 1]} : vector<8x256xf32> to vector<8x128xf32>
    %slice3A_2135 = vector.extract_strided_slice %add3A_2133 {offsets = [0, 128], sizes = [8, 128], strides = [1, 1]} : vector<8x256xf32> to vector<8x128xf32>
    %add3A_2136 = arith.addf %slice3A_2134, %slice3A_2135 : vector<8x128xf32>
    %add3A_2137 = arith.addf %add3A_1281, %add3A_2136 : vector<8x128xf32>
    %slice3A_2138 = vector.extract_strided_slice %get3A_1810 {offsets = [0, 0], sizes = [8, 256], strides = [1, 1]} : vector<192x256xf32> to vector<8x256xf32>
    %slice3A_2139 = vector.extract_strided_slice %get3A_1810 {offsets = [8, 0], sizes = [8, 256], strides = [1, 1]} : vector<192x256xf32> to vector<8x256xf32>
    %add3A_2140 = arith.addf %slice3A_2138, %slice3A_2139 : vector<8x256xf32>
    %slice3A_2141 = vector.extract_strided_slice %get3A_1810 {offsets = [16, 0], sizes = [8, 256], strides = [1, 1]} : vector<192x256xf32> to vector<8x256xf32>
    %add3A_2142 = arith.addf %add3A_2140, %slice3A_2141 : vector<8x256xf32>
    %slice3A_2143 = vector.extract_strided_slice %get3A_1810 {offsets = [24, 0], sizes = [8, 256], strides = [1, 1]} : vector<192x256xf32> to vector<8x256xf32>
    %add3A_2144 = arith.addf %add3A_2142, %slice3A_2143 : vector<8x256xf32>
    %slice3A_2145 = vector.extract_strided_slice %get3A_1810 {offsets = [32, 0], sizes = [8, 256], strides = [1, 1]} : vector<192x256xf32> to vector<8x256xf32>
    %add3A_2146 = arith.addf %add3A_2144, %slice3A_2145 : vector<8x256xf32>
    %slice3A_2147 = vector.extract_strided_slice %get3A_1810 {offsets = [40, 0], sizes = [8, 256], strides = [1, 1]} : vector<192x256xf32> to vector<8x256xf32>
    %add3A_2148 = arith.addf %add3A_2146, %slice3A_2147 : vector<8x256xf32>
    %slice3A_2149 = vector.extract_strided_slice %get3A_1810 {offsets = [48, 0], sizes = [8, 256], strides = [1, 1]} : vector<192x256xf32> to vector<8x256xf32>
    %add3A_2150 = arith.addf %add3A_2148, %slice3A_2149 : vector<8x256xf32>
    %slice3A_2151 = vector.extract_strided_slice %get3A_1810 {offsets = [56, 0], sizes = [8, 256], strides = [1, 1]} : vector<192x256xf32> to vector<8x256xf32>
    %add3A_2152 = arith.addf %add3A_2150, %slice3A_2151 : vector<8x256xf32>
    %slice3A_2153 = vector.extract_strided_slice %get3A_1810 {offsets = [64, 0], sizes = [8, 256], strides = [1, 1]} : vector<192x256xf32> to vector<8x256xf32>
    %add3A_2154 = arith.addf %add3A_2152, %slice3A_2153 : vector<8x256xf32>
    %slice3A_2155 = vector.extract_strided_slice %get3A_1810 {offsets = [72, 0], sizes = [8, 256], strides = [1, 1]} : vector<192x256xf32> to vector<8x256xf32>
    %add3A_2156 = arith.addf %add3A_2154, %slice3A_2155 : vector<8x256xf32>
    %slice3A_2157 = vector.extract_strided_slice %get3A_1810 {offsets = [80, 0], sizes = [8, 256], strides = [1, 1]} : vector<192x256xf32> to vector<8x256xf32>
    %add3A_2158 = arith.addf %add3A_2156, %slice3A_2157 : vector<8x256xf32>
    %slice3A_2159 = vector.extract_strided_slice %get3A_1810 {offsets = [88, 0], sizes = [8, 256], strides = [1, 1]} : vector<192x256xf32> to vector<8x256xf32>
    %add3A_2160 = arith.addf %add3A_2158, %slice3A_2159 : vector<8x256xf32>
    %slice3A_2161 = vector.extract_strided_slice %get3A_1810 {offsets = [96, 0], sizes = [8, 256], strides = [1, 1]} : vector<192x256xf32> to vector<8x256xf32>
    %add3A_2162 = arith.addf %add3A_2160, %slice3A_2161 : vector<8x256xf32>
    %slice3A_2163 = vector.extract_strided_slice %get3A_1810 {offsets = [104, 0], sizes = [8, 256], strides = [1, 1]} : vector<192x256xf32> to vector<8x256xf32>
    %add3A_2164 = arith.addf %add3A_2162, %slice3A_2163 : vector<8x256xf32>
    %slice3A_2165 = vector.extract_strided_slice %get3A_1810 {offsets = [112, 0], sizes = [8, 256], strides = [1, 1]} : vector<192x256xf32> to vector<8x256xf32>
    %add3A_2166 = arith.addf %add3A_2164, %slice3A_2165 : vector<8x256xf32>
    %slice3A_2167 = vector.extract_strided_slice %get3A_1810 {offsets = [120, 0], sizes = [8, 256], strides = [1, 1]} : vector<192x256xf32> to vector<8x256xf32>
    %add3A_2168 = arith.addf %add3A_2166, %slice3A_2167 : vector<8x256xf32>
    %slice3A_2169 = vector.extract_strided_slice %get3A_1810 {offsets = [128, 0], sizes = [8, 256], strides = [1, 1]} : vector<192x256xf32> to vector<8x256xf32>
    %add3A_2170 = arith.addf %add3A_2168, %slice3A_2169 : vector<8x256xf32>
    %slice3A_2171 = vector.extract_strided_slice %get3A_1810 {offsets = [136, 0], sizes = [8, 256], strides = [1, 1]} : vector<192x256xf32> to vector<8x256xf32>
    %add3A_2172 = arith.addf %add3A_2170, %slice3A_2171 : vector<8x256xf32>
    %slice3A_2173 = vector.extract_strided_slice %get3A_1810 {offsets = [144, 0], sizes = [8, 256], strides = [1, 1]} : vector<192x256xf32> to vector<8x256xf32>
    %add3A_2174 = arith.addf %add3A_2172, %slice3A_2173 : vector<8x256xf32>
    %slice3A_2175 = vector.extract_strided_slice %get3A_1810 {offsets = [152, 0], sizes = [8, 256], strides = [1, 1]} : vector<192x256xf32> to vector<8x256xf32>
    %add3A_2176 = arith.addf %add3A_2174, %slice3A_2175 : vector<8x256xf32>
    %slice3A_2177 = vector.extract_strided_slice %get3A_1810 {offsets = [160, 0], sizes = [8, 256], strides = [1, 1]} : vector<192x256xf32> to vector<8x256xf32>
    %add3A_2178 = arith.addf %add3A_2176, %slice3A_2177 : vector<8x256xf32>
    %slice3A_2179 = vector.extract_strided_slice %get3A_1810 {offsets = [168, 0], sizes = [8, 256], strides = [1, 1]} : vector<192x256xf32> to vector<8x256xf32>
    %add3A_2180 = arith.addf %add3A_2178, %slice3A_2179 : vector<8x256xf32>
    %slice3A_2181 = vector.extract_strided_slice %get3A_1810 {offsets = [176, 0], sizes = [8, 256], strides = [1, 1]} : vector<192x256xf32> to vector<8x256xf32>
    %add3A_2182 = arith.addf %add3A_2180, %slice3A_2181 : vector<8x256xf32>
    %slice3A_2183 = vector.extract_strided_slice %get3A_1810 {offsets = [184, 0], sizes = [8, 256], strides = [1, 1]} : vector<192x256xf32> to vector<8x256xf32>
    %add3A_2184 = arith.addf %add3A_2182, %slice3A_2183 : vector<8x256xf32>
    %slice3A_2185 = vector.extract_strided_slice %add3A_2184 {offsets = [0, 0], sizes = [8, 128], strides = [1, 1]} : vector<8x256xf32> to vector<8x128xf32>
    %slice3A_2186 = vector.extract_strided_slice %add3A_2184 {offsets = [0, 128], sizes = [8, 128], strides = [1, 1]} : vector<8x256xf32> to vector<8x128xf32>
    %add3A_2187 = arith.addf %slice3A_2185, %slice3A_2186 : vector<8x128xf32>
    %add3A_2188 = arith.addf %add3A_1332, %add3A_2187 : vector<8x128xf32>
    %slice3A_2189 = vector.extract_strided_slice %get3A_1817 {offsets = [0, 0], sizes = [8, 256], strides = [1, 1]} : vector<192x256xf32> to vector<8x256xf32>
    %slice3A_2190 = vector.extract_strided_slice %get3A_1817 {offsets = [8, 0], sizes = [8, 256], strides = [1, 1]} : vector<192x256xf32> to vector<8x256xf32>
    %add3A_2191 = arith.addf %slice3A_2189, %slice3A_2190 : vector<8x256xf32>
    %slice3A_2192 = vector.extract_strided_slice %get3A_1817 {offsets = [16, 0], sizes = [8, 256], strides = [1, 1]} : vector<192x256xf32> to vector<8x256xf32>
    %add3A_2193 = arith.addf %add3A_2191, %slice3A_2192 : vector<8x256xf32>
    %slice3A_2194 = vector.extract_strided_slice %get3A_1817 {offsets = [24, 0], sizes = [8, 256], strides = [1, 1]} : vector<192x256xf32> to vector<8x256xf32>
    %add3A_2195 = arith.addf %add3A_2193, %slice3A_2194 : vector<8x256xf32>
    %slice3A_2196 = vector.extract_strided_slice %get3A_1817 {offsets = [32, 0], sizes = [8, 256], strides = [1, 1]} : vector<192x256xf32> to vector<8x256xf32>
    %add3A_2197 = arith.addf %add3A_2195, %slice3A_2196 : vector<8x256xf32>
    %slice3A_2198 = vector.extract_strided_slice %get3A_1817 {offsets = [40, 0], sizes = [8, 256], strides = [1, 1]} : vector<192x256xf32> to vector<8x256xf32>
    %add3A_2199 = arith.addf %add3A_2197, %slice3A_2198 : vector<8x256xf32>
    %slice3A_2200 = vector.extract_strided_slice %get3A_1817 {offsets = [48, 0], sizes = [8, 256], strides = [1, 1]} : vector<192x256xf32> to vector<8x256xf32>
    %add3A_2201 = arith.addf %add3A_2199, %slice3A_2200 : vector<8x256xf32>
    %slice3A_2202 = vector.extract_strided_slice %get3A_1817 {offsets = [56, 0], sizes = [8, 256], strides = [1, 1]} : vector<192x256xf32> to vector<8x256xf32>
    %add3A_2203 = arith.addf %add3A_2201, %slice3A_2202 : vector<8x256xf32>
    %slice3A_2204 = vector.extract_strided_slice %get3A_1817 {offsets = [64, 0], sizes = [8, 256], strides = [1, 1]} : vector<192x256xf32> to vector<8x256xf32>
    %add3A_2205 = arith.addf %add3A_2203, %slice3A_2204 : vector<8x256xf32>
    %slice3A_2206 = vector.extract_strided_slice %get3A_1817 {offsets = [72, 0], sizes = [8, 256], strides = [1, 1]} : vector<192x256xf32> to vector<8x256xf32>
    %add3A_2207 = arith.addf %add3A_2205, %slice3A_2206 : vector<8x256xf32>
    %slice3A_2208 = vector.extract_strided_slice %get3A_1817 {offsets = [80, 0], sizes = [8, 256], strides = [1, 1]} : vector<192x256xf32> to vector<8x256xf32>
    %add3A_2209 = arith.addf %add3A_2207, %slice3A_2208 : vector<8x256xf32>
    %slice3A_2210 = vector.extract_strided_slice %get3A_1817 {offsets = [88, 0], sizes = [8, 256], strides = [1, 1]} : vector<192x256xf32> to vector<8x256xf32>
    %add3A_2211 = arith.addf %add3A_2209, %slice3A_2210 : vector<8x256xf32>
    %slice3A_2212 = vector.extract_strided_slice %get3A_1817 {offsets = [96, 0], sizes = [8, 256], strides = [1, 1]} : vector<192x256xf32> to vector<8x256xf32>
    %add3A_2213 = arith.addf %add3A_2211, %slice3A_2212 : vector<8x256xf32>
    %slice3A_2214 = vector.extract_strided_slice %get3A_1817 {offsets = [104, 0], sizes = [8, 256], strides = [1, 1]} : vector<192x256xf32> to vector<8x256xf32>
    %add3A_2215 = arith.addf %add3A_2213, %slice3A_2214 : vector<8x256xf32>
    %slice3A_2216 = vector.extract_strided_slice %get3A_1817 {offsets = [112, 0], sizes = [8, 256], strides = [1, 1]} : vector<192x256xf32> to vector<8x256xf32>
    %add3A_2217 = arith.addf %add3A_2215, %slice3A_2216 : vector<8x256xf32>
    %slice3A_2218 = vector.extract_strided_slice %get3A_1817 {offsets = [120, 0], sizes = [8, 256], strides = [1, 1]} : vector<192x256xf32> to vector<8x256xf32>
    %add3A_2219 = arith.addf %add3A_2217, %slice3A_2218 : vector<8x256xf32>
    %slice3A_2220 = vector.extract_strided_slice %get3A_1817 {offsets = [128, 0], sizes = [8, 256], strides = [1, 1]} : vector<192x256xf32> to vector<8x256xf32>
    %add3A_2221 = arith.addf %add3A_2219, %slice3A_2220 : vector<8x256xf32>
    %slice3A_2222 = vector.extract_strided_slice %get3A_1817 {offsets = [136, 0], sizes = [8, 256], strides = [1, 1]} : vector<192x256xf32> to vector<8x256xf32>
    %add3A_2223 = arith.addf %add3A_2221, %slice3A_2222 : vector<8x256xf32>
    %slice3A_2224 = vector.extract_strided_slice %get3A_1817 {offsets = [144, 0], sizes = [8, 256], strides = [1, 1]} : vector<192x256xf32> to vector<8x256xf32>
    %add3A_2225 = arith.addf %add3A_2223, %slice3A_2224 : vector<8x256xf32>
    %slice3A_2226 = vector.extract_strided_slice %get3A_1817 {offsets = [152, 0], sizes = [8, 256], strides = [1, 1]} : vector<192x256xf32> to vector<8x256xf32>
    %add3A_2227 = arith.addf %add3A_2225, %slice3A_2226 : vector<8x256xf32>
    %slice3A_2228 = vector.extract_strided_slice %get3A_1817 {offsets = [160, 0], sizes = [8, 256], strides = [1, 1]} : vector<192x256xf32> to vector<8x256xf32>
    %add3A_2229 = arith.addf %add3A_2227, %slice3A_2228 : vector<8x256xf32>
    %slice3A_2230 = vector.extract_strided_slice %get3A_1817 {offsets = [168, 0], sizes = [8, 256], strides = [1, 1]} : vector<192x256xf32> to vector<8x256xf32>
    %add3A_2231 = arith.addf %add3A_2229, %slice3A_2230 : vector<8x256xf32>
    %slice3A_2232 = vector.extract_strided_slice %get3A_1817 {offsets = [176, 0], sizes = [8, 256], strides = [1, 1]} : vector<192x256xf32> to vector<8x256xf32>
    %add3A_2233 = arith.addf %add3A_2231, %slice3A_2232 : vector<8x256xf32>
    %slice3A_2234 = vector.extract_strided_slice %get3A_1817 {offsets = [184, 0], sizes = [8, 256], strides = [1, 1]} : vector<192x256xf32> to vector<8x256xf32>
    %add3A_2235 = arith.addf %add3A_2233, %slice3A_2234 : vector<8x256xf32>
    %slice3A_2236 = vector.extract_strided_slice %add3A_2235 {offsets = [0, 0], sizes = [8, 128], strides = [1, 1]} : vector<8x256xf32> to vector<8x128xf32>
    %slice3A_2237 = vector.extract_strided_slice %add3A_2235 {offsets = [0, 128], sizes = [8, 128], strides = [1, 1]} : vector<8x256xf32> to vector<8x128xf32>
    %add3A_2238 = arith.addf %slice3A_2236, %slice3A_2237 : vector<8x128xf32>
    %add3A_2239 = arith.addf %add3A_1383, %add3A_2238 : vector<8x128xf32>
    %slice3A_2240 = vector.extract_strided_slice %get3A_1824 {offsets = [0, 0], sizes = [8, 256], strides = [1, 1]} : vector<192x256xf32> to vector<8x256xf32>
    %slice3A_2241 = vector.extract_strided_slice %get3A_1824 {offsets = [8, 0], sizes = [8, 256], strides = [1, 1]} : vector<192x256xf32> to vector<8x256xf32>
    %add3A_2242 = arith.addf %slice3A_2240, %slice3A_2241 : vector<8x256xf32>
    %slice3A_2243 = vector.extract_strided_slice %get3A_1824 {offsets = [16, 0], sizes = [8, 256], strides = [1, 1]} : vector<192x256xf32> to vector<8x256xf32>
    %add3A_2244 = arith.addf %add3A_2242, %slice3A_2243 : vector<8x256xf32>
    %slice3A_2245 = vector.extract_strided_slice %get3A_1824 {offsets = [24, 0], sizes = [8, 256], strides = [1, 1]} : vector<192x256xf32> to vector<8x256xf32>
    %add3A_2246 = arith.addf %add3A_2244, %slice3A_2245 : vector<8x256xf32>
    %slice3A_2247 = vector.extract_strided_slice %get3A_1824 {offsets = [32, 0], sizes = [8, 256], strides = [1, 1]} : vector<192x256xf32> to vector<8x256xf32>
    %add3A_2248 = arith.addf %add3A_2246, %slice3A_2247 : vector<8x256xf32>
    %slice3A_2249 = vector.extract_strided_slice %get3A_1824 {offsets = [40, 0], sizes = [8, 256], strides = [1, 1]} : vector<192x256xf32> to vector<8x256xf32>
    %add3A_2250 = arith.addf %add3A_2248, %slice3A_2249 : vector<8x256xf32>
    %slice3A_2251 = vector.extract_strided_slice %get3A_1824 {offsets = [48, 0], sizes = [8, 256], strides = [1, 1]} : vector<192x256xf32> to vector<8x256xf32>
    %add3A_2252 = arith.addf %add3A_2250, %slice3A_2251 : vector<8x256xf32>
    %slice3A_2253 = vector.extract_strided_slice %get3A_1824 {offsets = [56, 0], sizes = [8, 256], strides = [1, 1]} : vector<192x256xf32> to vector<8x256xf32>
    %add3A_2254 = arith.addf %add3A_2252, %slice3A_2253 : vector<8x256xf32>
    %slice3A_2255 = vector.extract_strided_slice %get3A_1824 {offsets = [64, 0], sizes = [8, 256], strides = [1, 1]} : vector<192x256xf32> to vector<8x256xf32>
    %add3A_2256 = arith.addf %add3A_2254, %slice3A_2255 : vector<8x256xf32>
    %slice3A_2257 = vector.extract_strided_slice %get3A_1824 {offsets = [72, 0], sizes = [8, 256], strides = [1, 1]} : vector<192x256xf32> to vector<8x256xf32>
    %add3A_2258 = arith.addf %add3A_2256, %slice3A_2257 : vector<8x256xf32>
    %slice3A_2259 = vector.extract_strided_slice %get3A_1824 {offsets = [80, 0], sizes = [8, 256], strides = [1, 1]} : vector<192x256xf32> to vector<8x256xf32>
    %add3A_2260 = arith.addf %add3A_2258, %slice3A_2259 : vector<8x256xf32>
    %slice3A_2261 = vector.extract_strided_slice %get3A_1824 {offsets = [88, 0], sizes = [8, 256], strides = [1, 1]} : vector<192x256xf32> to vector<8x256xf32>
    %add3A_2262 = arith.addf %add3A_2260, %slice3A_2261 : vector<8x256xf32>
    %slice3A_2263 = vector.extract_strided_slice %get3A_1824 {offsets = [96, 0], sizes = [8, 256], strides = [1, 1]} : vector<192x256xf32> to vector<8x256xf32>
    %add3A_2264 = arith.addf %add3A_2262, %slice3A_2263 : vector<8x256xf32>
    %slice3A_2265 = vector.extract_strided_slice %get3A_1824 {offsets = [104, 0], sizes = [8, 256], strides = [1, 1]} : vector<192x256xf32> to vector<8x256xf32>
    %add3A_2266 = arith.addf %add3A_2264, %slice3A_2265 : vector<8x256xf32>
    %slice3A_2267 = vector.extract_strided_slice %get3A_1824 {offsets = [112, 0], sizes = [8, 256], strides = [1, 1]} : vector<192x256xf32> to vector<8x256xf32>
    %add3A_2268 = arith.addf %add3A_2266, %slice3A_2267 : vector<8x256xf32>
    %slice3A_2269 = vector.extract_strided_slice %get3A_1824 {offsets = [120, 0], sizes = [8, 256], strides = [1, 1]} : vector<192x256xf32> to vector<8x256xf32>
    %add3A_2270 = arith.addf %add3A_2268, %slice3A_2269 : vector<8x256xf32>
    %slice3A_2271 = vector.extract_strided_slice %get3A_1824 {offsets = [128, 0], sizes = [8, 256], strides = [1, 1]} : vector<192x256xf32> to vector<8x256xf32>
    %add3A_2272 = arith.addf %add3A_2270, %slice3A_2271 : vector<8x256xf32>
    %slice3A_2273 = vector.extract_strided_slice %get3A_1824 {offsets = [136, 0], sizes = [8, 256], strides = [1, 1]} : vector<192x256xf32> to vector<8x256xf32>
    %add3A_2274 = arith.addf %add3A_2272, %slice3A_2273 : vector<8x256xf32>
    %slice3A_2275 = vector.extract_strided_slice %get3A_1824 {offsets = [144, 0], sizes = [8, 256], strides = [1, 1]} : vector<192x256xf32> to vector<8x256xf32>
    %add3A_2276 = arith.addf %add3A_2274, %slice3A_2275 : vector<8x256xf32>
    %slice3A_2277 = vector.extract_strided_slice %get3A_1824 {offsets = [152, 0], sizes = [8, 256], strides = [1, 1]} : vector<192x256xf32> to vector<8x256xf32>
    %add3A_2278 = arith.addf %add3A_2276, %slice3A_2277 : vector<8x256xf32>
    %slice3A_2279 = vector.extract_strided_slice %get3A_1824 {offsets = [160, 0], sizes = [8, 256], strides = [1, 1]} : vector<192x256xf32> to vector<8x256xf32>
    %add3A_2280 = arith.addf %add3A_2278, %slice3A_2279 : vector<8x256xf32>
    %slice3A_2281 = vector.extract_strided_slice %get3A_1824 {offsets = [168, 0], sizes = [8, 256], strides = [1, 1]} : vector<192x256xf32> to vector<8x256xf32>
    %add3A_2282 = arith.addf %add3A_2280, %slice3A_2281 : vector<8x256xf32>
    %slice3A_2283 = vector.extract_strided_slice %get3A_1824 {offsets = [176, 0], sizes = [8, 256], strides = [1, 1]} : vector<192x256xf32> to vector<8x256xf32>
    %add3A_2284 = arith.addf %add3A_2282, %slice3A_2283 : vector<8x256xf32>
    %slice3A_2285 = vector.extract_strided_slice %get3A_1824 {offsets = [184, 0], sizes = [8, 256], strides = [1, 1]} : vector<192x256xf32> to vector<8x256xf32>
    %add3A_2286 = arith.addf %add3A_2284, %slice3A_2285 : vector<8x256xf32>
    %slice3A_2287 = vector.extract_strided_slice %add3A_2286 {offsets = [0, 0], sizes = [8, 128], strides = [1, 1]} : vector<8x256xf32> to vector<8x128xf32>
    %slice3A_2288 = vector.extract_strided_slice %add3A_2286 {offsets = [0, 128], sizes = [8, 128], strides = [1, 1]} : vector<8x256xf32> to vector<8x128xf32>
    %add3A_2289 = arith.addf %slice3A_2287, %slice3A_2288 : vector<8x128xf32>
    %add3A_2290 = arith.addf %add3A_1434, %add3A_2289 : vector<8x128xf32>
    %slice3A_2291 = vector.extract_strided_slice %get3A_1831 {offsets = [0, 0], sizes = [8, 256], strides = [1, 1]} : vector<192x256xf32> to vector<8x256xf32>
    %slice3A_2292 = vector.extract_strided_slice %get3A_1831 {offsets = [8, 0], sizes = [8, 256], strides = [1, 1]} : vector<192x256xf32> to vector<8x256xf32>
    %add3A_2293 = arith.addf %slice3A_2291, %slice3A_2292 : vector<8x256xf32>
    %slice3A_2294 = vector.extract_strided_slice %get3A_1831 {offsets = [16, 0], sizes = [8, 256], strides = [1, 1]} : vector<192x256xf32> to vector<8x256xf32>
    %add3A_2295 = arith.addf %add3A_2293, %slice3A_2294 : vector<8x256xf32>
    %slice3A_2296 = vector.extract_strided_slice %get3A_1831 {offsets = [24, 0], sizes = [8, 256], strides = [1, 1]} : vector<192x256xf32> to vector<8x256xf32>
    %add3A_2297 = arith.addf %add3A_2295, %slice3A_2296 : vector<8x256xf32>
    %slice3A_2298 = vector.extract_strided_slice %get3A_1831 {offsets = [32, 0], sizes = [8, 256], strides = [1, 1]} : vector<192x256xf32> to vector<8x256xf32>
    %add3A_2299 = arith.addf %add3A_2297, %slice3A_2298 : vector<8x256xf32>
    %slice3A_2300 = vector.extract_strided_slice %get3A_1831 {offsets = [40, 0], sizes = [8, 256], strides = [1, 1]} : vector<192x256xf32> to vector<8x256xf32>
    %add3A_2301 = arith.addf %add3A_2299, %slice3A_2300 : vector<8x256xf32>
    %slice3A_2302 = vector.extract_strided_slice %get3A_1831 {offsets = [48, 0], sizes = [8, 256], strides = [1, 1]} : vector<192x256xf32> to vector<8x256xf32>
    %add3A_2303 = arith.addf %add3A_2301, %slice3A_2302 : vector<8x256xf32>
    %slice3A_2304 = vector.extract_strided_slice %get3A_1831 {offsets = [56, 0], sizes = [8, 256], strides = [1, 1]} : vector<192x256xf32> to vector<8x256xf32>
    %add3A_2305 = arith.addf %add3A_2303, %slice3A_2304 : vector<8x256xf32>
    %slice3A_2306 = vector.extract_strided_slice %get3A_1831 {offsets = [64, 0], sizes = [8, 256], strides = [1, 1]} : vector<192x256xf32> to vector<8x256xf32>
    %add3A_2307 = arith.addf %add3A_2305, %slice3A_2306 : vector<8x256xf32>
    %slice3A_2308 = vector.extract_strided_slice %get3A_1831 {offsets = [72, 0], sizes = [8, 256], strides = [1, 1]} : vector<192x256xf32> to vector<8x256xf32>
    %add3A_2309 = arith.addf %add3A_2307, %slice3A_2308 : vector<8x256xf32>
    %slice3A_2310 = vector.extract_strided_slice %get3A_1831 {offsets = [80, 0], sizes = [8, 256], strides = [1, 1]} : vector<192x256xf32> to vector<8x256xf32>
    %add3A_2311 = arith.addf %add3A_2309, %slice3A_2310 : vector<8x256xf32>
    %slice3A_2312 = vector.extract_strided_slice %get3A_1831 {offsets = [88, 0], sizes = [8, 256], strides = [1, 1]} : vector<192x256xf32> to vector<8x256xf32>
    %add3A_2313 = arith.addf %add3A_2311, %slice3A_2312 : vector<8x256xf32>
    %slice3A_2314 = vector.extract_strided_slice %get3A_1831 {offsets = [96, 0], sizes = [8, 256], strides = [1, 1]} : vector<192x256xf32> to vector<8x256xf32>
    %add3A_2315 = arith.addf %add3A_2313, %slice3A_2314 : vector<8x256xf32>
    %slice3A_2316 = vector.extract_strided_slice %get3A_1831 {offsets = [104, 0], sizes = [8, 256], strides = [1, 1]} : vector<192x256xf32> to vector<8x256xf32>
    %add3A_2317 = arith.addf %add3A_2315, %slice3A_2316 : vector<8x256xf32>
    %slice3A_2318 = vector.extract_strided_slice %get3A_1831 {offsets = [112, 0], sizes = [8, 256], strides = [1, 1]} : vector<192x256xf32> to vector<8x256xf32>
    %add3A_2319 = arith.addf %add3A_2317, %slice3A_2318 : vector<8x256xf32>
    %slice3A_2320 = vector.extract_strided_slice %get3A_1831 {offsets = [120, 0], sizes = [8, 256], strides = [1, 1]} : vector<192x256xf32> to vector<8x256xf32>
    %add3A_2321 = arith.addf %add3A_2319, %slice3A_2320 : vector<8x256xf32>
    %slice3A_2322 = vector.extract_strided_slice %get3A_1831 {offsets = [128, 0], sizes = [8, 256], strides = [1, 1]} : vector<192x256xf32> to vector<8x256xf32>
    %add3A_2323 = arith.addf %add3A_2321, %slice3A_2322 : vector<8x256xf32>
    %slice3A_2324 = vector.extract_strided_slice %get3A_1831 {offsets = [136, 0], sizes = [8, 256], strides = [1, 1]} : vector<192x256xf32> to vector<8x256xf32>
    %add3A_2325 = arith.addf %add3A_2323, %slice3A_2324 : vector<8x256xf32>
    %slice3A_2326 = vector.extract_strided_slice %get3A_1831 {offsets = [144, 0], sizes = [8, 256], strides = [1, 1]} : vector<192x256xf32> to vector<8x256xf32>
    %add3A_2327 = arith.addf %add3A_2325, %slice3A_2326 : vector<8x256xf32>
    %slice3A_2328 = vector.extract_strided_slice %get3A_1831 {offsets = [152, 0], sizes = [8, 256], strides = [1, 1]} : vector<192x256xf32> to vector<8x256xf32>
    %add3A_2329 = arith.addf %add3A_2327, %slice3A_2328 : vector<8x256xf32>
    %slice3A_2330 = vector.extract_strided_slice %get3A_1831 {offsets = [160, 0], sizes = [8, 256], strides = [1, 1]} : vector<192x256xf32> to vector<8x256xf32>
    %add3A_2331 = arith.addf %add3A_2329, %slice3A_2330 : vector<8x256xf32>
    %slice3A_2332 = vector.extract_strided_slice %get3A_1831 {offsets = [168, 0], sizes = [8, 256], strides = [1, 1]} : vector<192x256xf32> to vector<8x256xf32>
    %add3A_2333 = arith.addf %add3A_2331, %slice3A_2332 : vector<8x256xf32>
    %slice3A_2334 = vector.extract_strided_slice %get3A_1831 {offsets = [176, 0], sizes = [8, 256], strides = [1, 1]} : vector<192x256xf32> to vector<8x256xf32>
    %add3A_2335 = arith.addf %add3A_2333, %slice3A_2334 : vector<8x256xf32>
    %slice3A_2336 = vector.extract_strided_slice %get3A_1831 {offsets = [184, 0], sizes = [8, 256], strides = [1, 1]} : vector<192x256xf32> to vector<8x256xf32>
    %add3A_2337 = arith.addf %add3A_2335, %slice3A_2336 : vector<8x256xf32>
    %slice3A_2338 = vector.extract_strided_slice %add3A_2337 {offsets = [0, 0], sizes = [8, 128], strides = [1, 1]} : vector<8x256xf32> to vector<8x128xf32>
    %slice3A_2339 = vector.extract_strided_slice %add3A_2337 {offsets = [0, 128], sizes = [8, 128], strides = [1, 1]} : vector<8x256xf32> to vector<8x128xf32>
    %add3A_2340 = arith.addf %slice3A_2338, %slice3A_2339 : vector<8x128xf32>
    %add3A_2341 = arith.addf %add3A_1485, %add3A_2340 : vector<8x128xf32>
    %slice3A_2342 = vector.extract_strided_slice %select_n3A_1704 {offsets = [0, 0], sizes = [8, 256], strides = [1, 1]} : vector<192x256xf32> to vector<8x256xf32>
    %slice3A_2343 = vector.extract_strided_slice %select_n3A_1704 {offsets = [8, 0], sizes = [8, 256], strides = [1, 1]} : vector<192x256xf32> to vector<8x256xf32>
    %add3A_2344 = arith.addf %slice3A_2342, %slice3A_2343 : vector<8x256xf32>
    %slice3A_2345 = vector.extract_strided_slice %select_n3A_1704 {offsets = [16, 0], sizes = [8, 256], strides = [1, 1]} : vector<192x256xf32> to vector<8x256xf32>
    %add3A_2346 = arith.addf %add3A_2344, %slice3A_2345 : vector<8x256xf32>
    %slice3A_2347 = vector.extract_strided_slice %select_n3A_1704 {offsets = [24, 0], sizes = [8, 256], strides = [1, 1]} : vector<192x256xf32> to vector<8x256xf32>
    %add3A_2348 = arith.addf %add3A_2346, %slice3A_2347 : vector<8x256xf32>
    %slice3A_2349 = vector.extract_strided_slice %select_n3A_1704 {offsets = [32, 0], sizes = [8, 256], strides = [1, 1]} : vector<192x256xf32> to vector<8x256xf32>
    %add3A_2350 = arith.addf %add3A_2348, %slice3A_2349 : vector<8x256xf32>
    %slice3A_2351 = vector.extract_strided_slice %select_n3A_1704 {offsets = [40, 0], sizes = [8, 256], strides = [1, 1]} : vector<192x256xf32> to vector<8x256xf32>
    %add3A_2352 = arith.addf %add3A_2350, %slice3A_2351 : vector<8x256xf32>
    %slice3A_2353 = vector.extract_strided_slice %select_n3A_1704 {offsets = [48, 0], sizes = [8, 256], strides = [1, 1]} : vector<192x256xf32> to vector<8x256xf32>
    %add3A_2354 = arith.addf %add3A_2352, %slice3A_2353 : vector<8x256xf32>
    %slice3A_2355 = vector.extract_strided_slice %select_n3A_1704 {offsets = [56, 0], sizes = [8, 256], strides = [1, 1]} : vector<192x256xf32> to vector<8x256xf32>
    %add3A_2356 = arith.addf %add3A_2354, %slice3A_2355 : vector<8x256xf32>
    %slice3A_2357 = vector.extract_strided_slice %select_n3A_1704 {offsets = [64, 0], sizes = [8, 256], strides = [1, 1]} : vector<192x256xf32> to vector<8x256xf32>
    %add3A_2358 = arith.addf %add3A_2356, %slice3A_2357 : vector<8x256xf32>
    %slice3A_2359 = vector.extract_strided_slice %select_n3A_1704 {offsets = [72, 0], sizes = [8, 256], strides = [1, 1]} : vector<192x256xf32> to vector<8x256xf32>
    %add3A_2360 = arith.addf %add3A_2358, %slice3A_2359 : vector<8x256xf32>
    %slice3A_2361 = vector.extract_strided_slice %select_n3A_1704 {offsets = [80, 0], sizes = [8, 256], strides = [1, 1]} : vector<192x256xf32> to vector<8x256xf32>
    %add3A_2362 = arith.addf %add3A_2360, %slice3A_2361 : vector<8x256xf32>
    %slice3A_2363 = vector.extract_strided_slice %select_n3A_1704 {offsets = [88, 0], sizes = [8, 256], strides = [1, 1]} : vector<192x256xf32> to vector<8x256xf32>
    %add3A_2364 = arith.addf %add3A_2362, %slice3A_2363 : vector<8x256xf32>
    %slice3A_2365 = vector.extract_strided_slice %select_n3A_1704 {offsets = [96, 0], sizes = [8, 256], strides = [1, 1]} : vector<192x256xf32> to vector<8x256xf32>
    %add3A_2366 = arith.addf %add3A_2364, %slice3A_2365 : vector<8x256xf32>
    %slice3A_2367 = vector.extract_strided_slice %select_n3A_1704 {offsets = [104, 0], sizes = [8, 256], strides = [1, 1]} : vector<192x256xf32> to vector<8x256xf32>
    %add3A_2368 = arith.addf %add3A_2366, %slice3A_2367 : vector<8x256xf32>
    %slice3A_2369 = vector.extract_strided_slice %select_n3A_1704 {offsets = [112, 0], sizes = [8, 256], strides = [1, 1]} : vector<192x256xf32> to vector<8x256xf32>
    %add3A_2370 = arith.addf %add3A_2368, %slice3A_2369 : vector<8x256xf32>
    %slice3A_2371 = vector.extract_strided_slice %select_n3A_1704 {offsets = [120, 0], sizes = [8, 256], strides = [1, 1]} : vector<192x256xf32> to vector<8x256xf32>
    %add3A_2372 = arith.addf %add3A_2370, %slice3A_2371 : vector<8x256xf32>
    %slice3A_2373 = vector.extract_strided_slice %select_n3A_1704 {offsets = [128, 0], sizes = [8, 256], strides = [1, 1]} : vector<192x256xf32> to vector<8x256xf32>
    %add3A_2374 = arith.addf %add3A_2372, %slice3A_2373 : vector<8x256xf32>
    %slice3A_2375 = vector.extract_strided_slice %select_n3A_1704 {offsets = [136, 0], sizes = [8, 256], strides = [1, 1]} : vector<192x256xf32> to vector<8x256xf32>
    %add3A_2376 = arith.addf %add3A_2374, %slice3A_2375 : vector<8x256xf32>
    %slice3A_2377 = vector.extract_strided_slice %select_n3A_1704 {offsets = [144, 0], sizes = [8, 256], strides = [1, 1]} : vector<192x256xf32> to vector<8x256xf32>
    %add3A_2378 = arith.addf %add3A_2376, %slice3A_2377 : vector<8x256xf32>
    %slice3A_2379 = vector.extract_strided_slice %select_n3A_1704 {offsets = [152, 0], sizes = [8, 256], strides = [1, 1]} : vector<192x256xf32> to vector<8x256xf32>
    %add3A_2380 = arith.addf %add3A_2378, %slice3A_2379 : vector<8x256xf32>
    %slice3A_2381 = vector.extract_strided_slice %select_n3A_1704 {offsets = [160, 0], sizes = [8, 256], strides = [1, 1]} : vector<192x256xf32> to vector<8x256xf32>
    %add3A_2382 = arith.addf %add3A_2380, %slice3A_2381 : vector<8x256xf32>
    %slice3A_2383 = vector.extract_strided_slice %select_n3A_1704 {offsets = [168, 0], sizes = [8, 256], strides = [1, 1]} : vector<192x256xf32> to vector<8x256xf32>
    %add3A_2384 = arith.addf %add3A_2382, %slice3A_2383 : vector<8x256xf32>
    %slice3A_2385 = vector.extract_strided_slice %select_n3A_1704 {offsets = [176, 0], sizes = [8, 256], strides = [1, 1]} : vector<192x256xf32> to vector<8x256xf32>
    %add3A_2386 = arith.addf %add3A_2384, %slice3A_2385 : vector<8x256xf32>
    %slice3A_2387 = vector.extract_strided_slice %select_n3A_1704 {offsets = [184, 0], sizes = [8, 256], strides = [1, 1]} : vector<192x256xf32> to vector<8x256xf32>
    %add3A_2388 = arith.addf %add3A_2386, %slice3A_2387 : vector<8x256xf32>
    %slice3A_2389 = vector.extract_strided_slice %add3A_2388 {offsets = [0, 0], sizes = [8, 128], strides = [1, 1]} : vector<8x256xf32> to vector<8x128xf32>
    %slice3A_2390 = vector.extract_strided_slice %add3A_2388 {offsets = [0, 128], sizes = [8, 128], strides = [1, 1]} : vector<8x256xf32> to vector<8x128xf32>
    %add3A_2391 = arith.addf %slice3A_2389, %slice3A_2390 : vector<8x128xf32>
    %add3A_2392 = arith.addf %add3A_1536, %add3A_2391 : vector<8x128xf32>
    %slice3A_2393 = vector.extract_strided_slice %select_n3A_1712 {offsets = [0, 0], sizes = [8, 256], strides = [1, 1]} : vector<192x256xf32> to vector<8x256xf32>
    %slice3A_2394 = vector.extract_strided_slice %select_n3A_1712 {offsets = [8, 0], sizes = [8, 256], strides = [1, 1]} : vector<192x256xf32> to vector<8x256xf32>
    %add3A_2395 = arith.addf %slice3A_2393, %slice3A_2394 : vector<8x256xf32>
    %slice3A_2396 = vector.extract_strided_slice %select_n3A_1712 {offsets = [16, 0], sizes = [8, 256], strides = [1, 1]} : vector<192x256xf32> to vector<8x256xf32>
    %add3A_2397 = arith.addf %add3A_2395, %slice3A_2396 : vector<8x256xf32>
    %slice3A_2398 = vector.extract_strided_slice %select_n3A_1712 {offsets = [24, 0], sizes = [8, 256], strides = [1, 1]} : vector<192x256xf32> to vector<8x256xf32>
    %add3A_2399 = arith.addf %add3A_2397, %slice3A_2398 : vector<8x256xf32>
    %slice3A_2400 = vector.extract_strided_slice %select_n3A_1712 {offsets = [32, 0], sizes = [8, 256], strides = [1, 1]} : vector<192x256xf32> to vector<8x256xf32>
    %add3A_2401 = arith.addf %add3A_2399, %slice3A_2400 : vector<8x256xf32>
    %slice3A_2402 = vector.extract_strided_slice %select_n3A_1712 {offsets = [40, 0], sizes = [8, 256], strides = [1, 1]} : vector<192x256xf32> to vector<8x256xf32>
    %add3A_2403 = arith.addf %add3A_2401, %slice3A_2402 : vector<8x256xf32>
    %slice3A_2404 = vector.extract_strided_slice %select_n3A_1712 {offsets = [48, 0], sizes = [8, 256], strides = [1, 1]} : vector<192x256xf32> to vector<8x256xf32>
    %add3A_2405 = arith.addf %add3A_2403, %slice3A_2404 : vector<8x256xf32>
    %slice3A_2406 = vector.extract_strided_slice %select_n3A_1712 {offsets = [56, 0], sizes = [8, 256], strides = [1, 1]} : vector<192x256xf32> to vector<8x256xf32>
    %add3A_2407 = arith.addf %add3A_2405, %slice3A_2406 : vector<8x256xf32>
    %slice3A_2408 = vector.extract_strided_slice %select_n3A_1712 {offsets = [64, 0], sizes = [8, 256], strides = [1, 1]} : vector<192x256xf32> to vector<8x256xf32>
    %add3A_2409 = arith.addf %add3A_2407, %slice3A_2408 : vector<8x256xf32>
    %slice3A_2410 = vector.extract_strided_slice %select_n3A_1712 {offsets = [72, 0], sizes = [8, 256], strides = [1, 1]} : vector<192x256xf32> to vector<8x256xf32>
    %add3A_2411 = arith.addf %add3A_2409, %slice3A_2410 : vector<8x256xf32>
    %slice3A_2412 = vector.extract_strided_slice %select_n3A_1712 {offsets = [80, 0], sizes = [8, 256], strides = [1, 1]} : vector<192x256xf32> to vector<8x256xf32>
    %add3A_2413 = arith.addf %add3A_2411, %slice3A_2412 : vector<8x256xf32>
    %slice3A_2414 = vector.extract_strided_slice %select_n3A_1712 {offsets = [88, 0], sizes = [8, 256], strides = [1, 1]} : vector<192x256xf32> to vector<8x256xf32>
    %add3A_2415 = arith.addf %add3A_2413, %slice3A_2414 : vector<8x256xf32>
    %slice3A_2416 = vector.extract_strided_slice %select_n3A_1712 {offsets = [96, 0], sizes = [8, 256], strides = [1, 1]} : vector<192x256xf32> to vector<8x256xf32>
    %add3A_2417 = arith.addf %add3A_2415, %slice3A_2416 : vector<8x256xf32>
    %slice3A_2418 = vector.extract_strided_slice %select_n3A_1712 {offsets = [104, 0], sizes = [8, 256], strides = [1, 1]} : vector<192x256xf32> to vector<8x256xf32>
    %add3A_2419 = arith.addf %add3A_2417, %slice3A_2418 : vector<8x256xf32>
    %slice3A_2420 = vector.extract_strided_slice %select_n3A_1712 {offsets = [112, 0], sizes = [8, 256], strides = [1, 1]} : vector<192x256xf32> to vector<8x256xf32>
    %add3A_2421 = arith.addf %add3A_2419, %slice3A_2420 : vector<8x256xf32>
    %slice3A_2422 = vector.extract_strided_slice %select_n3A_1712 {offsets = [120, 0], sizes = [8, 256], strides = [1, 1]} : vector<192x256xf32> to vector<8x256xf32>
    %add3A_2423 = arith.addf %add3A_2421, %slice3A_2422 : vector<8x256xf32>
    %slice3A_2424 = vector.extract_strided_slice %select_n3A_1712 {offsets = [128, 0], sizes = [8, 256], strides = [1, 1]} : vector<192x256xf32> to vector<8x256xf32>
    %add3A_2425 = arith.addf %add3A_2423, %slice3A_2424 : vector<8x256xf32>
    %slice3A_2426 = vector.extract_strided_slice %select_n3A_1712 {offsets = [136, 0], sizes = [8, 256], strides = [1, 1]} : vector<192x256xf32> to vector<8x256xf32>
    %add3A_2427 = arith.addf %add3A_2425, %slice3A_2426 : vector<8x256xf32>
    %slice3A_2428 = vector.extract_strided_slice %select_n3A_1712 {offsets = [144, 0], sizes = [8, 256], strides = [1, 1]} : vector<192x256xf32> to vector<8x256xf32>
    %add3A_2429 = arith.addf %add3A_2427, %slice3A_2428 : vector<8x256xf32>
    %slice3A_2430 = vector.extract_strided_slice %select_n3A_1712 {offsets = [152, 0], sizes = [8, 256], strides = [1, 1]} : vector<192x256xf32> to vector<8x256xf32>
    %add3A_2431 = arith.addf %add3A_2429, %slice3A_2430 : vector<8x256xf32>
    %slice3A_2432 = vector.extract_strided_slice %select_n3A_1712 {offsets = [160, 0], sizes = [8, 256], strides = [1, 1]} : vector<192x256xf32> to vector<8x256xf32>
    %add3A_2433 = arith.addf %add3A_2431, %slice3A_2432 : vector<8x256xf32>
    %slice3A_2434 = vector.extract_strided_slice %select_n3A_1712 {offsets = [168, 0], sizes = [8, 256], strides = [1, 1]} : vector<192x256xf32> to vector<8x256xf32>
    %add3A_2435 = arith.addf %add3A_2433, %slice3A_2434 : vector<8x256xf32>
    %slice3A_2436 = vector.extract_strided_slice %select_n3A_1712 {offsets = [176, 0], sizes = [8, 256], strides = [1, 1]} : vector<192x256xf32> to vector<8x256xf32>
    %add3A_2437 = arith.addf %add3A_2435, %slice3A_2436 : vector<8x256xf32>
    %slice3A_2438 = vector.extract_strided_slice %select_n3A_1712 {offsets = [184, 0], sizes = [8, 256], strides = [1, 1]} : vector<192x256xf32> to vector<8x256xf32>
    %add3A_2439 = arith.addf %add3A_2437, %slice3A_2438 : vector<8x256xf32>
    %slice3A_2440 = vector.extract_strided_slice %add3A_2439 {offsets = [0, 0], sizes = [8, 128], strides = [1, 1]} : vector<8x256xf32> to vector<8x128xf32>
    %slice3A_2441 = vector.extract_strided_slice %add3A_2439 {offsets = [0, 128], sizes = [8, 128], strides = [1, 1]} : vector<8x256xf32> to vector<8x128xf32>
    %add3A_2442 = arith.addf %slice3A_2440, %slice3A_2441 : vector<8x128xf32>
    %add3A_2443 = arith.addf %add3A_1587, %add3A_2442 : vector<8x128xf32>
    %slice3A_2444 = vector.extract_strided_slice %select_n3A_1720 {offsets = [0, 0], sizes = [8, 256], strides = [1, 1]} : vector<192x256xf32> to vector<8x256xf32>
    %slice3A_2445 = vector.extract_strided_slice %select_n3A_1720 {offsets = [8, 0], sizes = [8, 256], strides = [1, 1]} : vector<192x256xf32> to vector<8x256xf32>
    %add3A_2446 = arith.addf %slice3A_2444, %slice3A_2445 : vector<8x256xf32>
    %slice3A_2447 = vector.extract_strided_slice %select_n3A_1720 {offsets = [16, 0], sizes = [8, 256], strides = [1, 1]} : vector<192x256xf32> to vector<8x256xf32>
    %add3A_2448 = arith.addf %add3A_2446, %slice3A_2447 : vector<8x256xf32>
    %slice3A_2449 = vector.extract_strided_slice %select_n3A_1720 {offsets = [24, 0], sizes = [8, 256], strides = [1, 1]} : vector<192x256xf32> to vector<8x256xf32>
    %add3A_2450 = arith.addf %add3A_2448, %slice3A_2449 : vector<8x256xf32>
    %slice3A_2451 = vector.extract_strided_slice %select_n3A_1720 {offsets = [32, 0], sizes = [8, 256], strides = [1, 1]} : vector<192x256xf32> to vector<8x256xf32>
    %add3A_2452 = arith.addf %add3A_2450, %slice3A_2451 : vector<8x256xf32>
    %slice3A_2453 = vector.extract_strided_slice %select_n3A_1720 {offsets = [40, 0], sizes = [8, 256], strides = [1, 1]} : vector<192x256xf32> to vector<8x256xf32>
    %add3A_2454 = arith.addf %add3A_2452, %slice3A_2453 : vector<8x256xf32>
    %slice3A_2455 = vector.extract_strided_slice %select_n3A_1720 {offsets = [48, 0], sizes = [8, 256], strides = [1, 1]} : vector<192x256xf32> to vector<8x256xf32>
    %add3A_2456 = arith.addf %add3A_2454, %slice3A_2455 : vector<8x256xf32>
    %slice3A_2457 = vector.extract_strided_slice %select_n3A_1720 {offsets = [56, 0], sizes = [8, 256], strides = [1, 1]} : vector<192x256xf32> to vector<8x256xf32>
    %add3A_2458 = arith.addf %add3A_2456, %slice3A_2457 : vector<8x256xf32>
    %slice3A_2459 = vector.extract_strided_slice %select_n3A_1720 {offsets = [64, 0], sizes = [8, 256], strides = [1, 1]} : vector<192x256xf32> to vector<8x256xf32>
    %add3A_2460 = arith.addf %add3A_2458, %slice3A_2459 : vector<8x256xf32>
    %slice3A_2461 = vector.extract_strided_slice %select_n3A_1720 {offsets = [72, 0], sizes = [8, 256], strides = [1, 1]} : vector<192x256xf32> to vector<8x256xf32>
    %add3A_2462 = arith.addf %add3A_2460, %slice3A_2461 : vector<8x256xf32>
    %slice3A_2463 = vector.extract_strided_slice %select_n3A_1720 {offsets = [80, 0], sizes = [8, 256], strides = [1, 1]} : vector<192x256xf32> to vector<8x256xf32>
    %add3A_2464 = arith.addf %add3A_2462, %slice3A_2463 : vector<8x256xf32>
    %slice3A_2465 = vector.extract_strided_slice %select_n3A_1720 {offsets = [88, 0], sizes = [8, 256], strides = [1, 1]} : vector<192x256xf32> to vector<8x256xf32>
    %add3A_2466 = arith.addf %add3A_2464, %slice3A_2465 : vector<8x256xf32>
    %slice3A_2467 = vector.extract_strided_slice %select_n3A_1720 {offsets = [96, 0], sizes = [8, 256], strides = [1, 1]} : vector<192x256xf32> to vector<8x256xf32>
    %add3A_2468 = arith.addf %add3A_2466, %slice3A_2467 : vector<8x256xf32>
    %slice3A_2469 = vector.extract_strided_slice %select_n3A_1720 {offsets = [104, 0], sizes = [8, 256], strides = [1, 1]} : vector<192x256xf32> to vector<8x256xf32>
    %add3A_2470 = arith.addf %add3A_2468, %slice3A_2469 : vector<8x256xf32>
    %slice3A_2471 = vector.extract_strided_slice %select_n3A_1720 {offsets = [112, 0], sizes = [8, 256], strides = [1, 1]} : vector<192x256xf32> to vector<8x256xf32>
    %add3A_2472 = arith.addf %add3A_2470, %slice3A_2471 : vector<8x256xf32>
    %slice3A_2473 = vector.extract_strided_slice %select_n3A_1720 {offsets = [120, 0], sizes = [8, 256], strides = [1, 1]} : vector<192x256xf32> to vector<8x256xf32>
    %add3A_2474 = arith.addf %add3A_2472, %slice3A_2473 : vector<8x256xf32>
    %slice3A_2475 = vector.extract_strided_slice %select_n3A_1720 {offsets = [128, 0], sizes = [8, 256], strides = [1, 1]} : vector<192x256xf32> to vector<8x256xf32>
    %add3A_2476 = arith.addf %add3A_2474, %slice3A_2475 : vector<8x256xf32>
    %slice3A_2477 = vector.extract_strided_slice %select_n3A_1720 {offsets = [136, 0], sizes = [8, 256], strides = [1, 1]} : vector<192x256xf32> to vector<8x256xf32>
    %add3A_2478 = arith.addf %add3A_2476, %slice3A_2477 : vector<8x256xf32>
    %slice3A_2479 = vector.extract_strided_slice %select_n3A_1720 {offsets = [144, 0], sizes = [8, 256], strides = [1, 1]} : vector<192x256xf32> to vector<8x256xf32>
    %add3A_2480 = arith.addf %add3A_2478, %slice3A_2479 : vector<8x256xf32>
    %slice3A_2481 = vector.extract_strided_slice %select_n3A_1720 {offsets = [152, 0], sizes = [8, 256], strides = [1, 1]} : vector<192x256xf32> to vector<8x256xf32>
    %add3A_2482 = arith.addf %add3A_2480, %slice3A_2481 : vector<8x256xf32>
    %slice3A_2483 = vector.extract_strided_slice %select_n3A_1720 {offsets = [160, 0], sizes = [8, 256], strides = [1, 1]} : vector<192x256xf32> to vector<8x256xf32>
    %add3A_2484 = arith.addf %add3A_2482, %slice3A_2483 : vector<8x256xf32>
    %slice3A_2485 = vector.extract_strided_slice %select_n3A_1720 {offsets = [168, 0], sizes = [8, 256], strides = [1, 1]} : vector<192x256xf32> to vector<8x256xf32>
    %add3A_2486 = arith.addf %add3A_2484, %slice3A_2485 : vector<8x256xf32>
    %slice3A_2487 = vector.extract_strided_slice %select_n3A_1720 {offsets = [176, 0], sizes = [8, 256], strides = [1, 1]} : vector<192x256xf32> to vector<8x256xf32>
    %add3A_2488 = arith.addf %add3A_2486, %slice3A_2487 : vector<8x256xf32>
    %slice3A_2489 = vector.extract_strided_slice %select_n3A_1720 {offsets = [184, 0], sizes = [8, 256], strides = [1, 1]} : vector<192x256xf32> to vector<8x256xf32>
    %add3A_2490 = arith.addf %add3A_2488, %slice3A_2489 : vector<8x256xf32>
    %slice3A_2491 = vector.extract_strided_slice %add3A_2490 {offsets = [0, 0], sizes = [8, 128], strides = [1, 1]} : vector<8x256xf32> to vector<8x128xf32>
    %slice3A_2492 = vector.extract_strided_slice %add3A_2490 {offsets = [0, 128], sizes = [8, 128], strides = [1, 1]} : vector<8x256xf32> to vector<8x128xf32>
    %add3A_2493 = arith.addf %slice3A_2491, %slice3A_2492 : vector<8x128xf32>
    %add3A_2494 = arith.addf %add3A_1638, %add3A_2493 : vector<8x128xf32>
    %slice3A_2495 = vector.extract_strided_slice %select_n3A_1728 {offsets = [0, 0], sizes = [8, 256], strides = [1, 1]} : vector<192x256xf32> to vector<8x256xf32>
    %slice3A_2496 = vector.extract_strided_slice %select_n3A_1728 {offsets = [8, 0], sizes = [8, 256], strides = [1, 1]} : vector<192x256xf32> to vector<8x256xf32>
    %add3A_2497 = arith.addf %slice3A_2495, %slice3A_2496 : vector<8x256xf32>
    %slice3A_2498 = vector.extract_strided_slice %select_n3A_1728 {offsets = [16, 0], sizes = [8, 256], strides = [1, 1]} : vector<192x256xf32> to vector<8x256xf32>
    %add3A_2499 = arith.addf %add3A_2497, %slice3A_2498 : vector<8x256xf32>
    %slice3A_2500 = vector.extract_strided_slice %select_n3A_1728 {offsets = [24, 0], sizes = [8, 256], strides = [1, 1]} : vector<192x256xf32> to vector<8x256xf32>
    %add3A_2501 = arith.addf %add3A_2499, %slice3A_2500 : vector<8x256xf32>
    %slice3A_2502 = vector.extract_strided_slice %select_n3A_1728 {offsets = [32, 0], sizes = [8, 256], strides = [1, 1]} : vector<192x256xf32> to vector<8x256xf32>
    %add3A_2503 = arith.addf %add3A_2501, %slice3A_2502 : vector<8x256xf32>
    %slice3A_2504 = vector.extract_strided_slice %select_n3A_1728 {offsets = [40, 0], sizes = [8, 256], strides = [1, 1]} : vector<192x256xf32> to vector<8x256xf32>
    %add3A_2505 = arith.addf %add3A_2503, %slice3A_2504 : vector<8x256xf32>
    %slice3A_2506 = vector.extract_strided_slice %select_n3A_1728 {offsets = [48, 0], sizes = [8, 256], strides = [1, 1]} : vector<192x256xf32> to vector<8x256xf32>
    %add3A_2507 = arith.addf %add3A_2505, %slice3A_2506 : vector<8x256xf32>
    %slice3A_2508 = vector.extract_strided_slice %select_n3A_1728 {offsets = [56, 0], sizes = [8, 256], strides = [1, 1]} : vector<192x256xf32> to vector<8x256xf32>
    %add3A_2509 = arith.addf %add3A_2507, %slice3A_2508 : vector<8x256xf32>
    %slice3A_2510 = vector.extract_strided_slice %select_n3A_1728 {offsets = [64, 0], sizes = [8, 256], strides = [1, 1]} : vector<192x256xf32> to vector<8x256xf32>
    %add3A_2511 = arith.addf %add3A_2509, %slice3A_2510 : vector<8x256xf32>
    %slice3A_2512 = vector.extract_strided_slice %select_n3A_1728 {offsets = [72, 0], sizes = [8, 256], strides = [1, 1]} : vector<192x256xf32> to vector<8x256xf32>
    %add3A_2513 = arith.addf %add3A_2511, %slice3A_2512 : vector<8x256xf32>
    %slice3A_2514 = vector.extract_strided_slice %select_n3A_1728 {offsets = [80, 0], sizes = [8, 256], strides = [1, 1]} : vector<192x256xf32> to vector<8x256xf32>
    %add3A_2515 = arith.addf %add3A_2513, %slice3A_2514 : vector<8x256xf32>
    %slice3A_2516 = vector.extract_strided_slice %select_n3A_1728 {offsets = [88, 0], sizes = [8, 256], strides = [1, 1]} : vector<192x256xf32> to vector<8x256xf32>
    %add3A_2517 = arith.addf %add3A_2515, %slice3A_2516 : vector<8x256xf32>
    %slice3A_2518 = vector.extract_strided_slice %select_n3A_1728 {offsets = [96, 0], sizes = [8, 256], strides = [1, 1]} : vector<192x256xf32> to vector<8x256xf32>
    %add3A_2519 = arith.addf %add3A_2517, %slice3A_2518 : vector<8x256xf32>
    %slice3A_2520 = vector.extract_strided_slice %select_n3A_1728 {offsets = [104, 0], sizes = [8, 256], strides = [1, 1]} : vector<192x256xf32> to vector<8x256xf32>
    %add3A_2521 = arith.addf %add3A_2519, %slice3A_2520 : vector<8x256xf32>
    %slice3A_2522 = vector.extract_strided_slice %select_n3A_1728 {offsets = [112, 0], sizes = [8, 256], strides = [1, 1]} : vector<192x256xf32> to vector<8x256xf32>
    %add3A_2523 = arith.addf %add3A_2521, %slice3A_2522 : vector<8x256xf32>
    %slice3A_2524 = vector.extract_strided_slice %select_n3A_1728 {offsets = [120, 0], sizes = [8, 256], strides = [1, 1]} : vector<192x256xf32> to vector<8x256xf32>
    %add3A_2525 = arith.addf %add3A_2523, %slice3A_2524 : vector<8x256xf32>
    %slice3A_2526 = vector.extract_strided_slice %select_n3A_1728 {offsets = [128, 0], sizes = [8, 256], strides = [1, 1]} : vector<192x256xf32> to vector<8x256xf32>
    %add3A_2527 = arith.addf %add3A_2525, %slice3A_2526 : vector<8x256xf32>
    %slice3A_2528 = vector.extract_strided_slice %select_n3A_1728 {offsets = [136, 0], sizes = [8, 256], strides = [1, 1]} : vector<192x256xf32> to vector<8x256xf32>
    %add3A_2529 = arith.addf %add3A_2527, %slice3A_2528 : vector<8x256xf32>
    %slice3A_2530 = vector.extract_strided_slice %select_n3A_1728 {offsets = [144, 0], sizes = [8, 256], strides = [1, 1]} : vector<192x256xf32> to vector<8x256xf32>
    %add3A_2531 = arith.addf %add3A_2529, %slice3A_2530 : vector<8x256xf32>
    %slice3A_2532 = vector.extract_strided_slice %select_n3A_1728 {offsets = [152, 0], sizes = [8, 256], strides = [1, 1]} : vector<192x256xf32> to vector<8x256xf32>
    %add3A_2533 = arith.addf %add3A_2531, %slice3A_2532 : vector<8x256xf32>
    %slice3A_2534 = vector.extract_strided_slice %select_n3A_1728 {offsets = [160, 0], sizes = [8, 256], strides = [1, 1]} : vector<192x256xf32> to vector<8x256xf32>
    %add3A_2535 = arith.addf %add3A_2533, %slice3A_2534 : vector<8x256xf32>
    %slice3A_2536 = vector.extract_strided_slice %select_n3A_1728 {offsets = [168, 0], sizes = [8, 256], strides = [1, 1]} : vector<192x256xf32> to vector<8x256xf32>
    %add3A_2537 = arith.addf %add3A_2535, %slice3A_2536 : vector<8x256xf32>
    %slice3A_2538 = vector.extract_strided_slice %select_n3A_1728 {offsets = [176, 0], sizes = [8, 256], strides = [1, 1]} : vector<192x256xf32> to vector<8x256xf32>
    %add3A_2539 = arith.addf %add3A_2537, %slice3A_2538 : vector<8x256xf32>
    %slice3A_2540 = vector.extract_strided_slice %select_n3A_1728 {offsets = [184, 0], sizes = [8, 256], strides = [1, 1]} : vector<192x256xf32> to vector<8x256xf32>
    %add3A_2541 = arith.addf %add3A_2539, %slice3A_2540 : vector<8x256xf32>
    %slice3A_2542 = vector.extract_strided_slice %add3A_2541 {offsets = [0, 0], sizes = [8, 128], strides = [1, 1]} : vector<8x256xf32> to vector<8x128xf32>
    %slice3A_2543 = vector.extract_strided_slice %add3A_2541 {offsets = [0, 128], sizes = [8, 128], strides = [1, 1]} : vector<8x256xf32> to vector<8x128xf32>
    %add3A_2544 = arith.addf %slice3A_2542, %slice3A_2543 : vector<8x128xf32>
    %add3A_2545 = arith.addf %add3A_1689, %add3A_2544 : vector<8x128xf32>
    %get3A_2546 = arith.constant 0 : index
    %get3A_2547 = arith.constant 3 : index
    %get3A_2548 = arith.constant 0 : index
    %get3A_2549 = arith.constant 0 : index
    %get3A_2550 = arith.constant 0 : index
    %get3A_2551 = vector.load %arg2[%get3A_2546, %get3A_2547, %get3A_2548, %get3A_2549, %get3A_2550] : memref<1x4x1x192x256xf32, #tpu.memory_space<vmem>>, vector<1x1x1x192x256xf32>
    %get3A_2552 = vector.shape_cast %get3A_2551 : vector<1x1x1x192x256xf32> to vector<192x256xf32>
    %ge3A_2553 = arith.constant 2.500000e-01 : f32
    %ge3A_2554 = vector.broadcast %ge3A_2553 : f32 to vector<192x256xf32>
    %ge3A_2555 = arith.cmpf oge, %get3A_2552, %ge3A_2554 : vector<192x256xf32>
    %jit3A_2556 = arith.constant 1.000000e+00 : f32
    %jit3A_2557 = arith.constant 0.000000e+00 : f32
    %broadcast_in_dim3A_2558 = vector.broadcast %jit3A_2556 : f32 to vector<192x256xf32>
    %broadcast_in_dim3A_2559 = vector.broadcast %jit3A_2557 : f32 to vector<192x256xf32>
    %select_n3A_2560 = arith.select %ge3A_2555, %broadcast_in_dim3A_2558, %broadcast_in_dim3A_2559 : vector<192x256xi1>, vector<192x256xf32>
    %ge3A_2561 = arith.constant 3.750000e-01 : f32
    %ge3A_2562 = vector.broadcast %ge3A_2561 : f32 to vector<192x256xf32>
    %ge3A_2563 = arith.cmpf oge, %get3A_2552, %ge3A_2562 : vector<192x256xf32>
    %jit3A_2564 = arith.constant 1.000000e+00 : f32
    %jit3A_2565 = arith.constant 0.000000e+00 : f32
    %broadcast_in_dim3A_2566 = vector.broadcast %jit3A_2564 : f32 to vector<192x256xf32>
    %broadcast_in_dim3A_2567 = vector.broadcast %jit3A_2565 : f32 to vector<192x256xf32>
    %select_n3A_2568 = arith.select %ge3A_2563, %broadcast_in_dim3A_2566, %broadcast_in_dim3A_2567 : vector<192x256xi1>, vector<192x256xf32>
    %ge3A_2569 = arith.constant 5.000000e-01 : f32
    %ge3A_2570 = vector.broadcast %ge3A_2569 : f32 to vector<192x256xf32>
    %ge3A_2571 = arith.cmpf oge, %get3A_2552, %ge3A_2570 : vector<192x256xf32>
    %jit3A_2572 = arith.constant 1.000000e+00 : f32
    %jit3A_2573 = arith.constant 0.000000e+00 : f32
    %broadcast_in_dim3A_2574 = vector.broadcast %jit3A_2572 : f32 to vector<192x256xf32>
    %broadcast_in_dim3A_2575 = vector.broadcast %jit3A_2573 : f32 to vector<192x256xf32>
    %select_n3A_2576 = arith.select %ge3A_2571, %broadcast_in_dim3A_2574, %broadcast_in_dim3A_2575 : vector<192x256xi1>, vector<192x256xf32>
    %ge3A_2577 = arith.constant 6.250000e-01 : f32
    %ge3A_2578 = vector.broadcast %ge3A_2577 : f32 to vector<192x256xf32>
    %ge3A_2579 = arith.cmpf oge, %get3A_2552, %ge3A_2578 : vector<192x256xf32>
    %jit3A_2580 = arith.constant 1.000000e+00 : f32
    %jit3A_2581 = arith.constant 0.000000e+00 : f32
    %broadcast_in_dim3A_2582 = vector.broadcast %jit3A_2580 : f32 to vector<192x256xf32>
    %broadcast_in_dim3A_2583 = vector.broadcast %jit3A_2581 : f32 to vector<192x256xf32>
    %select_n3A_2584 = arith.select %ge3A_2579, %broadcast_in_dim3A_2582, %broadcast_in_dim3A_2583 : vector<192x256xi1>, vector<192x256xf32>
    %add3A_2585 = arith.addf %select_n3A_2560, %select_n3A_2568 : vector<192x256xf32>
    %add3A_2586 = arith.addf %add3A_2585, %select_n3A_2576 : vector<192x256xf32>
    %add3A_2587 = arith.addf %add3A_2586, %select_n3A_2584 : vector<192x256xf32>
    %eq3A_2588 = arith.constant 0.000000e+00 : f32
    %eq3A_2589 = vector.broadcast %eq3A_2588 : f32 to vector<192x256xf32>
    %eq3A_2590 = arith.cmpf oeq, %add3A_2587, %eq3A_2589 : vector<192x256xf32>
    %get3A_2591 = arith.constant 0 : index
    %get3A_2592 = arith.constant 3 : index
    %get3A_2593 = arith.constant 0 : index
    %get3A_2594 = arith.constant 0 : index
    %get3A_2595 = arith.constant 0 : index
    %get3A_2596 = vector.load %arg1[%get3A_2591, %get3A_2592, %get3A_2593, %get3A_2594, %get3A_2595] : memref<1x4x5x192x256xf32, #tpu.memory_space<vmem>>, vector<1x1x1x192x256xf32>
    %get3A_2597 = vector.shape_cast %get3A_2596 : vector<1x1x1x192x256xf32> to vector<192x256xf32>
    %jit3A_2598 = arith.constant 0.000000e+00 : f32
    %broadcast_in_dim3A_2599 = vector.broadcast %jit3A_2598 : f32 to vector<192x256xf32>
    %select_n3A_2600 = arith.select %eq3A_2590, %get3A_2597, %broadcast_in_dim3A_2599 : vector<192x256xi1>, vector<192x256xf32>
    %eq3A_2601 = arith.constant 1.000000e+00 : f32
    %eq3A_2602 = vector.broadcast %eq3A_2601 : f32 to vector<192x256xf32>
    %eq3A_2603 = arith.cmpf oeq, %add3A_2587, %eq3A_2602 : vector<192x256xf32>
    %get3A_2604 = arith.constant 0 : index
    %get3A_2605 = arith.constant 3 : index
    %get3A_2606 = arith.constant 1 : index
    %get3A_2607 = arith.constant 0 : index
    %get3A_2608 = arith.constant 0 : index
    %get3A_2609 = vector.load %arg1[%get3A_2604, %get3A_2605, %get3A_2606, %get3A_2607, %get3A_2608] : memref<1x4x5x192x256xf32, #tpu.memory_space<vmem>>, vector<1x1x1x192x256xf32>
    %get3A_2610 = vector.shape_cast %get3A_2609 : vector<1x1x1x192x256xf32> to vector<192x256xf32>
    %jit3A_2611 = arith.constant 0.000000e+00 : f32
    %broadcast_in_dim3A_2612 = vector.broadcast %jit3A_2611 : f32 to vector<192x256xf32>
    %select_n3A_2613 = arith.select %eq3A_2603, %get3A_2610, %broadcast_in_dim3A_2612 : vector<192x256xi1>, vector<192x256xf32>
    %eq3A_2614 = arith.constant 2.000000e+00 : f32
    %eq3A_2615 = vector.broadcast %eq3A_2614 : f32 to vector<192x256xf32>
    %eq3A_2616 = arith.cmpf oeq, %add3A_2587, %eq3A_2615 : vector<192x256xf32>
    %get3A_2617 = arith.constant 0 : index
    %get3A_2618 = arith.constant 3 : index
    %get3A_2619 = arith.constant 2 : index
    %get3A_2620 = arith.constant 0 : index
    %get3A_2621 = arith.constant 0 : index
    %get3A_2622 = vector.load %arg1[%get3A_2617, %get3A_2618, %get3A_2619, %get3A_2620, %get3A_2621] : memref<1x4x5x192x256xf32, #tpu.memory_space<vmem>>, vector<1x1x1x192x256xf32>
    %get3A_2623 = vector.shape_cast %get3A_2622 : vector<1x1x1x192x256xf32> to vector<192x256xf32>
    %jit3A_2624 = arith.constant 0.000000e+00 : f32
    %broadcast_in_dim3A_2625 = vector.broadcast %jit3A_2624 : f32 to vector<192x256xf32>
    %select_n3A_2626 = arith.select %eq3A_2616, %get3A_2623, %broadcast_in_dim3A_2625 : vector<192x256xi1>, vector<192x256xf32>
    %eq3A_2627 = arith.constant 3.000000e+00 : f32
    %eq3A_2628 = vector.broadcast %eq3A_2627 : f32 to vector<192x256xf32>
    %eq3A_2629 = arith.cmpf oeq, %add3A_2587, %eq3A_2628 : vector<192x256xf32>
    %get3A_2630 = arith.constant 0 : index
    %get3A_2631 = arith.constant 3 : index
    %get3A_2632 = arith.constant 3 : index
    %get3A_2633 = arith.constant 0 : index
    %get3A_2634 = arith.constant 0 : index
    %get3A_2635 = vector.load %arg1[%get3A_2630, %get3A_2631, %get3A_2632, %get3A_2633, %get3A_2634] : memref<1x4x5x192x256xf32, #tpu.memory_space<vmem>>, vector<1x1x1x192x256xf32>
    %get3A_2636 = vector.shape_cast %get3A_2635 : vector<1x1x1x192x256xf32> to vector<192x256xf32>
    %jit3A_2637 = arith.constant 0.000000e+00 : f32
    %broadcast_in_dim3A_2638 = vector.broadcast %jit3A_2637 : f32 to vector<192x256xf32>
    %select_n3A_2639 = arith.select %eq3A_2629, %get3A_2636, %broadcast_in_dim3A_2638 : vector<192x256xi1>, vector<192x256xf32>
    %eq3A_2640 = arith.constant 4.000000e+00 : f32
    %eq3A_2641 = vector.broadcast %eq3A_2640 : f32 to vector<192x256xf32>
    %eq3A_2642 = arith.cmpf oeq, %add3A_2587, %eq3A_2641 : vector<192x256xf32>
    %get3A_2643 = arith.constant 0 : index
    %get3A_2644 = arith.constant 3 : index
    %get3A_2645 = arith.constant 4 : index
    %get3A_2646 = arith.constant 0 : index
    %get3A_2647 = arith.constant 0 : index
    %get3A_2648 = vector.load %arg1[%get3A_2643, %get3A_2644, %get3A_2645, %get3A_2646, %get3A_2647] : memref<1x4x5x192x256xf32, #tpu.memory_space<vmem>>, vector<1x1x1x192x256xf32>
    %get3A_2649 = vector.shape_cast %get3A_2648 : vector<1x1x1x192x256xf32> to vector<192x256xf32>
    %jit3A_2650 = arith.constant 0.000000e+00 : f32
    %broadcast_in_dim3A_2651 = vector.broadcast %jit3A_2650 : f32 to vector<192x256xf32>
    %select_n3A_2652 = arith.select %eq3A_2642, %get3A_2649, %broadcast_in_dim3A_2651 : vector<192x256xi1>, vector<192x256xf32>
    %get3A_2653 = arith.constant 0 : index
    %get3A_2654 = arith.constant 3 : index
    %get3A_2655 = arith.constant 0 : index
    %get3A_2656 = arith.constant 0 : index
    %get3A_2657 = arith.constant 0 : index
    %get3A_2658 = vector.load %arg1[%get3A_2653, %get3A_2654, %get3A_2655, %get3A_2656, %get3A_2657] : memref<1x4x5x192x256xf32, #tpu.memory_space<vmem>>, vector<1x1x1x192x256xf32>
    %get3A_2659 = vector.shape_cast %get3A_2658 : vector<1x1x1x192x256xf32> to vector<192x256xf32>
    %get3A_2660 = arith.constant 0 : index
    %get3A_2661 = arith.constant 3 : index
    %get3A_2662 = arith.constant 1 : index
    %get3A_2663 = arith.constant 0 : index
    %get3A_2664 = arith.constant 0 : index
    %get3A_2665 = vector.load %arg1[%get3A_2660, %get3A_2661, %get3A_2662, %get3A_2663, %get3A_2664] : memref<1x4x5x192x256xf32, #tpu.memory_space<vmem>>, vector<1x1x1x192x256xf32>
    %get3A_2666 = vector.shape_cast %get3A_2665 : vector<1x1x1x192x256xf32> to vector<192x256xf32>
    %get3A_2667 = arith.constant 0 : index
    %get3A_2668 = arith.constant 3 : index
    %get3A_2669 = arith.constant 2 : index
    %get3A_2670 = arith.constant 0 : index
    %get3A_2671 = arith.constant 0 : index
    %get3A_2672 = vector.load %arg1[%get3A_2667, %get3A_2668, %get3A_2669, %get3A_2670, %get3A_2671] : memref<1x4x5x192x256xf32, #tpu.memory_space<vmem>>, vector<1x1x1x192x256xf32>
    %get3A_2673 = vector.shape_cast %get3A_2672 : vector<1x1x1x192x256xf32> to vector<192x256xf32>
    %get3A_2674 = arith.constant 0 : index
    %get3A_2675 = arith.constant 3 : index
    %get3A_2676 = arith.constant 3 : index
    %get3A_2677 = arith.constant 0 : index
    %get3A_2678 = arith.constant 0 : index
    %get3A_2679 = vector.load %arg1[%get3A_2674, %get3A_2675, %get3A_2676, %get3A_2677, %get3A_2678] : memref<1x4x5x192x256xf32, #tpu.memory_space<vmem>>, vector<1x1x1x192x256xf32>
    %get3A_2680 = vector.shape_cast %get3A_2679 : vector<1x1x1x192x256xf32> to vector<192x256xf32>
    %get3A_2681 = arith.constant 0 : index
    %get3A_2682 = arith.constant 3 : index
    %get3A_2683 = arith.constant 4 : index
    %get3A_2684 = arith.constant 0 : index
    %get3A_2685 = arith.constant 0 : index
    %get3A_2686 = vector.load %arg1[%get3A_2681, %get3A_2682, %get3A_2683, %get3A_2684, %get3A_2685] : memref<1x4x5x192x256xf32, #tpu.memory_space<vmem>>, vector<1x1x1x192x256xf32>
    %get3A_2687 = vector.shape_cast %get3A_2686 : vector<1x1x1x192x256xf32> to vector<192x256xf32>
    %slice3A_2688 = vector.extract_strided_slice %select_n3A_2600 {offsets = [0, 0], sizes = [8, 256], strides = [1, 1]} : vector<192x256xf32> to vector<8x256xf32>
    %slice3A_2689 = vector.extract_strided_slice %select_n3A_2600 {offsets = [8, 0], sizes = [8, 256], strides = [1, 1]} : vector<192x256xf32> to vector<8x256xf32>
    %add3A_2690 = arith.addf %slice3A_2688, %slice3A_2689 : vector<8x256xf32>
    %slice3A_2691 = vector.extract_strided_slice %select_n3A_2600 {offsets = [16, 0], sizes = [8, 256], strides = [1, 1]} : vector<192x256xf32> to vector<8x256xf32>
    %add3A_2692 = arith.addf %add3A_2690, %slice3A_2691 : vector<8x256xf32>
    %slice3A_2693 = vector.extract_strided_slice %select_n3A_2600 {offsets = [24, 0], sizes = [8, 256], strides = [1, 1]} : vector<192x256xf32> to vector<8x256xf32>
    %add3A_2694 = arith.addf %add3A_2692, %slice3A_2693 : vector<8x256xf32>
    %slice3A_2695 = vector.extract_strided_slice %select_n3A_2600 {offsets = [32, 0], sizes = [8, 256], strides = [1, 1]} : vector<192x256xf32> to vector<8x256xf32>
    %add3A_2696 = arith.addf %add3A_2694, %slice3A_2695 : vector<8x256xf32>
    %slice3A_2697 = vector.extract_strided_slice %select_n3A_2600 {offsets = [40, 0], sizes = [8, 256], strides = [1, 1]} : vector<192x256xf32> to vector<8x256xf32>
    %add3A_2698 = arith.addf %add3A_2696, %slice3A_2697 : vector<8x256xf32>
    %slice3A_2699 = vector.extract_strided_slice %select_n3A_2600 {offsets = [48, 0], sizes = [8, 256], strides = [1, 1]} : vector<192x256xf32> to vector<8x256xf32>
    %add3A_2700 = arith.addf %add3A_2698, %slice3A_2699 : vector<8x256xf32>
    %slice3A_2701 = vector.extract_strided_slice %select_n3A_2600 {offsets = [56, 0], sizes = [8, 256], strides = [1, 1]} : vector<192x256xf32> to vector<8x256xf32>
    %add3A_2702 = arith.addf %add3A_2700, %slice3A_2701 : vector<8x256xf32>
    %slice3A_2703 = vector.extract_strided_slice %select_n3A_2600 {offsets = [64, 0], sizes = [8, 256], strides = [1, 1]} : vector<192x256xf32> to vector<8x256xf32>
    %add3A_2704 = arith.addf %add3A_2702, %slice3A_2703 : vector<8x256xf32>
    %slice3A_2705 = vector.extract_strided_slice %select_n3A_2600 {offsets = [72, 0], sizes = [8, 256], strides = [1, 1]} : vector<192x256xf32> to vector<8x256xf32>
    %add3A_2706 = arith.addf %add3A_2704, %slice3A_2705 : vector<8x256xf32>
    %slice3A_2707 = vector.extract_strided_slice %select_n3A_2600 {offsets = [80, 0], sizes = [8, 256], strides = [1, 1]} : vector<192x256xf32> to vector<8x256xf32>
    %add3A_2708 = arith.addf %add3A_2706, %slice3A_2707 : vector<8x256xf32>
    %slice3A_2709 = vector.extract_strided_slice %select_n3A_2600 {offsets = [88, 0], sizes = [8, 256], strides = [1, 1]} : vector<192x256xf32> to vector<8x256xf32>
    %add3A_2710 = arith.addf %add3A_2708, %slice3A_2709 : vector<8x256xf32>
    %slice3A_2711 = vector.extract_strided_slice %select_n3A_2600 {offsets = [96, 0], sizes = [8, 256], strides = [1, 1]} : vector<192x256xf32> to vector<8x256xf32>
    %add3A_2712 = arith.addf %add3A_2710, %slice3A_2711 : vector<8x256xf32>
    %slice3A_2713 = vector.extract_strided_slice %select_n3A_2600 {offsets = [104, 0], sizes = [8, 256], strides = [1, 1]} : vector<192x256xf32> to vector<8x256xf32>
    %add3A_2714 = arith.addf %add3A_2712, %slice3A_2713 : vector<8x256xf32>
    %slice3A_2715 = vector.extract_strided_slice %select_n3A_2600 {offsets = [112, 0], sizes = [8, 256], strides = [1, 1]} : vector<192x256xf32> to vector<8x256xf32>
    %add3A_2716 = arith.addf %add3A_2714, %slice3A_2715 : vector<8x256xf32>
    %slice3A_2717 = vector.extract_strided_slice %select_n3A_2600 {offsets = [120, 0], sizes = [8, 256], strides = [1, 1]} : vector<192x256xf32> to vector<8x256xf32>
    %add3A_2718 = arith.addf %add3A_2716, %slice3A_2717 : vector<8x256xf32>
    %slice3A_2719 = vector.extract_strided_slice %select_n3A_2600 {offsets = [128, 0], sizes = [8, 256], strides = [1, 1]} : vector<192x256xf32> to vector<8x256xf32>
    %add3A_2720 = arith.addf %add3A_2718, %slice3A_2719 : vector<8x256xf32>
    %slice3A_2721 = vector.extract_strided_slice %select_n3A_2600 {offsets = [136, 0], sizes = [8, 256], strides = [1, 1]} : vector<192x256xf32> to vector<8x256xf32>
    %add3A_2722 = arith.addf %add3A_2720, %slice3A_2721 : vector<8x256xf32>
    %slice3A_2723 = vector.extract_strided_slice %select_n3A_2600 {offsets = [144, 0], sizes = [8, 256], strides = [1, 1]} : vector<192x256xf32> to vector<8x256xf32>
    %add3A_2724 = arith.addf %add3A_2722, %slice3A_2723 : vector<8x256xf32>
    %slice3A_2725 = vector.extract_strided_slice %select_n3A_2600 {offsets = [152, 0], sizes = [8, 256], strides = [1, 1]} : vector<192x256xf32> to vector<8x256xf32>
    %add3A_2726 = arith.addf %add3A_2724, %slice3A_2725 : vector<8x256xf32>
    %slice3A_2727 = vector.extract_strided_slice %select_n3A_2600 {offsets = [160, 0], sizes = [8, 256], strides = [1, 1]} : vector<192x256xf32> to vector<8x256xf32>
    %add3A_2728 = arith.addf %add3A_2726, %slice3A_2727 : vector<8x256xf32>
    %slice3A_2729 = vector.extract_strided_slice %select_n3A_2600 {offsets = [168, 0], sizes = [8, 256], strides = [1, 1]} : vector<192x256xf32> to vector<8x256xf32>
    %add3A_2730 = arith.addf %add3A_2728, %slice3A_2729 : vector<8x256xf32>
    %slice3A_2731 = vector.extract_strided_slice %select_n3A_2600 {offsets = [176, 0], sizes = [8, 256], strides = [1, 1]} : vector<192x256xf32> to vector<8x256xf32>
    %add3A_2732 = arith.addf %add3A_2730, %slice3A_2731 : vector<8x256xf32>
    %slice3A_2733 = vector.extract_strided_slice %select_n3A_2600 {offsets = [184, 0], sizes = [8, 256], strides = [1, 1]} : vector<192x256xf32> to vector<8x256xf32>
    %add3A_2734 = arith.addf %add3A_2732, %slice3A_2733 : vector<8x256xf32>
    %slice3A_2735 = vector.extract_strided_slice %add3A_2734 {offsets = [0, 0], sizes = [8, 128], strides = [1, 1]} : vector<8x256xf32> to vector<8x128xf32>
    %slice3A_2736 = vector.extract_strided_slice %add3A_2734 {offsets = [0, 128], sizes = [8, 128], strides = [1, 1]} : vector<8x256xf32> to vector<8x128xf32>
    %add3A_2737 = arith.addf %slice3A_2735, %slice3A_2736 : vector<8x128xf32>
    %add3A_2738 = arith.addf %add3A_1882, %add3A_2737 : vector<8x128xf32>
    %slice3A_2739 = vector.extract_strided_slice %select_n3A_2613 {offsets = [0, 0], sizes = [8, 256], strides = [1, 1]} : vector<192x256xf32> to vector<8x256xf32>
    %slice3A_2740 = vector.extract_strided_slice %select_n3A_2613 {offsets = [8, 0], sizes = [8, 256], strides = [1, 1]} : vector<192x256xf32> to vector<8x256xf32>
    %add3A_2741 = arith.addf %slice3A_2739, %slice3A_2740 : vector<8x256xf32>
    %slice3A_2742 = vector.extract_strided_slice %select_n3A_2613 {offsets = [16, 0], sizes = [8, 256], strides = [1, 1]} : vector<192x256xf32> to vector<8x256xf32>
    %add3A_2743 = arith.addf %add3A_2741, %slice3A_2742 : vector<8x256xf32>
    %slice3A_2744 = vector.extract_strided_slice %select_n3A_2613 {offsets = [24, 0], sizes = [8, 256], strides = [1, 1]} : vector<192x256xf32> to vector<8x256xf32>
    %add3A_2745 = arith.addf %add3A_2743, %slice3A_2744 : vector<8x256xf32>
    %slice3A_2746 = vector.extract_strided_slice %select_n3A_2613 {offsets = [32, 0], sizes = [8, 256], strides = [1, 1]} : vector<192x256xf32> to vector<8x256xf32>
    %add3A_2747 = arith.addf %add3A_2745, %slice3A_2746 : vector<8x256xf32>
    %slice3A_2748 = vector.extract_strided_slice %select_n3A_2613 {offsets = [40, 0], sizes = [8, 256], strides = [1, 1]} : vector<192x256xf32> to vector<8x256xf32>
    %add3A_2749 = arith.addf %add3A_2747, %slice3A_2748 : vector<8x256xf32>
    %slice3A_2750 = vector.extract_strided_slice %select_n3A_2613 {offsets = [48, 0], sizes = [8, 256], strides = [1, 1]} : vector<192x256xf32> to vector<8x256xf32>
    %add3A_2751 = arith.addf %add3A_2749, %slice3A_2750 : vector<8x256xf32>
    %slice3A_2752 = vector.extract_strided_slice %select_n3A_2613 {offsets = [56, 0], sizes = [8, 256], strides = [1, 1]} : vector<192x256xf32> to vector<8x256xf32>
    %add3A_2753 = arith.addf %add3A_2751, %slice3A_2752 : vector<8x256xf32>
    %slice3A_2754 = vector.extract_strided_slice %select_n3A_2613 {offsets = [64, 0], sizes = [8, 256], strides = [1, 1]} : vector<192x256xf32> to vector<8x256xf32>
    %add3A_2755 = arith.addf %add3A_2753, %slice3A_2754 : vector<8x256xf32>
    %slice3A_2756 = vector.extract_strided_slice %select_n3A_2613 {offsets = [72, 0], sizes = [8, 256], strides = [1, 1]} : vector<192x256xf32> to vector<8x256xf32>
    %add3A_2757 = arith.addf %add3A_2755, %slice3A_2756 : vector<8x256xf32>
    %slice3A_2758 = vector.extract_strided_slice %select_n3A_2613 {offsets = [80, 0], sizes = [8, 256], strides = [1, 1]} : vector<192x256xf32> to vector<8x256xf32>
    %add3A_2759 = arith.addf %add3A_2757, %slice3A_2758 : vector<8x256xf32>
    %slice3A_2760 = vector.extract_strided_slice %select_n3A_2613 {offsets = [88, 0], sizes = [8, 256], strides = [1, 1]} : vector<192x256xf32> to vector<8x256xf32>
    %add3A_2761 = arith.addf %add3A_2759, %slice3A_2760 : vector<8x256xf32>
    %slice3A_2762 = vector.extract_strided_slice %select_n3A_2613 {offsets = [96, 0], sizes = [8, 256], strides = [1, 1]} : vector<192x256xf32> to vector<8x256xf32>
    %add3A_2763 = arith.addf %add3A_2761, %slice3A_2762 : vector<8x256xf32>
    %slice3A_2764 = vector.extract_strided_slice %select_n3A_2613 {offsets = [104, 0], sizes = [8, 256], strides = [1, 1]} : vector<192x256xf32> to vector<8x256xf32>
    %add3A_2765 = arith.addf %add3A_2763, %slice3A_2764 : vector<8x256xf32>
    %slice3A_2766 = vector.extract_strided_slice %select_n3A_2613 {offsets = [112, 0], sizes = [8, 256], strides = [1, 1]} : vector<192x256xf32> to vector<8x256xf32>
    %add3A_2767 = arith.addf %add3A_2765, %slice3A_2766 : vector<8x256xf32>
    %slice3A_2768 = vector.extract_strided_slice %select_n3A_2613 {offsets = [120, 0], sizes = [8, 256], strides = [1, 1]} : vector<192x256xf32> to vector<8x256xf32>
    %add3A_2769 = arith.addf %add3A_2767, %slice3A_2768 : vector<8x256xf32>
    %slice3A_2770 = vector.extract_strided_slice %select_n3A_2613 {offsets = [128, 0], sizes = [8, 256], strides = [1, 1]} : vector<192x256xf32> to vector<8x256xf32>
    %add3A_2771 = arith.addf %add3A_2769, %slice3A_2770 : vector<8x256xf32>
    %slice3A_2772 = vector.extract_strided_slice %select_n3A_2613 {offsets = [136, 0], sizes = [8, 256], strides = [1, 1]} : vector<192x256xf32> to vector<8x256xf32>
    %add3A_2773 = arith.addf %add3A_2771, %slice3A_2772 : vector<8x256xf32>
    %slice3A_2774 = vector.extract_strided_slice %select_n3A_2613 {offsets = [144, 0], sizes = [8, 256], strides = [1, 1]} : vector<192x256xf32> to vector<8x256xf32>
    %add3A_2775 = arith.addf %add3A_2773, %slice3A_2774 : vector<8x256xf32>
    %slice3A_2776 = vector.extract_strided_slice %select_n3A_2613 {offsets = [152, 0], sizes = [8, 256], strides = [1, 1]} : vector<192x256xf32> to vector<8x256xf32>
    %add3A_2777 = arith.addf %add3A_2775, %slice3A_2776 : vector<8x256xf32>
    %slice3A_2778 = vector.extract_strided_slice %select_n3A_2613 {offsets = [160, 0], sizes = [8, 256], strides = [1, 1]} : vector<192x256xf32> to vector<8x256xf32>
    %add3A_2779 = arith.addf %add3A_2777, %slice3A_2778 : vector<8x256xf32>
    %slice3A_2780 = vector.extract_strided_slice %select_n3A_2613 {offsets = [168, 0], sizes = [8, 256], strides = [1, 1]} : vector<192x256xf32> to vector<8x256xf32>
    %add3A_2781 = arith.addf %add3A_2779, %slice3A_2780 : vector<8x256xf32>
    %slice3A_2782 = vector.extract_strided_slice %select_n3A_2613 {offsets = [176, 0], sizes = [8, 256], strides = [1, 1]} : vector<192x256xf32> to vector<8x256xf32>
    %add3A_2783 = arith.addf %add3A_2781, %slice3A_2782 : vector<8x256xf32>
    %slice3A_2784 = vector.extract_strided_slice %select_n3A_2613 {offsets = [184, 0], sizes = [8, 256], strides = [1, 1]} : vector<192x256xf32> to vector<8x256xf32>
    %add3A_2785 = arith.addf %add3A_2783, %slice3A_2784 : vector<8x256xf32>
    %slice3A_2786 = vector.extract_strided_slice %add3A_2785 {offsets = [0, 0], sizes = [8, 128], strides = [1, 1]} : vector<8x256xf32> to vector<8x128xf32>
    %slice3A_2787 = vector.extract_strided_slice %add3A_2785 {offsets = [0, 128], sizes = [8, 128], strides = [1, 1]} : vector<8x256xf32> to vector<8x128xf32>
    %add3A_2788 = arith.addf %slice3A_2786, %slice3A_2787 : vector<8x128xf32>
    %add3A_2789 = arith.addf %add3A_1933, %add3A_2788 : vector<8x128xf32>
    %slice3A_2790 = vector.extract_strided_slice %select_n3A_2626 {offsets = [0, 0], sizes = [8, 256], strides = [1, 1]} : vector<192x256xf32> to vector<8x256xf32>
    %slice3A_2791 = vector.extract_strided_slice %select_n3A_2626 {offsets = [8, 0], sizes = [8, 256], strides = [1, 1]} : vector<192x256xf32> to vector<8x256xf32>
    %add3A_2792 = arith.addf %slice3A_2790, %slice3A_2791 : vector<8x256xf32>
    %slice3A_2793 = vector.extract_strided_slice %select_n3A_2626 {offsets = [16, 0], sizes = [8, 256], strides = [1, 1]} : vector<192x256xf32> to vector<8x256xf32>
    %add3A_2794 = arith.addf %add3A_2792, %slice3A_2793 : vector<8x256xf32>
    %slice3A_2795 = vector.extract_strided_slice %select_n3A_2626 {offsets = [24, 0], sizes = [8, 256], strides = [1, 1]} : vector<192x256xf32> to vector<8x256xf32>
    %add3A_2796 = arith.addf %add3A_2794, %slice3A_2795 : vector<8x256xf32>
    %slice3A_2797 = vector.extract_strided_slice %select_n3A_2626 {offsets = [32, 0], sizes = [8, 256], strides = [1, 1]} : vector<192x256xf32> to vector<8x256xf32>
    %add3A_2798 = arith.addf %add3A_2796, %slice3A_2797 : vector<8x256xf32>
    %slice3A_2799 = vector.extract_strided_slice %select_n3A_2626 {offsets = [40, 0], sizes = [8, 256], strides = [1, 1]} : vector<192x256xf32> to vector<8x256xf32>
    %add3A_2800 = arith.addf %add3A_2798, %slice3A_2799 : vector<8x256xf32>
    %slice3A_2801 = vector.extract_strided_slice %select_n3A_2626 {offsets = [48, 0], sizes = [8, 256], strides = [1, 1]} : vector<192x256xf32> to vector<8x256xf32>
    %add3A_2802 = arith.addf %add3A_2800, %slice3A_2801 : vector<8x256xf32>
    %slice3A_2803 = vector.extract_strided_slice %select_n3A_2626 {offsets = [56, 0], sizes = [8, 256], strides = [1, 1]} : vector<192x256xf32> to vector<8x256xf32>
    %add3A_2804 = arith.addf %add3A_2802, %slice3A_2803 : vector<8x256xf32>
    %slice3A_2805 = vector.extract_strided_slice %select_n3A_2626 {offsets = [64, 0], sizes = [8, 256], strides = [1, 1]} : vector<192x256xf32> to vector<8x256xf32>
    %add3A_2806 = arith.addf %add3A_2804, %slice3A_2805 : vector<8x256xf32>
    %slice3A_2807 = vector.extract_strided_slice %select_n3A_2626 {offsets = [72, 0], sizes = [8, 256], strides = [1, 1]} : vector<192x256xf32> to vector<8x256xf32>
    %add3A_2808 = arith.addf %add3A_2806, %slice3A_2807 : vector<8x256xf32>
    %slice3A_2809 = vector.extract_strided_slice %select_n3A_2626 {offsets = [80, 0], sizes = [8, 256], strides = [1, 1]} : vector<192x256xf32> to vector<8x256xf32>
    %add3A_2810 = arith.addf %add3A_2808, %slice3A_2809 : vector<8x256xf32>
    %slice3A_2811 = vector.extract_strided_slice %select_n3A_2626 {offsets = [88, 0], sizes = [8, 256], strides = [1, 1]} : vector<192x256xf32> to vector<8x256xf32>
    %add3A_2812 = arith.addf %add3A_2810, %slice3A_2811 : vector<8x256xf32>
    %slice3A_2813 = vector.extract_strided_slice %select_n3A_2626 {offsets = [96, 0], sizes = [8, 256], strides = [1, 1]} : vector<192x256xf32> to vector<8x256xf32>
    %add3A_2814 = arith.addf %add3A_2812, %slice3A_2813 : vector<8x256xf32>
    %slice3A_2815 = vector.extract_strided_slice %select_n3A_2626 {offsets = [104, 0], sizes = [8, 256], strides = [1, 1]} : vector<192x256xf32> to vector<8x256xf32>
    %add3A_2816 = arith.addf %add3A_2814, %slice3A_2815 : vector<8x256xf32>
    %slice3A_2817 = vector.extract_strided_slice %select_n3A_2626 {offsets = [112, 0], sizes = [8, 256], strides = [1, 1]} : vector<192x256xf32> to vector<8x256xf32>
    %add3A_2818 = arith.addf %add3A_2816, %slice3A_2817 : vector<8x256xf32>
    %slice3A_2819 = vector.extract_strided_slice %select_n3A_2626 {offsets = [120, 0], sizes = [8, 256], strides = [1, 1]} : vector<192x256xf32> to vector<8x256xf32>
    %add3A_2820 = arith.addf %add3A_2818, %slice3A_2819 : vector<8x256xf32>
    %slice3A_2821 = vector.extract_strided_slice %select_n3A_2626 {offsets = [128, 0], sizes = [8, 256], strides = [1, 1]} : vector<192x256xf32> to vector<8x256xf32>
    %add3A_2822 = arith.addf %add3A_2820, %slice3A_2821 : vector<8x256xf32>
    %slice3A_2823 = vector.extract_strided_slice %select_n3A_2626 {offsets = [136, 0], sizes = [8, 256], strides = [1, 1]} : vector<192x256xf32> to vector<8x256xf32>
    %add3A_2824 = arith.addf %add3A_2822, %slice3A_2823 : vector<8x256xf32>
    %slice3A_2825 = vector.extract_strided_slice %select_n3A_2626 {offsets = [144, 0], sizes = [8, 256], strides = [1, 1]} : vector<192x256xf32> to vector<8x256xf32>
    %add3A_2826 = arith.addf %add3A_2824, %slice3A_2825 : vector<8x256xf32>
    %slice3A_2827 = vector.extract_strided_slice %select_n3A_2626 {offsets = [152, 0], sizes = [8, 256], strides = [1, 1]} : vector<192x256xf32> to vector<8x256xf32>
    %add3A_2828 = arith.addf %add3A_2826, %slice3A_2827 : vector<8x256xf32>
    %slice3A_2829 = vector.extract_strided_slice %select_n3A_2626 {offsets = [160, 0], sizes = [8, 256], strides = [1, 1]} : vector<192x256xf32> to vector<8x256xf32>
    %add3A_2830 = arith.addf %add3A_2828, %slice3A_2829 : vector<8x256xf32>
    %slice3A_2831 = vector.extract_strided_slice %select_n3A_2626 {offsets = [168, 0], sizes = [8, 256], strides = [1, 1]} : vector<192x256xf32> to vector<8x256xf32>
    %add3A_2832 = arith.addf %add3A_2830, %slice3A_2831 : vector<8x256xf32>
    %slice3A_2833 = vector.extract_strided_slice %select_n3A_2626 {offsets = [176, 0], sizes = [8, 256], strides = [1, 1]} : vector<192x256xf32> to vector<8x256xf32>
    %add3A_2834 = arith.addf %add3A_2832, %slice3A_2833 : vector<8x256xf32>
    %slice3A_2835 = vector.extract_strided_slice %select_n3A_2626 {offsets = [184, 0], sizes = [8, 256], strides = [1, 1]} : vector<192x256xf32> to vector<8x256xf32>
    %add3A_2836 = arith.addf %add3A_2834, %slice3A_2835 : vector<8x256xf32>
    %slice3A_2837 = vector.extract_strided_slice %add3A_2836 {offsets = [0, 0], sizes = [8, 128], strides = [1, 1]} : vector<8x256xf32> to vector<8x128xf32>
    %slice3A_2838 = vector.extract_strided_slice %add3A_2836 {offsets = [0, 128], sizes = [8, 128], strides = [1, 1]} : vector<8x256xf32> to vector<8x128xf32>
    %add3A_2839 = arith.addf %slice3A_2837, %slice3A_2838 : vector<8x128xf32>
    %add3A_2840 = arith.addf %add3A_1984, %add3A_2839 : vector<8x128xf32>
    %slice3A_2841 = vector.extract_strided_slice %select_n3A_2639 {offsets = [0, 0], sizes = [8, 256], strides = [1, 1]} : vector<192x256xf32> to vector<8x256xf32>
    %slice3A_2842 = vector.extract_strided_slice %select_n3A_2639 {offsets = [8, 0], sizes = [8, 256], strides = [1, 1]} : vector<192x256xf32> to vector<8x256xf32>
    %add3A_2843 = arith.addf %slice3A_2841, %slice3A_2842 : vector<8x256xf32>
    %slice3A_2844 = vector.extract_strided_slice %select_n3A_2639 {offsets = [16, 0], sizes = [8, 256], strides = [1, 1]} : vector<192x256xf32> to vector<8x256xf32>
    %add3A_2845 = arith.addf %add3A_2843, %slice3A_2844 : vector<8x256xf32>
    %slice3A_2846 = vector.extract_strided_slice %select_n3A_2639 {offsets = [24, 0], sizes = [8, 256], strides = [1, 1]} : vector<192x256xf32> to vector<8x256xf32>
    %add3A_2847 = arith.addf %add3A_2845, %slice3A_2846 : vector<8x256xf32>
    %slice3A_2848 = vector.extract_strided_slice %select_n3A_2639 {offsets = [32, 0], sizes = [8, 256], strides = [1, 1]} : vector<192x256xf32> to vector<8x256xf32>
    %add3A_2849 = arith.addf %add3A_2847, %slice3A_2848 : vector<8x256xf32>
    %slice3A_2850 = vector.extract_strided_slice %select_n3A_2639 {offsets = [40, 0], sizes = [8, 256], strides = [1, 1]} : vector<192x256xf32> to vector<8x256xf32>
    %add3A_2851 = arith.addf %add3A_2849, %slice3A_2850 : vector<8x256xf32>
    %slice3A_2852 = vector.extract_strided_slice %select_n3A_2639 {offsets = [48, 0], sizes = [8, 256], strides = [1, 1]} : vector<192x256xf32> to vector<8x256xf32>
    %add3A_2853 = arith.addf %add3A_2851, %slice3A_2852 : vector<8x256xf32>
    %slice3A_2854 = vector.extract_strided_slice %select_n3A_2639 {offsets = [56, 0], sizes = [8, 256], strides = [1, 1]} : vector<192x256xf32> to vector<8x256xf32>
    %add3A_2855 = arith.addf %add3A_2853, %slice3A_2854 : vector<8x256xf32>
    %slice3A_2856 = vector.extract_strided_slice %select_n3A_2639 {offsets = [64, 0], sizes = [8, 256], strides = [1, 1]} : vector<192x256xf32> to vector<8x256xf32>
    %add3A_2857 = arith.addf %add3A_2855, %slice3A_2856 : vector<8x256xf32>
    %slice3A_2858 = vector.extract_strided_slice %select_n3A_2639 {offsets = [72, 0], sizes = [8, 256], strides = [1, 1]} : vector<192x256xf32> to vector<8x256xf32>
    %add3A_2859 = arith.addf %add3A_2857, %slice3A_2858 : vector<8x256xf32>
    %slice3A_2860 = vector.extract_strided_slice %select_n3A_2639 {offsets = [80, 0], sizes = [8, 256], strides = [1, 1]} : vector<192x256xf32> to vector<8x256xf32>
    %add3A_2861 = arith.addf %add3A_2859, %slice3A_2860 : vector<8x256xf32>
    %slice3A_2862 = vector.extract_strided_slice %select_n3A_2639 {offsets = [88, 0], sizes = [8, 256], strides = [1, 1]} : vector<192x256xf32> to vector<8x256xf32>
    %add3A_2863 = arith.addf %add3A_2861, %slice3A_2862 : vector<8x256xf32>
    %slice3A_2864 = vector.extract_strided_slice %select_n3A_2639 {offsets = [96, 0], sizes = [8, 256], strides = [1, 1]} : vector<192x256xf32> to vector<8x256xf32>
    %add3A_2865 = arith.addf %add3A_2863, %slice3A_2864 : vector<8x256xf32>
    %slice3A_2866 = vector.extract_strided_slice %select_n3A_2639 {offsets = [104, 0], sizes = [8, 256], strides = [1, 1]} : vector<192x256xf32> to vector<8x256xf32>
    %add3A_2867 = arith.addf %add3A_2865, %slice3A_2866 : vector<8x256xf32>
    %slice3A_2868 = vector.extract_strided_slice %select_n3A_2639 {offsets = [112, 0], sizes = [8, 256], strides = [1, 1]} : vector<192x256xf32> to vector<8x256xf32>
    %add3A_2869 = arith.addf %add3A_2867, %slice3A_2868 : vector<8x256xf32>
    %slice3A_2870 = vector.extract_strided_slice %select_n3A_2639 {offsets = [120, 0], sizes = [8, 256], strides = [1, 1]} : vector<192x256xf32> to vector<8x256xf32>
    %add3A_2871 = arith.addf %add3A_2869, %slice3A_2870 : vector<8x256xf32>
    %slice3A_2872 = vector.extract_strided_slice %select_n3A_2639 {offsets = [128, 0], sizes = [8, 256], strides = [1, 1]} : vector<192x256xf32> to vector<8x256xf32>
    %add3A_2873 = arith.addf %add3A_2871, %slice3A_2872 : vector<8x256xf32>
    %slice3A_2874 = vector.extract_strided_slice %select_n3A_2639 {offsets = [136, 0], sizes = [8, 256], strides = [1, 1]} : vector<192x256xf32> to vector<8x256xf32>
    %add3A_2875 = arith.addf %add3A_2873, %slice3A_2874 : vector<8x256xf32>
    %slice3A_2876 = vector.extract_strided_slice %select_n3A_2639 {offsets = [144, 0], sizes = [8, 256], strides = [1, 1]} : vector<192x256xf32> to vector<8x256xf32>
    %add3A_2877 = arith.addf %add3A_2875, %slice3A_2876 : vector<8x256xf32>
    %slice3A_2878 = vector.extract_strided_slice %select_n3A_2639 {offsets = [152, 0], sizes = [8, 256], strides = [1, 1]} : vector<192x256xf32> to vector<8x256xf32>
    %add3A_2879 = arith.addf %add3A_2877, %slice3A_2878 : vector<8x256xf32>
    %slice3A_2880 = vector.extract_strided_slice %select_n3A_2639 {offsets = [160, 0], sizes = [8, 256], strides = [1, 1]} : vector<192x256xf32> to vector<8x256xf32>
    %add3A_2881 = arith.addf %add3A_2879, %slice3A_2880 : vector<8x256xf32>
    %slice3A_2882 = vector.extract_strided_slice %select_n3A_2639 {offsets = [168, 0], sizes = [8, 256], strides = [1, 1]} : vector<192x256xf32> to vector<8x256xf32>
    %add3A_2883 = arith.addf %add3A_2881, %slice3A_2882 : vector<8x256xf32>
    %slice3A_2884 = vector.extract_strided_slice %select_n3A_2639 {offsets = [176, 0], sizes = [8, 256], strides = [1, 1]} : vector<192x256xf32> to vector<8x256xf32>
    %add3A_2885 = arith.addf %add3A_2883, %slice3A_2884 : vector<8x256xf32>
    %slice3A_2886 = vector.extract_strided_slice %select_n3A_2639 {offsets = [184, 0], sizes = [8, 256], strides = [1, 1]} : vector<192x256xf32> to vector<8x256xf32>
    %add3A_2887 = arith.addf %add3A_2885, %slice3A_2886 : vector<8x256xf32>
    %slice3A_2888 = vector.extract_strided_slice %add3A_2887 {offsets = [0, 0], sizes = [8, 128], strides = [1, 1]} : vector<8x256xf32> to vector<8x128xf32>
    %slice3A_2889 = vector.extract_strided_slice %add3A_2887 {offsets = [0, 128], sizes = [8, 128], strides = [1, 1]} : vector<8x256xf32> to vector<8x128xf32>
    %add3A_2890 = arith.addf %slice3A_2888, %slice3A_2889 : vector<8x128xf32>
    %add3A_2891 = arith.addf %add3A_2035, %add3A_2890 : vector<8x128xf32>
    %slice3A_2892 = vector.extract_strided_slice %select_n3A_2652 {offsets = [0, 0], sizes = [8, 256], strides = [1, 1]} : vector<192x256xf32> to vector<8x256xf32>
    %slice3A_2893 = vector.extract_strided_slice %select_n3A_2652 {offsets = [8, 0], sizes = [8, 256], strides = [1, 1]} : vector<192x256xf32> to vector<8x256xf32>
    %add3A_2894 = arith.addf %slice3A_2892, %slice3A_2893 : vector<8x256xf32>
    %slice3A_2895 = vector.extract_strided_slice %select_n3A_2652 {offsets = [16, 0], sizes = [8, 256], strides = [1, 1]} : vector<192x256xf32> to vector<8x256xf32>
    %add3A_2896 = arith.addf %add3A_2894, %slice3A_2895 : vector<8x256xf32>
    %slice3A_2897 = vector.extract_strided_slice %select_n3A_2652 {offsets = [24, 0], sizes = [8, 256], strides = [1, 1]} : vector<192x256xf32> to vector<8x256xf32>
    %add3A_2898 = arith.addf %add3A_2896, %slice3A_2897 : vector<8x256xf32>
    %slice3A_2899 = vector.extract_strided_slice %select_n3A_2652 {offsets = [32, 0], sizes = [8, 256], strides = [1, 1]} : vector<192x256xf32> to vector<8x256xf32>
    %add3A_2900 = arith.addf %add3A_2898, %slice3A_2899 : vector<8x256xf32>
    %slice3A_2901 = vector.extract_strided_slice %select_n3A_2652 {offsets = [40, 0], sizes = [8, 256], strides = [1, 1]} : vector<192x256xf32> to vector<8x256xf32>
    %add3A_2902 = arith.addf %add3A_2900, %slice3A_2901 : vector<8x256xf32>
    %slice3A_2903 = vector.extract_strided_slice %select_n3A_2652 {offsets = [48, 0], sizes = [8, 256], strides = [1, 1]} : vector<192x256xf32> to vector<8x256xf32>
    %add3A_2904 = arith.addf %add3A_2902, %slice3A_2903 : vector<8x256xf32>
    %slice3A_2905 = vector.extract_strided_slice %select_n3A_2652 {offsets = [56, 0], sizes = [8, 256], strides = [1, 1]} : vector<192x256xf32> to vector<8x256xf32>
    %add3A_2906 = arith.addf %add3A_2904, %slice3A_2905 : vector<8x256xf32>
    %slice3A_2907 = vector.extract_strided_slice %select_n3A_2652 {offsets = [64, 0], sizes = [8, 256], strides = [1, 1]} : vector<192x256xf32> to vector<8x256xf32>
    %add3A_2908 = arith.addf %add3A_2906, %slice3A_2907 : vector<8x256xf32>
    %slice3A_2909 = vector.extract_strided_slice %select_n3A_2652 {offsets = [72, 0], sizes = [8, 256], strides = [1, 1]} : vector<192x256xf32> to vector<8x256xf32>
    %add3A_2910 = arith.addf %add3A_2908, %slice3A_2909 : vector<8x256xf32>
    %slice3A_2911 = vector.extract_strided_slice %select_n3A_2652 {offsets = [80, 0], sizes = [8, 256], strides = [1, 1]} : vector<192x256xf32> to vector<8x256xf32>
    %add3A_2912 = arith.addf %add3A_2910, %slice3A_2911 : vector<8x256xf32>
    %slice3A_2913 = vector.extract_strided_slice %select_n3A_2652 {offsets = [88, 0], sizes = [8, 256], strides = [1, 1]} : vector<192x256xf32> to vector<8x256xf32>
    %add3A_2914 = arith.addf %add3A_2912, %slice3A_2913 : vector<8x256xf32>
    %slice3A_2915 = vector.extract_strided_slice %select_n3A_2652 {offsets = [96, 0], sizes = [8, 256], strides = [1, 1]} : vector<192x256xf32> to vector<8x256xf32>
    %add3A_2916 = arith.addf %add3A_2914, %slice3A_2915 : vector<8x256xf32>
    %slice3A_2917 = vector.extract_strided_slice %select_n3A_2652 {offsets = [104, 0], sizes = [8, 256], strides = [1, 1]} : vector<192x256xf32> to vector<8x256xf32>
    %add3A_2918 = arith.addf %add3A_2916, %slice3A_2917 : vector<8x256xf32>
    %slice3A_2919 = vector.extract_strided_slice %select_n3A_2652 {offsets = [112, 0], sizes = [8, 256], strides = [1, 1]} : vector<192x256xf32> to vector<8x256xf32>
    %add3A_2920 = arith.addf %add3A_2918, %slice3A_2919 : vector<8x256xf32>
    %slice3A_2921 = vector.extract_strided_slice %select_n3A_2652 {offsets = [120, 0], sizes = [8, 256], strides = [1, 1]} : vector<192x256xf32> to vector<8x256xf32>
    %add3A_2922 = arith.addf %add3A_2920, %slice3A_2921 : vector<8x256xf32>
    %slice3A_2923 = vector.extract_strided_slice %select_n3A_2652 {offsets = [128, 0], sizes = [8, 256], strides = [1, 1]} : vector<192x256xf32> to vector<8x256xf32>
    %add3A_2924 = arith.addf %add3A_2922, %slice3A_2923 : vector<8x256xf32>
    %slice3A_2925 = vector.extract_strided_slice %select_n3A_2652 {offsets = [136, 0], sizes = [8, 256], strides = [1, 1]} : vector<192x256xf32> to vector<8x256xf32>
    %add3A_2926 = arith.addf %add3A_2924, %slice3A_2925 : vector<8x256xf32>
    %slice3A_2927 = vector.extract_strided_slice %select_n3A_2652 {offsets = [144, 0], sizes = [8, 256], strides = [1, 1]} : vector<192x256xf32> to vector<8x256xf32>
    %add3A_2928 = arith.addf %add3A_2926, %slice3A_2927 : vector<8x256xf32>
    %slice3A_2929 = vector.extract_strided_slice %select_n3A_2652 {offsets = [152, 0], sizes = [8, 256], strides = [1, 1]} : vector<192x256xf32> to vector<8x256xf32>
    %add3A_2930 = arith.addf %add3A_2928, %slice3A_2929 : vector<8x256xf32>
    %slice3A_2931 = vector.extract_strided_slice %select_n3A_2652 {offsets = [160, 0], sizes = [8, 256], strides = [1, 1]} : vector<192x256xf32> to vector<8x256xf32>
    %add3A_2932 = arith.addf %add3A_2930, %slice3A_2931 : vector<8x256xf32>
    %slice3A_2933 = vector.extract_strided_slice %select_n3A_2652 {offsets = [168, 0], sizes = [8, 256], strides = [1, 1]} : vector<192x256xf32> to vector<8x256xf32>
    %add3A_2934 = arith.addf %add3A_2932, %slice3A_2933 : vector<8x256xf32>
    %slice3A_2935 = vector.extract_strided_slice %select_n3A_2652 {offsets = [176, 0], sizes = [8, 256], strides = [1, 1]} : vector<192x256xf32> to vector<8x256xf32>
    %add3A_2936 = arith.addf %add3A_2934, %slice3A_2935 : vector<8x256xf32>
    %slice3A_2937 = vector.extract_strided_slice %select_n3A_2652 {offsets = [184, 0], sizes = [8, 256], strides = [1, 1]} : vector<192x256xf32> to vector<8x256xf32>
    %add3A_2938 = arith.addf %add3A_2936, %slice3A_2937 : vector<8x256xf32>
    %slice3A_2939 = vector.extract_strided_slice %add3A_2938 {offsets = [0, 0], sizes = [8, 128], strides = [1, 1]} : vector<8x256xf32> to vector<8x128xf32>
    %slice3A_2940 = vector.extract_strided_slice %add3A_2938 {offsets = [0, 128], sizes = [8, 128], strides = [1, 1]} : vector<8x256xf32> to vector<8x128xf32>
    %add3A_2941 = arith.addf %slice3A_2939, %slice3A_2940 : vector<8x128xf32>
    %add3A_2942 = arith.addf %add3A_2086, %add3A_2941 : vector<8x128xf32>
    %slice3A_2943 = vector.extract_strided_slice %get3A_2659 {offsets = [0, 0], sizes = [8, 256], strides = [1, 1]} : vector<192x256xf32> to vector<8x256xf32>
    %slice3A_2944 = vector.extract_strided_slice %get3A_2659 {offsets = [8, 0], sizes = [8, 256], strides = [1, 1]} : vector<192x256xf32> to vector<8x256xf32>
    %add3A_2945 = arith.addf %slice3A_2943, %slice3A_2944 : vector<8x256xf32>
    %slice3A_2946 = vector.extract_strided_slice %get3A_2659 {offsets = [16, 0], sizes = [8, 256], strides = [1, 1]} : vector<192x256xf32> to vector<8x256xf32>
    %add3A_2947 = arith.addf %add3A_2945, %slice3A_2946 : vector<8x256xf32>
    %slice3A_2948 = vector.extract_strided_slice %get3A_2659 {offsets = [24, 0], sizes = [8, 256], strides = [1, 1]} : vector<192x256xf32> to vector<8x256xf32>
    %add3A_2949 = arith.addf %add3A_2947, %slice3A_2948 : vector<8x256xf32>
    %slice3A_2950 = vector.extract_strided_slice %get3A_2659 {offsets = [32, 0], sizes = [8, 256], strides = [1, 1]} : vector<192x256xf32> to vector<8x256xf32>
    %add3A_2951 = arith.addf %add3A_2949, %slice3A_2950 : vector<8x256xf32>
    %slice3A_2952 = vector.extract_strided_slice %get3A_2659 {offsets = [40, 0], sizes = [8, 256], strides = [1, 1]} : vector<192x256xf32> to vector<8x256xf32>
    %add3A_2953 = arith.addf %add3A_2951, %slice3A_2952 : vector<8x256xf32>
    %slice3A_2954 = vector.extract_strided_slice %get3A_2659 {offsets = [48, 0], sizes = [8, 256], strides = [1, 1]} : vector<192x256xf32> to vector<8x256xf32>
    %add3A_2955 = arith.addf %add3A_2953, %slice3A_2954 : vector<8x256xf32>
    %slice3A_2956 = vector.extract_strided_slice %get3A_2659 {offsets = [56, 0], sizes = [8, 256], strides = [1, 1]} : vector<192x256xf32> to vector<8x256xf32>
    %add3A_2957 = arith.addf %add3A_2955, %slice3A_2956 : vector<8x256xf32>
    %slice3A_2958 = vector.extract_strided_slice %get3A_2659 {offsets = [64, 0], sizes = [8, 256], strides = [1, 1]} : vector<192x256xf32> to vector<8x256xf32>
    %add3A_2959 = arith.addf %add3A_2957, %slice3A_2958 : vector<8x256xf32>
    %slice3A_2960 = vector.extract_strided_slice %get3A_2659 {offsets = [72, 0], sizes = [8, 256], strides = [1, 1]} : vector<192x256xf32> to vector<8x256xf32>
    %add3A_2961 = arith.addf %add3A_2959, %slice3A_2960 : vector<8x256xf32>
    %slice3A_2962 = vector.extract_strided_slice %get3A_2659 {offsets = [80, 0], sizes = [8, 256], strides = [1, 1]} : vector<192x256xf32> to vector<8x256xf32>
    %add3A_2963 = arith.addf %add3A_2961, %slice3A_2962 : vector<8x256xf32>
    %slice3A_2964 = vector.extract_strided_slice %get3A_2659 {offsets = [88, 0], sizes = [8, 256], strides = [1, 1]} : vector<192x256xf32> to vector<8x256xf32>
    %add3A_2965 = arith.addf %add3A_2963, %slice3A_2964 : vector<8x256xf32>
    %slice3A_2966 = vector.extract_strided_slice %get3A_2659 {offsets = [96, 0], sizes = [8, 256], strides = [1, 1]} : vector<192x256xf32> to vector<8x256xf32>
    %add3A_2967 = arith.addf %add3A_2965, %slice3A_2966 : vector<8x256xf32>
    %slice3A_2968 = vector.extract_strided_slice %get3A_2659 {offsets = [104, 0], sizes = [8, 256], strides = [1, 1]} : vector<192x256xf32> to vector<8x256xf32>
    %add3A_2969 = arith.addf %add3A_2967, %slice3A_2968 : vector<8x256xf32>
    %slice3A_2970 = vector.extract_strided_slice %get3A_2659 {offsets = [112, 0], sizes = [8, 256], strides = [1, 1]} : vector<192x256xf32> to vector<8x256xf32>
    %add3A_2971 = arith.addf %add3A_2969, %slice3A_2970 : vector<8x256xf32>
    %slice3A_2972 = vector.extract_strided_slice %get3A_2659 {offsets = [120, 0], sizes = [8, 256], strides = [1, 1]} : vector<192x256xf32> to vector<8x256xf32>
    %add3A_2973 = arith.addf %add3A_2971, %slice3A_2972 : vector<8x256xf32>
    %slice3A_2974 = vector.extract_strided_slice %get3A_2659 {offsets = [128, 0], sizes = [8, 256], strides = [1, 1]} : vector<192x256xf32> to vector<8x256xf32>
    %add3A_2975 = arith.addf %add3A_2973, %slice3A_2974 : vector<8x256xf32>
    %slice3A_2976 = vector.extract_strided_slice %get3A_2659 {offsets = [136, 0], sizes = [8, 256], strides = [1, 1]} : vector<192x256xf32> to vector<8x256xf32>
    %add3A_2977 = arith.addf %add3A_2975, %slice3A_2976 : vector<8x256xf32>
    %slice3A_2978 = vector.extract_strided_slice %get3A_2659 {offsets = [144, 0], sizes = [8, 256], strides = [1, 1]} : vector<192x256xf32> to vector<8x256xf32>
    %add3A_2979 = arith.addf %add3A_2977, %slice3A_2978 : vector<8x256xf32>
    %slice3A_2980 = vector.extract_strided_slice %get3A_2659 {offsets = [152, 0], sizes = [8, 256], strides = [1, 1]} : vector<192x256xf32> to vector<8x256xf32>
    %add3A_2981 = arith.addf %add3A_2979, %slice3A_2980 : vector<8x256xf32>
    %slice3A_2982 = vector.extract_strided_slice %get3A_2659 {offsets = [160, 0], sizes = [8, 256], strides = [1, 1]} : vector<192x256xf32> to vector<8x256xf32>
    %add3A_2983 = arith.addf %add3A_2981, %slice3A_2982 : vector<8x256xf32>
    %slice3A_2984 = vector.extract_strided_slice %get3A_2659 {offsets = [168, 0], sizes = [8, 256], strides = [1, 1]} : vector<192x256xf32> to vector<8x256xf32>
    %add3A_2985 = arith.addf %add3A_2983, %slice3A_2984 : vector<8x256xf32>
    %slice3A_2986 = vector.extract_strided_slice %get3A_2659 {offsets = [176, 0], sizes = [8, 256], strides = [1, 1]} : vector<192x256xf32> to vector<8x256xf32>
    %add3A_2987 = arith.addf %add3A_2985, %slice3A_2986 : vector<8x256xf32>
    %slice3A_2988 = vector.extract_strided_slice %get3A_2659 {offsets = [184, 0], sizes = [8, 256], strides = [1, 1]} : vector<192x256xf32> to vector<8x256xf32>
    %add3A_2989 = arith.addf %add3A_2987, %slice3A_2988 : vector<8x256xf32>
    %slice3A_2990 = vector.extract_strided_slice %add3A_2989 {offsets = [0, 0], sizes = [8, 128], strides = [1, 1]} : vector<8x256xf32> to vector<8x128xf32>
    %slice3A_2991 = vector.extract_strided_slice %add3A_2989 {offsets = [0, 128], sizes = [8, 128], strides = [1, 1]} : vector<8x256xf32> to vector<8x128xf32>
    %add3A_2992 = arith.addf %slice3A_2990, %slice3A_2991 : vector<8x128xf32>
    %add3A_2993 = arith.addf %add3A_2137, %add3A_2992 : vector<8x128xf32>
    %slice3A_2994 = vector.extract_strided_slice %get3A_2666 {offsets = [0, 0], sizes = [8, 256], strides = [1, 1]} : vector<192x256xf32> to vector<8x256xf32>
    %slice3A_2995 = vector.extract_strided_slice %get3A_2666 {offsets = [8, 0], sizes = [8, 256], strides = [1, 1]} : vector<192x256xf32> to vector<8x256xf32>
    %add3A_2996 = arith.addf %slice3A_2994, %slice3A_2995 : vector<8x256xf32>
    %slice3A_2997 = vector.extract_strided_slice %get3A_2666 {offsets = [16, 0], sizes = [8, 256], strides = [1, 1]} : vector<192x256xf32> to vector<8x256xf32>
    %add3A_2998 = arith.addf %add3A_2996, %slice3A_2997 : vector<8x256xf32>
    %slice3A_2999 = vector.extract_strided_slice %get3A_2666 {offsets = [24, 0], sizes = [8, 256], strides = [1, 1]} : vector<192x256xf32> to vector<8x256xf32>
    %add3A_3000 = arith.addf %add3A_2998, %slice3A_2999 : vector<8x256xf32>
    %slice3A_3001 = vector.extract_strided_slice %get3A_2666 {offsets = [32, 0], sizes = [8, 256], strides = [1, 1]} : vector<192x256xf32> to vector<8x256xf32>
    %add3A_3002 = arith.addf %add3A_3000, %slice3A_3001 : vector<8x256xf32>
    %slice3A_3003 = vector.extract_strided_slice %get3A_2666 {offsets = [40, 0], sizes = [8, 256], strides = [1, 1]} : vector<192x256xf32> to vector<8x256xf32>
    %add3A_3004 = arith.addf %add3A_3002, %slice3A_3003 : vector<8x256xf32>
    %slice3A_3005 = vector.extract_strided_slice %get3A_2666 {offsets = [48, 0], sizes = [8, 256], strides = [1, 1]} : vector<192x256xf32> to vector<8x256xf32>
    %add3A_3006 = arith.addf %add3A_3004, %slice3A_3005 : vector<8x256xf32>
    %slice3A_3007 = vector.extract_strided_slice %get3A_2666 {offsets = [56, 0], sizes = [8, 256], strides = [1, 1]} : vector<192x256xf32> to vector<8x256xf32>
    %add3A_3008 = arith.addf %add3A_3006, %slice3A_3007 : vector<8x256xf32>
    %slice3A_3009 = vector.extract_strided_slice %get3A_2666 {offsets = [64, 0], sizes = [8, 256], strides = [1, 1]} : vector<192x256xf32> to vector<8x256xf32>
    %add3A_3010 = arith.addf %add3A_3008, %slice3A_3009 : vector<8x256xf32>
    %slice3A_3011 = vector.extract_strided_slice %get3A_2666 {offsets = [72, 0], sizes = [8, 256], strides = [1, 1]} : vector<192x256xf32> to vector<8x256xf32>
    %add3A_3012 = arith.addf %add3A_3010, %slice3A_3011 : vector<8x256xf32>
    %slice3A_3013 = vector.extract_strided_slice %get3A_2666 {offsets = [80, 0], sizes = [8, 256], strides = [1, 1]} : vector<192x256xf32> to vector<8x256xf32>
    %add3A_3014 = arith.addf %add3A_3012, %slice3A_3013 : vector<8x256xf32>
    %slice3A_3015 = vector.extract_strided_slice %get3A_2666 {offsets = [88, 0], sizes = [8, 256], strides = [1, 1]} : vector<192x256xf32> to vector<8x256xf32>
    %add3A_3016 = arith.addf %add3A_3014, %slice3A_3015 : vector<8x256xf32>
    %slice3A_3017 = vector.extract_strided_slice %get3A_2666 {offsets = [96, 0], sizes = [8, 256], strides = [1, 1]} : vector<192x256xf32> to vector<8x256xf32>
    %add3A_3018 = arith.addf %add3A_3016, %slice3A_3017 : vector<8x256xf32>
    %slice3A_3019 = vector.extract_strided_slice %get3A_2666 {offsets = [104, 0], sizes = [8, 256], strides = [1, 1]} : vector<192x256xf32> to vector<8x256xf32>
    %add3A_3020 = arith.addf %add3A_3018, %slice3A_3019 : vector<8x256xf32>
    %slice3A_3021 = vector.extract_strided_slice %get3A_2666 {offsets = [112, 0], sizes = [8, 256], strides = [1, 1]} : vector<192x256xf32> to vector<8x256xf32>
    %add3A_3022 = arith.addf %add3A_3020, %slice3A_3021 : vector<8x256xf32>
    %slice3A_3023 = vector.extract_strided_slice %get3A_2666 {offsets = [120, 0], sizes = [8, 256], strides = [1, 1]} : vector<192x256xf32> to vector<8x256xf32>
    %add3A_3024 = arith.addf %add3A_3022, %slice3A_3023 : vector<8x256xf32>
    %slice3A_3025 = vector.extract_strided_slice %get3A_2666 {offsets = [128, 0], sizes = [8, 256], strides = [1, 1]} : vector<192x256xf32> to vector<8x256xf32>
    %add3A_3026 = arith.addf %add3A_3024, %slice3A_3025 : vector<8x256xf32>
    %slice3A_3027 = vector.extract_strided_slice %get3A_2666 {offsets = [136, 0], sizes = [8, 256], strides = [1, 1]} : vector<192x256xf32> to vector<8x256xf32>
    %add3A_3028 = arith.addf %add3A_3026, %slice3A_3027 : vector<8x256xf32>
    %slice3A_3029 = vector.extract_strided_slice %get3A_2666 {offsets = [144, 0], sizes = [8, 256], strides = [1, 1]} : vector<192x256xf32> to vector<8x256xf32>
    %add3A_3030 = arith.addf %add3A_3028, %slice3A_3029 : vector<8x256xf32>
    %slice3A_3031 = vector.extract_strided_slice %get3A_2666 {offsets = [152, 0], sizes = [8, 256], strides = [1, 1]} : vector<192x256xf32> to vector<8x256xf32>
    %add3A_3032 = arith.addf %add3A_3030, %slice3A_3031 : vector<8x256xf32>
    %slice3A_3033 = vector.extract_strided_slice %get3A_2666 {offsets = [160, 0], sizes = [8, 256], strides = [1, 1]} : vector<192x256xf32> to vector<8x256xf32>
    %add3A_3034 = arith.addf %add3A_3032, %slice3A_3033 : vector<8x256xf32>
    %slice3A_3035 = vector.extract_strided_slice %get3A_2666 {offsets = [168, 0], sizes = [8, 256], strides = [1, 1]} : vector<192x256xf32> to vector<8x256xf32>
    %add3A_3036 = arith.addf %add3A_3034, %slice3A_3035 : vector<8x256xf32>
    %slice3A_3037 = vector.extract_strided_slice %get3A_2666 {offsets = [176, 0], sizes = [8, 256], strides = [1, 1]} : vector<192x256xf32> to vector<8x256xf32>
    %add3A_3038 = arith.addf %add3A_3036, %slice3A_3037 : vector<8x256xf32>
    %slice3A_3039 = vector.extract_strided_slice %get3A_2666 {offsets = [184, 0], sizes = [8, 256], strides = [1, 1]} : vector<192x256xf32> to vector<8x256xf32>
    %add3A_3040 = arith.addf %add3A_3038, %slice3A_3039 : vector<8x256xf32>
    %slice3A_3041 = vector.extract_strided_slice %add3A_3040 {offsets = [0, 0], sizes = [8, 128], strides = [1, 1]} : vector<8x256xf32> to vector<8x128xf32>
    %slice3A_3042 = vector.extract_strided_slice %add3A_3040 {offsets = [0, 128], sizes = [8, 128], strides = [1, 1]} : vector<8x256xf32> to vector<8x128xf32>
    %add3A_3043 = arith.addf %slice3A_3041, %slice3A_3042 : vector<8x128xf32>
    %add3A_3044 = arith.addf %add3A_2188, %add3A_3043 : vector<8x128xf32>
    %slice3A_3045 = vector.extract_strided_slice %get3A_2673 {offsets = [0, 0], sizes = [8, 256], strides = [1, 1]} : vector<192x256xf32> to vector<8x256xf32>
    %slice3A_3046 = vector.extract_strided_slice %get3A_2673 {offsets = [8, 0], sizes = [8, 256], strides = [1, 1]} : vector<192x256xf32> to vector<8x256xf32>
    %add3A_3047 = arith.addf %slice3A_3045, %slice3A_3046 : vector<8x256xf32>
    %slice3A_3048 = vector.extract_strided_slice %get3A_2673 {offsets = [16, 0], sizes = [8, 256], strides = [1, 1]} : vector<192x256xf32> to vector<8x256xf32>
    %add3A_3049 = arith.addf %add3A_3047, %slice3A_3048 : vector<8x256xf32>
    %slice3A_3050 = vector.extract_strided_slice %get3A_2673 {offsets = [24, 0], sizes = [8, 256], strides = [1, 1]} : vector<192x256xf32> to vector<8x256xf32>
    %add3A_3051 = arith.addf %add3A_3049, %slice3A_3050 : vector<8x256xf32>
    %slice3A_3052 = vector.extract_strided_slice %get3A_2673 {offsets = [32, 0], sizes = [8, 256], strides = [1, 1]} : vector<192x256xf32> to vector<8x256xf32>
    %add3A_3053 = arith.addf %add3A_3051, %slice3A_3052 : vector<8x256xf32>
    %slice3A_3054 = vector.extract_strided_slice %get3A_2673 {offsets = [40, 0], sizes = [8, 256], strides = [1, 1]} : vector<192x256xf32> to vector<8x256xf32>
    %add3A_3055 = arith.addf %add3A_3053, %slice3A_3054 : vector<8x256xf32>
    %slice3A_3056 = vector.extract_strided_slice %get3A_2673 {offsets = [48, 0], sizes = [8, 256], strides = [1, 1]} : vector<192x256xf32> to vector<8x256xf32>
    %add3A_3057 = arith.addf %add3A_3055, %slice3A_3056 : vector<8x256xf32>
    %slice3A_3058 = vector.extract_strided_slice %get3A_2673 {offsets = [56, 0], sizes = [8, 256], strides = [1, 1]} : vector<192x256xf32> to vector<8x256xf32>
    %add3A_3059 = arith.addf %add3A_3057, %slice3A_3058 : vector<8x256xf32>
    %slice3A_3060 = vector.extract_strided_slice %get3A_2673 {offsets = [64, 0], sizes = [8, 256], strides = [1, 1]} : vector<192x256xf32> to vector<8x256xf32>
    %add3A_3061 = arith.addf %add3A_3059, %slice3A_3060 : vector<8x256xf32>
    %slice3A_3062 = vector.extract_strided_slice %get3A_2673 {offsets = [72, 0], sizes = [8, 256], strides = [1, 1]} : vector<192x256xf32> to vector<8x256xf32>
    %add3A_3063 = arith.addf %add3A_3061, %slice3A_3062 : vector<8x256xf32>
    %slice3A_3064 = vector.extract_strided_slice %get3A_2673 {offsets = [80, 0], sizes = [8, 256], strides = [1, 1]} : vector<192x256xf32> to vector<8x256xf32>
    %add3A_3065 = arith.addf %add3A_3063, %slice3A_3064 : vector<8x256xf32>
    %slice3A_3066 = vector.extract_strided_slice %get3A_2673 {offsets = [88, 0], sizes = [8, 256], strides = [1, 1]} : vector<192x256xf32> to vector<8x256xf32>
    %add3A_3067 = arith.addf %add3A_3065, %slice3A_3066 : vector<8x256xf32>
    %slice3A_3068 = vector.extract_strided_slice %get3A_2673 {offsets = [96, 0], sizes = [8, 256], strides = [1, 1]} : vector<192x256xf32> to vector<8x256xf32>
    %add3A_3069 = arith.addf %add3A_3067, %slice3A_3068 : vector<8x256xf32>
    %slice3A_3070 = vector.extract_strided_slice %get3A_2673 {offsets = [104, 0], sizes = [8, 256], strides = [1, 1]} : vector<192x256xf32> to vector<8x256xf32>
    %add3A_3071 = arith.addf %add3A_3069, %slice3A_3070 : vector<8x256xf32>
    %slice3A_3072 = vector.extract_strided_slice %get3A_2673 {offsets = [112, 0], sizes = [8, 256], strides = [1, 1]} : vector<192x256xf32> to vector<8x256xf32>
    %add3A_3073 = arith.addf %add3A_3071, %slice3A_3072 : vector<8x256xf32>
    %slice3A_3074 = vector.extract_strided_slice %get3A_2673 {offsets = [120, 0], sizes = [8, 256], strides = [1, 1]} : vector<192x256xf32> to vector<8x256xf32>
    %add3A_3075 = arith.addf %add3A_3073, %slice3A_3074 : vector<8x256xf32>
    %slice3A_3076 = vector.extract_strided_slice %get3A_2673 {offsets = [128, 0], sizes = [8, 256], strides = [1, 1]} : vector<192x256xf32> to vector<8x256xf32>
    %add3A_3077 = arith.addf %add3A_3075, %slice3A_3076 : vector<8x256xf32>
    %slice3A_3078 = vector.extract_strided_slice %get3A_2673 {offsets = [136, 0], sizes = [8, 256], strides = [1, 1]} : vector<192x256xf32> to vector<8x256xf32>
    %add3A_3079 = arith.addf %add3A_3077, %slice3A_3078 : vector<8x256xf32>
    %slice3A_3080 = vector.extract_strided_slice %get3A_2673 {offsets = [144, 0], sizes = [8, 256], strides = [1, 1]} : vector<192x256xf32> to vector<8x256xf32>
    %add3A_3081 = arith.addf %add3A_3079, %slice3A_3080 : vector<8x256xf32>
    %slice3A_3082 = vector.extract_strided_slice %get3A_2673 {offsets = [152, 0], sizes = [8, 256], strides = [1, 1]} : vector<192x256xf32> to vector<8x256xf32>
    %add3A_3083 = arith.addf %add3A_3081, %slice3A_3082 : vector<8x256xf32>
    %slice3A_3084 = vector.extract_strided_slice %get3A_2673 {offsets = [160, 0], sizes = [8, 256], strides = [1, 1]} : vector<192x256xf32> to vector<8x256xf32>
    %add3A_3085 = arith.addf %add3A_3083, %slice3A_3084 : vector<8x256xf32>
    %slice3A_3086 = vector.extract_strided_slice %get3A_2673 {offsets = [168, 0], sizes = [8, 256], strides = [1, 1]} : vector<192x256xf32> to vector<8x256xf32>
    %add3A_3087 = arith.addf %add3A_3085, %slice3A_3086 : vector<8x256xf32>
    %slice3A_3088 = vector.extract_strided_slice %get3A_2673 {offsets = [176, 0], sizes = [8, 256], strides = [1, 1]} : vector<192x256xf32> to vector<8x256xf32>
    %add3A_3089 = arith.addf %add3A_3087, %slice3A_3088 : vector<8x256xf32>
    %slice3A_3090 = vector.extract_strided_slice %get3A_2673 {offsets = [184, 0], sizes = [8, 256], strides = [1, 1]} : vector<192x256xf32> to vector<8x256xf32>
    %add3A_3091 = arith.addf %add3A_3089, %slice3A_3090 : vector<8x256xf32>
    %slice3A_3092 = vector.extract_strided_slice %add3A_3091 {offsets = [0, 0], sizes = [8, 128], strides = [1, 1]} : vector<8x256xf32> to vector<8x128xf32>
    %slice3A_3093 = vector.extract_strided_slice %add3A_3091 {offsets = [0, 128], sizes = [8, 128], strides = [1, 1]} : vector<8x256xf32> to vector<8x128xf32>
    %add3A_3094 = arith.addf %slice3A_3092, %slice3A_3093 : vector<8x128xf32>
    %add3A_3095 = arith.addf %add3A_2239, %add3A_3094 : vector<8x128xf32>
    %slice3A_3096 = vector.extract_strided_slice %get3A_2680 {offsets = [0, 0], sizes = [8, 256], strides = [1, 1]} : vector<192x256xf32> to vector<8x256xf32>
    %slice3A_3097 = vector.extract_strided_slice %get3A_2680 {offsets = [8, 0], sizes = [8, 256], strides = [1, 1]} : vector<192x256xf32> to vector<8x256xf32>
    %add3A_3098 = arith.addf %slice3A_3096, %slice3A_3097 : vector<8x256xf32>
    %slice3A_3099 = vector.extract_strided_slice %get3A_2680 {offsets = [16, 0], sizes = [8, 256], strides = [1, 1]} : vector<192x256xf32> to vector<8x256xf32>
    %add3A_3100 = arith.addf %add3A_3098, %slice3A_3099 : vector<8x256xf32>
    %slice3A_3101 = vector.extract_strided_slice %get3A_2680 {offsets = [24, 0], sizes = [8, 256], strides = [1, 1]} : vector<192x256xf32> to vector<8x256xf32>
    %add3A_3102 = arith.addf %add3A_3100, %slice3A_3101 : vector<8x256xf32>
    %slice3A_3103 = vector.extract_strided_slice %get3A_2680 {offsets = [32, 0], sizes = [8, 256], strides = [1, 1]} : vector<192x256xf32> to vector<8x256xf32>
    %add3A_3104 = arith.addf %add3A_3102, %slice3A_3103 : vector<8x256xf32>
    %slice3A_3105 = vector.extract_strided_slice %get3A_2680 {offsets = [40, 0], sizes = [8, 256], strides = [1, 1]} : vector<192x256xf32> to vector<8x256xf32>
    %add3A_3106 = arith.addf %add3A_3104, %slice3A_3105 : vector<8x256xf32>
    %slice3A_3107 = vector.extract_strided_slice %get3A_2680 {offsets = [48, 0], sizes = [8, 256], strides = [1, 1]} : vector<192x256xf32> to vector<8x256xf32>
    %add3A_3108 = arith.addf %add3A_3106, %slice3A_3107 : vector<8x256xf32>
    %slice3A_3109 = vector.extract_strided_slice %get3A_2680 {offsets = [56, 0], sizes = [8, 256], strides = [1, 1]} : vector<192x256xf32> to vector<8x256xf32>
    %add3A_3110 = arith.addf %add3A_3108, %slice3A_3109 : vector<8x256xf32>
    %slice3A_3111 = vector.extract_strided_slice %get3A_2680 {offsets = [64, 0], sizes = [8, 256], strides = [1, 1]} : vector<192x256xf32> to vector<8x256xf32>
    %add3A_3112 = arith.addf %add3A_3110, %slice3A_3111 : vector<8x256xf32>
    %slice3A_3113 = vector.extract_strided_slice %get3A_2680 {offsets = [72, 0], sizes = [8, 256], strides = [1, 1]} : vector<192x256xf32> to vector<8x256xf32>
    %add3A_3114 = arith.addf %add3A_3112, %slice3A_3113 : vector<8x256xf32>
    %slice3A_3115 = vector.extract_strided_slice %get3A_2680 {offsets = [80, 0], sizes = [8, 256], strides = [1, 1]} : vector<192x256xf32> to vector<8x256xf32>
    %add3A_3116 = arith.addf %add3A_3114, %slice3A_3115 : vector<8x256xf32>
    %slice3A_3117 = vector.extract_strided_slice %get3A_2680 {offsets = [88, 0], sizes = [8, 256], strides = [1, 1]} : vector<192x256xf32> to vector<8x256xf32>
    %add3A_3118 = arith.addf %add3A_3116, %slice3A_3117 : vector<8x256xf32>
    %slice3A_3119 = vector.extract_strided_slice %get3A_2680 {offsets = [96, 0], sizes = [8, 256], strides = [1, 1]} : vector<192x256xf32> to vector<8x256xf32>
    %add3A_3120 = arith.addf %add3A_3118, %slice3A_3119 : vector<8x256xf32>
    %slice3A_3121 = vector.extract_strided_slice %get3A_2680 {offsets = [104, 0], sizes = [8, 256], strides = [1, 1]} : vector<192x256xf32> to vector<8x256xf32>
    %add3A_3122 = arith.addf %add3A_3120, %slice3A_3121 : vector<8x256xf32>
    %slice3A_3123 = vector.extract_strided_slice %get3A_2680 {offsets = [112, 0], sizes = [8, 256], strides = [1, 1]} : vector<192x256xf32> to vector<8x256xf32>
    %add3A_3124 = arith.addf %add3A_3122, %slice3A_3123 : vector<8x256xf32>
    %slice3A_3125 = vector.extract_strided_slice %get3A_2680 {offsets = [120, 0], sizes = [8, 256], strides = [1, 1]} : vector<192x256xf32> to vector<8x256xf32>
    %add3A_3126 = arith.addf %add3A_3124, %slice3A_3125 : vector<8x256xf32>
    %slice3A_3127 = vector.extract_strided_slice %get3A_2680 {offsets = [128, 0], sizes = [8, 256], strides = [1, 1]} : vector<192x256xf32> to vector<8x256xf32>
    %add3A_3128 = arith.addf %add3A_3126, %slice3A_3127 : vector<8x256xf32>
    %slice3A_3129 = vector.extract_strided_slice %get3A_2680 {offsets = [136, 0], sizes = [8, 256], strides = [1, 1]} : vector<192x256xf32> to vector<8x256xf32>
    %add3A_3130 = arith.addf %add3A_3128, %slice3A_3129 : vector<8x256xf32>
    %slice3A_3131 = vector.extract_strided_slice %get3A_2680 {offsets = [144, 0], sizes = [8, 256], strides = [1, 1]} : vector<192x256xf32> to vector<8x256xf32>
    %add3A_3132 = arith.addf %add3A_3130, %slice3A_3131 : vector<8x256xf32>
    %slice3A_3133 = vector.extract_strided_slice %get3A_2680 {offsets = [152, 0], sizes = [8, 256], strides = [1, 1]} : vector<192x256xf32> to vector<8x256xf32>
    %add3A_3134 = arith.addf %add3A_3132, %slice3A_3133 : vector<8x256xf32>
    %slice3A_3135 = vector.extract_strided_slice %get3A_2680 {offsets = [160, 0], sizes = [8, 256], strides = [1, 1]} : vector<192x256xf32> to vector<8x256xf32>
    %add3A_3136 = arith.addf %add3A_3134, %slice3A_3135 : vector<8x256xf32>
    %slice3A_3137 = vector.extract_strided_slice %get3A_2680 {offsets = [168, 0], sizes = [8, 256], strides = [1, 1]} : vector<192x256xf32> to vector<8x256xf32>
    %add3A_3138 = arith.addf %add3A_3136, %slice3A_3137 : vector<8x256xf32>
    %slice3A_3139 = vector.extract_strided_slice %get3A_2680 {offsets = [176, 0], sizes = [8, 256], strides = [1, 1]} : vector<192x256xf32> to vector<8x256xf32>
    %add3A_3140 = arith.addf %add3A_3138, %slice3A_3139 : vector<8x256xf32>
    %slice3A_3141 = vector.extract_strided_slice %get3A_2680 {offsets = [184, 0], sizes = [8, 256], strides = [1, 1]} : vector<192x256xf32> to vector<8x256xf32>
    %add3A_3142 = arith.addf %add3A_3140, %slice3A_3141 : vector<8x256xf32>
    %slice3A_3143 = vector.extract_strided_slice %add3A_3142 {offsets = [0, 0], sizes = [8, 128], strides = [1, 1]} : vector<8x256xf32> to vector<8x128xf32>
    %slice3A_3144 = vector.extract_strided_slice %add3A_3142 {offsets = [0, 128], sizes = [8, 128], strides = [1, 1]} : vector<8x256xf32> to vector<8x128xf32>
    %add3A_3145 = arith.addf %slice3A_3143, %slice3A_3144 : vector<8x128xf32>
    %add3A_3146 = arith.addf %add3A_2290, %add3A_3145 : vector<8x128xf32>
    %slice3A_3147 = vector.extract_strided_slice %get3A_2687 {offsets = [0, 0], sizes = [8, 256], strides = [1, 1]} : vector<192x256xf32> to vector<8x256xf32>
    %slice3A_3148 = vector.extract_strided_slice %get3A_2687 {offsets = [8, 0], sizes = [8, 256], strides = [1, 1]} : vector<192x256xf32> to vector<8x256xf32>
    %add3A_3149 = arith.addf %slice3A_3147, %slice3A_3148 : vector<8x256xf32>
    %slice3A_3150 = vector.extract_strided_slice %get3A_2687 {offsets = [16, 0], sizes = [8, 256], strides = [1, 1]} : vector<192x256xf32> to vector<8x256xf32>
    %add3A_3151 = arith.addf %add3A_3149, %slice3A_3150 : vector<8x256xf32>
    %slice3A_3152 = vector.extract_strided_slice %get3A_2687 {offsets = [24, 0], sizes = [8, 256], strides = [1, 1]} : vector<192x256xf32> to vector<8x256xf32>
    %add3A_3153 = arith.addf %add3A_3151, %slice3A_3152 : vector<8x256xf32>
    %slice3A_3154 = vector.extract_strided_slice %get3A_2687 {offsets = [32, 0], sizes = [8, 256], strides = [1, 1]} : vector<192x256xf32> to vector<8x256xf32>
    %add3A_3155 = arith.addf %add3A_3153, %slice3A_3154 : vector<8x256xf32>
    %slice3A_3156 = vector.extract_strided_slice %get3A_2687 {offsets = [40, 0], sizes = [8, 256], strides = [1, 1]} : vector<192x256xf32> to vector<8x256xf32>
    %add3A_3157 = arith.addf %add3A_3155, %slice3A_3156 : vector<8x256xf32>
    %slice3A_3158 = vector.extract_strided_slice %get3A_2687 {offsets = [48, 0], sizes = [8, 256], strides = [1, 1]} : vector<192x256xf32> to vector<8x256xf32>
    %add3A_3159 = arith.addf %add3A_3157, %slice3A_3158 : vector<8x256xf32>
    %slice3A_3160 = vector.extract_strided_slice %get3A_2687 {offsets = [56, 0], sizes = [8, 256], strides = [1, 1]} : vector<192x256xf32> to vector<8x256xf32>
    %add3A_3161 = arith.addf %add3A_3159, %slice3A_3160 : vector<8x256xf32>
    %slice3A_3162 = vector.extract_strided_slice %get3A_2687 {offsets = [64, 0], sizes = [8, 256], strides = [1, 1]} : vector<192x256xf32> to vector<8x256xf32>
    %add3A_3163 = arith.addf %add3A_3161, %slice3A_3162 : vector<8x256xf32>
    %slice3A_3164 = vector.extract_strided_slice %get3A_2687 {offsets = [72, 0], sizes = [8, 256], strides = [1, 1]} : vector<192x256xf32> to vector<8x256xf32>
    %add3A_3165 = arith.addf %add3A_3163, %slice3A_3164 : vector<8x256xf32>
    %slice3A_3166 = vector.extract_strided_slice %get3A_2687 {offsets = [80, 0], sizes = [8, 256], strides = [1, 1]} : vector<192x256xf32> to vector<8x256xf32>
    %add3A_3167 = arith.addf %add3A_3165, %slice3A_3166 : vector<8x256xf32>
    %slice3A_3168 = vector.extract_strided_slice %get3A_2687 {offsets = [88, 0], sizes = [8, 256], strides = [1, 1]} : vector<192x256xf32> to vector<8x256xf32>
    %add3A_3169 = arith.addf %add3A_3167, %slice3A_3168 : vector<8x256xf32>
    %slice3A_3170 = vector.extract_strided_slice %get3A_2687 {offsets = [96, 0], sizes = [8, 256], strides = [1, 1]} : vector<192x256xf32> to vector<8x256xf32>
    %add3A_3171 = arith.addf %add3A_3169, %slice3A_3170 : vector<8x256xf32>
    %slice3A_3172 = vector.extract_strided_slice %get3A_2687 {offsets = [104, 0], sizes = [8, 256], strides = [1, 1]} : vector<192x256xf32> to vector<8x256xf32>
    %add3A_3173 = arith.addf %add3A_3171, %slice3A_3172 : vector<8x256xf32>
    %slice3A_3174 = vector.extract_strided_slice %get3A_2687 {offsets = [112, 0], sizes = [8, 256], strides = [1, 1]} : vector<192x256xf32> to vector<8x256xf32>
    %add3A_3175 = arith.addf %add3A_3173, %slice3A_3174 : vector<8x256xf32>
    %slice3A_3176 = vector.extract_strided_slice %get3A_2687 {offsets = [120, 0], sizes = [8, 256], strides = [1, 1]} : vector<192x256xf32> to vector<8x256xf32>
    %add3A_3177 = arith.addf %add3A_3175, %slice3A_3176 : vector<8x256xf32>
    %slice3A_3178 = vector.extract_strided_slice %get3A_2687 {offsets = [128, 0], sizes = [8, 256], strides = [1, 1]} : vector<192x256xf32> to vector<8x256xf32>
    %add3A_3179 = arith.addf %add3A_3177, %slice3A_3178 : vector<8x256xf32>
    %slice3A_3180 = vector.extract_strided_slice %get3A_2687 {offsets = [136, 0], sizes = [8, 256], strides = [1, 1]} : vector<192x256xf32> to vector<8x256xf32>
    %add3A_3181 = arith.addf %add3A_3179, %slice3A_3180 : vector<8x256xf32>
    %slice3A_3182 = vector.extract_strided_slice %get3A_2687 {offsets = [144, 0], sizes = [8, 256], strides = [1, 1]} : vector<192x256xf32> to vector<8x256xf32>
    %add3A_3183 = arith.addf %add3A_3181, %slice3A_3182 : vector<8x256xf32>
    %slice3A_3184 = vector.extract_strided_slice %get3A_2687 {offsets = [152, 0], sizes = [8, 256], strides = [1, 1]} : vector<192x256xf32> to vector<8x256xf32>
    %add3A_3185 = arith.addf %add3A_3183, %slice3A_3184 : vector<8x256xf32>
    %slice3A_3186 = vector.extract_strided_slice %get3A_2687 {offsets = [160, 0], sizes = [8, 256], strides = [1, 1]} : vector<192x256xf32> to vector<8x256xf32>
    %add3A_3187 = arith.addf %add3A_3185, %slice3A_3186 : vector<8x256xf32>
    %slice3A_3188 = vector.extract_strided_slice %get3A_2687 {offsets = [168, 0], sizes = [8, 256], strides = [1, 1]} : vector<192x256xf32> to vector<8x256xf32>
    %add3A_3189 = arith.addf %add3A_3187, %slice3A_3188 : vector<8x256xf32>
    %slice3A_3190 = vector.extract_strided_slice %get3A_2687 {offsets = [176, 0], sizes = [8, 256], strides = [1, 1]} : vector<192x256xf32> to vector<8x256xf32>
    %add3A_3191 = arith.addf %add3A_3189, %slice3A_3190 : vector<8x256xf32>
    %slice3A_3192 = vector.extract_strided_slice %get3A_2687 {offsets = [184, 0], sizes = [8, 256], strides = [1, 1]} : vector<192x256xf32> to vector<8x256xf32>
    %add3A_3193 = arith.addf %add3A_3191, %slice3A_3192 : vector<8x256xf32>
    %slice3A_3194 = vector.extract_strided_slice %add3A_3193 {offsets = [0, 0], sizes = [8, 128], strides = [1, 1]} : vector<8x256xf32> to vector<8x128xf32>
    %slice3A_3195 = vector.extract_strided_slice %add3A_3193 {offsets = [0, 128], sizes = [8, 128], strides = [1, 1]} : vector<8x256xf32> to vector<8x128xf32>
    %add3A_3196 = arith.addf %slice3A_3194, %slice3A_3195 : vector<8x128xf32>
    %add3A_3197 = arith.addf %add3A_2341, %add3A_3196 : vector<8x128xf32>
    %slice3A_3198 = vector.extract_strided_slice %select_n3A_2560 {offsets = [0, 0], sizes = [8, 256], strides = [1, 1]} : vector<192x256xf32> to vector<8x256xf32>
    %slice3A_3199 = vector.extract_strided_slice %select_n3A_2560 {offsets = [8, 0], sizes = [8, 256], strides = [1, 1]} : vector<192x256xf32> to vector<8x256xf32>
    %add3A_3200 = arith.addf %slice3A_3198, %slice3A_3199 : vector<8x256xf32>
    %slice3A_3201 = vector.extract_strided_slice %select_n3A_2560 {offsets = [16, 0], sizes = [8, 256], strides = [1, 1]} : vector<192x256xf32> to vector<8x256xf32>
    %add3A_3202 = arith.addf %add3A_3200, %slice3A_3201 : vector<8x256xf32>
    %slice3A_3203 = vector.extract_strided_slice %select_n3A_2560 {offsets = [24, 0], sizes = [8, 256], strides = [1, 1]} : vector<192x256xf32> to vector<8x256xf32>
    %add3A_3204 = arith.addf %add3A_3202, %slice3A_3203 : vector<8x256xf32>
    %slice3A_3205 = vector.extract_strided_slice %select_n3A_2560 {offsets = [32, 0], sizes = [8, 256], strides = [1, 1]} : vector<192x256xf32> to vector<8x256xf32>
    %add3A_3206 = arith.addf %add3A_3204, %slice3A_3205 : vector<8x256xf32>
    %slice3A_3207 = vector.extract_strided_slice %select_n3A_2560 {offsets = [40, 0], sizes = [8, 256], strides = [1, 1]} : vector<192x256xf32> to vector<8x256xf32>
    %add3A_3208 = arith.addf %add3A_3206, %slice3A_3207 : vector<8x256xf32>
    %slice3A_3209 = vector.extract_strided_slice %select_n3A_2560 {offsets = [48, 0], sizes = [8, 256], strides = [1, 1]} : vector<192x256xf32> to vector<8x256xf32>
    %add3A_3210 = arith.addf %add3A_3208, %slice3A_3209 : vector<8x256xf32>
    %slice3A_3211 = vector.extract_strided_slice %select_n3A_2560 {offsets = [56, 0], sizes = [8, 256], strides = [1, 1]} : vector<192x256xf32> to vector<8x256xf32>
    %add3A_3212 = arith.addf %add3A_3210, %slice3A_3211 : vector<8x256xf32>
    %slice3A_3213 = vector.extract_strided_slice %select_n3A_2560 {offsets = [64, 0], sizes = [8, 256], strides = [1, 1]} : vector<192x256xf32> to vector<8x256xf32>
    %add3A_3214 = arith.addf %add3A_3212, %slice3A_3213 : vector<8x256xf32>
    %slice3A_3215 = vector.extract_strided_slice %select_n3A_2560 {offsets = [72, 0], sizes = [8, 256], strides = [1, 1]} : vector<192x256xf32> to vector<8x256xf32>
    %add3A_3216 = arith.addf %add3A_3214, %slice3A_3215 : vector<8x256xf32>
    %slice3A_3217 = vector.extract_strided_slice %select_n3A_2560 {offsets = [80, 0], sizes = [8, 256], strides = [1, 1]} : vector<192x256xf32> to vector<8x256xf32>
    %add3A_3218 = arith.addf %add3A_3216, %slice3A_3217 : vector<8x256xf32>
    %slice3A_3219 = vector.extract_strided_slice %select_n3A_2560 {offsets = [88, 0], sizes = [8, 256], strides = [1, 1]} : vector<192x256xf32> to vector<8x256xf32>
    %add3A_3220 = arith.addf %add3A_3218, %slice3A_3219 : vector<8x256xf32>
    %slice3A_3221 = vector.extract_strided_slice %select_n3A_2560 {offsets = [96, 0], sizes = [8, 256], strides = [1, 1]} : vector<192x256xf32> to vector<8x256xf32>
    %add3A_3222 = arith.addf %add3A_3220, %slice3A_3221 : vector<8x256xf32>
    %slice3A_3223 = vector.extract_strided_slice %select_n3A_2560 {offsets = [104, 0], sizes = [8, 256], strides = [1, 1]} : vector<192x256xf32> to vector<8x256xf32>
    %add3A_3224 = arith.addf %add3A_3222, %slice3A_3223 : vector<8x256xf32>
    %slice3A_3225 = vector.extract_strided_slice %select_n3A_2560 {offsets = [112, 0], sizes = [8, 256], strides = [1, 1]} : vector<192x256xf32> to vector<8x256xf32>
    %add3A_3226 = arith.addf %add3A_3224, %slice3A_3225 : vector<8x256xf32>
    %slice3A_3227 = vector.extract_strided_slice %select_n3A_2560 {offsets = [120, 0], sizes = [8, 256], strides = [1, 1]} : vector<192x256xf32> to vector<8x256xf32>
    %add3A_3228 = arith.addf %add3A_3226, %slice3A_3227 : vector<8x256xf32>
    %slice3A_3229 = vector.extract_strided_slice %select_n3A_2560 {offsets = [128, 0], sizes = [8, 256], strides = [1, 1]} : vector<192x256xf32> to vector<8x256xf32>
    %add3A_3230 = arith.addf %add3A_3228, %slice3A_3229 : vector<8x256xf32>
    %slice3A_3231 = vector.extract_strided_slice %select_n3A_2560 {offsets = [136, 0], sizes = [8, 256], strides = [1, 1]} : vector<192x256xf32> to vector<8x256xf32>
    %add3A_3232 = arith.addf %add3A_3230, %slice3A_3231 : vector<8x256xf32>
    %slice3A_3233 = vector.extract_strided_slice %select_n3A_2560 {offsets = [144, 0], sizes = [8, 256], strides = [1, 1]} : vector<192x256xf32> to vector<8x256xf32>
    %add3A_3234 = arith.addf %add3A_3232, %slice3A_3233 : vector<8x256xf32>
    %slice3A_3235 = vector.extract_strided_slice %select_n3A_2560 {offsets = [152, 0], sizes = [8, 256], strides = [1, 1]} : vector<192x256xf32> to vector<8x256xf32>
    %add3A_3236 = arith.addf %add3A_3234, %slice3A_3235 : vector<8x256xf32>
    %slice3A_3237 = vector.extract_strided_slice %select_n3A_2560 {offsets = [160, 0], sizes = [8, 256], strides = [1, 1]} : vector<192x256xf32> to vector<8x256xf32>
    %add3A_3238 = arith.addf %add3A_3236, %slice3A_3237 : vector<8x256xf32>
    %slice3A_3239 = vector.extract_strided_slice %select_n3A_2560 {offsets = [168, 0], sizes = [8, 256], strides = [1, 1]} : vector<192x256xf32> to vector<8x256xf32>
    %add3A_3240 = arith.addf %add3A_3238, %slice3A_3239 : vector<8x256xf32>
    %slice3A_3241 = vector.extract_strided_slice %select_n3A_2560 {offsets = [176, 0], sizes = [8, 256], strides = [1, 1]} : vector<192x256xf32> to vector<8x256xf32>
    %add3A_3242 = arith.addf %add3A_3240, %slice3A_3241 : vector<8x256xf32>
    %slice3A_3243 = vector.extract_strided_slice %select_n3A_2560 {offsets = [184, 0], sizes = [8, 256], strides = [1, 1]} : vector<192x256xf32> to vector<8x256xf32>
    %add3A_3244 = arith.addf %add3A_3242, %slice3A_3243 : vector<8x256xf32>
    %slice3A_3245 = vector.extract_strided_slice %add3A_3244 {offsets = [0, 0], sizes = [8, 128], strides = [1, 1]} : vector<8x256xf32> to vector<8x128xf32>
    %slice3A_3246 = vector.extract_strided_slice %add3A_3244 {offsets = [0, 128], sizes = [8, 128], strides = [1, 1]} : vector<8x256xf32> to vector<8x128xf32>
    %add3A_3247 = arith.addf %slice3A_3245, %slice3A_3246 : vector<8x128xf32>
    %add3A_3248 = arith.addf %add3A_2392, %add3A_3247 : vector<8x128xf32>
    %slice3A_3249 = vector.extract_strided_slice %select_n3A_2568 {offsets = [0, 0], sizes = [8, 256], strides = [1, 1]} : vector<192x256xf32> to vector<8x256xf32>
    %slice3A_3250 = vector.extract_strided_slice %select_n3A_2568 {offsets = [8, 0], sizes = [8, 256], strides = [1, 1]} : vector<192x256xf32> to vector<8x256xf32>
    %add3A_3251 = arith.addf %slice3A_3249, %slice3A_3250 : vector<8x256xf32>
    %slice3A_3252 = vector.extract_strided_slice %select_n3A_2568 {offsets = [16, 0], sizes = [8, 256], strides = [1, 1]} : vector<192x256xf32> to vector<8x256xf32>
    %add3A_3253 = arith.addf %add3A_3251, %slice3A_3252 : vector<8x256xf32>
    %slice3A_3254 = vector.extract_strided_slice %select_n3A_2568 {offsets = [24, 0], sizes = [8, 256], strides = [1, 1]} : vector<192x256xf32> to vector<8x256xf32>
    %add3A_3255 = arith.addf %add3A_3253, %slice3A_3254 : vector<8x256xf32>
    %slice3A_3256 = vector.extract_strided_slice %select_n3A_2568 {offsets = [32, 0], sizes = [8, 256], strides = [1, 1]} : vector<192x256xf32> to vector<8x256xf32>
    %add3A_3257 = arith.addf %add3A_3255, %slice3A_3256 : vector<8x256xf32>
    %slice3A_3258 = vector.extract_strided_slice %select_n3A_2568 {offsets = [40, 0], sizes = [8, 256], strides = [1, 1]} : vector<192x256xf32> to vector<8x256xf32>
    %add3A_3259 = arith.addf %add3A_3257, %slice3A_3258 : vector<8x256xf32>
    %slice3A_3260 = vector.extract_strided_slice %select_n3A_2568 {offsets = [48, 0], sizes = [8, 256], strides = [1, 1]} : vector<192x256xf32> to vector<8x256xf32>
    %add3A_3261 = arith.addf %add3A_3259, %slice3A_3260 : vector<8x256xf32>
    %slice3A_3262 = vector.extract_strided_slice %select_n3A_2568 {offsets = [56, 0], sizes = [8, 256], strides = [1, 1]} : vector<192x256xf32> to vector<8x256xf32>
    %add3A_3263 = arith.addf %add3A_3261, %slice3A_3262 : vector<8x256xf32>
    %slice3A_3264 = vector.extract_strided_slice %select_n3A_2568 {offsets = [64, 0], sizes = [8, 256], strides = [1, 1]} : vector<192x256xf32> to vector<8x256xf32>
    %add3A_3265 = arith.addf %add3A_3263, %slice3A_3264 : vector<8x256xf32>
    %slice3A_3266 = vector.extract_strided_slice %select_n3A_2568 {offsets = [72, 0], sizes = [8, 256], strides = [1, 1]} : vector<192x256xf32> to vector<8x256xf32>
    %add3A_3267 = arith.addf %add3A_3265, %slice3A_3266 : vector<8x256xf32>
    %slice3A_3268 = vector.extract_strided_slice %select_n3A_2568 {offsets = [80, 0], sizes = [8, 256], strides = [1, 1]} : vector<192x256xf32> to vector<8x256xf32>
    %add3A_3269 = arith.addf %add3A_3267, %slice3A_3268 : vector<8x256xf32>
    %slice3A_3270 = vector.extract_strided_slice %select_n3A_2568 {offsets = [88, 0], sizes = [8, 256], strides = [1, 1]} : vector<192x256xf32> to vector<8x256xf32>
    %add3A_3271 = arith.addf %add3A_3269, %slice3A_3270 : vector<8x256xf32>
    %slice3A_3272 = vector.extract_strided_slice %select_n3A_2568 {offsets = [96, 0], sizes = [8, 256], strides = [1, 1]} : vector<192x256xf32> to vector<8x256xf32>
    %add3A_3273 = arith.addf %add3A_3271, %slice3A_3272 : vector<8x256xf32>
    %slice3A_3274 = vector.extract_strided_slice %select_n3A_2568 {offsets = [104, 0], sizes = [8, 256], strides = [1, 1]} : vector<192x256xf32> to vector<8x256xf32>
    %add3A_3275 = arith.addf %add3A_3273, %slice3A_3274 : vector<8x256xf32>
    %slice3A_3276 = vector.extract_strided_slice %select_n3A_2568 {offsets = [112, 0], sizes = [8, 256], strides = [1, 1]} : vector<192x256xf32> to vector<8x256xf32>
    %add3A_3277 = arith.addf %add3A_3275, %slice3A_3276 : vector<8x256xf32>
    %slice3A_3278 = vector.extract_strided_slice %select_n3A_2568 {offsets = [120, 0], sizes = [8, 256], strides = [1, 1]} : vector<192x256xf32> to vector<8x256xf32>
    %add3A_3279 = arith.addf %add3A_3277, %slice3A_3278 : vector<8x256xf32>
    %slice3A_3280 = vector.extract_strided_slice %select_n3A_2568 {offsets = [128, 0], sizes = [8, 256], strides = [1, 1]} : vector<192x256xf32> to vector<8x256xf32>
    %add3A_3281 = arith.addf %add3A_3279, %slice3A_3280 : vector<8x256xf32>
    %slice3A_3282 = vector.extract_strided_slice %select_n3A_2568 {offsets = [136, 0], sizes = [8, 256], strides = [1, 1]} : vector<192x256xf32> to vector<8x256xf32>
    %add3A_3283 = arith.addf %add3A_3281, %slice3A_3282 : vector<8x256xf32>
    %slice3A_3284 = vector.extract_strided_slice %select_n3A_2568 {offsets = [144, 0], sizes = [8, 256], strides = [1, 1]} : vector<192x256xf32> to vector<8x256xf32>
    %add3A_3285 = arith.addf %add3A_3283, %slice3A_3284 : vector<8x256xf32>
    %slice3A_3286 = vector.extract_strided_slice %select_n3A_2568 {offsets = [152, 0], sizes = [8, 256], strides = [1, 1]} : vector<192x256xf32> to vector<8x256xf32>
    %add3A_3287 = arith.addf %add3A_3285, %slice3A_3286 : vector<8x256xf32>
    %slice3A_3288 = vector.extract_strided_slice %select_n3A_2568 {offsets = [160, 0], sizes = [8, 256], strides = [1, 1]} : vector<192x256xf32> to vector<8x256xf32>
    %add3A_3289 = arith.addf %add3A_3287, %slice3A_3288 : vector<8x256xf32>
    %slice3A_3290 = vector.extract_strided_slice %select_n3A_2568 {offsets = [168, 0], sizes = [8, 256], strides = [1, 1]} : vector<192x256xf32> to vector<8x256xf32>
    %add3A_3291 = arith.addf %add3A_3289, %slice3A_3290 : vector<8x256xf32>
    %slice3A_3292 = vector.extract_strided_slice %select_n3A_2568 {offsets = [176, 0], sizes = [8, 256], strides = [1, 1]} : vector<192x256xf32> to vector<8x256xf32>
    %add3A_3293 = arith.addf %add3A_3291, %slice3A_3292 : vector<8x256xf32>
    %slice3A_3294 = vector.extract_strided_slice %select_n3A_2568 {offsets = [184, 0], sizes = [8, 256], strides = [1, 1]} : vector<192x256xf32> to vector<8x256xf32>
    %add3A_3295 = arith.addf %add3A_3293, %slice3A_3294 : vector<8x256xf32>
    %slice3A_3296 = vector.extract_strided_slice %add3A_3295 {offsets = [0, 0], sizes = [8, 128], strides = [1, 1]} : vector<8x256xf32> to vector<8x128xf32>
    %slice3A_3297 = vector.extract_strided_slice %add3A_3295 {offsets = [0, 128], sizes = [8, 128], strides = [1, 1]} : vector<8x256xf32> to vector<8x128xf32>
    %add3A_3298 = arith.addf %slice3A_3296, %slice3A_3297 : vector<8x128xf32>
    %add3A_3299 = arith.addf %add3A_2443, %add3A_3298 : vector<8x128xf32>
    %slice3A_3300 = vector.extract_strided_slice %select_n3A_2576 {offsets = [0, 0], sizes = [8, 256], strides = [1, 1]} : vector<192x256xf32> to vector<8x256xf32>
    %slice3A_3301 = vector.extract_strided_slice %select_n3A_2576 {offsets = [8, 0], sizes = [8, 256], strides = [1, 1]} : vector<192x256xf32> to vector<8x256xf32>
    %add3A_3302 = arith.addf %slice3A_3300, %slice3A_3301 : vector<8x256xf32>
    %slice3A_3303 = vector.extract_strided_slice %select_n3A_2576 {offsets = [16, 0], sizes = [8, 256], strides = [1, 1]} : vector<192x256xf32> to vector<8x256xf32>
    %add3A_3304 = arith.addf %add3A_3302, %slice3A_3303 : vector<8x256xf32>
    %slice3A_3305 = vector.extract_strided_slice %select_n3A_2576 {offsets = [24, 0], sizes = [8, 256], strides = [1, 1]} : vector<192x256xf32> to vector<8x256xf32>
    %add3A_3306 = arith.addf %add3A_3304, %slice3A_3305 : vector<8x256xf32>
    %slice3A_3307 = vector.extract_strided_slice %select_n3A_2576 {offsets = [32, 0], sizes = [8, 256], strides = [1, 1]} : vector<192x256xf32> to vector<8x256xf32>
    %add3A_3308 = arith.addf %add3A_3306, %slice3A_3307 : vector<8x256xf32>
    %slice3A_3309 = vector.extract_strided_slice %select_n3A_2576 {offsets = [40, 0], sizes = [8, 256], strides = [1, 1]} : vector<192x256xf32> to vector<8x256xf32>
    %add3A_3310 = arith.addf %add3A_3308, %slice3A_3309 : vector<8x256xf32>
    %slice3A_3311 = vector.extract_strided_slice %select_n3A_2576 {offsets = [48, 0], sizes = [8, 256], strides = [1, 1]} : vector<192x256xf32> to vector<8x256xf32>
    %add3A_3312 = arith.addf %add3A_3310, %slice3A_3311 : vector<8x256xf32>
    %slice3A_3313 = vector.extract_strided_slice %select_n3A_2576 {offsets = [56, 0], sizes = [8, 256], strides = [1, 1]} : vector<192x256xf32> to vector<8x256xf32>
    %add3A_3314 = arith.addf %add3A_3312, %slice3A_3313 : vector<8x256xf32>
    %slice3A_3315 = vector.extract_strided_slice %select_n3A_2576 {offsets = [64, 0], sizes = [8, 256], strides = [1, 1]} : vector<192x256xf32> to vector<8x256xf32>
    %add3A_3316 = arith.addf %add3A_3314, %slice3A_3315 : vector<8x256xf32>
    %slice3A_3317 = vector.extract_strided_slice %select_n3A_2576 {offsets = [72, 0], sizes = [8, 256], strides = [1, 1]} : vector<192x256xf32> to vector<8x256xf32>
    %add3A_3318 = arith.addf %add3A_3316, %slice3A_3317 : vector<8x256xf32>
    %slice3A_3319 = vector.extract_strided_slice %select_n3A_2576 {offsets = [80, 0], sizes = [8, 256], strides = [1, 1]} : vector<192x256xf32> to vector<8x256xf32>
    %add3A_3320 = arith.addf %add3A_3318, %slice3A_3319 : vector<8x256xf32>
    %slice3A_3321 = vector.extract_strided_slice %select_n3A_2576 {offsets = [88, 0], sizes = [8, 256], strides = [1, 1]} : vector<192x256xf32> to vector<8x256xf32>
    %add3A_3322 = arith.addf %add3A_3320, %slice3A_3321 : vector<8x256xf32>
    %slice3A_3323 = vector.extract_strided_slice %select_n3A_2576 {offsets = [96, 0], sizes = [8, 256], strides = [1, 1]} : vector<192x256xf32> to vector<8x256xf32>
    %add3A_3324 = arith.addf %add3A_3322, %slice3A_3323 : vector<8x256xf32>
    %slice3A_3325 = vector.extract_strided_slice %select_n3A_2576 {offsets = [104, 0], sizes = [8, 256], strides = [1, 1]} : vector<192x256xf32> to vector<8x256xf32>
    %add3A_3326 = arith.addf %add3A_3324, %slice3A_3325 : vector<8x256xf32>
    %slice3A_3327 = vector.extract_strided_slice %select_n3A_2576 {offsets = [112, 0], sizes = [8, 256], strides = [1, 1]} : vector<192x256xf32> to vector<8x256xf32>
    %add3A_3328 = arith.addf %add3A_3326, %slice3A_3327 : vector<8x256xf32>
    %slice3A_3329 = vector.extract_strided_slice %select_n3A_2576 {offsets = [120, 0], sizes = [8, 256], strides = [1, 1]} : vector<192x256xf32> to vector<8x256xf32>
    %add3A_3330 = arith.addf %add3A_3328, %slice3A_3329 : vector<8x256xf32>
    %slice3A_3331 = vector.extract_strided_slice %select_n3A_2576 {offsets = [128, 0], sizes = [8, 256], strides = [1, 1]} : vector<192x256xf32> to vector<8x256xf32>
    %add3A_3332 = arith.addf %add3A_3330, %slice3A_3331 : vector<8x256xf32>
    %slice3A_3333 = vector.extract_strided_slice %select_n3A_2576 {offsets = [136, 0], sizes = [8, 256], strides = [1, 1]} : vector<192x256xf32> to vector<8x256xf32>
    %add3A_3334 = arith.addf %add3A_3332, %slice3A_3333 : vector<8x256xf32>
    %slice3A_3335 = vector.extract_strided_slice %select_n3A_2576 {offsets = [144, 0], sizes = [8, 256], strides = [1, 1]} : vector<192x256xf32> to vector<8x256xf32>
    %add3A_3336 = arith.addf %add3A_3334, %slice3A_3335 : vector<8x256xf32>
    %slice3A_3337 = vector.extract_strided_slice %select_n3A_2576 {offsets = [152, 0], sizes = [8, 256], strides = [1, 1]} : vector<192x256xf32> to vector<8x256xf32>
    %add3A_3338 = arith.addf %add3A_3336, %slice3A_3337 : vector<8x256xf32>
    %slice3A_3339 = vector.extract_strided_slice %select_n3A_2576 {offsets = [160, 0], sizes = [8, 256], strides = [1, 1]} : vector<192x256xf32> to vector<8x256xf32>
    %add3A_3340 = arith.addf %add3A_3338, %slice3A_3339 : vector<8x256xf32>
    %slice3A_3341 = vector.extract_strided_slice %select_n3A_2576 {offsets = [168, 0], sizes = [8, 256], strides = [1, 1]} : vector<192x256xf32> to vector<8x256xf32>
    %add3A_3342 = arith.addf %add3A_3340, %slice3A_3341 : vector<8x256xf32>
    %slice3A_3343 = vector.extract_strided_slice %select_n3A_2576 {offsets = [176, 0], sizes = [8, 256], strides = [1, 1]} : vector<192x256xf32> to vector<8x256xf32>
    %add3A_3344 = arith.addf %add3A_3342, %slice3A_3343 : vector<8x256xf32>
    %slice3A_3345 = vector.extract_strided_slice %select_n3A_2576 {offsets = [184, 0], sizes = [8, 256], strides = [1, 1]} : vector<192x256xf32> to vector<8x256xf32>
    %add3A_3346 = arith.addf %add3A_3344, %slice3A_3345 : vector<8x256xf32>
    %slice3A_3347 = vector.extract_strided_slice %add3A_3346 {offsets = [0, 0], sizes = [8, 128], strides = [1, 1]} : vector<8x256xf32> to vector<8x128xf32>
    %slice3A_3348 = vector.extract_strided_slice %add3A_3346 {offsets = [0, 128], sizes = [8, 128], strides = [1, 1]} : vector<8x256xf32> to vector<8x128xf32>
    %add3A_3349 = arith.addf %slice3A_3347, %slice3A_3348 : vector<8x128xf32>
    %add3A_3350 = arith.addf %add3A_2494, %add3A_3349 : vector<8x128xf32>
    %slice3A_3351 = vector.extract_strided_slice %select_n3A_2584 {offsets = [0, 0], sizes = [8, 256], strides = [1, 1]} : vector<192x256xf32> to vector<8x256xf32>
    %slice3A_3352 = vector.extract_strided_slice %select_n3A_2584 {offsets = [8, 0], sizes = [8, 256], strides = [1, 1]} : vector<192x256xf32> to vector<8x256xf32>
    %add3A_3353 = arith.addf %slice3A_3351, %slice3A_3352 : vector<8x256xf32>
    %slice3A_3354 = vector.extract_strided_slice %select_n3A_2584 {offsets = [16, 0], sizes = [8, 256], strides = [1, 1]} : vector<192x256xf32> to vector<8x256xf32>
    %add3A_3355 = arith.addf %add3A_3353, %slice3A_3354 : vector<8x256xf32>
    %slice3A_3356 = vector.extract_strided_slice %select_n3A_2584 {offsets = [24, 0], sizes = [8, 256], strides = [1, 1]} : vector<192x256xf32> to vector<8x256xf32>
    %add3A_3357 = arith.addf %add3A_3355, %slice3A_3356 : vector<8x256xf32>
    %slice3A_3358 = vector.extract_strided_slice %select_n3A_2584 {offsets = [32, 0], sizes = [8, 256], strides = [1, 1]} : vector<192x256xf32> to vector<8x256xf32>
    %add3A_3359 = arith.addf %add3A_3357, %slice3A_3358 : vector<8x256xf32>
    %slice3A_3360 = vector.extract_strided_slice %select_n3A_2584 {offsets = [40, 0], sizes = [8, 256], strides = [1, 1]} : vector<192x256xf32> to vector<8x256xf32>
    %add3A_3361 = arith.addf %add3A_3359, %slice3A_3360 : vector<8x256xf32>
    %slice3A_3362 = vector.extract_strided_slice %select_n3A_2584 {offsets = [48, 0], sizes = [8, 256], strides = [1, 1]} : vector<192x256xf32> to vector<8x256xf32>
    %add3A_3363 = arith.addf %add3A_3361, %slice3A_3362 : vector<8x256xf32>
    %slice3A_3364 = vector.extract_strided_slice %select_n3A_2584 {offsets = [56, 0], sizes = [8, 256], strides = [1, 1]} : vector<192x256xf32> to vector<8x256xf32>
    %add3A_3365 = arith.addf %add3A_3363, %slice3A_3364 : vector<8x256xf32>
    %slice3A_3366 = vector.extract_strided_slice %select_n3A_2584 {offsets = [64, 0], sizes = [8, 256], strides = [1, 1]} : vector<192x256xf32> to vector<8x256xf32>
    %add3A_3367 = arith.addf %add3A_3365, %slice3A_3366 : vector<8x256xf32>
    %slice3A_3368 = vector.extract_strided_slice %select_n3A_2584 {offsets = [72, 0], sizes = [8, 256], strides = [1, 1]} : vector<192x256xf32> to vector<8x256xf32>
    %add3A_3369 = arith.addf %add3A_3367, %slice3A_3368 : vector<8x256xf32>
    %slice3A_3370 = vector.extract_strided_slice %select_n3A_2584 {offsets = [80, 0], sizes = [8, 256], strides = [1, 1]} : vector<192x256xf32> to vector<8x256xf32>
    %add3A_3371 = arith.addf %add3A_3369, %slice3A_3370 : vector<8x256xf32>
    %slice3A_3372 = vector.extract_strided_slice %select_n3A_2584 {offsets = [88, 0], sizes = [8, 256], strides = [1, 1]} : vector<192x256xf32> to vector<8x256xf32>
    %add3A_3373 = arith.addf %add3A_3371, %slice3A_3372 : vector<8x256xf32>
    %slice3A_3374 = vector.extract_strided_slice %select_n3A_2584 {offsets = [96, 0], sizes = [8, 256], strides = [1, 1]} : vector<192x256xf32> to vector<8x256xf32>
    %add3A_3375 = arith.addf %add3A_3373, %slice3A_3374 : vector<8x256xf32>
    %slice3A_3376 = vector.extract_strided_slice %select_n3A_2584 {offsets = [104, 0], sizes = [8, 256], strides = [1, 1]} : vector<192x256xf32> to vector<8x256xf32>
    %add3A_3377 = arith.addf %add3A_3375, %slice3A_3376 : vector<8x256xf32>
    %slice3A_3378 = vector.extract_strided_slice %select_n3A_2584 {offsets = [112, 0], sizes = [8, 256], strides = [1, 1]} : vector<192x256xf32> to vector<8x256xf32>
    %add3A_3379 = arith.addf %add3A_3377, %slice3A_3378 : vector<8x256xf32>
    %slice3A_3380 = vector.extract_strided_slice %select_n3A_2584 {offsets = [120, 0], sizes = [8, 256], strides = [1, 1]} : vector<192x256xf32> to vector<8x256xf32>
    %add3A_3381 = arith.addf %add3A_3379, %slice3A_3380 : vector<8x256xf32>
    %slice3A_3382 = vector.extract_strided_slice %select_n3A_2584 {offsets = [128, 0], sizes = [8, 256], strides = [1, 1]} : vector<192x256xf32> to vector<8x256xf32>
    %add3A_3383 = arith.addf %add3A_3381, %slice3A_3382 : vector<8x256xf32>
    %slice3A_3384 = vector.extract_strided_slice %select_n3A_2584 {offsets = [136, 0], sizes = [8, 256], strides = [1, 1]} : vector<192x256xf32> to vector<8x256xf32>
    %add3A_3385 = arith.addf %add3A_3383, %slice3A_3384 : vector<8x256xf32>
    %slice3A_3386 = vector.extract_strided_slice %select_n3A_2584 {offsets = [144, 0], sizes = [8, 256], strides = [1, 1]} : vector<192x256xf32> to vector<8x256xf32>
    %add3A_3387 = arith.addf %add3A_3385, %slice3A_3386 : vector<8x256xf32>
    %slice3A_3388 = vector.extract_strided_slice %select_n3A_2584 {offsets = [152, 0], sizes = [8, 256], strides = [1, 1]} : vector<192x256xf32> to vector<8x256xf32>
    %add3A_3389 = arith.addf %add3A_3387, %slice3A_3388 : vector<8x256xf32>
    %slice3A_3390 = vector.extract_strided_slice %select_n3A_2584 {offsets = [160, 0], sizes = [8, 256], strides = [1, 1]} : vector<192x256xf32> to vector<8x256xf32>
    %add3A_3391 = arith.addf %add3A_3389, %slice3A_3390 : vector<8x256xf32>
    %slice3A_3392 = vector.extract_strided_slice %select_n3A_2584 {offsets = [168, 0], sizes = [8, 256], strides = [1, 1]} : vector<192x256xf32> to vector<8x256xf32>
    %add3A_3393 = arith.addf %add3A_3391, %slice3A_3392 : vector<8x256xf32>
    %slice3A_3394 = vector.extract_strided_slice %select_n3A_2584 {offsets = [176, 0], sizes = [8, 256], strides = [1, 1]} : vector<192x256xf32> to vector<8x256xf32>
    %add3A_3395 = arith.addf %add3A_3393, %slice3A_3394 : vector<8x256xf32>
    %slice3A_3396 = vector.extract_strided_slice %select_n3A_2584 {offsets = [184, 0], sizes = [8, 256], strides = [1, 1]} : vector<192x256xf32> to vector<8x256xf32>
    %add3A_3397 = arith.addf %add3A_3395, %slice3A_3396 : vector<8x256xf32>
    %slice3A_3398 = vector.extract_strided_slice %add3A_3397 {offsets = [0, 0], sizes = [8, 128], strides = [1, 1]} : vector<8x256xf32> to vector<8x128xf32>
    %slice3A_3399 = vector.extract_strided_slice %add3A_3397 {offsets = [0, 128], sizes = [8, 128], strides = [1, 1]} : vector<8x256xf32> to vector<8x128xf32>
    %add3A_3400 = arith.addf %slice3A_3398, %slice3A_3399 : vector<8x128xf32>
    %add3A_3401 = arith.addf %add3A_2545, %add3A_3400 : vector<8x128xf32>
    %swap3A = arith.constant 0 : index
    %swap3A_3402 = arith.constant 0 : index
    %swap3A_3403 = arith.constant 0 : index
    %swap3A_3404 = arith.constant 0 : index
    %swap3A_3405 = vector.load %arg3[%swap3A, %swap3A_3402, %swap3A_3403, %swap3A_3404] : memref<1x14x8x128xf32, #tpu.memory_space<vmem>>, vector<1x1x8x128xf32>
    %swap3A_3406 = vector.shape_cast %swap3A_3405 : vector<1x1x8x128xf32> to vector<8x128xf32>
    %swap3A_3407 = vector.shape_cast %add3A_2738 : vector<8x128xf32> to vector<1x1x8x128xf32>
    tpu.vector_store %arg3[%swap3A, %swap3A_3402, %swap3A_3403, %swap3A_3404], %swap3A_3407 {strides = array<i32>} : memref<1x14x8x128xf32, #tpu.memory_space<vmem>>, vector<1x1x8x128xf32>,
    %swap3A_3408 = arith.constant 0 : index
    %swap3A_3409 = arith.constant 1 : index
    %swap3A_3410 = arith.constant 0 : index
    %swap3A_3411 = arith.constant 0 : index
    %swap3A_3412 = vector.load %arg3[%swap3A_3408, %swap3A_3409, %swap3A_3410, %swap3A_3411] : memref<1x14x8x128xf32, #tpu.memory_space<vmem>>, vector<1x1x8x128xf32>
    %swap3A_3413 = vector.shape_cast %swap3A_3412 : vector<1x1x8x128xf32> to vector<8x128xf32>
    %swap3A_3414 = vector.shape_cast %add3A_2789 : vector<8x128xf32> to vector<1x1x8x128xf32>
    tpu.vector_store %arg3[%swap3A_3408, %swap3A_3409, %swap3A_3410, %swap3A_3411], %swap3A_3414 {strides = array<i32>} : memref<1x14x8x128xf32, #tpu.memory_space<vmem>>, vector<1x1x8x128xf32>,
    %swap3A_3415 = arith.constant 0 : index
    %swap3A_3416 = arith.constant 2 : index
    %swap3A_3417 = arith.constant 0 : index
    %swap3A_3418 = arith.constant 0 : index
    %swap3A_3419 = vector.load %arg3[%swap3A_3415, %swap3A_3416, %swap3A_3417, %swap3A_3418] : memref<1x14x8x128xf32, #tpu.memory_space<vmem>>, vector<1x1x8x128xf32>
    %swap3A_3420 = vector.shape_cast %swap3A_3419 : vector<1x1x8x128xf32> to vector<8x128xf32>
    %swap3A_3421 = vector.shape_cast %add3A_2840 : vector<8x128xf32> to vector<1x1x8x128xf32>
    tpu.vector_store %arg3[%swap3A_3415, %swap3A_3416, %swap3A_3417, %swap3A_3418], %swap3A_3421 {strides = array<i32>} : memref<1x14x8x128xf32, #tpu.memory_space<vmem>>, vector<1x1x8x128xf32>,
    %swap3A_3422 = arith.constant 0 : index
    %swap3A_3423 = arith.constant 3 : index
    %swap3A_3424 = arith.constant 0 : index
    %swap3A_3425 = arith.constant 0 : index
    %swap3A_3426 = vector.load %arg3[%swap3A_3422, %swap3A_3423, %swap3A_3424, %swap3A_3425] : memref<1x14x8x128xf32, #tpu.memory_space<vmem>>, vector<1x1x8x128xf32>
    %swap3A_3427 = vector.shape_cast %swap3A_3426 : vector<1x1x8x128xf32> to vector<8x128xf32>
    %swap3A_3428 = vector.shape_cast %add3A_2891 : vector<8x128xf32> to vector<1x1x8x128xf32>
    tpu.vector_store %arg3[%swap3A_3422, %swap3A_3423, %swap3A_3424, %swap3A_3425], %swap3A_3428 {strides = array<i32>} : memref<1x14x8x128xf32, #tpu.memory_space<vmem>>, vector<1x1x8x128xf32>,
    %swap3A_3429 = arith.constant 0 : index
    %swap3A_3430 = arith.constant 4 : index
    %swap3A_3431 = arith.constant 0 : index
    %swap3A_3432 = arith.constant 0 : index
    %swap3A_3433 = vector.load %arg3[%swap3A_3429, %swap3A_3430, %swap3A_3431, %swap3A_3432] : memref<1x14x8x128xf32, #tpu.memory_space<vmem>>, vector<1x1x8x128xf32>
    %swap3A_3434 = vector.shape_cast %swap3A_3433 : vector<1x1x8x128xf32> to vector<8x128xf32>
    %swap3A_3435 = vector.shape_cast %add3A_2942 : vector<8x128xf32> to vector<1x1x8x128xf32>
    tpu.vector_store %arg3[%swap3A_3429, %swap3A_3430, %swap3A_3431, %swap3A_3432], %swap3A_3435 {strides = array<i32>} : memref<1x14x8x128xf32, #tpu.memory_space<vmem>>, vector<1x1x8x128xf32>,
    %swap3A_3436 = arith.constant 0 : index
    %swap3A_3437 = arith.constant 5 : index
    %swap3A_3438 = arith.constant 0 : index
    %swap3A_3439 = arith.constant 0 : index
    %swap3A_3440 = vector.load %arg3[%swap3A_3436, %swap3A_3437, %swap3A_3438, %swap3A_3439] : memref<1x14x8x128xf32, #tpu.memory_space<vmem>>, vector<1x1x8x128xf32>
    %swap3A_3441 = vector.shape_cast %swap3A_3440 : vector<1x1x8x128xf32> to vector<8x128xf32>
    %swap3A_3442 = vector.shape_cast %add3A_2993 : vector<8x128xf32> to vector<1x1x8x128xf32>
    tpu.vector_store %arg3[%swap3A_3436, %swap3A_3437, %swap3A_3438, %swap3A_3439], %swap3A_3442 {strides = array<i32>} : memref<1x14x8x128xf32, #tpu.memory_space<vmem>>, vector<1x1x8x128xf32>,
    %swap3A_3443 = arith.constant 0 : index
    %swap3A_3444 = arith.constant 6 : index
    %swap3A_3445 = arith.constant 0 : index
    %swap3A_3446 = arith.constant 0 : index
    %swap3A_3447 = vector.load %arg3[%swap3A_3443, %swap3A_3444, %swap3A_3445, %swap3A_3446] : memref<1x14x8x128xf32, #tpu.memory_space<vmem>>, vector<1x1x8x128xf32>
    %swap3A_3448 = vector.shape_cast %swap3A_3447 : vector<1x1x8x128xf32> to vector<8x128xf32>
    %swap3A_3449 = vector.shape_cast %add3A_3044 : vector<8x128xf32> to vector<1x1x8x128xf32>
    tpu.vector_store %arg3[%swap3A_3443, %swap3A_3444, %swap3A_3445, %swap3A_3446], %swap3A_3449 {strides = array<i32>} : memref<1x14x8x128xf32, #tpu.memory_space<vmem>>, vector<1x1x8x128xf32>,
    %swap3A_3450 = arith.constant 0 : index
    %swap3A_3451 = arith.constant 7 : index
    %swap3A_3452 = arith.constant 0 : index
    %swap3A_3453 = arith.constant 0 : index
    %swap3A_3454 = vector.load %arg3[%swap3A_3450, %swap3A_3451, %swap3A_3452, %swap3A_3453] : memref<1x14x8x128xf32, #tpu.memory_space<vmem>>, vector<1x1x8x128xf32>
    %swap3A_3455 = vector.shape_cast %swap3A_3454 : vector<1x1x8x128xf32> to vector<8x128xf32>
    %swap3A_3456 = vector.shape_cast %add3A_3095 : vector<8x128xf32> to vector<1x1x8x128xf32>
    tpu.vector_store %arg3[%swap3A_3450, %swap3A_3451, %swap3A_3452, %swap3A_3453], %swap3A_3456 {strides = array<i32>} : memref<1x14x8x128xf32, #tpu.memory_space<vmem>>, vector<1x1x8x128xf32>,
    %swap3A_3457 = arith.constant 0 : index
    %swap3A_3458 = arith.constant 8 : index
    %swap3A_3459 = arith.constant 0 : index
    %swap3A_3460 = arith.constant 0 : index
    %swap3A_3461 = vector.load %arg3[%swap3A_3457, %swap3A_3458, %swap3A_3459, %swap3A_3460] : memref<1x14x8x128xf32, #tpu.memory_space<vmem>>, vector<1x1x8x128xf32>
    %swap3A_3462 = vector.shape_cast %swap3A_3461 : vector<1x1x8x128xf32> to vector<8x128xf32>
    %swap3A_3463 = vector.shape_cast %add3A_3146 : vector<8x128xf32> to vector<1x1x8x128xf32>
    tpu.vector_store %arg3[%swap3A_3457, %swap3A_3458, %swap3A_3459, %swap3A_3460], %swap3A_3463 {strides = array<i32>} : memref<1x14x8x128xf32, #tpu.memory_space<vmem>>, vector<1x1x8x128xf32>,
    %swap3A_3464 = arith.constant 0 : index
    %swap3A_3465 = arith.constant 9 : index
    %swap3A_3466 = arith.constant 0 : index
    %swap3A_3467 = arith.constant 0 : index
    %swap3A_3468 = vector.load %arg3[%swap3A_3464, %swap3A_3465, %swap3A_3466, %swap3A_3467] : memref<1x14x8x128xf32, #tpu.memory_space<vmem>>, vector<1x1x8x128xf32>
    %swap3A_3469 = vector.shape_cast %swap3A_3468 : vector<1x1x8x128xf32> to vector<8x128xf32>
    %swap3A_3470 = vector.shape_cast %add3A_3197 : vector<8x128xf32> to vector<1x1x8x128xf32>
    tpu.vector_store %arg3[%swap3A_3464, %swap3A_3465, %swap3A_3466, %swap3A_3467], %swap3A_3470 {strides = array<i32>} : memref<1x14x8x128xf32, #tpu.memory_space<vmem>>, vector<1x1x8x128xf32>,
    %swap3A_3471 = arith.constant 0 : index
    %swap3A_3472 = arith.constant 10 : index
    %swap3A_3473 = arith.constant 0 : index
    %swap3A_3474 = arith.constant 0 : index
    %swap3A_3475 = vector.load %arg3[%swap3A_3471, %swap3A_3472, %swap3A_3473, %swap3A_3474] : memref<1x14x8x128xf32, #tpu.memory_space<vmem>>, vector<1x1x8x128xf32>
    %swap3A_3476 = vector.shape_cast %swap3A_3475 : vector<1x1x8x128xf32> to vector<8x128xf32>
    %swap3A_3477 = vector.shape_cast %add3A_3248 : vector<8x128xf32> to vector<1x1x8x128xf32>
    tpu.vector_store %arg3[%swap3A_3471, %swap3A_3472, %swap3A_3473, %swap3A_3474], %swap3A_3477 {strides = array<i32>} : memref<1x14x8x128xf32, #tpu.memory_space<vmem>>, vector<1x1x8x128xf32>,
    %swap3A_3478 = arith.constant 0 : index
    %swap3A_3479 = arith.constant 11 : index
    %swap3A_3480 = arith.constant 0 : index
    %swap3A_3481 = arith.constant 0 : index
    %swap3A_3482 = vector.load %arg3[%swap3A_3478, %swap3A_3479, %swap3A_3480, %swap3A_3481] : memref<1x14x8x128xf32, #tpu.memory_space<vmem>>, vector<1x1x8x128xf32>
    %swap3A_3483 = vector.shape_cast %swap3A_3482 : vector<1x1x8x128xf32> to vector<8x128xf32>
    %swap3A_3484 = vector.shape_cast %add3A_3299 : vector<8x128xf32> to vector<1x1x8x128xf32>
    tpu.vector_store %arg3[%swap3A_3478, %swap3A_3479, %swap3A_3480, %swap3A_3481], %swap3A_3484 {strides = array<i32>} : memref<1x14x8x128xf32, #tpu.memory_space<vmem>>, vector<1x1x8x128xf32>,
    %swap3A_3485 = arith.constant 0 : index
    %swap3A_3486 = arith.constant 12 : index
    %swap3A_3487 = arith.constant 0 : index
    %swap3A_3488 = arith.constant 0 : index
    %swap3A_3489 = vector.load %arg3[%swap3A_3485, %swap3A_3486, %swap3A_3487, %swap3A_3488] : memref<1x14x8x128xf32, #tpu.memory_space<vmem>>, vector<1x1x8x128xf32>
    %swap3A_3490 = vector.shape_cast %swap3A_3489 : vector<1x1x8x128xf32> to vector<8x128xf32>
    %swap3A_3491 = vector.shape_cast %add3A_3350 : vector<8x128xf32> to vector<1x1x8x128xf32>
    tpu.vector_store %arg3[%swap3A_3485, %swap3A_3486, %swap3A_3487, %swap3A_3488], %swap3A_3491 {strides = array<i32>} : memref<1x14x8x128xf32, #tpu.memory_space<vmem>>, vector<1x1x8x128xf32>,
    %swap3A_3492 = arith.constant 0 : index
    %swap3A_3493 = arith.constant 13 : index
    %swap3A_3494 = arith.constant 0 : index
    %swap3A_3495 = arith.constant 0 : index
    %swap3A_3496 = vector.load %arg3[%swap3A_3492, %swap3A_3493, %swap3A_3494, %swap3A_3495] : memref<1x14x8x128xf32, #tpu.memory_space<vmem>>, vector<1x1x8x128xf32>
    %swap3A_3497 = vector.shape_cast %swap3A_3496 : vector<1x1x8x128xf32> to vector<8x128xf32>
    %swap3A_3498 = vector.shape_cast %add3A_3401 : vector<8x128xf32> to vector<1x1x8x128xf32>
    tpu.vector_store %arg3[%swap3A_3492, %swap3A_3493, %swap3A_3494, %swap3A_3495], %swap3A_3498 {strides = array<i32>} : memref<1x14x8x128xf32, #tpu.memory_space<vmem>>, vector<1x1x8x128xf32>,
    return
  }
  func.func @transform_0(%arg0: i32) -> (i32, i32, i32, i32, i32) {
    %jit3A = arith.constant 4 : i32
    %div3A = arith.divsi %arg0, %jit3A : i32
    %sign3A = arith.constant 0 : i32
    %sign3A_0 = arith.cmpi sgt, %arg0, %sign3A : i32
    %sign3A_1 = arith.extui %sign3A_0 : i1 to i32
    %sign3A_2 = arith.constant 0 : i32
    %sign3A_3 = arith.cmpi slt, %arg0, %sign3A_2 : i32
    %sign3A_4 = arith.extui %sign3A_3 : i1 to i32
    %sign3A_5 = arith.subi %sign3A_1, %sign3A_4 : i32
    %sign3A_6 = arith.constant 0 : i32
    %sign3A_7 = arith.cmpi sgt, %jit3A, %sign3A_6 : i32
    %sign3A_8 = arith.extui %sign3A_7 : i1 to i32
    %sign3A_9 = arith.constant 0 : i32
    %sign3A_10 = arith.cmpi slt, %jit3A, %sign3A_9 : i32
    %sign3A_11 = arith.extui %sign3A_10 : i1 to i32
    %sign3A_12 = arith.subi %sign3A_8, %sign3A_11 : i32
    %ne3A = arith.cmpi ne, %sign3A_5, %sign3A_12 : i32
    %rem3A = arith.remsi %arg0, %jit3A : i32
    %ne3A_13 = arith.constant 0 : i32
    %ne3A_14 = arith.cmpi ne, %rem3A, %ne3A_13 : i32
    %and3A = arith.andi %ne3A, %ne3A_14 : i1
    %sub3A = arith.constant 1 : i32
    %sub3A_15 = arith.subi %div3A, %sub3A : i32
    %select_n3A = arith.select %and3A, %sub3A_15, %div3A : i32
    %jit3A_16 = arith.constant 4 : i32
    %eq3A = arith.constant 0 : i32
    %eq3A_17 = arith.cmpi eq, %jit3A_16, %eq3A : i32
    %jit3A_18 = arith.constant 1 : i32
    %select_n3A_19 = arith.select %eq3A_17, %jit3A_18, %jit3A_16 : i32
    %rem3A_20 = arith.remsi %arg0, %select_n3A_19 : i32
    %ne3A_21 = arith.constant 0 : i32
    %ne3A_22 = arith.cmpi ne, %rem3A_20, %ne3A_21 : i32
    %lt3A = arith.constant 0 : i32
    %lt3A_23 = arith.cmpi slt, %rem3A_20, %lt3A : i32
    %lt3A_24 = arith.constant 0 : i32
    %lt3A_25 = arith.cmpi slt, %select_n3A_19, %lt3A_24 : i32
    %ne3A_26 = arith.xori %lt3A_23, %lt3A_25 : i1
    %and3A_27 = arith.andi %ne3A_26, %ne3A_22 : i1
    %add3A = arith.addi %rem3A_20, %select_n3A_19 : i32
    %select_n3A_28 = arith.select %and3A_27, %add3A, %rem3A_20 : i32
    %c0_i32 = arith.constant 0 : i32
    %c0_i32_29 = arith.constant 0 : i32
    %c0_i32_30 = arith.constant 0 : i32
    %c0_i32_31 = arith.constant 0 : i32
    return %select_n3A, %select_n3A_28, %c0_i32, %c0_i32_29, %c0_i32_30 : i32, i32, i32, i32, i32
  }
  func.func @transform_1(%arg0: i32) -> (i32, i32, i32, i32, i32) {
    %jit3A = arith.constant 4 : i32
    %div3A = arith.divsi %arg0, %jit3A : i32
    %sign3A = arith.constant 0 : i32
    %sign3A_0 = arith.cmpi sgt, %arg0, %sign3A : i32
    %sign3A_1 = arith.extui %sign3A_0 : i1 to i32
    %sign3A_2 = arith.constant 0 : i32
    %sign3A_3 = arith.cmpi slt, %arg0, %sign3A_2 : i32
    %sign3A_4 = arith.extui %sign3A_3 : i1 to i32
    %sign3A_5 = arith.subi %sign3A_1, %sign3A_4 : i32
    %sign3A_6 = arith.constant 0 : i32
    %sign3A_7 = arith.cmpi sgt, %jit3A, %sign3A_6 : i32
    %sign3A_8 = arith.extui %sign3A_7 : i1 to i32
    %sign3A_9 = arith.constant 0 : i32
    %sign3A_10 = arith.cmpi slt, %jit3A, %sign3A_9 : i32
    %sign3A_11 = arith.extui %sign3A_10 : i1 to i32
    %sign3A_12 = arith.subi %sign3A_8, %sign3A_11 : i32
    %ne3A = arith.cmpi ne, %sign3A_5, %sign3A_12 : i32
    %rem3A = arith.remsi %arg0, %jit3A : i32
    %ne3A_13 = arith.constant 0 : i32
    %ne3A_14 = arith.cmpi ne, %rem3A, %ne3A_13 : i32
    %and3A = arith.andi %ne3A, %ne3A_14 : i1
    %sub3A = arith.constant 1 : i32
    %sub3A_15 = arith.subi %div3A, %sub3A : i32
    %select_n3A = arith.select %and3A, %sub3A_15, %div3A : i32
    %jit3A_16 = arith.constant 4 : i32
    %eq3A = arith.constant 0 : i32
    %eq3A_17 = arith.cmpi eq, %jit3A_16, %eq3A : i32
    %jit3A_18 = arith.constant 1 : i32
    %select_n3A_19 = arith.select %eq3A_17, %jit3A_18, %jit3A_16 : i32
    %rem3A_20 = arith.remsi %arg0, %select_n3A_19 : i32
    %ne3A_21 = arith.constant 0 : i32
    %ne3A_22 = arith.cmpi ne, %rem3A_20, %ne3A_21 : i32
    %lt3A = arith.constant 0 : i32
    %lt3A_23 = arith.cmpi slt, %rem3A_20, %lt3A : i32
    %lt3A_24 = arith.constant 0 : i32
    %lt3A_25 = arith.cmpi slt, %select_n3A_19, %lt3A_24 : i32
    %ne3A_26 = arith.xori %lt3A_23, %lt3A_25 : i1
    %and3A_27 = arith.andi %ne3A_26, %ne3A_22 : i1
    %add3A = arith.addi %rem3A_20, %select_n3A_19 : i32
    %select_n3A_28 = arith.select %and3A_27, %add3A, %rem3A_20 : i32
    %c0_i32 = arith.constant 0 : i32
    %c0_i32_29 = arith.constant 0 : i32
    %c0_i32_30 = arith.constant 0 : i32
    %c0_i32_31 = arith.constant 0 : i32
    return %select_n3A, %select_n3A_28, %c0_i32, %c0_i32_29, %c0_i32_30 : i32, i32, i32, i32, i32
  }
  func.func @transform_2(%arg0: i32) -> (i32, i32, i32, i32) {
    %c0_i32 = arith.constant 0 : i32
    %c0_i32_0 = arith.constant 0 : i32
    %c0_i32_1 = arith.constant 0 : i32
    %c0_i32_2 = arith.constant 0 : i32
    return %arg0, %c0_i32, %c0_i32_0, %c0_i32_1 : i32, i32, i32, i32
  }
}

</mosaic_0001>

<sc_bundles>
// kernel: kernel.4.cloned.1.call-start
scs
__scs_entry_jumppad:
0x0: {  	(pc) =	sbr.rel $0x88, $3  }
0x1: {  	(tag) =	ssettag $0x0;
	lr =	simm.s32 $0x1  }
0x2: {  	[smem:$0x3F9E] =	sst lr;
	_ =	strace $0xD0000000  }
0x3: {  	_ = 	snop  }
0x4: {  	_ = 	snop  }
0x5: {  	_ = 	snop  }
0x6: {  	_ = 	snop  }
0x7: {  	_ = 	snop  }
__scs_overlays_trampoline_lowered:
0x8: {  	[smem:$0x3FAD] =	sst s0  }
0x9: {  	[smem:$0x3FAE] =	sst s1  }
0xa: {  	[smem:$0x3FAF] =	sst s2  }
0xb: {  	[smem:$0x3FB0] =	sst s3  }
0xc: {  	[smem:$0x3FB1] =	sst s4  }
0xd: {  	[smem:$0x3FB2] =	sst s5  }
0xe: {  	[smem:$0x3FB3] =	sst s6  }
0xf: {  	[smem:$0x3FB4] =	sst s7  }
0x10: {  	[smem:$0x3FB5] =	sst s8  }
0x11: {  	[smem:$0x3FB6] =	sst s9;
	s0 =	simm.s32 @!p0 $0x0  }
0x12: {  	s1 =	sld [smem:$0x3F9C];
	s0 =	simm.s32 @p0 $0x1  }
0x13: {  	[smem:$0x3FB7] =	sst s0;
	s0 =	simm.s32 @!p1 $0x0  }
0x14: {  	s2 =	sld [smem:$0x3F9B];
	s0 =	simm.s32 @p1 $0x1  }
0x15: {  	[smem:$0x3FB8] =	sst s0;
	s0 =	simm.s32 @!p2 $0x0  }
0x16: {  	s3 =	sld [smem:$0x3FDB];
	s0 =	simm.s32 @p2 $0x1  }
0x17: {  	s4 =	simm.s32 $0x1BF5;
	[smem:$0x3FBA] =	sst s0  }
0x18: {  	s0 =	sld [smem:$0x3F9D];
	_ =	swait.ge [sflag:s4], $0x0  }
0x19: {  	s7 =	sld [smem:$0x3F9E]  }
0x1a: {  	s8 =	sadd.s32 $0xFFFFE003, lr  }
0x1b: {  	s9 =	sadd.s32 $0xFFFFFEF7, lr;
	s5 =	simm.s32 $0xFFFFFFFF;
	p2 =	slt.u32 s8, $0xFFFFF086  }
0x1c: {  	p1 =	slt.u32 s9, $0xF7A;
	s5 =	simm.s32 @!p2 $0x0  }
0x1d: {  	s5 =	simm.s32 @p1 $0x1;
	p0 =	seq.s32 s7, s2  }
0x1e: {  	s7 =	smul.u32 @!p0 $0xF7A, s2;
	p2 =	seq.s32 @!p0 s5, $0x0  }
0x1f: {  	s9 =	smul.u32 $0xF7A, s1;
	s8 =	simm.s32 @!p0 $0x1BF5;
	p2 =	por !p2, p0  }
0x20: {  	[sflag:s8] =	ssyncset.s32 @!p0 $0xFFFFF086;
	s6 =	sadd.s32 @!p0 s3, s7;
	s7 =	simm.s32 @!p0 $0x108  }
0x21: {  	s3 =	sadd.s32 s3, s9;
	s6 =	sadd.s32 @!p0 $0x88, s6;
	s7 =	simm.s32 @p2 $0x1082  }
0x22: {  	[simem:s7], [sflag:s8] =	dma.local @!p0 [hbm:s6], $0xF7A  }
0x23: {  	s9 =	sor.u32 $0xD0000000, s2;
	s6 =	simm.s32 $0x108;
	_ =	swait.ge @!p0 [sflag:s8], $0x0  }
0x24: {  	s3 =	sadd.s32 $0x88, s3;
	s6 =	simm.s32 @!p1 $0x1082;
	[sflag:s4] =	ssyncset.s32 $0xFFFFF086  }
0x25: {  	[simem:s6], [sflag:s4] =	dma.local [hbm:s3], $0xF7A  }
0x26: {  	[smem:$0x3F9E] =	sst s1;
	(tag) =	ssettag s2;
	_ =	strace s9  }
0x27: {  	s1 =	sld [smem:$0x3FAE]  }
0x28: {  	s2 =	sld [smem:$0x3FAF]  }
0x29: {  	s4 =	sld [smem:$0x3FB1]  }
0x2a: {  	p0 =	seq.s32 s5, $0x0;
	s5 =	sld [smem:$0x3FB2]  }
0x2b: {  	s6 =	sld [smem:$0x3FB3]  }
0x2c: {  	s7 =	sld [smem:$0x3FB4]  }
0x2d: {  	s3 =	simm.s32 $0x108;
	s8 =	sld [smem:$0x3FB5]  }
0x2e: {  	s3 =	simm.s32 @!p0 $0x1082;
	s9 =	sld [smem:$0x3FB6]  }
0x2f: {  	lr =	sadd.s32 s0, s3;
	s0 =	sld [smem:$0x3FAD]  }
0x30: {  	s3 =	sld [smem:$0x3FB0]  }
0x31: {  	[smem:$0x3FB9] =	sst s10  }
0x32: {  	s10 =	sld [smem:$0x3FB7];
	_ =	sdelay $0x3  }
0x33: {  	p0 =	seq.s32 s10, $0x1;
	s10 =	sld [smem:$0x3FB9];
	_ =	sdelay $0x3  }
0x34: {  	[smem:$0x3FB9] =	sst s10  }
0x35: {  	s10 =	sld [smem:$0x3FB8];
	_ =	sdelay $0x3  }
0x36: {  	p1 =	seq.s32 s10, $0x1;
	s10 =	sld [smem:$0x3FB9];
	_ =	sdelay $0x3  }
0x37: {  	[smem:$0x3FB9] =	sst s10  }
0x38: {  	s10 =	sld [smem:$0x3FBA]  }
0x39: {  	_ = 	snop;
	(pc) =	sbr.ind lr, $3  }
0x3a: {  	_ = 	snop  }
0x3b: {  	_ = 	snop  }
0x3c: {  	p2 =	seq.s32 s10, $0x1;
	s10 =	sld [smem:$0x3FB9]  }
0x3d: {  	_ =	shalt  }
0x3e: {  	_ =	shalt  }
0x3f: {  	_ =	shalt  }
0x40: {  	_ =	shalt  }
0x41: {  	_ =	shalt  }
0x42: {  	_ =	shalt  }
0x43: {  	_ =	shalt  }
0x44: {  	_ =	shalt  }
0x45: {  	_ =	shalt  }
0x46: {  	_ =	shalt  }
0x47: {  	_ =	shalt  }
0x48: {  	_ =	shalt  }
0x49: {  	_ =	shalt  }
0x4a: {  	_ =	shalt  }
0x4b: {  	_ =	shalt  }
0x4c: {  	_ =	shalt  }
0x4d: {  	_ =	shalt  }
0x4e: {  	_ =	shalt  }
0x4f: {  	_ =	shalt  }
0x50: {  	_ =	shalt  }
0x51: {  	_ =	shalt  }
0x52: {  	_ =	shalt  }
0x53: {  	_ =	shalt  }
0x54: {  	_ =	shalt  }
0x55: {  	_ =	shalt  }
0x56: {  	_ =	shalt  }
0x57: {  	_ =	shalt  }
0x58: {  	_ =	shalt  }
0x59: {  	_ =	shalt  }
0x5a: {  	_ =	shalt  }
0x5b: {  	_ =	shalt  }
0x5c: {  	_ =	shalt  }
0x5d: {  	_ =	shalt  }
0x5e: {  	_ =	shalt  }
0x5f: {  	_ =	shalt  }
0x60: {  	_ =	shalt  }
0x61: {  	_ =	shalt  }
0x62: {  	_ =	shalt  }
0x63: {  	_ =	shalt  }
0x64: {  	_ =	shalt  }
0x65: {  	_ =	shalt  }
0x66: {  	_ =	shalt  }
0x67: {  	_ =	shalt  }
0x68: {  	_ =	shalt  }
0x69: {  	_ =	shalt  }
0x6a: {  	_ =	shalt  }
0x6b: {  	_ =	shalt  }
0x6c: {  	_ =	shalt  }
0x6d: {  	_ =	shalt  }
0x6e: {  	_ =	shalt  }
0x6f: {  	_ =	shalt  }
0x70: {  	_ =	shalt  }
0x71: {  	_ =	shalt  }
0x72: {  	_ =	shalt  }
0x73: {  	_ =	shalt  }
0x74: {  	_ =	shalt  }
0x75: {  	_ =	shalt  }
0x76: {  	_ =	shalt  }
0x77: {  	_ =	shalt  }
0x78: {  	_ =	shalt  }
0x79: {  	_ =	shalt  }
0x7a: {  	_ =	shalt  }
0x7b: {  	_ =	shalt  }
0x7c: {  	_ =	shalt  }
0x7d: {  	_ =	shalt  }
0x7e: {  	_ =	shalt  }
0x7f: {  	_ =	shalt  }
0x80: {  	_ =	shalt  }
0x81: {  	_ =	shalt  }
0x82: {  	_ =	shalt  }
0x83: {  	_ =	shalt  }
0x84: {  	_ =	shalt  }
0x85: {  	_ =	shalt  }
0x86: {  	_ =	shalt  }
0x87: {  	_ =	shalt  }
.Lfunc_end0:
.L_simem_size_0:
called_computation_lowered:
.L_overlay_start_0:
0x88: {  	s2 =	sld [smem:$0x3FD9]  }
0x89: {  	s3 =	sld [smem:$0x3FFE];
	_ =	sdelay $0x1  }
0x8a: {  	s1 =	srdreg.scid  }
0x8b: {  	s0 =	sand.u32 $0x1, s1  }
0x8c: {  	s17 =	sshll.u32 s0, $0xA;
	s2 =	sadd.s32 s3, s2  }
0x8d: {  	s2 =	sadd.s32 s2, s17  }
0x8e: {  	[smem:$0x3FC5] =	sst s2  }
0x8f: {  	_ = 	snop  }
0x90: {  	s2 =	sld [smem:$0x3FC9]  }
0x91: {  	s18 =	sld [smem:$0x3FC8];
	(tm) =	ssettm $0x1  }
0x92: {  	s4 =	sld [smem:$0x3FFB];
	_ =	sdelay $0x3  }
0x93: {  	_ =	strace s4  }
0x94: {  	s4 =	sld [smem:$0x3FFC];
	_ =	sdelay $0x3  }
0x95: {  	_ =	strace s4  }
0x96: {  	s4 =	sld [smem:$0x3FFD];
	_ =	sdelay $0x3  }
0x97: {  	_ =	strace s4  }
0x98: {  	_ =	strace $0x8FFFFFFF  }
0x99: {  	s19 =	sld [smem:$0x3FDB];
	_ =	sdelay $0x1  }
0x9a: {  	s5 =	simm.s32 $_scs_section_size  }
0x9b: {  	s6 =	simm.s32 $_size__tile_overlayer_lowered;
	s7 =	simm.s32 $_tile_overlayer_lowered  }
0x9c: {  	s22 =	simm.s32 $0x1BFF;
	s21 =	sshll.u32 s7, $0x1;
	s4 =	sadd.s32 s5, s19  }
0x9d: {  	s8 =	simm.s32 $0x0;
	s20 =	sshll.u32 s6, $0x1;
	s6 =	sadd.s32 s21, s4  }
0x9e: {  	[timem:s8], [sflag:s22] =	dma.local [hbm:s6], s20  }
0x9f: {  	_ =	swait.ge [sflag:s22], s20  }
0xa0: {  	s5 =	ssub.s32 $0x0, s20;
	[sflag:s22] =	ssyncset.done $0x0  }
0xa1: {  	[sflag:s22] =	ssyncadd.s32 s5;
	_ =	sdelay $0x1  }
0xa2: {  	s23 =	simm.s32 $0x1B8B  }
0xa3: {  	_ =	swait.ge [sflag:s23], $0x1  }
0xa4: {  	[sflag:s23] =	ssyncset.done $0x0  }
0xa5: {  	s25 =	simm.s32 $0x1B8E;
	s24 =	sld [smem:$0x3FFE];
	[sflag:s23] =	ssyncadd.s32 $0xFFFFFFFF  }
0xa6: {  	s26 =	simm.s32 $execute0_lowered;
	[smem:$0x3FD2] =	sst s25  }
0xa7: {  	s6 =	sshll.u32 s26, $0x1;
	_ =	strace $0x80000046;
	[dreg:$0x1] =	wrdreg $0xFFFFFFFF  }
0xa8: {  	s28 =	simm.s32 $_size_execute0_lowered;
	s4 =	sadd.s32 s4, s6;
	[dreg:$0x0] =	wrdreg $0x0  }
0xa9: {  	s6 =	sshll.u32 s28, $0x1;
	[dreg:$0x2] =	wrdreg s4  }
0xaa: {  	[dreg:$0x3] =	wrdreg s6  }
0xab: {  	[dreg:$0x4] =	wrdreg $0xC0  }
0xac: {  	_ =	task [dreg:s8], $0x5FFFF  }
0xad: {  	[dreg:$0x1] =	wrdreg $0xFFFFFFFF  }
0xae: {  	[dreg:$0x0] =	wrdreg $0x60  }
0xaf: {  	[dreg:$0x2] =	wrdreg s2  }
0xb0: {  	[dreg:$0x3] =	wrdreg s18  }
0xb1: {  	[dreg:$0x4] =	wrdreg s24  }
0xb2: {  	[dreg:$0x5] =	wrdreg $0x9  }
0xb3: {  	_ =	task.clear_ibuf [dreg:s8], $0x6FFFF;
	_ =	strace $0x90000046  }
0xb4: {  	s29 =	simm.s32 $0x9;
	_ =	strace $0x80000048  }
0xb5: {  	_ =	swait.ge [sflag:s29], $0x1  }
0xb6: {  	[sflag:s29] =	ssyncadd.s32 $0xFFFFFFFF  }
0xb7: {  	_ =	strace $0x90000048  }
0xb8: {  	_ =	sfence  }
0xb9: {  	s30 =	sld [smem:$0x0];
	_ =	sdelay $0x2  }
0xba: {  	s31 =	sshll.u32 s1, $0xD;
	s1 =	sshrl.u32 s1, $0x2  }
0xbb: {  	s3 =	sand.u32 $0x4000, s31;
	s1 =	sadd.s32 s1, s30  }
0xbc: {  	s0 =	sor.u32 s3, s0;
	s1 =	sshll.u32 s1, $0x11  }
0xbd: {  	s0 =	sor.u32 s1, s0  }
0xbe: {  	s0 =	sadd.s32 $0x8F2B, s0  }
0xbf: {  	[sflag:s0] =	ssyncadd.remote.s32 $0x1  }
0xc0: {  	_ =	sfence.sel $0xFFFF  }
0xc1: {  	[dreg:$0x0] =	wrdreg $0xFFFFFFFF;
	(pc) =	sbr.abs _section_cstart, $3  }
0xc2: {  	[dreg:$0x1] =	wrdreg $0xFFFFFFFF  }
0xc3: {  	_ =	task.clear_ibuf [dreg:s8], $0x2FFFF;
	_ =	strace $0x9FFFFFFF  }
0xc4: {  	(tm) =	ssettm $0x7FFFFFFF  }
0xc5: {  	_ =	shalt  }
tec
execute0_lowered:
.L_overlay_start_1:
0x0: {  	(tag) =	ssettag $0x1  }
0x1: {  	s0 =	rddreg [dreg:$0x0]  }
0x2: {  	s1 =	rddreg [dreg:$0x1]  }
0x3: {  	s15 =	rddreg [dreg:$0x2]  }
0x4: {  	s5 =	stileid.u32;
	s2 =	srdreg.scid  }
0x5: {  	s29 =	simm.s32 $0x1;
	s30 =	simm.s32 $0x2;
	s31 =	simm.s32 $0x18000  }
0x6: {  	s3 =	sshll.u32 s5, $0x1;
	s4 =	sand.u32 $0x1, s2;
	s14 =	sshrl.u32 s5, $0x3  }
0x7: {  	s2 =	simm.s32 $0x0;
	s3 =	sand.u32 $0xE, s3;
	s23 =	smul.u32 $0x500000, s14  }
0x8: {  	[smem:$0x7FF] =	sst s2;
	s6 =	sshll.u32 s14, $0x11;
	s16 =	sor.u32 s4, s3  }
0x9: {  	s26 =	sshll.u32 s14, $0xC;
	s4 =	ssub.s32 $0x2, s4;
	s24 =	smul.u32 $0x50000, s16  }
0xa: {  	_ =	strace $0x80000047;
	s7 =	sshll.u32 s16, $0xD;
	s25 =	sshrl.u32 s4, $0x1  }
0xb: {  	s28 =	sshll.u32 s16, $0x8;
	s6 =	sor.u32 s6, s7;
	s3 =	sadd.s32 s23, s24  }
0xc: {  	s17 =	ssub.s32 s4, s25;
	s1 =	sadd.s32 s6, s1;
	s3 =	sshrl.u32 s3, $0x3  }
0xd: {  	s16 =	smax.u32 s17, $0x1;
	s9 =	sadd.s32 $0x1C00, s1;
	s0 =	sadd.s32 s0, s3  }
0xe: {  	s3 =	sadd.s32 $0x1800, s1;
	s1 =	sadd.s32 s15, s26;
	s4 =	sadd.s32 $0x1800, s0  }
0xf: {  	s5 =	sadd.s32 $0x3800, s0;
	s6 =	sadd.s32 $0x5800, s0;
	s7 =	sadd.s32 $0x7800, s0  }
0x10: {  	s8 =	sadd.s32 $0x9800, s0;
	s10 =	sadd.s32 $0x1C00, s0;
	s11 =	sadd.s32 $0x3C00, s0  }
0x11: {  	s12 =	sadd.s32 $0x5C00, s0;
	s13 =	sadd.s32 $0x7C00, s0;
	s14 =	sadd.s32 $0x9C00, s0  }
0x12: {  	v0 =	vimm.f32 $0.0e+00;
	s15 =	sadd.s32 s28, s1;
	s0 =	simm.s32 $0x3;
	s1 =	simm.s32 $0x0  }
.LBB2_1:
0x13: {  	s17 =	simm.s32 $0xA000  }
0x14: {  	[tilespmem:s17], [sflag:$0x1] =	stream.linear.gather [hbm4b:s3+s2], $0x2000, $0x38;
	[tilespmem:$0x18800] =	vst v63  }
0x15: {  	_ = 	snop  }
0x16: {  	[tilespmem:s2], [sflag:$0x1] =	stream.linear.gather [hbm4b:s4+s2], $0x2000, $0x38;
	[tilespmem:$0x18800] =	vst v63  }
0x17: {  	s21 =	simm.s32 $0x2000  }
0x18: {  	[tilespmem:s21], [sflag:$0x1] =	stream.linear.gather [hbm4b:s5+s2], $0x2000, $0x38;
	[tilespmem:$0x18800] =	vst v63  }
0x19: {  	s22 =	simm.s32 $0x4000  }
0x1a: {  	[tilespmem:s22], [sflag:$0x1] =	stream.linear.gather [hbm4b:s6+s2], $0x2000, $0x38;
	[tilespmem:$0x18800] =	vst v63  }
0x1b: {  	s23 =	simm.s32 $0x6000  }
0x1c: {  	[tilespmem:s23], [sflag:$0x1] =	stream.linear.gather [hbm4b:s7+s2], $0x2000, $0x38;
	[tilespmem:$0x18800] =	vst v63  }
0x1d: {  	s24 =	simm.s32 $0x8000  }
0x1e: {  	[tilespmem:s24], [sflag:$0x1] =	stream.linear.gather [hbm4b:s8+s2], $0x2000, $0x38;
	[tilespmem:$0x18800] =	vst v63  }
0x1f: {  	s25 =	simm.s32 $0x16000  }
0x20: {  	[tilespmem:s25], [sflag:$0x2] =	stream.linear.gather [hbm4b:s9+s2], $0x2000, $0x38;
	[tilespmem:$0x18800] =	vst v63  }
0x21: {  	s26 =	simm.s32 $0xC000  }
0x22: {  	[tilespmem:s26], [sflag:$0x2] =	stream.linear.gather [hbm4b:s10+s2], $0x2000, $0x38;
	[tilespmem:$0x18800] =	vst v63  }
0x23: {  	s28 =	simm.s32 $0xE000  }
0x24: {  	[tilespmem:s28], [sflag:$0x2] =	stream.linear.gather [hbm4b:s11+s2], $0x2000, $0x38;
	[tilespmem:$0x18800] =	vst v63  }
0x25: {  	s18 =	simm.s32 $0x10000  }
0x26: {  	[tilespmem:s18], [sflag:$0x2] =	stream.linear.gather [hbm4b:s12+s2], $0x2000, $0x38;
	[tilespmem:$0x18800] =	vst v63  }
0x27: {  	s19 =	simm.s32 $0x12000  }
0x28: {  	[tilespmem:s19], [sflag:$0x2] =	stream.linear.gather [hbm4b:s13+s2], $0x2000, $0x38;
	[tilespmem:$0x18800] =	vst v63  }
0x29: {  	s20 =	simm.s32 $0x14000  }
0x2a: {  	[tilespmem:s20], [sflag:$0x2] =	stream.linear.gather [hbm4b:s14+s2], $0x2000, $0x38;
	[tilespmem:$0x18800] =	vst v63  }
0x2b: {  	_ =	swait.ge [sflag:s29], $0x2000  }
0x2c: {  	[sflag:s29] =	ssyncset.done $0x0  }
0x2d: {  	[sflag:s29] =	ssyncadd.s32 $0xFFFFE000  }
0x2e: {  	_ =	swait.ge [sflag:s29], $0x2000  }
0x2f: {  	[sflag:s29] =	ssyncset.done $0x0  }
0x30: {  	[sflag:s29] =	ssyncadd.s32 $0xFFFFE000  }
0x31: {  	_ =	swait.ge [sflag:s29], $0x2000  }
0x32: {  	[sflag:s29] =	ssyncset.done $0x0  }
0x33: {  	[sflag:s29] =	ssyncadd.s32 $0xFFFFE000  }
0x34: {  	_ =	swait.ge [sflag:s29], $0x2000  }
0x35: {  	[sflag:s29] =	ssyncset.done $0x0  }
0x36: {  	[sflag:s29] =	ssyncadd.s32 $0xFFFFE000  }
0x37: {  	s21 =	simm.s32 $0x0;
	_ =	swait.ge [sflag:s29], $0x2000  }
0x38: {  	s17 =	sand.u32 $0x1800, s21;
	s18 =	simm.s32 $0x0;
	[sflag:s29] =	ssyncset.done $0x0  }
0x39: {  	s18 =	sand.u32 $0x380, s18;
	s19 =	sand.u32 $0x400, s2;
	[sflag:s29] =	ssyncadd.s32 $0xFFFFE000  }
0x3a: {  	s21 =	sor.u32 s18, s17;
	s20 =	sand.u32 $0x70, s2;
	_ =	swait.ge [sflag:s29], $0x2000  }
0x3b: {  	s22 =	sor.u32 s19, s20;
	s19 =	sor.u32 s19, s21;
	[sflag:s29] =	ssyncset.done $0x0  }
0x3c: {  	s18 =	sor.u32 s18, s22;
	s19 =	sor.u32 s20, s19;
	[sflag:s29] =	ssyncadd.s32 $0xFFFFE000  }
0x3d: {  	s17 =	sor.u32 s17, s18;
	v4 =	vld [tilespmem:s19+$0x8000]  }
0x3e: {  	v1 =	vld [tilespmem:s17+$0xA000]  }
0x3f: {  	v10 =	vld [tilespmem:s17+$0x0]  }
0x40: {  	s23 =	simm.s32 $0x10;
	s24 =	simm.s32 $0x8;
	s25 =	simm.s32 $0x80;
	v2 =	vld [tilespmem:s19+$0x6000]  }
0x41: {  	s22 =	simm.s32 $0x10;
	s20 =	sand.u32 $0x380, s24;
	s18 =	sand.u32 $0x1800, s23;
	v5 =	vld [tilespmem:s19+$0x4000]  }
0x42: {  	s21 =	sand.u32 $0x400, s25;
	s26 =	sor.u32 s20, s18;
	s17 =	sand.u32 $0x70, s22;
	v15 =	vld [tilespmem:s19+$0x2000]  }
0x43: {  	s28 =	sor.u32 s21, s26;
	s21 =	sor.u32 s21, s17  }
0x44: {  	v24 =	vimm.f32 $0.0e+00;
	v19 =	vimm.f32 $0.0e+00;
	v18 =	vimm.f32 $0.0e+00;
	s17 =	sor.u32 s17, s28;
	s20 =	sor.u32 s20, s21  }
0x45: {  	v17 =	vimm.f32 $0.0e+00;
	v3 =	vld [tilespmem:s17+$0x8000];
	s18 =	sor.u32 s18, s20;
	v6 =	vadd.f32 v4, v0;
	vm0 =	vge.f32 v1, $2.500000000e-01  }
0x46: {  	v25 =	vld [tilespmem:s18+$0xA000];
	vm1 =	vge.f32 v1, $6.250000000e-01;
	v23 =	vadd.f32 v2, v0;
	v21 =	vadd.f32 v5, v0  }
0x47: {  	vm2 =	vge.f32 v1, $3.750000000e-01;
	v14 =	vadd.f32 v10, v0;
	v12 =	vadd.f32 v15, v0  }
0x48: {  	v20 =	vsel vm1, $0x3F800000, v0;
	v7 =	vsel vm2, $0x3F800000, v0;
	v8 =	vsel vm0, $0x3F800000, v0  }
0x49: {  	v16 =	vimm.f32 $0.0e+00;
	v22 =	vadd.f32 v20, v0;
	v13 =	vadd.f32 v7, v8  }
0x4a: {  	vm0 =	vge.f32 v1, $5.000000000e-01;
	v8 =	vadd.f32 v8, v0;
	v9 =	vadd.f32 v7, v0;
	v7 =	vld [tilespmem:s17+$0x6000]  }
0x4b: {  	v1 =	vadd.f32 v3, v6;
	v26 =	vsel vm0, $0x3F800000, v0;
	v6 =	vld [tilespmem:s17+$0x4000];
	vm0 =	vge.f32 v25, $2.500000000e-01  }
0x4c: {  	s19 =	simm.s32 $0x100;
	s20 =	simm.s32 $0x2;
	v11 =	vld [tilespmem:s18+$0x0];
	s18 =	simm.s32 $0x20;
	vm2 =	vge.f32 v25, $3.750000000e-01;
	v27 =	vadd.f32 v13, v26;
	v13 =	vimm.f32 $0.0e+00  }
.LBB2_2:
0x4d: {  	s21 =	sshll.u32 s20, $0x4  }
0x4e: {  	s22 =	sand.u32 $0x400, s19;
	s23 =	sshll.u32 s20, $0x3;
	vm1 =	vge.f32 v25, $5.000000000e-01;
	vm3 =	vge.f32 v25, $6.250000000e-01;
	v24 =	vadd.f32 v26, v24;
	s24 =	smov.u32 s20  }
0x4f: {  	s24 =	sand.u32 $0x70, s18;
	s21 =	sand.u32 $0x1800, s21;
	s23 =	sand.u32 $0x380, s23;
	v23 =	vadd.f32 v7, v23;
	v25 =	vadd.f32 v27, v20;
	v20 =	vsel vm3, $0x3F800000, v0  }
0x50: {  	s28 =	sadd.s32 $0x1, s20;
	v27 =	vsel vm2, $0x3F800000, v0;
	s25 =	sor.u32 s22, s24;
	s26 =	sor.u32 s23, s21;
	v26 =	vld [tilespmem:s17+$0x2000];
	v21 =	vadd.f32 v6, v21;
	v22 =	vadd.f32 v20, v22  }
0x51: {  	p0 =	sne.s32 s20, $0x1FF;
	s17 =	sor.u32 s23, s25;
	s22 =	sor.u32 s22, s26;
	vm2 =	veq.f32 v25, $0.0e+00;
	vm3 =	veq.f32 v25, $1.000000000e+00;
	vm4 =	veq.f32 v25, $2.000000000e+00  }
0x52: {  	vm5 =	veq.f32 v25, $4.000000000e+00;
	s20 =	sor.u32 s21, s17;
	s17 =	sor.u32 s24, s22;
	v28 =	vnsel vm2, $0x0, v10;
	vm2 =	veq.f32 v25, $3.000000000e+00;
	v10 =	vmovc v11  }
0x53: {  	v11 =	vnsel vm3, $0x0, v15;
	v30 =	vnsel vm5, $0x0, v4;
	v4 =	vmovc v3;
	v14 =	vadd.f32 v10, v14;
	v3 =	vld [tilespmem:s17+$0x8000]  }
0x54: {  	v29 =	vnsel vm2, $0x0, v2;
	v19 =	vadd.f32 v28, v19;
	v18 =	vadd.f32 v11, v18;
	v2 =	vmovc v7;
	v25 =	vld [tilespmem:s20+$0xA000]  }
.Ltmp0:
0x55: {  	v28 =	vnsel vm4, $0x0, v5;
	v17 =	vadd.f32 v30, v17;
	v5 =	vmovc v6;
	v11 =	vld [tilespmem:s20+$0x0];
	v12 =	vadd.f32 v26, v12;
	v15 =	vmovc v26;
	(pc) =	sbr.rel @p0 .LBB2_2-.Ltmp0, $4  }
0x56: {  	v16 =	vadd.f32 v28, v16;
	v13 =	vadd.f32 v29, v13;
	v26 =	vsel vm0, $0x3F800000, v0;
	v7 =	vld [tilespmem:s17+$0x6000]  }
0x57: {  	v28 =	vadd.f32 v27, v26;
	v8 =	vadd.f32 v26, v8;
	v6 =	vld [tilespmem:s17+$0x4000]  }
0x58: {  	v9 =	vadd.f32 v27, v9;
	v26 =	vsel vm1, $0x3F800000, v0;
	v1 =	vadd.f32 v3, v1  }
0x59: {  	s19 =	sadd.s32 $0x80, s19;
	s18 =	sadd.s32 $0x10, s18;
	s20 =	smov.u32 s28;
	v27 =	vadd.f32 v28, v26;
	vm0 =	vge.f32 v25, $2.500000000e-01;
	vm2 =	vge.f32 v25, $3.750000000e-01  }
0x5a: {  	v28 =	vld [tilespmem:s17+$0x2000];
	_ =	swait.ge [sflag:s30], $0x2000  }
0x5b: {  	[sflag:s30] =	ssyncset.done $0x0  }
0x5c: {  	[sflag:s30] =	ssyncadd.s32 $0xFFFFE000  }
0x5d: {  	_ =	swait.ge [sflag:s30], $0x2000  }
0x5e: {  	[sflag:s30] =	ssyncset.done $0x0  }
0x5f: {  	[sflag:s30] =	ssyncadd.s32 $0xFFFFE000  }
0x60: {  	_ =	swait.ge [sflag:s30], $0x2000  }
0x61: {  	[sflag:s30] =	ssyncset.done $0x0  }
0x62: {  	[sflag:s30] =	ssyncadd.s32 $0xFFFFE000  }
0x63: {  	vm1 =	vge.f32 v25, $5.000000000e-01;
	vm3 =	vge.f32 v25, $6.250000000e-01;
	v24 =	vadd.f32 v26, v24;
	_ =	swait.ge [sflag:s30], $0x2000  }
0x64: {  	v14 =	vadd.f32 v11, v14;
	v25 =	vsel vm3, $0x3F800000, v0;
	v20 =	vadd.f32 v27, v20;
	[sflag:s30] =	ssyncset.done $0x0  }
0x65: {  	v26 =	vadd.f32 v7, v23;
	v23 =	vsel vm2, $0x3F800000, v0;
	v27 =	vsel vm0, $0x3F800000, v0;
	[sflag:s30] =	ssyncadd.s32 $0xFFFFE000  }
0x66: {  	s21 =	simm.s32 $0x0;
	s18 =	simm.s32 $0x0;
	v21 =	vadd.f32 v6, v21;
	v22 =	vadd.f32 v25, v22;
	vm2 =	veq.f32 v20, $0.0e+00;
	_ =	swait.ge [sflag:s30], $0x2000  }
0x67: {  	s19 =	simm.s32 $0x0;
	s17 =	sand.u32 $0x1800, s21;
	vm3 =	veq.f32 v20, $1.000000000e+00;
	vm4 =	veq.f32 v20, $2.000000000e+00;
	vm0 =	veq.f32 v20, $4.000000000e+00;
	[sflag:s30] =	ssyncset.done $0x0  }
0x68: {  	s18 =	sand.u32 $0x380, s18;
	s20 =	sand.u32 $0x400, s19;
	v10 =	vnsel vm2, $0x0, v10;
	vm2 =	veq.f32 v20, $3.000000000e+00;
	v20 =	vadd.f32 v23, v27;
	[sflag:s30] =	ssyncadd.s32 $0xFFFFE000  }
0x69: {  	s19 =	sand.u32 $0x70, s19;
	s21 =	sor.u32 s18, s17;
	v15 =	vnsel vm3, $0x0, v15;
	v10 =	vadd.f32 v10, v19;
	v19 =	vsel vm1, $0x3F800000, v0;
	_ =	swait.ge [sflag:s30], $0x2000  }
0x6a: {  	s22 =	sor.u32 s20, s19;
	s20 =	sor.u32 s20, s21;
	v4 =	vnsel vm0, $0x0, v4;
	v18 =	vadd.f32 v15, v18;
	v15 =	vadd.f32 v20, v19;
	[sflag:s30] =	ssyncset.done $0x0  }
0x6b: {  	v8 =	vadd.f32 v27, v8;
	s18 =	sor.u32 s18, s22;
	v5 =	vnsel vm4, $0x0, v5;
	s19 =	sor.u32 s19, s20;
	v17 =	vadd.f32 v4, v17;
	[sflag:s30] =	ssyncadd.s32 $0xFFFFE000  }
0x6c: {  	s17 =	sor.u32 s17, s18;
	v29 =	vadd.f32 v5, v16;
	v5 =	vadd.f32 v15, v25;
	v4 =	vld [tilespmem:s19+$0x14000]  }
0x6d: {  	v27 =	vadd.f32 v23, v9;
	v2 =	vnsel vm2, $0x0, v2;
	v20 =	vadd.f32 v28, v12;
	v25 =	vld [tilespmem:s17+$0x16000]  }
0x6e: {  	vm0 =	veq.f32 v5, $0.0e+00;
	vm1 =	veq.f32 v5, $1.000000000e+00;
	vm2 =	veq.f32 v5, $2.000000000e+00;
	v9 =	vld [tilespmem:s17+$0xC000]  }
0x6f: {  	s23 =	simm.s32 $0x10;
	s24 =	simm.s32 $0x8;
	s25 =	simm.s32 $0x80;
	vm3 =	veq.f32 v5, $4.000000000e+00;
	v11 =	vnsel vm0, $0x0, v11;
	vm0 =	veq.f32 v5, $3.000000000e+00;
	v5 =	vld [tilespmem:s19+$0x12000]  }
0x70: {  	s22 =	simm.s32 $0x10;
	s18 =	sand.u32 $0x1800, s23;
	s20 =	sand.u32 $0x380, s24;
	v13 =	vadd.f32 v2, v13;
	v2 =	vadd.f32 v19, v24;
	v16 =	vnsel vm1, $0x0, v28;
	v12 =	vld [tilespmem:s19+$0x10000]  }
0x71: {  	s21 =	sand.u32 $0x400, s25;
	s26 =	sor.u32 s20, s18;
	v3 =	vnsel vm3, $0x0, v3;
	v6 =	vnsel vm2, $0x0, v6;
	v15 =	vadd.f32 v11, v10;
	s17 =	sand.u32 $0x70, s22;
	v23 =	vld [tilespmem:s19+$0xE000]  }
0x72: {  	s28 =	sor.u32 s21, s26;
	v7 =	vnsel vm0, $0x0, v7;
	v16 =	vadd.f32 v16, v18;
	v17 =	vadd.f32 v3, v17;
	s23 =	sor.u32 s21, s17  }
0x73: {  	v19 =	vadd.f32 v6, v29;
	v18 =	vadd.f32 v7, v13;
	s17 =	sor.u32 s17, s28;
	s20 =	sor.u32 s20, s23  }
0x74: {  	v10 =	vld [tilespmem:s17+$0x14000];
	s18 =	sor.u32 s18, s20;
	v7 =	vadd.f32 v4, v1;
	vm0 =	vge.f32 v25, $2.500000000e-01;
	vm1 =	vge.f32 v25, $6.250000000e-01  }
0x75: {  	vm2 =	vge.f32 v25, $3.750000000e-01;
	v3 =	vadd.f32 v5, v26;
	v26 =	vld [tilespmem:s18+$0x16000];
	v6 =	vadd.f32 v12, v21  }
0x76: {  	v14 =	vadd.f32 v9, v14;
	v13 =	vadd.f32 v23, v20;
	v24 =	vsel vm1, $0x3F800000, v0  }
0x77: {  	v11 =	vsel vm2, $0x3F800000, v0;
	v20 =	vsel vm0, $0x3F800000, v0;
	v1 =	vadd.f32 v24, v22  }
0x78: {  	vm0 =	vge.f32 v25, $5.000000000e-01;
	v28 =	vadd.f32 v11, v20;
	v8 =	vadd.f32 v20, v8;
	v20 =	vld [tilespmem:s17+$0x12000]  }
0x79: {  	v21 =	vld [tilespmem:s17+$0x10000];
	v7 =	vadd.f32 v10, v7;
	v25 =	vsel vm0, $0x3F800000, v0;
	v11 =	vadd.f32 v11, v27  }
0x7a: {  	s19 =	simm.s32 $0x100;
	s20 =	simm.s32 $0x2;
	v22 =	vld [tilespmem:s18+$0xC000];
	s18 =	simm.s32 $0x20;
	v27 =	vadd.f32 v28, v25;
	vm0 =	vge.f32 v26, $2.500000000e-01;
	vm2 =	vge.f32 v26, $3.750000000e-01  }
.LBB2_4:
0x7b: {  	s21 =	sshll.u32 s20, $0x4  }
0x7c: {  	s22 =	sand.u32 $0x400, s19;
	s23 =	sshll.u32 s20, $0x3;
	vm1 =	vge.f32 v26, $5.000000000e-01;
	vm3 =	vge.f32 v26, $6.250000000e-01;
	v2 =	vadd.f32 v25, v2;
	s24 =	smov.u32 s20  }
0x7d: {  	s24 =	sand.u32 $0x70, s18;
	s21 =	sand.u32 $0x1800, s21;
	s23 =	sand.u32 $0x380, s23;
	v3 =	vadd.f32 v20, v3;
	v25 =	vadd.f32 v27, v24;
	v24 =	vsel vm3, $0x3F800000, v0  }
0x7e: {  	s28 =	sadd.s32 $0x1, s20;
	v27 =	vsel vm2, $0x3F800000, v0;
	s25 =	sor.u32 s22, s24;
	s26 =	sor.u32 s23, s21;
	v28 =	vld [tilespmem:s17+$0xE000];
	v6 =	vadd.f32 v21, v6;
	v1 =	vadd.f32 v24, v1  }
0x7f: {  	p0 =	sne.s32 s20, $0x1FF;
	s17 =	sor.u32 s23, s25;
	s22 =	sor.u32 s22, s26;
	vm2 =	veq.f32 v25, $0.0e+00;
	vm3 =	veq.f32 v25, $1.000000000e+00;
	vm4 =	veq.f32 v25, $2.000000000e+00  }
0x80: {  	vm5 =	veq.f32 v25, $4.000000000e+00;
	s20 =	sor.u32 s21, s17;
	s17 =	sor.u32 s24, s22;
	v29 =	vnsel vm2, $0x0, v9;
	vm2 =	veq.f32 v25, $3.000000000e+00;
	v9 =	vmovc v22  }
0x81: {  	v22 =	vnsel vm3, $0x0, v23;
	v30 =	vnsel vm5, $0x0, v4;
	v4 =	vmovc v10;
	v14 =	vadd.f32 v9, v14;
	v10 =	vld [tilespmem:s17+$0x14000]  }
0x82: {  	v25 =	vnsel vm2, $0x0, v5;
	v15 =	vadd.f32 v29, v15;
	v16 =	vadd.f32 v22, v16;
	v5 =	vmovc v20;
	v26 =	vld [tilespmem:s20+$0x16000]  }
.Ltmp1:
0x83: {  	v29 =	vnsel vm4, $0x0, v12;
	v17 =	vadd.f32 v30, v17;
	v12 =	vmovc v21;
	v22 =	vld [tilespmem:s20+$0xC000];
	v13 =	vadd.f32 v28, v13;
	v23 =	vmovc v28;
	(pc) =	sbr.rel @p0 .LBB2_4-.Ltmp1, $4  }
0x84: {  	v19 =	vadd.f32 v29, v19;
	v18 =	vadd.f32 v25, v18;
	v28 =	vsel vm0, $0x3F800000, v0;
	v20 =	vld [tilespmem:s17+$0x12000]  }
0x85: {  	v29 =	vadd.f32 v27, v28;
	v8 =	vadd.f32 v28, v8;
	v21 =	vld [tilespmem:s17+$0x10000]  }
0x86: {  	v11 =	vadd.f32 v27, v11;
	v25 =	vsel vm1, $0x3F800000, v0;
	v7 =	vadd.f32 v10, v7  }
0x87: {  	s19 =	sadd.s32 $0x80, s19;
	s18 =	sadd.s32 $0x10, s18;
	s20 =	smov.u32 s28;
	v27 =	vadd.f32 v29, v25;
	vm0 =	vge.f32 v26, $2.500000000e-01;
	vm2 =	vge.f32 v26, $3.750000000e-01  }
0x88: {  	vm1 =	vge.f32 v26, $5.000000000e-01  }
0x89: {  	v51 =	vsel vm2, $0x3F800000, v0;
	v28 =	vsel vm0, $0x3F800000, v0;
	v60 =	vadd.f32 v22, v14  }
0x8a: {  	vm15 =	vge.f32 v26, $6.250000000e-01;
	v2 =	vadd.f32 v25, v2;
	v24 =	vadd.f32 v27, v24  }
0x8b: {  	v52 =	vadd.f32 v51, v28;
	v29 =	vsel vm1, $0x3F800000, v0;
	v3 =	vadd.f32 v20, v3  }
0x8c: {  	v54 =	vld [tilespmem:s17+$0xE000];
	[tilespmem:$0x18480] =	vst v7;
	v53 =	vsel vm15, $0x3F800000, v0;
	v63 =	vadd.f32 v28, v8;
	v62 =	vadd.f32 v21, v6  }
0x8d: {  	[tilespmem:$0x18700] =	vst v0;
	v2 =	vadd.f32 v29, v2;
	v1 =	vadd.f32 v53, v1;
	vm8 =	veq.f32 v24, $0.0e+00  }
0x8e: {  	[tilespmem:$0x18780] =	vst v0;
	vm3 =	veq.f32 v24, $1.000000000e+00;
	vm4 =	veq.f32 v24, $2.000000000e+00;
	vm9 =	veq.f32 v24, $3.000000000e+00  }
0x8f: {  	v26 =	vadd.f32 v52, v29;
	vm10 =	veq.f32 v24, $4.000000000e+00;
	[tilespmem:$0x18400] =	vst v3;
	v3 =	vadd.f32 v51, v11  }
0x90: {  	[tilespmem:$0x18280] =	vst v60;
	v9 =	vnsel vm8, $0x0, v9;
	v23 =	vnsel vm3, $0x0, v23;
	v4 =	vnsel vm10, $0x0, v4  }
0x91: {  	[tilespmem:$0x18500] =	vst v63;
	v12 =	vnsel vm4, $0x0, v12;
	v9 =	vadd.f32 v9, v15;
	v26 =	vadd.f32 v26, v53  }
0x92: {  	v5 =	vnsel vm9, $0x0, v5;
	[tilespmem:$0x18380] =	vst v62;
	v16 =	vadd.f32 v23, v16;
	v4 =	vadd.f32 v4, v17  }
0x93: {  	[tilespmem:$0x18600] =	vst v2;
	v12 =	vadd.f32 v12, v19;
	v5 =	vadd.f32 v5, v18;
	vm11 =	veq.f32 v26, $0.0e+00  }
0x94: {  	[tilespmem:$0x18680] =	vst v1;
	v61 =	vadd.f32 v54, v13;
	vm12 =	veq.f32 v26, $1.000000000e+00;
	v55 =	vnsel vm11, $0x0, v22  }
0x95: {  	[tilespmem:$0x18580] =	vst v3;
	vm13 =	veq.f32 v26, $2.000000000e+00;
	v56 =	vnsel vm12, $0x0, v54;
	v9 =	vadd.f32 v55, v9  }
0x96: {  	vm14 =	veq.f32 v26, $3.000000000e+00;
	[tilespmem:$0x18300] =	vst v61;
	v57 =	vnsel vm13, $0x0, v21;
	v16 =	vadd.f32 v56, v16  }
0x97: {  	vm15 =	veq.f32 v26, $4.000000000e+00;
	v58 =	vnsel vm14, $0x0, v20;
	v12 =	vadd.f32 v57, v12;
	[tilespmem:$0x18000] =	vst v9  }
0x98: {  	v59 =	vnsel vm15, $0x0, v10;
	v5 =	vadd.f32 v58, v5;
	[tilespmem:$0x18080] =	vst v16  }
0x99: {  	s1 =	sadd.s32 $0x1, s1;
	v4 =	vadd.f32 v59, v4;
	[tilespmem:$0x18100] =	vst v12  }
0x9a: {  	p0 =	sne.s32 s1, s16;
	[tilespmem:$0x18180] =	vst v5  }
.Ltmp2:
0x9b: {  	[tilespmem:$0x18200] =	vst v4;
	(pc) =	sbr.rel @p0 .LBB2_1-.Ltmp2, $4  }
0x9c: {  	[hbm4b:s15+s2] =	stream.linear.scatter [tilespmem:s31], [sflag:$0x3], $0x800, $0x38;
	[tilespmem:$0x18800] =	vst v63  }
0x9d: {  	_ =	swait.ge [sflag:s0], $0x800  }
0x9e: {  	[sflag:s0] =	ssyncset.done $0x0  }
0x9f: {  	[sflag:s0] =	ssyncadd.s32 $0xFFFFF800  }
0xa0: {  	_ =	sfence.sel $0x180000  }
0xa1: {  	[bflag:$0x0] =	sbarrier.arrive $0xFFFF  }
0xa2: {  	_ =	strace $0x90000047  }
0xa3: {  	s0 =	stileid.u32;
	[bflag:$0x2] =	sbarrier.arrive $0xFFFF  }
0xa4: {  	p0 =	sne.s32 s0, $0x0;
	s0 =	rddreg [dreg:$0x3]  }
0xa5: {  	s0 =	sadd.s32 @!p0 $0x100000, s0  }
0xa6: {  	[sflag:s0] =	ssyncadd.tile.s32 @!p0 $0x1;
	_ =	shalt  }
.Lfunc_end2:
_tile_overlayer_lowered:
.L_overlay_start_2:
0xa7: {  	(tag) =	ssettag $0x2  }
0xa8: {  	s0 =	rddreg [dreg:$0x0];
	s2 =	stileid.u32  }
0xa9: {  	s1 =	rddreg [dreg:$0x1];
	p0 =	sne.s32 s2, $0x0  }
0xaa: {  	s3 =	rddreg [dreg:$0x2];
	[bflag:$0x3] =	sbarrier.arrive $0xFFFF;
	s2 =	simm.s32 @!p0 $0x1C03  }
0xab: {  	[timem:s3], [sflag:s2] =	dma.local @!p0 [hbm:s0], s1  }
0xac: {  	s0 =	simm.s32 @!p0 $0x3  }
0xad: {  	_ =	swait.ge @!p0 [sflag:s0], s1  }
0xae: {  	s1 =	ssub.s32 @!p0 $0x0, s1;
	[sflag:s0] =	ssyncset.done @!p0 $0x0  }
0xaf: {  	[sflag:s0] =	ssyncadd.s32 @!p0 s1  }
0xb0: {  	[bflag:$0x3] =	sbarrier.arrive $0xFFFF  }
0xb1: {  	_ =	shalt  }

</sc_bundles>
